<compile_context>
chip_gen: v7x
topology: tpu7x:2x2x1
jax: 0.10.2.dev20260603
libtpu: 0.0.44.dev20260713+nightly
codegen_flags: <defaults>
</compile_context>

<pallas_src>
import functools

import jax
import jax.numpy as jnp
import numpy as np
from jax import lax
from jax.experimental import pallas as pl
from jax.experimental.pallas import tpu as pltpu
from jax.experimental.pallas import tpu_sc as plsc

N = 10000
E = 160000
K = 4
H = 128
IN = 128
ED = 16
HEADS = 4

NC, NS = 2, 16
NW = NC * NS
EPW = E // NW
E4 = E * K
IPW = E4 // NW
CH = 40
CHG = 80
NA = 256
BW = 128
XW = 128
NR1 = 632
NR2 = N - (NS - 1) * NR1

@functools.cache
def _mesh():
    return plsc.VectorSubcoreMesh(
        core_axis_name="c", subcore_axis_name="s",
        num_cores=NC, num_subcores=NS)


def _silu(x):
    return x * jax.nn.sigmoid(x)


def _mm(x, w):
    return lax.dot_general(x, w, (((1,), (0,)), ((), ())),
                           preferred_element_type=jnp.float32)



def _tc_a_body(x_ref, w_ref, o_ref):
    o_ref[...] = _mm(x_ref[...], w_ref[...])


def _tc_a(hna, wcomb):
    bn = 2000
    return pl.pallas_call(
        _tc_a_body,
        grid=(N // bn,),
        in_specs=[pl.BlockSpec((bn, 2 * IN), lambda i: (i, 0)),
                  pl.BlockSpec((2 * IN, 2 * H), lambda i: (0, 0))],
        out_specs=pl.BlockSpec((bn, 2 * H), lambda i: (i, 0)),
        out_shape=jax.ShapeDtypeStruct((N, 2 * H), jnp.float32),
    )(hna, wcomb)



def _g1_body(row_h, col_h, na_h, nb_h, crg_h, ccg_h,
             idr, idc, b1, b2, sem):
    wid = lax.axis_index("s") * NC + lax.axis_index("c")
    base0 = wid * EPW

    @pl.loop(0, EPW // CH)
    def _chunk(i):
        base = base0 + i * CH
        pltpu.sync_copy(row_h.at[pl.ds(base, CH)], idr)
        pltpu.sync_copy(col_h.at[pl.ds(base, CH)], idc)
        c1 = pltpu.async_copy(na_h.at[idr], b1, sem)
        c2 = pltpu.async_copy(nb_h.at[idc], b2, sem)
        c1.wait()
        c2.wait()
        pltpu.sync_copy(b1, crg_h.at[pl.ds(base, CH)])
        pltpu.sync_copy(b2, ccg_h.at[pl.ds(base, CH)])


@functools.cache
def _g1_kernel():
    return pl.kernel(
        _g1_body,
        out_type=(jax.ShapeDtypeStruct((E, NA), jnp.float32),
                  jax.ShapeDtypeStruct((E, NA), jnp.float32)),
        mesh=_mesh(),
        scratch_types=[pltpu.VMEM((CH,), jnp.int32),
                       pltpu.VMEM((CH,), jnp.int32),
                       pltpu.VMEM((CH, NA), jnp.float32),
                       pltpu.VMEM((CH, NA), jnp.float32),
                       pltpu.SemaphoreType.DMA],
    )


def _g1(row, col, node_a, node_b):
    return _g1_kernel()(row, col, node_a, node_b)



def _tc_b_body(crg, ccg, ea,
               weaT, chb1, chw2T, chb2,
               pw1aT, pw1bT, pw1cT, posb1, posw2T, posb2,
               shwT, shb, attwT, attb,
               wqT, wkT, wvT, wbT16,
               puw1T, pub1, puw2T, pub2,
               pxw1T, pxb1, pxw2T, pxb2,
               rcoef, m3, oh3, nsel,
               oQ, oK, oV, oz, oB, oX):
    gr = crg[...]
    gc = ccg[...]
    eav = ea[...]
    cd16 = (gr[:, 128:144] - gc[:, 128:144]) * m3[...]
    nrm = jnp.sqrt(jnp.sum(cd16 * cd16, axis=1, keepdims=True)) + 1e-8
    cdn = cd16 / nrm
    ir = jnp.sum(cdn * cdn, axis=1, keepdims=True)
    radial = jnp.exp(ir * rcoef[...])
    nprod = _mm(gr * gc, nsel[...])
    pos1 = (_mm(nprod, pw1aT[...]) + _mm(radial, pw1bT[...])
            + _mm(eav, pw1cT[...]) + posb1[...])
    pos = _silu(_mm(_silu(pos1), posw2T[...]) + posb2[...])
    chem1 = gr[:, 0:128] + gc[:, 0:128] + _mm(eav, weaT[...]) + chb1[...]
    chem = _silu(_mm(_silu(chem1), chw2T[...]) + chb2[...])
    outv = _silu(_mm(chem, shwT[...]) + shb[...]) * pos
    att = jax.nn.sigmoid(_mm(outv, attwT[...]) + attb[...])
    z = outv * att
    oz[...] = z
    oQ[...] = _mm(z, wqT[...])
    oK[...] = _mm(z, wkT[...])
    oV[...] = _mm(z, wvT[...])
    oB[...] = _mm(z, wbT16[...])
    phiu = _mm(_silu(_mm(chem, puw1T[...]) + pub1[...]), puw2T[...]) + pub2[...]
    phix = _mm(_silu(_mm(pos, pxw1T[...]) + pxb1[...]), pxw2T[...]) + pxb2[...]
    xt = cdn * (phiu * phix)
    oX[...] = jnp.concatenate(
        [xt, jnp.zeros((xt.shape[0], XW - 16), xt.dtype)], axis=1) + oh3[...]


def _tc_b(crg, ccg, edge_attr, consts):
    be = 1000

    def row(d):
        return pl.BlockSpec((be, d), lambda i: (i, 0))

    def full(a):
        s = a.shape
        return pl.BlockSpec(s, lambda i: tuple(0 for _ in s))

    in_specs = [row(NA), row(NA), row(ED)]
    in_specs += [full(c) for c in consts]
    return pl.pallas_call(
        _tc_b_body,
        grid=(E // be,),
        in_specs=in_specs,
        out_specs=[row(HEADS * H), row(HEADS * H), row(HEADS * H),
                   row(H), row(BW), row(XW)],
        out_shape=[jax.ShapeDtypeStruct((E, HEADS * H), jnp.float32),
                   jax.ShapeDtypeStruct((E, HEADS * H), jnp.float32),
                   jax.ShapeDtypeStruct((E, HEADS * H), jnp.float32),
                   jax.ShapeDtypeStruct((E, H), jnp.float32),
                   jax.ShapeDtypeStruct((E, BW), jnp.float32),
                   jax.ShapeDtypeStruct((E, XW), jnp.float32)],
    )(crg, ccg, edge_attr, *consts)



def _g2_body(ii_h, ij_h, km_h, vm_h, bp_h, kg_h, vg_h, bg_h,
             idi, idj, bk, bv, bb, sem):
    wid = lax.axis_index("s") * NC + lax.axis_index("c")
    base0 = wid * IPW

    @pl.loop(0, IPW // CHG)
    def _chunk(i):
        base = base0 + i * CHG
        pltpu.sync_copy(ii_h.at[pl.ds(base, CHG)], idi)
        pltpu.sync_copy(ij_h.at[pl.ds(base, CHG)], idj)
        c1 = pltpu.async_copy(km_h.at[idi], bk, sem)
        c2 = pltpu.async_copy(vm_h.at[idi], bv, sem)
        c3 = pltpu.async_copy(bp_h.at[idj], bb, sem)
        c1.wait()
        c2.wait()
        c3.wait()
        pltpu.sync_copy(bk, kg_h.at[pl.ds(base, CHG)])
        pltpu.sync_copy(bv, vg_h.at[pl.ds(base, CHG)])
        pltpu.sync_copy(bb, bg_h.at[pl.ds(base, CHG)])


@functools.cache
def _g2_kernel():
    return pl.kernel(
        _g2_body,
        out_type=(jax.ShapeDtypeStruct((E4, HEADS * H), jnp.float32),
                  jax.ShapeDtypeStruct((E4, HEADS * H), jnp.float32),
                  jax.ShapeDtypeStruct((E4, BW), jnp.float32)),
        mesh=_mesh(),
        scratch_types=[pltpu.VMEM((CHG,), jnp.int32),
                       pltpu.VMEM((CHG,), jnp.int32),
                       pltpu.VMEM((CHG, HEADS * H), jnp.float32),
                       pltpu.VMEM((CHG, HEADS * H), jnp.float32),
                       pltpu.VMEM((CHG, BW), jnp.float32),
                       pltpu.SemaphoreType.DMA],
    )


def _g2(idx_i, idx_j, km, vm, bp):
    return _g2_kernel()(idx_i, idx_j, km, vm, bp)



def _tc_c_body(q_ref, kg_ref, vg_ref, bg_ref, z_ref,
               wgT, bgv, outwT, outb, o_ref):
    z = z_ref[...]
    g = jax.nn.sigmoid(_mm(z, wgT[...]) + bgv[...])
    q = q_ref[...]
    isq = 1.0 / float(np.sqrt(H))
    heads = []
    for h in range(HEADS):
        qh = q[:, h * H:(h + 1) * H]
        lg = []
        for kk in range(K):
            kx = kg_ref[:, kk, h * H:(h + 1) * H].astype(jnp.float32)
            bx = bg_ref[:, kk, h:h + 1]
            lg.append(jnp.sum(qh * kx, axis=1, keepdims=True) * isq + bx)
        lgc = jnp.concatenate(lg, axis=1)
        mx = jnp.max(lgc, axis=1, keepdims=True)
        ex = jnp.exp(lgc - mx)
        al = ex / jnp.sum(ex, axis=1, keepdims=True)
        tav = None
        for kk in range(K):
            t = al[:, kk:kk + 1] * vg_ref[:, kk, h * H:(h + 1) * H].astype(
                jnp.float32)
            tav = t if tav is None else tav + t
        heads.append(g[:, h * H:(h + 1) * H] * tav)
    hc = jnp.concatenate(heads, axis=1)
    o_ref[...] = _mm(hc, outwT[...]) + outb[...]


def _tc_c(q, kg3, vg3, bg3, z, wgT, bgv, outwT, outb):
    bc = 640

    def full(a):
        s = a.shape
        return pl.BlockSpec(s, lambda i: tuple(0 for _ in s))

    return pl.pallas_call(
        _tc_c_body,
        grid=(E // bc,),
        in_specs=[pl.BlockSpec((bc, HEADS * H), lambda i: (i, 0)),
                  pl.BlockSpec((bc, K, HEADS * H), lambda i: (i, 0, 0)),
                  pl.BlockSpec((bc, K, HEADS * H), lambda i: (i, 0, 0)),
                  pl.BlockSpec((bc, K, BW), lambda i: (i, 0, 0)),
                  pl.BlockSpec((bc, H), lambda i: (i, 0)),
                  full(wgT), full(bgv), full(outwT), full(outb)],
        out_specs=pl.BlockSpec((bc, H), lambda i: (i, 0)),
        out_shape=jax.ShapeDtypeStruct((E, H), jnp.float32),
    )(q, kg3, vg3, bg3, z, wgT, bgv, outwT, outb)



def _s1_zero_rows(pb, w):
    @pl.loop(0, CH)
    def _zr(r):
        @pl.loop(0, w // 16)
        def _zc(c):
            pb[r, pl.ds(c * 16, 16)] = jnp.zeros((16,), jnp.float32)


def _s1_range_loop(sid, fn):
    base = sid * NR1
    nfull = NR1 // CH
    rem = NR1 - nfull * CH
    nlast = NR2 // CH

    @pl.when(sid < NS - 1)
    def _a():
        @pl.loop(0, nfull)
        def _f(j):
            fn(base + j * CH, CH)

        fn(base + nfull * CH, rem)

    @pl.when(sid == NS - 1)
    def _b():
        @pl.loop(0, nlast)
        def _f(j):
            fn(base + j * CH, CH)


def _s1_body(row_h, pm_h, pt_h, om0_h, om1_h, ot0_h, ot1_h,
             pb, idxv, sh, sem):
    cid = lax.axis_index("c")
    sid = lax.axis_index("s")
    wid = sid * NC + cid
    base0 = wid * EPW

    def _one(p_h, o0_h, o1_h):
        _s1_zero_rows(pb, H)

        def _zero(r0, nrows):
            pltpu.sync_copy(pb.at[pl.ds(0, nrows)], sh.at[pl.ds(r0, nrows)])

        _s1_range_loop(sid, _zero)
        plsc.subcore_barrier()

        @pl.loop(0, EPW // CH)
        def _chunk(i):
            b = base0 + i * CH
            pltpu.sync_copy(row_h.at[pl.ds(b, CH)], idxv)
            pltpu.sync_copy(p_h.at[pl.ds(b, CH)], pb)
            pltpu.sync_copy(pb, sh.at[idxv], add=True)

        plsc.subcore_barrier()

        def _dump(r0, nrows):
            pltpu.sync_copy(sh.at[pl.ds(r0, nrows)], pb.at[pl.ds(0, nrows)])

            @pl.when(cid == 0)
            def _w0():
                pltpu.sync_copy(pb.at[pl.ds(0, nrows)],
                                o0_h.at[pl.ds(r0, nrows)])

            @pl.when(cid == 1)
            def _w1():
                pltpu.sync_copy(pb.at[pl.ds(0, nrows)],
                                o1_h.at[pl.ds(r0, nrows)])

        _s1_range_loop(sid, _dump)
        plsc.subcore_barrier()

    _one(pm_h, om0_h, om1_h)
    _one(pt_h, ot0_h, ot1_h)


@functools.cache
def _s1_kernel():
    return pl.kernel(
        _s1_body,
        out_type=(jax.ShapeDtypeStruct((N, H), jnp.float32),
                  jax.ShapeDtypeStruct((N, H), jnp.float32),
                  jax.ShapeDtypeStruct((N, XW), jnp.float32),
                  jax.ShapeDtypeStruct((N, XW), jnp.float32)),
        mesh=_mesh(),
        scratch_types=[pltpu.VMEM((CH, H), jnp.float32),
                       pltpu.VMEM((CH,), jnp.int32),
                       pltpu.VMEM_SHARED((N, H), jnp.float32),
                       pltpu.SemaphoreType.DMA],
    )


def _s1(row, payload_m, payload_t):
    return _s1_kernel()(row, payload_m, payload_t)



def _tc_d_body(p0m, p1m, p0t, p1t, h_ref, na_ref, c_ref, ic_ref,
               a1T, a2T, a3T, phb1, phw2T, phb2, o_h, o_c):
    sm = p0m[...] + p1m[...]
    tail = p0t[...] + p1t[...]
    lane = lax.broadcasted_iota(jnp.int32, (1, XW), 1)
    cnt1 = jnp.sum(jnp.where(lane == 3, tail, 0.0), axis=1, keepdims=True)
    cnt = jnp.maximum(cnt1, 1.0)
    magg = sm / cnt
    xagg = tail[:, 0:3] / cnt
    o_c[...] = 0.2 * ic_ref[...] + 0.8 * c_ref[...] + xagg
    hv = h_ref[...]
    t = _silu(_mm(hv, a1T[...]) + _mm(na_ref[...], a2T[...])
              + _mm(magg, a3T[...]) + phb1[...])
    o_h[...] = hv + _mm(t, phw2T[...]) + phb2[...]


def _tc_d(p0m, p1m, p0t, p1t, h, na, coord, init_coord, weights):
    bn = 2000

    def row(d):
        return pl.BlockSpec((bn, d), lambda i: (i, 0))

    def full(a):
        s = a.shape
        return pl.BlockSpec(s, lambda i: tuple(0 for _ in s))

    return pl.pallas_call(
        _tc_d_body,
        grid=(N // bn,),
        in_specs=[row(H), row(H), row(XW), row(XW), row(IN), row(H),
                  row(3), row(3)] + [full(w) for w in weights],
        out_specs=[row(IN), row(3)],
        out_shape=[jax.ShapeDtypeStruct((N, IN), jnp.float32),
                   jax.ShapeDtypeStruct((N, 3), jnp.float32)],
    )(p0m, p1m, p0t, p1t, h, na, coord, init_coord, *weights)



def kernel(h, coord, edges, nvecs, edge_attr, node_attr, init_coord, klist,
           params):
    p = params
    f32 = jnp.float32
    row = edges[0].astype(jnp.int32)
    col = edges[1].astype(jnp.int32)

    nvf = nvecs.reshape(N, 15)
    geo = jnp.concatenate([coord, nvf], axis=1)
    hna = jnp.concatenate([h, node_attr], axis=1)

    w1 = p['ch_w1']
    wcomb = jnp.concatenate([
        jnp.concatenate([w1[:, 0:128], w1[:, 256:384]], axis=1).T,
        jnp.concatenate([w1[:, 128:256], w1[:, 384:512]], axis=1).T,
    ], axis=1)
    cc = _tc_a(hna, wcomb)
    pad = jnp.zeros((N, NA - H - 18), f32)
    node_a = jnp.concatenate([cc[:, 0:H], geo, pad], axis=1)
    node_b = jnp.concatenate([cc[:, H:2 * H], geo, pad], axis=1)

    crg, ccg = _g1(row, col, node_a, node_b)

    pos_w1 = p['pos_w1']
    wbT16 = jnp.concatenate([p['wb'].reshape(HEADS, H).T,
                             jnp.zeros((H, BW - HEADS), f32)], axis=1)
    nsel = np.zeros((NA, 5), np.float32)
    for j in range(5):
        nsel[131 + 3 * j:134 + 3 * j, j] = 1.0
    consts = [
        w1[:, 512:528].T, p['ch_b1'].reshape(1, H),
        p['ch_w2'].T, p['ch_b2'].reshape(1, H),
        pos_w1[:, 0:5].T, pos_w1[:, 5:20].T, pos_w1[:, 20:36].T,
        p['pos_b1'].reshape(1, H), p['pos_w2'].T, p['pos_b2'].reshape(1, H),
        p['sh_w'].T, p['sh_b'].reshape(1, H),
        p['att_w'].T, p['att_b'].reshape(1, 1),
        jnp.transpose(p['wq'], (2, 0, 1)).reshape(H, HEADS * H),
        jnp.transpose(p['wk'], (2, 0, 1)).reshape(H, HEADS * H),
        jnp.transpose(p['wv'], (2, 0, 1)).reshape(H, HEADS * H),
        wbT16,
        p['pu_w1'].T, p['pu_b1'].reshape(1, H),
        p['pu_w2'].T, p['pu_b2'].reshape(1, 1),
        p['px_w1'].T, p['px_b1'].reshape(1, H),
        p['px_w2'].T, p['px_b2'].reshape(1, 1),
        jnp.array([[-0.5 / 2.25 ** s for s in range(15)]], f32),
        jnp.array([[1.0] * 3 + [0.0] * 13], f32),
        jnp.array([[0.0] * 3 + [1.0] + [0.0] * (XW - 4)], f32),
        jnp.array(nsel, f32),
    ]
    q, km, vm, z, bp, xt16 = _tc_b(crg, ccg, edge_attr, consts)

    idx_i = klist[:, 0, :].reshape(E4).astype(jnp.int32)
    idx_j = klist[:, 1, :].reshape(E4).astype(jnp.int32)
    kg, vg, bg = _g2(idx_i, idx_j, km, vm, bp)

    payload_m = _tc_c(q, kg.reshape(E, K, HEADS * H),
                      vg.reshape(E, K, HEADS * H), bg.reshape(E, K, BW), z,
                      jnp.transpose(p['wg'], (2, 0, 1)).reshape(H, HEADS * H),
                      p['bg'].reshape(1, HEADS * H),
                      p['out_w'].T, p['out_b'].reshape(1, H))

    p0m, p1m, p0t, p1t = _s1(row, payload_m, xt16)

    phw1 = p['ph_w1']
    weights = [phw1[:, 0:128].T, phw1[:, 128:256].T, phw1[:, 256:384].T,
               p['ph_b1'].reshape(1, H), p['ph_w2'].T, p['ph_b2'].reshape(1, H)]
    h_out, coord_out = _tc_d(p0m, p1m, p0t, p1t, h, node_attr, coord,
                             init_coord, weights)
    return (h_out, coord_out)

# --- scband reference (transcript-rebuilt; emitter-appended) ---
"""Pipeline reference for scband-pta-egnn-83236466196761 (READ-ONLY COPY).

The authoritative reference and input builder live on the scoring server;
editing this copy changes nothing except your own understanding.
"""

import jax, jax.numpy as jnp
import numpy as np

N = 10000
E = 160000
K = 4
H = 128
IN = 128
ED = 16
HEADS = 4


def _lin(x, w, b=None):
    y = x @ w.T
    return y if b is None else y + b


def silu(x):
    return x * jax.nn.sigmoid(x)


def _init_params(key):
    ks = jax.random.split(key, 64)
    i = [0]
    def nxt():
        k = ks[i[0]]
        i[0] += 1
        return k
    def W(o, inp):
        return (jax.random.normal(nxt(), (o, inp), jnp.float32) / jnp.sqrt(inp)).astype(jnp.float32)
    def B(o):
        return jnp.zeros((o,), jnp.float32)
    p = {}
    p['ch_w1'] = W(H, IN * 2 + H * 2 + ED); p['ch_b1'] = B(H)
    p['ch_w2'] = W(H, H); p['ch_b2'] = B(H)
    p['pos_w1'] = W(H, 20 + ED); p['pos_b1'] = B(H)
    p['pos_w2'] = W(H, H); p['pos_b2'] = B(H)
    p['sh_w'] = W(H, H); p['sh_b'] = B(H)
    p['att_w'] = W(1, H); p['att_b'] = B(1)
    p['wq'] = jnp.stack([W(H, H) for _ in range(HEADS)])
    p['wk'] = jnp.stack([W(H, H) for _ in range(HEADS)])
    p['wv'] = jnp.stack([W(H, H) for _ in range(HEADS)])
    p['wb'] = jnp.stack([W(1, H) for _ in range(HEADS)])
    p['wg'] = jnp.stack([W(H, H) for _ in range(HEADS)])
    p['bg'] = jnp.zeros((HEADS, H), jnp.float32)
    p['out_w'] = W(H, HEADS * H); p['out_b'] = B(H)
    p['pu_w1'] = W(H, H); p['pu_b1'] = B(H)
    p['pu_w2'] = W(1, H); p['pu_b2'] = B(1)
    p['px_w1'] = W(H, H); p['px_b1'] = B(H)
    p['px_w2'] = W(1, H); p['px_b2'] = B(1)
    p['ph_w1'] = W(H, 2 * H + IN); p['ph_b1'] = B(H)
    p['ph_w2'] = W(H, H); p['ph_b2'] = B(H)
    return p


def setup_inputs(seed: int = 0) -> dict:
    key = jax.random.key(seed)
    ks = jax.random.split(key, 10)
    h = jax.random.normal(ks[0], (N, IN), jnp.float32)
    coord = jax.random.normal(ks[1], (N, 3), jnp.float32)
    edges = jax.random.randint(ks[2], (2, E), 0, N)
    nvecs = jax.random.normal(ks[3], (N, 5, 3), jnp.float32)
    edge_attr = jax.random.normal(ks[4], (E, ED), jnp.float32)
    node_attr = jax.random.normal(ks[5], (N, H), jnp.float32)
    init_coord = jax.random.normal(ks[6], (N, 3), jnp.float32)
    klist = jax.random.randint(ks[7], (E, 2, K), 0, E)
    params = _init_params(ks[8])
    return {'h': h, 'coord': coord, 'edges': edges, 'nvecs': nvecs,
            'edge_attr': edge_attr, 'node_attr': node_attr,
            'init_coord': init_coord, 'klist': klist, 'params': params}


def _seg_mean(data, ids, num):
    s = jax.ops.segment_sum(data, ids, num_segments=num)
    c = jax.ops.segment_sum(jnp.ones_like(data), ids, num_segments=num)
    return s / jnp.clip(c, 1.0, None)


def reference(h, coord, edges, nvecs, edge_attr, node_attr, init_coord, klist, params):
    p = params
    row, col = edges[0], edges[1]
    # coord2radialplus
    cd = coord[row] - coord[col]
    norm = jnp.linalg.norm(cd, axis=-1, keepdims=True) + 1e-08
    cd = cd / norm
    init_radial = jnp.sum(cd ** 2, axis=1, keepdims=True)
    radial = jnp.concatenate([jnp.exp(-0.5 / (2.25 ** s) * init_radial) for s in range(15)], axis=-1)
    # vec2product
    nprod = jnp.sum(nvecs[row] * nvecs[col], axis=-1).reshape(E, -1)
    # Ch_Pos_GCL (eval mode: dropout = identity)
    chem_in = jnp.concatenate([h[row], h[col], node_attr[row], node_attr[col], edge_attr], axis=1)
    chem = silu(_lin(silu(_lin(chem_in, p['ch_w1'], p['ch_b1'])), p['ch_w2'], p['ch_b2']))
    pos_in = jnp.concatenate([nprod, radial, edge_attr], axis=1)
    pos = silu(_lin(silu(_lin(pos_in, p['pos_w1'], p['pos_b1'])), p['pos_w2'], p['pos_b2']))
    out = silu(_lin(chem, p['sh_w'], p['sh_b'])) * pos
    att = jax.nn.sigmoid(_lin(out, p['att_w'], p['att_b']))
    z = out * att
    # Tri_Att_GCL
    idx_i = klist[:, 0]
    idx_j = klist[:, 1]
    red = idx_i == -1
    heads_out = []
    for hh in range(HEADS):
        q = z @ p['wq'][hh].T
        k = z @ p['wk'][hh].T
        v = z @ p['wv'][hh].T
        b = z @ p['wb'][hh].T
        g = jax.nn.sigmoid(z @ p['wg'][hh].T + p['bg'][hh])
        tri_k = jnp.where(red[..., None], 0.0, k[idx_i])
        tri_b = jnp.where(red, 0.0, b[idx_j][..., 0])
        tri_v = v[idx_i]
        alpha = jnp.sum(q[:, None, :] * tri_k, axis=-1) / np.sqrt(H) + tri_b
        alpha = jnp.where(red, -10000.0, alpha)
        alpha = jax.nn.softmax(alpha, axis=1)
        tav = jnp.einsum('ek,ekh->eh', alpha, tri_v)
        heads_out.append(g * tav)
    m = _lin(jnp.concatenate(heads_out, axis=-1), p['out_w'], p['out_b'])
    # coordinate / feature updates
    ita = 0.2
    phi_u = _lin(silu(_lin(chem, p['pu_w1'], p['pu_b1'])), p['pu_w2'], p['pu_b2'])
    phi_x = _lin(silu(_lin(pos, p['px_w1'], p['px_b1'])), p['px_w2'], p['px_b2'])
    x_trans = cd * (phi_u * phi_x)
    x_agg = _seg_mean(x_trans, row, N)
    coord_out = ita * init_coord + (1 - ita) * coord + x_agg
    m_agg = _seg_mean(m, row, N)
    m_all = jnp.concatenate([h, node_attr, m_agg], axis=-1)
    h_out = h + _lin(silu(_lin(m_all, p['ph_w1'], p['ph_b1'])), p['ph_w2'], p['ph_b2'])
    return (h_out, coord_out)

if __name__ == "__main__":
    import jax
    _d = setup_inputs()
    print(jax.jit(kernel)(*tuple(_d.values())))

</pallas_src>

<mosaic_0001>
#map = affine_map<(d0, d1) -> (0)>
#map1 = affine_map<(d0, d1) -> (0, 0)>
module attributes {stable_mosaic.version = 14 : i64} {
  func.func @_g2_body(%arg0: i32, %arg1: i32, %arg2: memref<640000xi32, #tpu.memory_space<hbm>>, %arg3: memref<640000xi32, #tpu.memory_space<hbm>>, %arg4: memref<160000x512xf32, #tpu.memory_space<hbm>>, %arg5: memref<160000x512xf32, #tpu.memory_space<hbm>>, %arg6: memref<160000x128xf32, #tpu.memory_space<hbm>>, %arg7: memref<640000x512xf32, #tpu.memory_space<hbm>>, %arg8: memref<640000x512xf32, #tpu.memory_space<hbm>>, %arg9: memref<640000x128xf32, #tpu.memory_space<hbm>>, %arg10: memref<80xi32, #tpu.memory_space<vmem>>, %arg11: memref<80xi32, #tpu.memory_space<vmem>>, %arg12: memref<80x512xf32, #tpu.memory_space<vmem>>, %arg13: memref<80x512xf32, #tpu.memory_space<vmem>>, %arg14: memref<80x128xf32, #tpu.memory_space<vmem>>, %arg15: memref<!tpu.dma_semaphore, #tpu.memory_space<semaphore_mem>>) attributes {dimension_semantics = [#tpu.dimension_semantics<core_parallel>, #tpu.dimension_semantics<subcore_parallel>], iteration_bounds = array<i64: 2, 16>, scalar_prefetch = 0 : i64, scratch_operands = 6 : i64, tpu.core_type = #tpu.core_type<sc_vector_subcore>, window_params = [{transform_indices = #map}, {transform_indices = #map}, {transform_indices = #map1}, {transform_indices = #map1}, {transform_indices = #map1}, {transform_indices = #map1}, {transform_indices = #map1}, {transform_indices = #map1}]} {
    %mul3A = arith.constant 2 : i32
    %mul3A_0 = arith.muli %arg1, %mul3A : i32
    %add3A = arith.addi %mul3A_0, %arg0 : i32
    %mul3A_1 = arith.constant 20000 : i32
    %mul3A_2 = arith.muli %add3A, %mul3A_1 : i32
    %scan3A = arith.constant 0 : i32
    %scan3A_3 = arith.constant 250 : i32
    %scan3A_4 = arith.addi %scan3A, %scan3A_3 : i32
    %scan3A_5 = arith.constant 1 : i32
    scf.for %scan3A_7 = %scan3A to %scan3A_4 step %scan3A_5  : i32 {
      %mul3A_8 = arith.constant 1 : i32
      %mul3A_9 = arith.muli %scan3A_7, %mul3A_8 : i32
      %add3A_10 = arith.constant 0 : i32
      %add3A_11 = arith.addi %add3A_10, %mul3A_9 : i32
      %mul3A_12 = arith.constant 80 : i32
      %mul3A_13 = arith.muli %add3A_11, %mul3A_12 : i32
      %add3A_14 = arith.addi %mul3A_2, %mul3A_13 : i32
      "tpu.region"() ({
        %run_scoped3A = tpu.sem_alloc : memref<!tpu.dma_semaphore, #tpu.memory_space<semaphore_mem>>
        %dma_start3A_31 = tpu.memref_slice %arg2[%add3A_14] : memref<640000xi32, #tpu.memory_space<hbm>> -> memref<80xi32, #tpu.memory_space<hbm>>
        %dma_start3A_32 = tpu.memref_slice %arg2[%add3A_14] : memref<640000xi32, #tpu.memory_space<hbm>> -> memref<80xi32, #tpu.memory_space<hbm>>
        tpu.enqueue_dma source(%dma_start3A_32 : memref<80xi32, #tpu.memory_space<hbm>>) target(%arg10 : memref<80xi32, #tpu.memory_space<vmem>>) target_semaphore(%run_scoped3A : memref<!tpu.dma_semaphore, #tpu.memory_space<semaphore_mem>>)
        %dma_wait3A_33 = tpu.memref_slice %arg2[%add3A_14] : memref<640000xi32, #tpu.memory_space<hbm>> -> memref<80xi32, #tpu.memory_space<hbm>>
        %dma_wait3A_34 = tpu.memref_slice %arg2[%add3A_14] : memref<640000xi32, #tpu.memory_space<hbm>> -> memref<80xi32, #tpu.memory_space<hbm>>
        tpu.wait_dma2 semaphore(%run_scoped3A : memref<!tpu.dma_semaphore, #tpu.memory_space<semaphore_mem>>) src(%dma_wait3A_34 : memref<80xi32, #tpu.memory_space<hbm>>) dst(%arg10 : memref<80xi32, #tpu.memory_space<vmem>>)
        tpu.yield
      }) : () -> ()
      "tpu.region"() ({
        %run_scoped3A = tpu.sem_alloc : memref<!tpu.dma_semaphore, #tpu.memory_space<semaphore_mem>>
        %dma_start3A_31 = tpu.memref_slice %arg3[%add3A_14] : memref<640000xi32, #tpu.memory_space<hbm>> -> memref<80xi32, #tpu.memory_space<hbm>>
        %dma_start3A_32 = tpu.memref_slice %arg3[%add3A_14] : memref<640000xi32, #tpu.memory_space<hbm>> -> memref<80xi32, #tpu.memory_space<hbm>>
        tpu.enqueue_dma source(%dma_start3A_32 : memref<80xi32, #tpu.memory_space<hbm>>) target(%arg11 : memref<80xi32, #tpu.memory_space<vmem>>) target_semaphore(%run_scoped3A : memref<!tpu.dma_semaphore, #tpu.memory_space<semaphore_mem>>)
        %dma_wait3A_33 = tpu.memref_slice %arg3[%add3A_14] : memref<640000xi32, #tpu.memory_space<hbm>> -> memref<80xi32, #tpu.memory_space<hbm>>
        %dma_wait3A_34 = tpu.memref_slice %arg3[%add3A_14] : memref<640000xi32, #tpu.memory_space<hbm>> -> memref<80xi32, #tpu.memory_space<hbm>>
        tpu.wait_dma2 semaphore(%run_scoped3A : memref<!tpu.dma_semaphore, #tpu.memory_space<semaphore_mem>>) src(%dma_wait3A_34 : memref<80xi32, #tpu.memory_space<hbm>>) dst(%arg11 : memref<80xi32, #tpu.memory_space<vmem>>)
        tpu.yield
      }) : () -> ()
      %dma_start3A = arith.constant 0 : i32
      %dma_start3A_15 = arith.constant 0 : i32
      %dma_start3A_16 = tpu.memref_slice %arg4[%dma_start3A, %dma_start3A_15] : memref<160000x512xf32, #tpu.memory_space<hbm>> -> memref<160000x512xf32, #tpu.memory_space<hbm>>
      tpu.enqueue_indirect_dma source(%dma_start3A_16 : memref<160000x512xf32, #tpu.memory_space<hbm>>) target(%arg12 : memref<80x512xf32, #tpu.memory_space<vmem>>) offsets(%arg10 : memref<80xi32, #tpu.memory_space<vmem>>) semaphore(%arg15 : memref<!tpu.dma_semaphore, #tpu.memory_space<semaphore_mem>>)
      %dma_start3A_17 = arith.constant 0 : i32
      %dma_start3A_18 = arith.constant 0 : i32
      %dma_start3A_19 = tpu.memref_slice %arg5[%dma_start3A_17, %dma_start3A_18] : memref<160000x512xf32, #tpu.memory_space<hbm>> -> memref<160000x512xf32, #tpu.memory_space<hbm>>
      tpu.enqueue_indirect_dma source(%dma_start3A_19 : memref<160000x512xf32, #tpu.memory_space<hbm>>) target(%arg13 : memref<80x512xf32, #tpu.memory_space<vmem>>) offsets(%arg10 : memref<80xi32, #tpu.memory_space<vmem>>) semaphore(%arg15 : memref<!tpu.dma_semaphore, #tpu.memory_space<semaphore_mem>>)
      %dma_start3A_20 = arith.constant 0 : i32
      %dma_start3A_21 = arith.constant 0 : i32
      %dma_start3A_22 = tpu.memref_slice %arg6[%dma_start3A_20, %dma_start3A_21] : memref<160000x128xf32, #tpu.memory_space<hbm>> -> memref<160000x128xf32, #tpu.memory_space<hbm>>
      tpu.enqueue_indirect_dma source(%dma_start3A_22 : memref<160000x128xf32, #tpu.memory_space<hbm>>) target(%arg14 : memref<80x128xf32, #tpu.memory_space<vmem>>) offsets(%arg11 : memref<80xi32, #tpu.memory_space<vmem>>) semaphore(%arg15 : memref<!tpu.dma_semaphore, #tpu.memory_space<semaphore_mem>>)
      %dma_wait3A = arith.constant 0 : i32
      %dma_wait3A_23 = arith.constant 0 : i32
      %dma_wait3A_24 = tpu.memref_slice %arg4[%dma_wait3A, %dma_wait3A_23] : memref<160000x512xf32, #tpu.memory_space<hbm>> -> memref<160000x512xf32, #tpu.memory_space<hbm>>
      tpu.wait_indirect_dma semaphore(%arg15 : memref<!tpu.dma_semaphore, #tpu.memory_space<semaphore_mem>>) src(%dma_wait3A_24 : memref<160000x512xf32, #tpu.memory_space<hbm>>) dst(%arg12 : memref<80x512xf32, #tpu.memory_space<vmem>>)
      %dma_wait3A_25 = arith.constant 0 : i32
      %dma_wait3A_26 = arith.constant 0 : i32
      %dma_wait3A_27 = tpu.memref_slice %arg5[%dma_wait3A_25, %dma_wait3A_26] : memref<160000x512xf32, #tpu.memory_space<hbm>> -> memref<160000x512xf32, #tpu.memory_space<hbm>>
      tpu.wait_indirect_dma semaphore(%arg15 : memref<!tpu.dma_semaphore, #tpu.memory_space<semaphore_mem>>) src(%dma_wait3A_27 : memref<160000x512xf32, #tpu.memory_space<hbm>>) dst(%arg13 : memref<80x512xf32, #tpu.memory_space<vmem>>)
      %dma_wait3A_28 = arith.constant 0 : i32
      %dma_wait3A_29 = arith.constant 0 : i32
      %dma_wait3A_30 = tpu.memref_slice %arg6[%dma_wait3A_28, %dma_wait3A_29] : memref<160000x128xf32, #tpu.memory_space<hbm>> -> memref<160000x128xf32, #tpu.memory_space<hbm>>
      tpu.wait_indirect_dma semaphore(%arg15 : memref<!tpu.dma_semaphore, #tpu.memory_space<semaphore_mem>>) src(%dma_wait3A_30 : memref<160000x128xf32, #tpu.memory_space<hbm>>) dst(%arg14 : memref<80x128xf32, #tpu.memory_space<vmem>>)
      "tpu.region"() ({
        %run_scoped3A = tpu.sem_alloc : memref<!tpu.dma_semaphore, #tpu.memory_space<semaphore_mem>>
        %dma_start3A_31 = arith.constant 0 : i32
        %dma_start3A_32 = tpu.memref_slice %arg7[%add3A_14, %dma_start3A_31] : memref<640000x512xf32, #tpu.memory_space<hbm>> -> memref<80x512xf32, #tpu.memory_space<hbm>>
        %dma_start3A_33 = arith.constant 0 : i32
        %dma_start3A_34 = tpu.memref_slice %arg7[%add3A_14, %dma_start3A_33] : memref<640000x512xf32, #tpu.memory_space<hbm>> -> memref<80x512xf32, #tpu.memory_space<hbm>>
        tpu.enqueue_dma source(%arg12 : memref<80x512xf32, #tpu.memory_space<vmem>>) target(%dma_start3A_34 : memref<80x512xf32, #tpu.memory_space<hbm>>) target_semaphore(%run_scoped3A : memref<!tpu.dma_semaphore, #tpu.memory_space<semaphore_mem>>)
        %dma_wait3A_35 = arith.constant 0 : i32
        %dma_wait3A_36 = tpu.memref_slice %arg7[%add3A_14, %dma_wait3A_35] : memref<640000x512xf32, #tpu.memory_space<hbm>> -> memref<80x512xf32, #tpu.memory_space<hbm>>
        %dma_wait3A_37 = arith.constant 0 : i32
        %dma_wait3A_38 = tpu.memref_slice %arg7[%add3A_14, %dma_wait3A_37] : memref<640000x512xf32, #tpu.memory_space<hbm>> -> memref<80x512xf32, #tpu.memory_space<hbm>>
        tpu.wait_dma2 semaphore(%run_scoped3A : memref<!tpu.dma_semaphore, #tpu.memory_space<semaphore_mem>>) src(%arg12 : memref<80x512xf32, #tpu.memory_space<vmem>>) dst(%dma_wait3A_38 : memref<80x512xf32, #tpu.memory_space<hbm>>)
        tpu.yield
      }) : () -> ()
      "tpu.region"() ({
        %run_scoped3A = tpu.sem_alloc : memref<!tpu.dma_semaphore, #tpu.memory_space<semaphore_mem>>
        %dma_start3A_31 = arith.constant 0 : i32
        %dma_start3A_32 = tpu.memref_slice %arg8[%add3A_14, %dma_start3A_31] : memref<640000x512xf32, #tpu.memory_space<hbm>> -> memref<80x512xf32, #tpu.memory_space<hbm>>
        %dma_start3A_33 = arith.constant 0 : i32
        %dma_start3A_34 = tpu.memref_slice %arg8[%add3A_14, %dma_start3A_33] : memref<640000x512xf32, #tpu.memory_space<hbm>> -> memref<80x512xf32, #tpu.memory_space<hbm>>
        tpu.enqueue_dma source(%arg13 : memref<80x512xf32, #tpu.memory_space<vmem>>) target(%dma_start3A_34 : memref<80x512xf32, #tpu.memory_space<hbm>>) target_semaphore(%run_scoped3A : memref<!tpu.dma_semaphore, #tpu.memory_space<semaphore_mem>>)
        %dma_wait3A_35 = arith.constant 0 : i32
        %dma_wait3A_36 = tpu.memref_slice %arg8[%add3A_14, %dma_wait3A_35] : memref<640000x512xf32, #tpu.memory_space<hbm>> -> memref<80x512xf32, #tpu.memory_space<hbm>>
        %dma_wait3A_37 = arith.constant 0 : i32
        %dma_wait3A_38 = tpu.memref_slice %arg8[%add3A_14, %dma_wait3A_37] : memref<640000x512xf32, #tpu.memory_space<hbm>> -> memref<80x512xf32, #tpu.memory_space<hbm>>
        tpu.wait_dma2 semaphore(%run_scoped3A : memref<!tpu.dma_semaphore, #tpu.memory_space<semaphore_mem>>) src(%arg13 : memref<80x512xf32, #tpu.memory_space<vmem>>) dst(%dma_wait3A_38 : memref<80x512xf32, #tpu.memory_space<hbm>>)
        tpu.yield
      }) : () -> ()
      "tpu.region"() ({
        %run_scoped3A = tpu.sem_alloc : memref<!tpu.dma_semaphore, #tpu.memory_space<semaphore_mem>>
        %dma_start3A_31 = arith.constant 0 : i32
        %dma_start3A_32 = tpu.memref_slice %arg9[%add3A_14, %dma_start3A_31] : memref<640000x128xf32, #tpu.memory_space<hbm>> -> memref<80x128xf32, #tpu.memory_space<hbm>>
        %dma_start3A_33 = arith.constant 0 : i32
        %dma_start3A_34 = tpu.memref_slice %arg9[%add3A_14, %dma_start3A_33] : memref<640000x128xf32, #tpu.memory_space<hbm>> -> memref<80x128xf32, #tpu.memory_space<hbm>>
        tpu.enqueue_dma source(%arg14 : memref<80x128xf32, #tpu.memory_space<vmem>>) target(%dma_start3A_34 : memref<80x128xf32, #tpu.memory_space<hbm>>) target_semaphore(%run_scoped3A : memref<!tpu.dma_semaphore, #tpu.memory_space<semaphore_mem>>)
        %dma_wait3A_35 = arith.constant 0 : i32
        %dma_wait3A_36 = tpu.memref_slice %arg9[%add3A_14, %dma_wait3A_35] : memref<640000x128xf32, #tpu.memory_space<hbm>> -> memref<80x128xf32, #tpu.memory_space<hbm>>
        %dma_wait3A_37 = arith.constant 0 : i32
        %dma_wait3A_38 = tpu.memref_slice %arg9[%add3A_14, %dma_wait3A_37] : memref<640000x128xf32, #tpu.memory_space<hbm>> -> memref<80x128xf32, #tpu.memory_space<hbm>>
        tpu.wait_dma2 semaphore(%run_scoped3A : memref<!tpu.dma_semaphore, #tpu.memory_space<semaphore_mem>>) src(%arg14 : memref<80x128xf32, #tpu.memory_space<vmem>>) dst(%dma_wait3A_38 : memref<80x128xf32, #tpu.memory_space<hbm>>)
        tpu.yield
      }) : () -> ()
    }
    %scan3A_6 = arith.constant 250 : i32
    return
  }
}

#map = affine_map<(d0, d1) -> (0)>
#map1 = affine_map<(d0, d1) -> (0, 0)>
module attributes {stable_mosaic.version = 14 : i64} {
  func.func @_g1_body(%arg0: i32, %arg1: i32, %arg2: memref<160000xi32, #tpu.memory_space<hbm>>, %arg3: memref<160000xi32, #tpu.memory_space<hbm>>, %arg4: memref<10000x256xf32, #tpu.memory_space<hbm>>, %arg5: memref<10000x256xf32, #tpu.memory_space<hbm>>, %arg6: memref<160000x256xf32, #tpu.memory_space<hbm>>, %arg7: memref<160000x256xf32, #tpu.memory_space<hbm>>, %arg8: memref<40xi32, #tpu.memory_space<vmem>>, %arg9: memref<40xi32, #tpu.memory_space<vmem>>, %arg10: memref<40x256xf32, #tpu.memory_space<vmem>>, %arg11: memref<40x256xf32, #tpu.memory_space<vmem>>, %arg12: memref<!tpu.dma_semaphore, #tpu.memory_space<semaphore_mem>>) attributes {dimension_semantics = [#tpu.dimension_semantics<core_parallel>, #tpu.dimension_semantics<subcore_parallel>], iteration_bounds = array<i64: 2, 16>, scalar_prefetch = 0 : i64, scratch_operands = 5 : i64, tpu.core_type = #tpu.core_type<sc_vector_subcore>, window_params = [{transform_indices = #map}, {transform_indices = #map}, {transform_indices = #map1}, {transform_indices = #map1}, {transform_indices = #map1}, {transform_indices = #map1}]} {
    %mul3A = arith.constant 2 : i32
    %mul3A_0 = arith.muli %arg1, %mul3A : i32
    %add3A = arith.addi %mul3A_0, %arg0 : i32
    %mul3A_1 = arith.constant 5000 : i32
    %mul3A_2 = arith.muli %add3A, %mul3A_1 : i32
    %scan3A = arith.constant 0 : i32
    %scan3A_3 = arith.constant 125 : i32
    %scan3A_4 = arith.addi %scan3A, %scan3A_3 : i32
    %scan3A_5 = arith.constant 1 : i32
    scf.for %scan3A_7 = %scan3A to %scan3A_4 step %scan3A_5  : i32 {
      %mul3A_8 = arith.constant 1 : i32
      %mul3A_9 = arith.muli %scan3A_7, %mul3A_8 : i32
      %add3A_10 = arith.constant 0 : i32
      %add3A_11 = arith.addi %add3A_10, %mul3A_9 : i32
      %mul3A_12 = arith.constant 40 : i32
      %mul3A_13 = arith.muli %add3A_11, %mul3A_12 : i32
      %add3A_14 = arith.addi %mul3A_2, %mul3A_13 : i32
      "tpu.region"() ({
        %run_scoped3A = tpu.sem_alloc : memref<!tpu.dma_semaphore, #tpu.memory_space<semaphore_mem>>
        %dma_start3A_25 = tpu.memref_slice %arg2[%add3A_14] : memref<160000xi32, #tpu.memory_space<hbm>> -> memref<40xi32, #tpu.memory_space<hbm>>
        %dma_start3A_26 = tpu.memref_slice %arg2[%add3A_14] : memref<160000xi32, #tpu.memory_space<hbm>> -> memref<40xi32, #tpu.memory_space<hbm>>
        tpu.enqueue_dma source(%dma_start3A_26 : memref<40xi32, #tpu.memory_space<hbm>>) target(%arg8 : memref<40xi32, #tpu.memory_space<vmem>>) target_semaphore(%run_scoped3A : memref<!tpu.dma_semaphore, #tpu.memory_space<semaphore_mem>>)
        %dma_wait3A_27 = tpu.memref_slice %arg2[%add3A_14] : memref<160000xi32, #tpu.memory_space<hbm>> -> memref<40xi32, #tpu.memory_space<hbm>>
        %dma_wait3A_28 = tpu.memref_slice %arg2[%add3A_14] : memref<160000xi32, #tpu.memory_space<hbm>> -> memref<40xi32, #tpu.memory_space<hbm>>
        tpu.wait_dma2 semaphore(%run_scoped3A : memref<!tpu.dma_semaphore, #tpu.memory_space<semaphore_mem>>) src(%dma_wait3A_28 : memref<40xi32, #tpu.memory_space<hbm>>) dst(%arg8 : memref<40xi32, #tpu.memory_space<vmem>>)
        tpu.yield
      }) : () -> ()
      "tpu.region"() ({
        %run_scoped3A = tpu.sem_alloc : memref<!tpu.dma_semaphore, #tpu.memory_space<semaphore_mem>>
        %dma_start3A_25 = tpu.memref_slice %arg3[%add3A_14] : memref<160000xi32, #tpu.memory_space<hbm>> -> memref<40xi32, #tpu.memory_space<hbm>>
        %dma_start3A_26 = tpu.memref_slice %arg3[%add3A_14] : memref<160000xi32, #tpu.memory_space<hbm>> -> memref<40xi32, #tpu.memory_space<hbm>>
        tpu.enqueue_dma source(%dma_start3A_26 : memref<40xi32, #tpu.memory_space<hbm>>) target(%arg9 : memref<40xi32, #tpu.memory_space<vmem>>) target_semaphore(%run_scoped3A : memref<!tpu.dma_semaphore, #tpu.memory_space<semaphore_mem>>)
        %dma_wait3A_27 = tpu.memref_slice %arg3[%add3A_14] : memref<160000xi32, #tpu.memory_space<hbm>> -> memref<40xi32, #tpu.memory_space<hbm>>
        %dma_wait3A_28 = tpu.memref_slice %arg3[%add3A_14] : memref<160000xi32, #tpu.memory_space<hbm>> -> memref<40xi32, #tpu.memory_space<hbm>>
        tpu.wait_dma2 semaphore(%run_scoped3A : memref<!tpu.dma_semaphore, #tpu.memory_space<semaphore_mem>>) src(%dma_wait3A_28 : memref<40xi32, #tpu.memory_space<hbm>>) dst(%arg9 : memref<40xi32, #tpu.memory_space<vmem>>)
        tpu.yield
      }) : () -> ()
      %dma_start3A = arith.constant 0 : i32
      %dma_start3A_15 = arith.constant 0 : i32
      %dma_start3A_16 = tpu.memref_slice %arg4[%dma_start3A, %dma_start3A_15] : memref<10000x256xf32, #tpu.memory_space<hbm>> -> memref<10000x256xf32, #tpu.memory_space<hbm>>
      tpu.enqueue_indirect_dma source(%dma_start3A_16 : memref<10000x256xf32, #tpu.memory_space<hbm>>) target(%arg10 : memref<40x256xf32, #tpu.memory_space<vmem>>) offsets(%arg8 : memref<40xi32, #tpu.memory_space<vmem>>) semaphore(%arg12 : memref<!tpu.dma_semaphore, #tpu.memory_space<semaphore_mem>>)
      %dma_start3A_17 = arith.constant 0 : i32
      %dma_start3A_18 = arith.constant 0 : i32
      %dma_start3A_19 = tpu.memref_slice %arg5[%dma_start3A_17, %dma_start3A_18] : memref<10000x256xf32, #tpu.memory_space<hbm>> -> memref<10000x256xf32, #tpu.memory_space<hbm>>
      tpu.enqueue_indirect_dma source(%dma_start3A_19 : memref<10000x256xf32, #tpu.memory_space<hbm>>) target(%arg11 : memref<40x256xf32, #tpu.memory_space<vmem>>) offsets(%arg9 : memref<40xi32, #tpu.memory_space<vmem>>) semaphore(%arg12 : memref<!tpu.dma_semaphore, #tpu.memory_space<semaphore_mem>>)
      %dma_wait3A = arith.constant 0 : i32
      %dma_wait3A_20 = arith.constant 0 : i32
      %dma_wait3A_21 = tpu.memref_slice %arg4[%dma_wait3A, %dma_wait3A_20] : memref<10000x256xf32, #tpu.memory_space<hbm>> -> memref<10000x256xf32, #tpu.memory_space<hbm>>
      tpu.wait_indirect_dma semaphore(%arg12 : memref<!tpu.dma_semaphore, #tpu.memory_space<semaphore_mem>>) src(%dma_wait3A_21 : memref<10000x256xf32, #tpu.memory_space<hbm>>) dst(%arg10 : memref<40x256xf32, #tpu.memory_space<vmem>>)
      %dma_wait3A_22 = arith.constant 0 : i32
      %dma_wait3A_23 = arith.constant 0 : i32
      %dma_wait3A_24 = tpu.memref_slice %arg5[%dma_wait3A_22, %dma_wait3A_23] : memref<10000x256xf32, #tpu.memory_space<hbm>> -> memref<10000x256xf32, #tpu.memory_space<hbm>>
      tpu.wait_indirect_dma semaphore(%arg12 : memref<!tpu.dma_semaphore, #tpu.memory_space<semaphore_mem>>) src(%dma_wait3A_24 : memref<10000x256xf32, #tpu.memory_space<hbm>>) dst(%arg11 : memref<40x256xf32, #tpu.memory_space<vmem>>)
      "tpu.region"() ({
        %run_scoped3A = tpu.sem_alloc : memref<!tpu.dma_semaphore, #tpu.memory_space<semaphore_mem>>
        %dma_start3A_25 = arith.constant 0 : i32
        %dma_start3A_26 = tpu.memref_slice %arg6[%add3A_14, %dma_start3A_25] : memref<160000x256xf32, #tpu.memory_space<hbm>> -> memref<40x256xf32, #tpu.memory_space<hbm>>
        %dma_start3A_27 = arith.constant 0 : i32
        %dma_start3A_28 = tpu.memref_slice %arg6[%add3A_14, %dma_start3A_27] : memref<160000x256xf32, #tpu.memory_space<hbm>> -> memref<40x256xf32, #tpu.memory_space<hbm>>
        tpu.enqueue_dma source(%arg10 : memref<40x256xf32, #tpu.memory_space<vmem>>) target(%dma_start3A_28 : memref<40x256xf32, #tpu.memory_space<hbm>>) target_semaphore(%run_scoped3A : memref<!tpu.dma_semaphore, #tpu.memory_space<semaphore_mem>>)
        %dma_wait3A_29 = arith.constant 0 : i32
        %dma_wait3A_30 = tpu.memref_slice %arg6[%add3A_14, %dma_wait3A_29] : memref<160000x256xf32, #tpu.memory_space<hbm>> -> memref<40x256xf32, #tpu.memory_space<hbm>>
        %dma_wait3A_31 = arith.constant 0 : i32
        %dma_wait3A_32 = tpu.memref_slice %arg6[%add3A_14, %dma_wait3A_31] : memref<160000x256xf32, #tpu.memory_space<hbm>> -> memref<40x256xf32, #tpu.memory_space<hbm>>
        tpu.wait_dma2 semaphore(%run_scoped3A : memref<!tpu.dma_semaphore, #tpu.memory_space<semaphore_mem>>) src(%arg10 : memref<40x256xf32, #tpu.memory_space<vmem>>) dst(%dma_wait3A_32 : memref<40x256xf32, #tpu.memory_space<hbm>>)
        tpu.yield
      }) : () -> ()
      "tpu.region"() ({
        %run_scoped3A = tpu.sem_alloc : memref<!tpu.dma_semaphore, #tpu.memory_space<semaphore_mem>>
        %dma_start3A_25 = arith.constant 0 : i32
        %dma_start3A_26 = tpu.memref_slice %arg7[%add3A_14, %dma_start3A_25] : memref<160000x256xf32, #tpu.memory_space<hbm>> -> memref<40x256xf32, #tpu.memory_space<hbm>>
        %dma_start3A_27 = arith.constant 0 : i32
        %dma_start3A_28 = tpu.memref_slice %arg7[%add3A_14, %dma_start3A_27] : memref<160000x256xf32, #tpu.memory_space<hbm>> -> memref<40x256xf32, #tpu.memory_space<hbm>>
        tpu.enqueue_dma source(%arg11 : memref<40x256xf32, #tpu.memory_space<vmem>>) target(%dma_start3A_28 : memref<40x256xf32, #tpu.memory_space<hbm>>) target_semaphore(%run_scoped3A : memref<!tpu.dma_semaphore, #tpu.memory_space<semaphore_mem>>)
        %dma_wait3A_29 = arith.constant 0 : i32
        %dma_wait3A_30 = tpu.memref_slice %arg7[%add3A_14, %dma_wait3A_29] : memref<160000x256xf32, #tpu.memory_space<hbm>> -> memref<40x256xf32, #tpu.memory_space<hbm>>
        %dma_wait3A_31 = arith.constant 0 : i32
        %dma_wait3A_32 = tpu.memref_slice %arg7[%add3A_14, %dma_wait3A_31] : memref<160000x256xf32, #tpu.memory_space<hbm>> -> memref<40x256xf32, #tpu.memory_space<hbm>>
        tpu.wait_dma2 semaphore(%run_scoped3A : memref<!tpu.dma_semaphore, #tpu.memory_space<semaphore_mem>>) src(%arg11 : memref<40x256xf32, #tpu.memory_space<vmem>>) dst(%dma_wait3A_32 : memref<40x256xf32, #tpu.memory_space<hbm>>)
        tpu.yield
      }) : () -> ()
    }
    %scan3A_6 = arith.constant 125 : i32
    return
  }
}

#map = affine_map<(d0, d1) -> (0)>
#map1 = affine_map<(d0, d1) -> (0, 0)>
module attributes {stable_mosaic.version = 14 : i64} {
  func.func @_s1_body(%arg0: i32, %arg1: i32, %arg2: memref<160000xi32, #tpu.memory_space<hbm>>, %arg3: memref<160000x128xf32, #tpu.memory_space<hbm>>, %arg4: memref<160000x128xf32, #tpu.memory_space<hbm>>, %arg5: memref<10000x128xf32, #tpu.memory_space<hbm>>, %arg6: memref<10000x128xf32, #tpu.memory_space<hbm>>, %arg7: memref<10000x128xf32, #tpu.memory_space<hbm>>, %arg8: memref<10000x128xf32, #tpu.memory_space<hbm>>, %arg9: memref<40x128xf32, #tpu.memory_space<vmem>>, %arg10: memref<40xi32, #tpu.memory_space<vmem>>, %arg11: memref<10000x128xf32, #tpu.memory_space<vmem_shared>>, %arg12: memref<!tpu.dma_semaphore, #tpu.memory_space<semaphore_mem>>) attributes {dimension_semantics = [#tpu.dimension_semantics<core_parallel>, #tpu.dimension_semantics<subcore_parallel>], iteration_bounds = array<i64: 2, 16>, scalar_prefetch = 0 : i64, scratch_operands = 4 : i64, tpu.core_type = #tpu.core_type<sc_vector_subcore>, window_params = [{transform_indices = #map}, {transform_indices = #map1}, {transform_indices = #map1}, {transform_indices = #map1}, {transform_indices = #map1}, {transform_indices = #map1}, {transform_indices = #map1}]} {
    %mul3A = arith.constant 2 : i32
    %mul3A_0 = arith.muli %arg1, %mul3A : i32
    %add3A = arith.addi %mul3A_0, %arg0 : i32
    %mul3A_1 = arith.constant 5000 : i32
    %mul3A_2 = arith.muli %add3A, %mul3A_1 : i32
    %scan3A = arith.constant 0 : i32
    %scan3A_3 = arith.constant 40 : i32
    %scan3A_4 = arith.addi %scan3A, %scan3A_3 : i32
    %scan3A_5 = arith.constant 1 : i32
    scf.for %scan3A_71 = %scan3A to %scan3A_4 step %scan3A_5  : i32 {
      %mul3A_72 = arith.constant 1 : i32
      %mul3A_73 = arith.muli %scan3A_71, %mul3A_72 : i32
      %add3A_74 = arith.constant 0 : i32
      %add3A_75 = arith.addi %add3A_74, %mul3A_73 : i32
      %scan3A_76 = arith.constant 0 : i32
      %scan3A_77 = arith.constant 8 : i32
      %scan3A_78 = arith.addi %scan3A_76, %scan3A_77 : i32
      %scan3A_79 = arith.constant 1 : i32
      scf.for %scan3A_81 = %scan3A_76 to %scan3A_78 step %scan3A_79  : i32 {
        %mul3A_82 = arith.constant 1 : i32
        %mul3A_83 = arith.muli %scan3A_81, %mul3A_82 : i32
        %add3A_84 = arith.constant 0 : i32
        %add3A_85 = arith.addi %add3A_84, %mul3A_83 : i32
        %broadcast_in_dim3A = arith.constant 0.000000e+00 : f32
        %broadcast_in_dim3A_86 = vector.broadcast %broadcast_in_dim3A : f32 to vector<16xf32>
        %mul3A_87 = arith.constant 16 : i32
        %mul3A_88 = arith.muli %add3A_85, %mul3A_87 : i32
        %swap3A = arith.index_cast %add3A_75 : i32 to index
        %swap3A_89 = arith.index_cast %mul3A_88 : i32 to index
        %swap3A_90 = tpu.vector_load %arg9[%swap3A, %swap3A_89] {strides = array<i32>} : memref<40x128xf32, #tpu.memory_space<vmem>>, vector<1x16xf32>,
        %swap3A_91 = vector.shape_cast %swap3A_90 : vector<1x16xf32> to vector<16xf32>
        %swap3A_92 = vector.shape_cast %broadcast_in_dim3A_86 : vector<16xf32> to vector<1x16xf32>
        tpu.vector_store %arg9[%swap3A, %swap3A_89], %swap3A_92 {strides = array<i32>} : memref<40x128xf32, #tpu.memory_space<vmem>>, vector<1x16xf32>,
      }
      %scan3A_80 = arith.constant 8 : i32
    }
    %scan3A_6 = arith.constant 40 : i32
    %mul3A_7 = arith.constant 632 : i32
    %mul3A_8 = arith.muli %arg1, %mul3A_7 : i32
    %lt3A = arith.constant 15 : i32
    %lt3A_9 = arith.cmpi slt, %arg1, %lt3A : i32
    %convert_element_type3A = arith.extui %lt3A_9 : i1 to i32
    %cond3A = arith.constant 0 : i32
    %cond3A_10 = arith.cmpi ne, %convert_element_type3A, %cond3A : i32
    scf.if %cond3A_10 {
      %scan3A_71 = arith.constant 0 : i32
      %scan3A_72 = arith.constant 15 : i32
      %scan3A_73 = arith.addi %scan3A_71, %scan3A_72 : i32
      %scan3A_74 = arith.constant 1 : i32
      scf.for %scan3A_78 = %scan3A_71 to %scan3A_73 step %scan3A_74  : i32 {
        %mul3A_79 = arith.constant 1 : i32
        %mul3A_80 = arith.muli %scan3A_78, %mul3A_79 : i32
        %add3A_81 = arith.constant 0 : i32
        %add3A_82 = arith.addi %add3A_81, %mul3A_80 : i32
        %mul3A_83 = arith.constant 40 : i32
        %mul3A_84 = arith.muli %add3A_82, %mul3A_83 : i32
        %add3A_85 = arith.addi %mul3A_8, %mul3A_84 : i32
        "tpu.region"() ({
          %run_scoped3A = tpu.sem_alloc : memref<!tpu.dma_semaphore, #tpu.memory_space<semaphore_mem>>
          %dma_start3A = arith.constant 0 : i32
          %dma_start3A_86 = arith.constant 0 : i32
          %dma_start3A_87 = tpu.memref_slice %arg9[%dma_start3A, %dma_start3A_86] : memref<40x128xf32, #tpu.memory_space<vmem>> -> memref<40x128xf32, #tpu.memory_space<vmem>>
          %dma_start3A_88 = arith.constant 0 : i32
          %dma_start3A_89 = tpu.memref_slice %arg11[%add3A_85, %dma_start3A_88] : memref<10000x128xf32, #tpu.memory_space<vmem_shared>> -> memref<40x128xf32, #tpu.memory_space<vmem_shared>>
          %dma_start3A_90 = arith.constant 0 : i32
          %dma_start3A_91 = tpu.memref_slice %arg11[%add3A_85, %dma_start3A_90] : memref<10000x128xf32, #tpu.memory_space<vmem_shared>> -> memref<40x128xf32, #tpu.memory_space<vmem_shared>>
          %dma_start3A_92 = arith.constant 0 : i32
          %dma_start3A_93 = arith.constant 0 : i32
          %dma_start3A_94 = tpu.memref_slice %arg9[%dma_start3A_92, %dma_start3A_93] : memref<40x128xf32, #tpu.memory_space<vmem>> -> memref<40x128xf32, #tpu.memory_space<vmem>>
          tpu.enqueue_dma source(%dma_start3A_94 : memref<40x128xf32, #tpu.memory_space<vmem>>) target(%dma_start3A_91 : memref<40x128xf32, #tpu.memory_space<vmem_shared>>) target_semaphore(%run_scoped3A : memref<!tpu.dma_semaphore, #tpu.memory_space<semaphore_mem>>)
          %dma_wait3A = arith.constant 0 : i32
          %dma_wait3A_95 = arith.constant 0 : i32
          %dma_wait3A_96 = tpu.memref_slice %arg9[%dma_wait3A, %dma_wait3A_95] : memref<40x128xf32, #tpu.memory_space<vmem>> -> memref<40x128xf32, #tpu.memory_space<vmem>>
          %dma_wait3A_97 = arith.constant 0 : i32
          %dma_wait3A_98 = tpu.memref_slice %arg11[%add3A_85, %dma_wait3A_97] : memref<10000x128xf32, #tpu.memory_space<vmem_shared>> -> memref<40x128xf32, #tpu.memory_space<vmem_shared>>
          %dma_wait3A_99 = arith.constant 0 : i32
          %dma_wait3A_100 = tpu.memref_slice %arg11[%add3A_85, %dma_wait3A_99] : memref<10000x128xf32, #tpu.memory_space<vmem_shared>> -> memref<40x128xf32, #tpu.memory_space<vmem_shared>>
          %dma_wait3A_101 = arith.constant 0 : i32
          %dma_wait3A_102 = arith.constant 0 : i32
          %dma_wait3A_103 = tpu.memref_slice %arg9[%dma_wait3A_101, %dma_wait3A_102] : memref<40x128xf32, #tpu.memory_space<vmem>> -> memref<40x128xf32, #tpu.memory_space<vmem>>
          tpu.wait_dma2 semaphore(%run_scoped3A : memref<!tpu.dma_semaphore, #tpu.memory_space<semaphore_mem>>) src(%dma_wait3A_103 : memref<40x128xf32, #tpu.memory_space<vmem>>) dst(%dma_wait3A_100 : memref<40x128xf32, #tpu.memory_space<vmem_shared>>)
          tpu.yield
        }) : () -> ()
      }
      %scan3A_75 = arith.constant 15 : i32
      %add3A_76 = arith.constant 600 : i32
      %add3A_77 = arith.addi %mul3A_8, %add3A_76 : i32
      "tpu.region"() ({
        %run_scoped3A = tpu.sem_alloc : memref<!tpu.dma_semaphore, #tpu.memory_space<semaphore_mem>>
        %dma_start3A = arith.constant 0 : i32
        %dma_start3A_78 = arith.constant 0 : i32
        %dma_start3A_79 = tpu.memref_slice %arg9[%dma_start3A, %dma_start3A_78] : memref<40x128xf32, #tpu.memory_space<vmem>> -> memref<32x128xf32, #tpu.memory_space<vmem>>
        %dma_start3A_80 = arith.constant 0 : i32
        %dma_start3A_81 = tpu.memref_slice %arg11[%add3A_77, %dma_start3A_80] : memref<10000x128xf32, #tpu.memory_space<vmem_shared>> -> memref<32x128xf32, #tpu.memory_space<vmem_shared>>
        %dma_start3A_82 = arith.constant 0 : i32
        %dma_start3A_83 = tpu.memref_slice %arg11[%add3A_77, %dma_start3A_82] : memref<10000x128xf32, #tpu.memory_space<vmem_shared>> -> memref<32x128xf32, #tpu.memory_space<vmem_shared>>
        %dma_start3A_84 = arith.constant 0 : i32
        %dma_start3A_85 = arith.constant 0 : i32
        %dma_start3A_86 = tpu.memref_slice %arg9[%dma_start3A_84, %dma_start3A_85] : memref<40x128xf32, #tpu.memory_space<vmem>> -> memref<32x128xf32, #tpu.memory_space<vmem>>
        tpu.enqueue_dma source(%dma_start3A_86 : memref<32x128xf32, #tpu.memory_space<vmem>>) target(%dma_start3A_83 : memref<32x128xf32, #tpu.memory_space<vmem_shared>>) target_semaphore(%run_scoped3A : memref<!tpu.dma_semaphore, #tpu.memory_space<semaphore_mem>>)
        %dma_wait3A = arith.constant 0 : i32
        %dma_wait3A_87 = arith.constant 0 : i32
        %dma_wait3A_88 = tpu.memref_slice %arg9[%dma_wait3A, %dma_wait3A_87] : memref<40x128xf32, #tpu.memory_space<vmem>> -> memref<32x128xf32, #tpu.memory_space<vmem>>
        %dma_wait3A_89 = arith.constant 0 : i32
        %dma_wait3A_90 = tpu.memref_slice %arg11[%add3A_77, %dma_wait3A_89] : memref<10000x128xf32, #tpu.memory_space<vmem_shared>> -> memref<32x128xf32, #tpu.memory_space<vmem_shared>>
        %dma_wait3A_91 = arith.constant 0 : i32
        %dma_wait3A_92 = tpu.memref_slice %arg11[%add3A_77, %dma_wait3A_91] : memref<10000x128xf32, #tpu.memory_space<vmem_shared>> -> memref<32x128xf32, #tpu.memory_space<vmem_shared>>
        %dma_wait3A_93 = arith.constant 0 : i32
        %dma_wait3A_94 = arith.constant 0 : i32
        %dma_wait3A_95 = tpu.memref_slice %arg9[%dma_wait3A_93, %dma_wait3A_94] : memref<40x128xf32, #tpu.memory_space<vmem>> -> memref<32x128xf32, #tpu.memory_space<vmem>>
        tpu.wait_dma2 semaphore(%run_scoped3A : memref<!tpu.dma_semaphore, #tpu.memory_space<semaphore_mem>>) src(%dma_wait3A_95 : memref<32x128xf32, #tpu.memory_space<vmem>>) dst(%dma_wait3A_92 : memref<32x128xf32, #tpu.memory_space<vmem_shared>>)
        tpu.yield
      }) : () -> ()
    } else {
    }
    %eq3A = arith.constant 15 : i32
    %eq3A_11 = arith.cmpi eq, %arg1, %eq3A : i32
    %convert_element_type3A_12 = arith.extui %eq3A_11 : i1 to i32
    %cond3A_13 = arith.constant 0 : i32
    %cond3A_14 = arith.cmpi ne, %convert_element_type3A_12, %cond3A_13 : i32
    scf.if %cond3A_14 {
      %scan3A_71 = arith.constant 0 : i32
      %scan3A_72 = arith.constant 13 : i32
      %scan3A_73 = arith.addi %scan3A_71, %scan3A_72 : i32
      %scan3A_74 = arith.constant 1 : i32
      scf.for %scan3A_76 = %scan3A_71 to %scan3A_73 step %scan3A_74  : i32 {
        %mul3A_77 = arith.constant 1 : i32
        %mul3A_78 = arith.muli %scan3A_76, %mul3A_77 : i32
        %add3A_79 = arith.constant 0 : i32
        %add3A_80 = arith.addi %add3A_79, %mul3A_78 : i32
        %mul3A_81 = arith.constant 40 : i32
        %mul3A_82 = arith.muli %add3A_80, %mul3A_81 : i32
        %add3A_83 = arith.addi %mul3A_8, %mul3A_82 : i32
        "tpu.region"() ({
          %run_scoped3A = tpu.sem_alloc : memref<!tpu.dma_semaphore, #tpu.memory_space<semaphore_mem>>
          %dma_start3A = arith.constant 0 : i32
          %dma_start3A_84 = arith.constant 0 : i32
          %dma_start3A_85 = tpu.memref_slice %arg9[%dma_start3A, %dma_start3A_84] : memref<40x128xf32, #tpu.memory_space<vmem>> -> memref<40x128xf32, #tpu.memory_space<vmem>>
          %dma_start3A_86 = arith.constant 0 : i32
          %dma_start3A_87 = tpu.memref_slice %arg11[%add3A_83, %dma_start3A_86] : memref<10000x128xf32, #tpu.memory_space<vmem_shared>> -> memref<40x128xf32, #tpu.memory_space<vmem_shared>>
          %dma_start3A_88 = arith.constant 0 : i32
          %dma_start3A_89 = tpu.memref_slice %arg11[%add3A_83, %dma_start3A_88] : memref<10000x128xf32, #tpu.memory_space<vmem_shared>> -> memref<40x128xf32, #tpu.memory_space<vmem_shared>>
          %dma_start3A_90 = arith.constant 0 : i32
          %dma_start3A_91 = arith.constant 0 : i32
          %dma_start3A_92 = tpu.memref_slice %arg9[%dma_start3A_90, %dma_start3A_91] : memref<40x128xf32, #tpu.memory_space<vmem>> -> memref<40x128xf32, #tpu.memory_space<vmem>>
          tpu.enqueue_dma source(%dma_start3A_92 : memref<40x128xf32, #tpu.memory_space<vmem>>) target(%dma_start3A_89 : memref<40x128xf32, #tpu.memory_space<vmem_shared>>) target_semaphore(%run_scoped3A : memref<!tpu.dma_semaphore, #tpu.memory_space<semaphore_mem>>)
          %dma_wait3A = arith.constant 0 : i32
          %dma_wait3A_93 = arith.constant 0 : i32
          %dma_wait3A_94 = tpu.memref_slice %arg9[%dma_wait3A, %dma_wait3A_93] : memref<40x128xf32, #tpu.memory_space<vmem>> -> memref<40x128xf32, #tpu.memory_space<vmem>>
          %dma_wait3A_95 = arith.constant 0 : i32
          %dma_wait3A_96 = tpu.memref_slice %arg11[%add3A_83, %dma_wait3A_95] : memref<10000x128xf32, #tpu.memory_space<vmem_shared>> -> memref<40x128xf32, #tpu.memory_space<vmem_shared>>
          %dma_wait3A_97 = arith.constant 0 : i32
          %dma_wait3A_98 = tpu.memref_slice %arg11[%add3A_83, %dma_wait3A_97] : memref<10000x128xf32, #tpu.memory_space<vmem_shared>> -> memref<40x128xf32, #tpu.memory_space<vmem_shared>>
          %dma_wait3A_99 = arith.constant 0 : i32
          %dma_wait3A_100 = arith.constant 0 : i32
          %dma_wait3A_101 = tpu.memref_slice %arg9[%dma_wait3A_99, %dma_wait3A_100] : memref<40x128xf32, #tpu.memory_space<vmem>> -> memref<40x128xf32, #tpu.memory_space<vmem>>
          tpu.wait_dma2 semaphore(%run_scoped3A : memref<!tpu.dma_semaphore, #tpu.memory_space<semaphore_mem>>) src(%dma_wait3A_101 : memref<40x128xf32, #tpu.memory_space<vmem>>) dst(%dma_wait3A_98 : memref<40x128xf32, #tpu.memory_space<vmem_shared>>)
          tpu.yield
        }) : () -> ()
      }
      %scan3A_75 = arith.constant 13 : i32
    } else {
    }
    %barrier3A = arith.constant 0 : index
    tpu.barrier barrier_id(%barrier3A)
    %scan3A_15 = arith.constant 0 : i32
    %scan3A_16 = arith.constant 125 : i32
    %scan3A_17 = arith.addi %scan3A_15, %scan3A_16 : i32
    %scan3A_18 = arith.constant 1 : i32
    scf.for %scan3A_71 = %scan3A_15 to %scan3A_17 step %scan3A_18  : i32 {
      %mul3A_72 = arith.constant 1 : i32
      %mul3A_73 = arith.muli %scan3A_71, %mul3A_72 : i32
      %add3A_74 = arith.constant 0 : i32
      %add3A_75 = arith.addi %add3A_74, %mul3A_73 : i32
      %mul3A_76 = arith.constant 40 : i32
      %mul3A_77 = arith.muli %add3A_75, %mul3A_76 : i32
      %add3A_78 = arith.addi %mul3A_2, %mul3A_77 : i32
      "tpu.region"() ({
        %run_scoped3A = tpu.sem_alloc : memref<!tpu.dma_semaphore, #tpu.memory_space<semaphore_mem>>
        %dma_start3A = tpu.memref_slice %arg2[%add3A_78] : memref<160000xi32, #tpu.memory_space<hbm>> -> memref<40xi32, #tpu.memory_space<hbm>>
        %dma_start3A_79 = tpu.memref_slice %arg2[%add3A_78] : memref<160000xi32, #tpu.memory_space<hbm>> -> memref<40xi32, #tpu.memory_space<hbm>>
        tpu.enqueue_dma source(%dma_start3A_79 : memref<40xi32, #tpu.memory_space<hbm>>) target(%arg10 : memref<40xi32, #tpu.memory_space<vmem>>) target_semaphore(%run_scoped3A : memref<!tpu.dma_semaphore, #tpu.memory_space<semaphore_mem>>)
        %dma_wait3A = tpu.memref_slice %arg2[%add3A_78] : memref<160000xi32, #tpu.memory_space<hbm>> -> memref<40xi32, #tpu.memory_space<hbm>>
        %dma_wait3A_80 = tpu.memref_slice %arg2[%add3A_78] : memref<160000xi32, #tpu.memory_space<hbm>> -> memref<40xi32, #tpu.memory_space<hbm>>
        tpu.wait_dma2 semaphore(%run_scoped3A : memref<!tpu.dma_semaphore, #tpu.memory_space<semaphore_mem>>) src(%dma_wait3A_80 : memref<40xi32, #tpu.memory_space<hbm>>) dst(%arg10 : memref<40xi32, #tpu.memory_space<vmem>>)
        tpu.yield
      }) : () -> ()
      "tpu.region"() ({
        %run_scoped3A = tpu.sem_alloc : memref<!tpu.dma_semaphore, #tpu.memory_space<semaphore_mem>>
        %dma_start3A = arith.constant 0 : i32
        %dma_start3A_79 = tpu.memref_slice %arg3[%add3A_78, %dma_start3A] : memref<160000x128xf32, #tpu.memory_space<hbm>> -> memref<40x128xf32, #tpu.memory_space<hbm>>
        %dma_start3A_80 = arith.constant 0 : i32
        %dma_start3A_81 = tpu.memref_slice %arg3[%add3A_78, %dma_start3A_80] : memref<160000x128xf32, #tpu.memory_space<hbm>> -> memref<40x128xf32, #tpu.memory_space<hbm>>
        tpu.enqueue_dma source(%dma_start3A_81 : memref<40x128xf32, #tpu.memory_space<hbm>>) target(%arg9 : memref<40x128xf32, #tpu.memory_space<vmem>>) target_semaphore(%run_scoped3A : memref<!tpu.dma_semaphore, #tpu.memory_space<semaphore_mem>>)
        %dma_wait3A = arith.constant 0 : i32
        %dma_wait3A_82 = tpu.memref_slice %arg3[%add3A_78, %dma_wait3A] : memref<160000x128xf32, #tpu.memory_space<hbm>> -> memref<40x128xf32, #tpu.memory_space<hbm>>
        %dma_wait3A_83 = arith.constant 0 : i32
        %dma_wait3A_84 = tpu.memref_slice %arg3[%add3A_78, %dma_wait3A_83] : memref<160000x128xf32, #tpu.memory_space<hbm>> -> memref<40x128xf32, #tpu.memory_space<hbm>>
        tpu.wait_dma2 semaphore(%run_scoped3A : memref<!tpu.dma_semaphore, #tpu.memory_space<semaphore_mem>>) src(%dma_wait3A_84 : memref<40x128xf32, #tpu.memory_space<hbm>>) dst(%arg9 : memref<40x128xf32, #tpu.memory_space<vmem>>)
        tpu.yield
      }) : () -> ()
      "tpu.region"() ({
        %run_scoped3A = tpu.sem_alloc : memref<!tpu.dma_semaphore, #tpu.memory_space<semaphore_mem>>
        %dma_start3A = arith.constant 0 : i32
        %dma_start3A_79 = arith.constant 0 : i32
        %dma_start3A_80 = tpu.memref_slice %arg11[%dma_start3A, %dma_start3A_79] : memref<10000x128xf32, #tpu.memory_space<vmem_shared>> -> memref<10000x128xf32, #tpu.memory_space<vmem_shared>>
        tpu.enqueue_indirect_dma source(%arg9 : memref<40x128xf32, #tpu.memory_space<vmem>>) target(%dma_start3A_80 : memref<10000x128xf32, #tpu.memory_space<vmem_shared>>) offsets(%arg10 : memref<40xi32, #tpu.memory_space<vmem>>) semaphore(%run_scoped3A : memref<!tpu.dma_semaphore, #tpu.memory_space<semaphore_mem>>) {add = true}
        %dma_wait3A = arith.constant 0 : i32
        %dma_wait3A_81 = arith.constant 0 : i32
        %dma_wait3A_82 = tpu.memref_slice %arg11[%dma_wait3A, %dma_wait3A_81] : memref<10000x128xf32, #tpu.memory_space<vmem_shared>> -> memref<10000x128xf32, #tpu.memory_space<vmem_shared>>
        tpu.wait_indirect_dma semaphore(%run_scoped3A : memref<!tpu.dma_semaphore, #tpu.memory_space<semaphore_mem>>) src(%arg9 : memref<40x128xf32, #tpu.memory_space<vmem>>) dst(%dma_wait3A_82 : memref<10000x128xf32, #tpu.memory_space<vmem_shared>>)
        tpu.yield
      }) : () -> ()
    }
    %scan3A_19 = arith.constant 125 : i32
    %barrier3A_20 = arith.constant 0 : index
    tpu.barrier barrier_id(%barrier3A_20)
    %mul3A_21 = arith.constant 632 : i32
    %mul3A_22 = arith.muli %arg1, %mul3A_21 : i32
    %lt3A_23 = arith.constant 15 : i32
    %lt3A_24 = arith.cmpi slt, %arg1, %lt3A_23 : i32
    %convert_element_type3A_25 = arith.extui %lt3A_24 : i1 to i32
    %cond3A_26 = arith.constant 0 : i32
    %cond3A_27 = arith.cmpi ne, %convert_element_type3A_25, %cond3A_26 : i32
    scf.if %cond3A_27 {
      %scan3A_71 = arith.constant 0 : i32
      %scan3A_72 = arith.constant 15 : i32
      %scan3A_73 = arith.addi %scan3A_71, %scan3A_72 : i32
      %scan3A_74 = arith.constant 1 : i32
      scf.for %scan3A_88 = %scan3A_71 to %scan3A_73 step %scan3A_74  : i32 {
        %mul3A_89 = arith.constant 1 : i32
        %mul3A_90 = arith.muli %scan3A_88, %mul3A_89 : i32
        %add3A_91 = arith.constant 0 : i32
        %add3A_92 = arith.addi %add3A_91, %mul3A_90 : i32
        %mul3A_93 = arith.constant 40 : i32
        %mul3A_94 = arith.muli %add3A_92, %mul3A_93 : i32
        %add3A_95 = arith.addi %mul3A_22, %mul3A_94 : i32
        "tpu.region"() ({
          %run_scoped3A = tpu.sem_alloc : memref<!tpu.dma_semaphore, #tpu.memory_space<semaphore_mem>>
          %dma_start3A = arith.constant 0 : i32
          %dma_start3A_106 = arith.constant 0 : i32
          %dma_start3A_107 = tpu.memref_slice %arg9[%dma_start3A, %dma_start3A_106] : memref<40x128xf32, #tpu.memory_space<vmem>> -> memref<40x128xf32, #tpu.memory_space<vmem>>
          %dma_start3A_108 = arith.constant 0 : i32
          %dma_start3A_109 = tpu.memref_slice %arg11[%add3A_95, %dma_start3A_108] : memref<10000x128xf32, #tpu.memory_space<vmem_shared>> -> memref<40x128xf32, #tpu.memory_space<vmem_shared>>
          %dma_start3A_110 = arith.constant 0 : i32
          %dma_start3A_111 = arith.constant 0 : i32
          %dma_start3A_112 = tpu.memref_slice %arg9[%dma_start3A_110, %dma_start3A_111] : memref<40x128xf32, #tpu.memory_space<vmem>> -> memref<40x128xf32, #tpu.memory_space<vmem>>
          %dma_start3A_113 = arith.constant 0 : i32
          %dma_start3A_114 = tpu.memref_slice %arg11[%add3A_95, %dma_start3A_113] : memref<10000x128xf32, #tpu.memory_space<vmem_shared>> -> memref<40x128xf32, #tpu.memory_space<vmem_shared>>
          tpu.enqueue_dma source(%dma_start3A_114 : memref<40x128xf32, #tpu.memory_space<vmem_shared>>) target(%dma_start3A_112 : memref<40x128xf32, #tpu.memory_space<vmem>>) target_semaphore(%run_scoped3A : memref<!tpu.dma_semaphore, #tpu.memory_space<semaphore_mem>>)
          %dma_wait3A = arith.constant 0 : i32
          %dma_wait3A_115 = arith.constant 0 : i32
          %dma_wait3A_116 = tpu.memref_slice %arg9[%dma_wait3A, %dma_wait3A_115] : memref<40x128xf32, #tpu.memory_space<vmem>> -> memref<40x128xf32, #tpu.memory_space<vmem>>
          %dma_wait3A_117 = arith.constant 0 : i32
          %dma_wait3A_118 = tpu.memref_slice %arg11[%add3A_95, %dma_wait3A_117] : memref<10000x128xf32, #tpu.memory_space<vmem_shared>> -> memref<40x128xf32, #tpu.memory_space<vmem_shared>>
          %dma_wait3A_119 = arith.constant 0 : i32
          %dma_wait3A_120 = arith.constant 0 : i32
          %dma_wait3A_121 = tpu.memref_slice %arg9[%dma_wait3A_119, %dma_wait3A_120] : memref<40x128xf32, #tpu.memory_space<vmem>> -> memref<40x128xf32, #tpu.memory_space<vmem>>
          %dma_wait3A_122 = arith.constant 0 : i32
          %dma_wait3A_123 = tpu.memref_slice %arg11[%add3A_95, %dma_wait3A_122] : memref<10000x128xf32, #tpu.memory_space<vmem_shared>> -> memref<40x128xf32, #tpu.memory_space<vmem_shared>>
          tpu.wait_dma2 semaphore(%run_scoped3A : memref<!tpu.dma_semaphore, #tpu.memory_space<semaphore_mem>>) src(%dma_wait3A_123 : memref<40x128xf32, #tpu.memory_space<vmem_shared>>) dst(%dma_wait3A_121 : memref<40x128xf32, #tpu.memory_space<vmem>>)
          tpu.yield
        }) : () -> ()
        %eq3A_96 = arith.constant 0 : i32
        %eq3A_97 = arith.cmpi eq, %arg0, %eq3A_96 : i32
        %convert_element_type3A_98 = arith.extui %eq3A_97 : i1 to i32
        %cond3A_99 = arith.constant 0 : i32
        %cond3A_100 = arith.cmpi ne, %convert_element_type3A_98, %cond3A_99 : i32
        scf.if %cond3A_100 {
          "tpu.region"() ({
            %run_scoped3A = tpu.sem_alloc : memref<!tpu.dma_semaphore, #tpu.memory_space<semaphore_mem>>
            %dma_start3A = arith.constant 0 : i32
            %dma_start3A_106 = arith.constant 0 : i32
            %dma_start3A_107 = tpu.memref_slice %arg9[%dma_start3A, %dma_start3A_106] : memref<40x128xf32, #tpu.memory_space<vmem>> -> memref<40x128xf32, #tpu.memory_space<vmem>>
            %dma_start3A_108 = arith.constant 0 : i32
            %dma_start3A_109 = tpu.memref_slice %arg5[%add3A_95, %dma_start3A_108] : memref<10000x128xf32, #tpu.memory_space<hbm>> -> memref<40x128xf32, #tpu.memory_space<hbm>>
            %dma_start3A_110 = arith.constant 0 : i32
            %dma_start3A_111 = tpu.memref_slice %arg5[%add3A_95, %dma_start3A_110] : memref<10000x128xf32, #tpu.memory_space<hbm>> -> memref<40x128xf32, #tpu.memory_space<hbm>>
            %dma_start3A_112 = arith.constant 0 : i32
            %dma_start3A_113 = arith.constant 0 : i32
            %dma_start3A_114 = tpu.memref_slice %arg9[%dma_start3A_112, %dma_start3A_113] : memref<40x128xf32, #tpu.memory_space<vmem>> -> memref<40x128xf32, #tpu.memory_space<vmem>>
            tpu.enqueue_dma source(%dma_start3A_114 : memref<40x128xf32, #tpu.memory_space<vmem>>) target(%dma_start3A_111 : memref<40x128xf32, #tpu.memory_space<hbm>>) target_semaphore(%run_scoped3A : memref<!tpu.dma_semaphore, #tpu.memory_space<semaphore_mem>>)
            %dma_wait3A = arith.constant 0 : i32
            %dma_wait3A_115 = arith.constant 0 : i32
            %dma_wait3A_116 = tpu.memref_slice %arg9[%dma_wait3A, %dma_wait3A_115] : memref<40x128xf32, #tpu.memory_space<vmem>> -> memref<40x128xf32, #tpu.memory_space<vmem>>
            %dma_wait3A_117 = arith.constant 0 : i32
            %dma_wait3A_118 = tpu.memref_slice %arg5[%add3A_95, %dma_wait3A_117] : memref<10000x128xf32, #tpu.memory_space<hbm>> -> memref<40x128xf32, #tpu.memory_space<hbm>>
            %dma_wait3A_119 = arith.constant 0 : i32
            %dma_wait3A_120 = tpu.memref_slice %arg5[%add3A_95, %dma_wait3A_119] : memref<10000x128xf32, #tpu.memory_space<hbm>> -> memref<40x128xf32, #tpu.memory_space<hbm>>
            %dma_wait3A_121 = arith.constant 0 : i32
            %dma_wait3A_122 = arith.constant 0 : i32
            %dma_wait3A_123 = tpu.memref_slice %arg9[%dma_wait3A_121, %dma_wait3A_122] : memref<40x128xf32, #tpu.memory_space<vmem>> -> memref<40x128xf32, #tpu.memory_space<vmem>>
            tpu.wait_dma2 semaphore(%run_scoped3A : memref<!tpu.dma_semaphore, #tpu.memory_space<semaphore_mem>>) src(%dma_wait3A_123 : memref<40x128xf32, #tpu.memory_space<vmem>>) dst(%dma_wait3A_120 : memref<40x128xf32, #tpu.memory_space<hbm>>)
            tpu.yield
          }) : () -> ()
        } else {
        }
        %eq3A_101 = arith.constant 1 : i32
        %eq3A_102 = arith.cmpi eq, %arg0, %eq3A_101 : i32
        %convert_element_type3A_103 = arith.extui %eq3A_102 : i1 to i32
        %cond3A_104 = arith.constant 0 : i32
        %cond3A_105 = arith.cmpi ne, %convert_element_type3A_103, %cond3A_104 : i32
        scf.if %cond3A_105 {
          "tpu.region"() ({
            %run_scoped3A = tpu.sem_alloc : memref<!tpu.dma_semaphore, #tpu.memory_space<semaphore_mem>>
            %dma_start3A = arith.constant 0 : i32
            %dma_start3A_106 = arith.constant 0 : i32
            %dma_start3A_107 = tpu.memref_slice %arg9[%dma_start3A, %dma_start3A_106] : memref<40x128xf32, #tpu.memory_space<vmem>> -> memref<40x128xf32, #tpu.memory_space<vmem>>
            %dma_start3A_108 = arith.constant 0 : i32
            %dma_start3A_109 = tpu.memref_slice %arg6[%add3A_95, %dma_start3A_108] : memref<10000x128xf32, #tpu.memory_space<hbm>> -> memref<40x128xf32, #tpu.memory_space<hbm>>
            %dma_start3A_110 = arith.constant 0 : i32
            %dma_start3A_111 = tpu.memref_slice %arg6[%add3A_95, %dma_start3A_110] : memref<10000x128xf32, #tpu.memory_space<hbm>> -> memref<40x128xf32, #tpu.memory_space<hbm>>
            %dma_start3A_112 = arith.constant 0 : i32
            %dma_start3A_113 = arith.constant 0 : i32
            %dma_start3A_114 = tpu.memref_slice %arg9[%dma_start3A_112, %dma_start3A_113] : memref<40x128xf32, #tpu.memory_space<vmem>> -> memref<40x128xf32, #tpu.memory_space<vmem>>
            tpu.enqueue_dma source(%dma_start3A_114 : memref<40x128xf32, #tpu.memory_space<vmem>>) target(%dma_start3A_111 : memref<40x128xf32, #tpu.memory_space<hbm>>) target_semaphore(%run_scoped3A : memref<!tpu.dma_semaphore, #tpu.memory_space<semaphore_mem>>)
            %dma_wait3A = arith.constant 0 : i32
            %dma_wait3A_115 = arith.constant 0 : i32
            %dma_wait3A_116 = tpu.memref_slice %arg9[%dma_wait3A, %dma_wait3A_115] : memref<40x128xf32, #tpu.memory_space<vmem>> -> memref<40x128xf32, #tpu.memory_space<vmem>>
            %dma_wait3A_117 = arith.constant 0 : i32
            %dma_wait3A_118 = tpu.memref_slice %arg6[%add3A_95, %dma_wait3A_117] : memref<10000x128xf32, #tpu.memory_space<hbm>> -> memref<40x128xf32, #tpu.memory_space<hbm>>
            %dma_wait3A_119 = arith.constant 0 : i32
            %dma_wait3A_120 = tpu.memref_slice %arg6[%add3A_95, %dma_wait3A_119] : memref<10000x128xf32, #tpu.memory_space<hbm>> -> memref<40x128xf32, #tpu.memory_space<hbm>>
            %dma_wait3A_121 = arith.constant 0 : i32
            %dma_wait3A_122 = arith.constant 0 : i32
            %dma_wait3A_123 = tpu.memref_slice %arg9[%dma_wait3A_121, %dma_wait3A_122] : memref<40x128xf32, #tpu.memory_space<vmem>> -> memref<40x128xf32, #tpu.memory_space<vmem>>
            tpu.wait_dma2 semaphore(%run_scoped3A : memref<!tpu.dma_semaphore, #tpu.memory_space<semaphore_mem>>) src(%dma_wait3A_123 : memref<40x128xf32, #tpu.memory_space<vmem>>) dst(%dma_wait3A_120 : memref<40x128xf32, #tpu.memory_space<hbm>>)
            tpu.yield
          }) : () -> ()
        } else {
        }
      }
      %scan3A_75 = arith.constant 15 : i32
      %add3A_76 = arith.constant 600 : i32
      %add3A_77 = arith.addi %mul3A_22, %add3A_76 : i32
      "tpu.region"() ({
        %run_scoped3A = tpu.sem_alloc : memref<!tpu.dma_semaphore, #tpu.memory_space<semaphore_mem>>
        %dma_start3A = arith.constant 0 : i32
        %dma_start3A_88 = arith.constant 0 : i32
        %dma_start3A_89 = tpu.memref_slice %arg9[%dma_start3A, %dma_start3A_88] : memref<40x128xf32, #tpu.memory_space<vmem>> -> memref<32x128xf32, #tpu.memory_space<vmem>>
        %dma_start3A_90 = arith.constant 0 : i32
        %dma_start3A_91 = tpu.memref_slice %arg11[%add3A_77, %dma_start3A_90] : memref<10000x128xf32, #tpu.memory_space<vmem_shared>> -> memref<32x128xf32, #tpu.memory_space<vmem_shared>>
        %dma_start3A_92 = arith.constant 0 : i32
        %dma_start3A_93 = arith.constant 0 : i32
        %dma_start3A_94 = tpu.memref_slice %arg9[%dma_start3A_92, %dma_start3A_93] : memref<40x128xf32, #tpu.memory_space<vmem>> -> memref<32x128xf32, #tpu.memory_space<vmem>>
        %dma_start3A_95 = arith.constant 0 : i32
        %dma_start3A_96 = tpu.memref_slice %arg11[%add3A_77, %dma_start3A_95] : memref<10000x128xf32, #tpu.memory_space<vmem_shared>> -> memref<32x128xf32, #tpu.memory_space<vmem_shared>>
        tpu.enqueue_dma source(%dma_start3A_96 : memref<32x128xf32, #tpu.memory_space<vmem_shared>>) target(%dma_start3A_94 : memref<32x128xf32, #tpu.memory_space<vmem>>) target_semaphore(%run_scoped3A : memref<!tpu.dma_semaphore, #tpu.memory_space<semaphore_mem>>)
        %dma_wait3A = arith.constant 0 : i32
        %dma_wait3A_97 = arith.constant 0 : i32
        %dma_wait3A_98 = tpu.memref_slice %arg9[%dma_wait3A, %dma_wait3A_97] : memref<40x128xf32, #tpu.memory_space<vmem>> -> memref<32x128xf32, #tpu.memory_space<vmem>>
        %dma_wait3A_99 = arith.constant 0 : i32
        %dma_wait3A_100 = tpu.memref_slice %arg11[%add3A_77, %dma_wait3A_99] : memref<10000x128xf32, #tpu.memory_space<vmem_shared>> -> memref<32x128xf32, #tpu.memory_space<vmem_shared>>
        %dma_wait3A_101 = arith.constant 0 : i32
        %dma_wait3A_102 = arith.constant 0 : i32
        %dma_wait3A_103 = tpu.memref_slice %arg9[%dma_wait3A_101, %dma_wait3A_102] : memref<40x128xf32, #tpu.memory_space<vmem>> -> memref<32x128xf32, #tpu.memory_space<vmem>>
        %dma_wait3A_104 = arith.constant 0 : i32
        %dma_wait3A_105 = tpu.memref_slice %arg11[%add3A_77, %dma_wait3A_104] : memref<10000x128xf32, #tpu.memory_space<vmem_shared>> -> memref<32x128xf32, #tpu.memory_space<vmem_shared>>
        tpu.wait_dma2 semaphore(%run_scoped3A : memref<!tpu.dma_semaphore, #tpu.memory_space<semaphore_mem>>) src(%dma_wait3A_105 : memref<32x128xf32, #tpu.memory_space<vmem_shared>>) dst(%dma_wait3A_103 : memref<32x128xf32, #tpu.memory_space<vmem>>)
        tpu.yield
      }) : () -> ()
      %eq3A_78 = arith.constant 0 : i32
      %eq3A_79 = arith.cmpi eq, %arg0, %eq3A_78 : i32
      %convert_element_type3A_80 = arith.extui %eq3A_79 : i1 to i32
      %cond3A_81 = arith.constant 0 : i32
      %cond3A_82 = arith.cmpi ne, %convert_element_type3A_80, %cond3A_81 : i32
      scf.if %cond3A_82 {
        "tpu.region"() ({
          %run_scoped3A = tpu.sem_alloc : memref<!tpu.dma_semaphore, #tpu.memory_space<semaphore_mem>>
          %dma_start3A = arith.constant 0 : i32
          %dma_start3A_88 = arith.constant 0 : i32
          %dma_start3A_89 = tpu.memref_slice %arg9[%dma_start3A, %dma_start3A_88] : memref<40x128xf32, #tpu.memory_space<vmem>> -> memref<32x128xf32, #tpu.memory_space<vmem>>
          %dma_start3A_90 = arith.constant 0 : i32
          %dma_start3A_91 = tpu.memref_slice %arg5[%add3A_77, %dma_start3A_90] : memref<10000x128xf32, #tpu.memory_space<hbm>> -> memref<32x128xf32, #tpu.memory_space<hbm>>
          %dma_start3A_92 = arith.constant 0 : i32
          %dma_start3A_93 = tpu.memref_slice %arg5[%add3A_77, %dma_start3A_92] : memref<10000x128xf32, #tpu.memory_space<hbm>> -> memref<32x128xf32, #tpu.memory_space<hbm>>
          %dma_start3A_94 = arith.constant 0 : i32
          %dma_start3A_95 = arith.constant 0 : i32
          %dma_start3A_96 = tpu.memref_slice %arg9[%dma_start3A_94, %dma_start3A_95] : memref<40x128xf32, #tpu.memory_space<vmem>> -> memref<32x128xf32, #tpu.memory_space<vmem>>
          tpu.enqueue_dma source(%dma_start3A_96 : memref<32x128xf32, #tpu.memory_space<vmem>>) target(%dma_start3A_93 : memref<32x128xf32, #tpu.memory_space<hbm>>) target_semaphore(%run_scoped3A : memref<!tpu.dma_semaphore, #tpu.memory_space<semaphore_mem>>)
          %dma_wait3A = arith.constant 0 : i32
          %dma_wait3A_97 = arith.constant 0 : i32
          %dma_wait3A_98 = tpu.memref_slice %arg9[%dma_wait3A, %dma_wait3A_97] : memref<40x128xf32, #tpu.memory_space<vmem>> -> memref<32x128xf32, #tpu.memory_space<vmem>>
          %dma_wait3A_99 = arith.constant 0 : i32
          %dma_wait3A_100 = tpu.memref_slice %arg5[%add3A_77, %dma_wait3A_99] : memref<10000x128xf32, #tpu.memory_space<hbm>> -> memref<32x128xf32, #tpu.memory_space<hbm>>
          %dma_wait3A_101 = arith.constant 0 : i32
          %dma_wait3A_102 = tpu.memref_slice %arg5[%add3A_77, %dma_wait3A_101] : memref<10000x128xf32, #tpu.memory_space<hbm>> -> memref<32x128xf32, #tpu.memory_space<hbm>>
          %dma_wait3A_103 = arith.constant 0 : i32
          %dma_wait3A_104 = arith.constant 0 : i32
          %dma_wait3A_105 = tpu.memref_slice %arg9[%dma_wait3A_103, %dma_wait3A_104] : memref<40x128xf32, #tpu.memory_space<vmem>> -> memref<32x128xf32, #tpu.memory_space<vmem>>
          tpu.wait_dma2 semaphore(%run_scoped3A : memref<!tpu.dma_semaphore, #tpu.memory_space<semaphore_mem>>) src(%dma_wait3A_105 : memref<32x128xf32, #tpu.memory_space<vmem>>) dst(%dma_wait3A_102 : memref<32x128xf32, #tpu.memory_space<hbm>>)
          tpu.yield
        }) : () -> ()
      } else {
      }
      %eq3A_83 = arith.constant 1 : i32
      %eq3A_84 = arith.cmpi eq, %arg0, %eq3A_83 : i32
      %convert_element_type3A_85 = arith.extui %eq3A_84 : i1 to i32
      %cond3A_86 = arith.constant 0 : i32
      %cond3A_87 = arith.cmpi ne, %convert_element_type3A_85, %cond3A_86 : i32
      scf.if %cond3A_87 {
        "tpu.region"() ({
          %run_scoped3A = tpu.sem_alloc : memref<!tpu.dma_semaphore, #tpu.memory_space<semaphore_mem>>
          %dma_start3A = arith.constant 0 : i32
          %dma_start3A_88 = arith.constant 0 : i32
          %dma_start3A_89 = tpu.memref_slice %arg9[%dma_start3A, %dma_start3A_88] : memref<40x128xf32, #tpu.memory_space<vmem>> -> memref<32x128xf32, #tpu.memory_space<vmem>>
          %dma_start3A_90 = arith.constant 0 : i32
          %dma_start3A_91 = tpu.memref_slice %arg6[%add3A_77, %dma_start3A_90] : memref<10000x128xf32, #tpu.memory_space<hbm>> -> memref<32x128xf32, #tpu.memory_space<hbm>>
          %dma_start3A_92 = arith.constant 0 : i32
          %dma_start3A_93 = tpu.memref_slice %arg6[%add3A_77, %dma_start3A_92] : memref<10000x128xf32, #tpu.memory_space<hbm>> -> memref<32x128xf32, #tpu.memory_space<hbm>>
          %dma_start3A_94 = arith.constant 0 : i32
          %dma_start3A_95 = arith.constant 0 : i32
          %dma_start3A_96 = tpu.memref_slice %arg9[%dma_start3A_94, %dma_start3A_95] : memref<40x128xf32, #tpu.memory_space<vmem>> -> memref<32x128xf32, #tpu.memory_space<vmem>>
          tpu.enqueue_dma source(%dma_start3A_96 : memref<32x128xf32, #tpu.memory_space<vmem>>) target(%dma_start3A_93 : memref<32x128xf32, #tpu.memory_space<hbm>>) target_semaphore(%run_scoped3A : memref<!tpu.dma_semaphore, #tpu.memory_space<semaphore_mem>>)
          %dma_wait3A = arith.constant 0 : i32
          %dma_wait3A_97 = arith.constant 0 : i32
          %dma_wait3A_98 = tpu.memref_slice %arg9[%dma_wait3A, %dma_wait3A_97] : memref<40x128xf32, #tpu.memory_space<vmem>> -> memref<32x128xf32, #tpu.memory_space<vmem>>
          %dma_wait3A_99 = arith.constant 0 : i32
          %dma_wait3A_100 = tpu.memref_slice %arg6[%add3A_77, %dma_wait3A_99] : memref<10000x128xf32, #tpu.memory_space<hbm>> -> memref<32x128xf32, #tpu.memory_space<hbm>>
          %dma_wait3A_101 = arith.constant 0 : i32
          %dma_wait3A_102 = tpu.memref_slice %arg6[%add3A_77, %dma_wait3A_101] : memref<10000x128xf32, #tpu.memory_space<hbm>> -> memref<32x128xf32, #tpu.memory_space<hbm>>
          %dma_wait3A_103 = arith.constant 0 : i32
          %dma_wait3A_104 = arith.constant 0 : i32
          %dma_wait3A_105 = tpu.memref_slice %arg9[%dma_wait3A_103, %dma_wait3A_104] : memref<40x128xf32, #tpu.memory_space<vmem>> -> memref<32x128xf32, #tpu.memory_space<vmem>>
          tpu.wait_dma2 semaphore(%run_scoped3A : memref<!tpu.dma_semaphore, #tpu.memory_space<semaphore_mem>>) src(%dma_wait3A_105 : memref<32x128xf32, #tpu.memory_space<vmem>>) dst(%dma_wait3A_102 : memref<32x128xf32, #tpu.memory_space<hbm>>)
          tpu.yield
        }) : () -> ()
      } else {
      }
    } else {
    }
    %eq3A_28 = arith.constant 15 : i32
    %eq3A_29 = arith.cmpi eq, %arg1, %eq3A_28 : i32
    %convert_element_type3A_30 = arith.extui %eq3A_29 : i1 to i32
    %cond3A_31 = arith.constant 0 : i32
    %cond3A_32 = arith.cmpi ne, %convert_element_type3A_30, %cond3A_31 : i32
    scf.if %cond3A_32 {
      %scan3A_71 = arith.constant 0 : i32
      %scan3A_72 = arith.constant 13 : i32
      %scan3A_73 = arith.addi %scan3A_71, %scan3A_72 : i32
      %scan3A_74 = arith.constant 1 : i32
      scf.for %scan3A_76 = %scan3A_71 to %scan3A_73 step %scan3A_74  : i32 {
        %mul3A_77 = arith.constant 1 : i32
        %mul3A_78 = arith.muli %scan3A_76, %mul3A_77 : i32
        %add3A_79 = arith.constant 0 : i32
        %add3A_80 = arith.addi %add3A_79, %mul3A_78 : i32
        %mul3A_81 = arith.constant 40 : i32
        %mul3A_82 = arith.muli %add3A_80, %mul3A_81 : i32
        %add3A_83 = arith.addi %mul3A_22, %mul3A_82 : i32
        "tpu.region"() ({
          %run_scoped3A = tpu.sem_alloc : memref<!tpu.dma_semaphore, #tpu.memory_space<semaphore_mem>>
          %dma_start3A = arith.constant 0 : i32
          %dma_start3A_94 = arith.constant 0 : i32
          %dma_start3A_95 = tpu.memref_slice %arg9[%dma_start3A, %dma_start3A_94] : memref<40x128xf32, #tpu.memory_space<vmem>> -> memref<40x128xf32, #tpu.memory_space<vmem>>
          %dma_start3A_96 = arith.constant 0 : i32
          %dma_start3A_97 = tpu.memref_slice %arg11[%add3A_83, %dma_start3A_96] : memref<10000x128xf32, #tpu.memory_space<vmem_shared>> -> memref<40x128xf32, #tpu.memory_space<vmem_shared>>
          %dma_start3A_98 = arith.constant 0 : i32
          %dma_start3A_99 = arith.constant 0 : i32
          %dma_start3A_100 = tpu.memref_slice %arg9[%dma_start3A_98, %dma_start3A_99] : memref<40x128xf32, #tpu.memory_space<vmem>> -> memref<40x128xf32, #tpu.memory_space<vmem>>
          %dma_start3A_101 = arith.constant 0 : i32
          %dma_start3A_102 = tpu.memref_slice %arg11[%add3A_83, %dma_start3A_101] : memref<10000x128xf32, #tpu.memory_space<vmem_shared>> -> memref<40x128xf32, #tpu.memory_space<vmem_shared>>
          tpu.enqueue_dma source(%dma_start3A_102 : memref<40x128xf32, #tpu.memory_space<vmem_shared>>) target(%dma_start3A_100 : memref<40x128xf32, #tpu.memory_space<vmem>>) target_semaphore(%run_scoped3A : memref<!tpu.dma_semaphore, #tpu.memory_space<semaphore_mem>>)
          %dma_wait3A = arith.constant 0 : i32
          %dma_wait3A_103 = arith.constant 0 : i32
          %dma_wait3A_104 = tpu.memref_slice %arg9[%dma_wait3A, %dma_wait3A_103] : memref<40x128xf32, #tpu.memory_space<vmem>> -> memref<40x128xf32, #tpu.memory_space<vmem>>
          %dma_wait3A_105 = arith.constant 0 : i32
          %dma_wait3A_106 = tpu.memref_slice %arg11[%add3A_83, %dma_wait3A_105] : memref<10000x128xf32, #tpu.memory_space<vmem_shared>> -> memref<40x128xf32, #tpu.memory_space<vmem_shared>>
          %dma_wait3A_107 = arith.constant 0 : i32
          %dma_wait3A_108 = arith.constant 0 : i32
          %dma_wait3A_109 = tpu.memref_slice %arg9[%dma_wait3A_107, %dma_wait3A_108] : memref<40x128xf32, #tpu.memory_space<vmem>> -> memref<40x128xf32, #tpu.memory_space<vmem>>
          %dma_wait3A_110 = arith.constant 0 : i32
          %dma_wait3A_111 = tpu.memref_slice %arg11[%add3A_83, %dma_wait3A_110] : memref<10000x128xf32, #tpu.memory_space<vmem_shared>> -> memref<40x128xf32, #tpu.memory_space<vmem_shared>>
          tpu.wait_dma2 semaphore(%run_scoped3A : memref<!tpu.dma_semaphore, #tpu.memory_space<semaphore_mem>>) src(%dma_wait3A_111 : memref<40x128xf32, #tpu.memory_space<vmem_shared>>) dst(%dma_wait3A_109 : memref<40x128xf32, #tpu.memory_space<vmem>>)
          tpu.yield
        }) : () -> ()
        %eq3A_84 = arith.constant 0 : i32
        %eq3A_85 = arith.cmpi eq, %arg0, %eq3A_84 : i32
        %convert_element_type3A_86 = arith.extui %eq3A_85 : i1 to i32
        %cond3A_87 = arith.constant 0 : i32
        %cond3A_88 = arith.cmpi ne, %convert_element_type3A_86, %cond3A_87 : i32
        scf.if %cond3A_88 {
          "tpu.region"() ({
            %run_scoped3A = tpu.sem_alloc : memref<!tpu.dma_semaphore, #tpu.memory_space<semaphore_mem>>
            %dma_start3A = arith.constant 0 : i32
            %dma_start3A_94 = arith.constant 0 : i32
            %dma_start3A_95 = tpu.memref_slice %arg9[%dma_start3A, %dma_start3A_94] : memref<40x128xf32, #tpu.memory_space<vmem>> -> memref<40x128xf32, #tpu.memory_space<vmem>>
            %dma_start3A_96 = arith.constant 0 : i32
            %dma_start3A_97 = tpu.memref_slice %arg5[%add3A_83, %dma_start3A_96] : memref<10000x128xf32, #tpu.memory_space<hbm>> -> memref<40x128xf32, #tpu.memory_space<hbm>>
            %dma_start3A_98 = arith.constant 0 : i32
            %dma_start3A_99 = tpu.memref_slice %arg5[%add3A_83, %dma_start3A_98] : memref<10000x128xf32, #tpu.memory_space<hbm>> -> memref<40x128xf32, #tpu.memory_space<hbm>>
            %dma_start3A_100 = arith.constant 0 : i32
            %dma_start3A_101 = arith.constant 0 : i32
            %dma_start3A_102 = tpu.memref_slice %arg9[%dma_start3A_100, %dma_start3A_101] : memref<40x128xf32, #tpu.memory_space<vmem>> -> memref<40x128xf32, #tpu.memory_space<vmem>>
            tpu.enqueue_dma source(%dma_start3A_102 : memref<40x128xf32, #tpu.memory_space<vmem>>) target(%dma_start3A_99 : memref<40x128xf32, #tpu.memory_space<hbm>>) target_semaphore(%run_scoped3A : memref<!tpu.dma_semaphore, #tpu.memory_space<semaphore_mem>>)
            %dma_wait3A = arith.constant 0 : i32
            %dma_wait3A_103 = arith.constant 0 : i32
            %dma_wait3A_104 = tpu.memref_slice %arg9[%dma_wait3A, %dma_wait3A_103] : memref<40x128xf32, #tpu.memory_space<vmem>> -> memref<40x128xf32, #tpu.memory_space<vmem>>
            %dma_wait3A_105 = arith.constant 0 : i32
            %dma_wait3A_106 = tpu.memref_slice %arg5[%add3A_83, %dma_wait3A_105] : memref<10000x128xf32, #tpu.memory_space<hbm>> -> memref<40x128xf32, #tpu.memory_space<hbm>>
            %dma_wait3A_107 = arith.constant 0 : i32
            %dma_wait3A_108 = tpu.memref_slice %arg5[%add3A_83, %dma_wait3A_107] : memref<10000x128xf32, #tpu.memory_space<hbm>> -> memref<40x128xf32, #tpu.memory_space<hbm>>
            %dma_wait3A_109 = arith.constant 0 : i32
            %dma_wait3A_110 = arith.constant 0 : i32
            %dma_wait3A_111 = tpu.memref_slice %arg9[%dma_wait3A_109, %dma_wait3A_110] : memref<40x128xf32, #tpu.memory_space<vmem>> -> memref<40x128xf32, #tpu.memory_space<vmem>>
            tpu.wait_dma2 semaphore(%run_scoped3A : memref<!tpu.dma_semaphore, #tpu.memory_space<semaphore_mem>>) src(%dma_wait3A_111 : memref<40x128xf32, #tpu.memory_space<vmem>>) dst(%dma_wait3A_108 : memref<40x128xf32, #tpu.memory_space<hbm>>)
            tpu.yield
          }) : () -> ()
        } else {
        }
        %eq3A_89 = arith.constant 1 : i32
        %eq3A_90 = arith.cmpi eq, %arg0, %eq3A_89 : i32
        %convert_element_type3A_91 = arith.extui %eq3A_90 : i1 to i32
        %cond3A_92 = arith.constant 0 : i32
        %cond3A_93 = arith.cmpi ne, %convert_element_type3A_91, %cond3A_92 : i32
        scf.if %cond3A_93 {
          "tpu.region"() ({
            %run_scoped3A = tpu.sem_alloc : memref<!tpu.dma_semaphore, #tpu.memory_space<semaphore_mem>>
            %dma_start3A = arith.constant 0 : i32
            %dma_start3A_94 = arith.constant 0 : i32
            %dma_start3A_95 = tpu.memref_slice %arg9[%dma_start3A, %dma_start3A_94] : memref<40x128xf32, #tpu.memory_space<vmem>> -> memref<40x128xf32, #tpu.memory_space<vmem>>
            %dma_start3A_96 = arith.constant 0 : i32
            %dma_start3A_97 = tpu.memref_slice %arg6[%add3A_83, %dma_start3A_96] : memref<10000x128xf32, #tpu.memory_space<hbm>> -> memref<40x128xf32, #tpu.memory_space<hbm>>
            %dma_start3A_98 = arith.constant 0 : i32
            %dma_start3A_99 = tpu.memref_slice %arg6[%add3A_83, %dma_start3A_98] : memref<10000x128xf32, #tpu.memory_space<hbm>> -> memref<40x128xf32, #tpu.memory_space<hbm>>
            %dma_start3A_100 = arith.constant 0 : i32
            %dma_start3A_101 = arith.constant 0 : i32
            %dma_start3A_102 = tpu.memref_slice %arg9[%dma_start3A_100, %dma_start3A_101] : memref<40x128xf32, #tpu.memory_space<vmem>> -> memref<40x128xf32, #tpu.memory_space<vmem>>
            tpu.enqueue_dma source(%dma_start3A_102 : memref<40x128xf32, #tpu.memory_space<vmem>>) target(%dma_start3A_99 : memref<40x128xf32, #tpu.memory_space<hbm>>) target_semaphore(%run_scoped3A : memref<!tpu.dma_semaphore, #tpu.memory_space<semaphore_mem>>)
            %dma_wait3A = arith.constant 0 : i32
            %dma_wait3A_103 = arith.constant 0 : i32
            %dma_wait3A_104 = tpu.memref_slice %arg9[%dma_wait3A, %dma_wait3A_103] : memref<40x128xf32, #tpu.memory_space<vmem>> -> memref<40x128xf32, #tpu.memory_space<vmem>>
            %dma_wait3A_105 = arith.constant 0 : i32
            %dma_wait3A_106 = tpu.memref_slice %arg6[%add3A_83, %dma_wait3A_105] : memref<10000x128xf32, #tpu.memory_space<hbm>> -> memref<40x128xf32, #tpu.memory_space<hbm>>
            %dma_wait3A_107 = arith.constant 0 : i32
            %dma_wait3A_108 = tpu.memref_slice %arg6[%add3A_83, %dma_wait3A_107] : memref<10000x128xf32, #tpu.memory_space<hbm>> -> memref<40x128xf32, #tpu.memory_space<hbm>>
            %dma_wait3A_109 = arith.constant 0 : i32
            %dma_wait3A_110 = arith.constant 0 : i32
            %dma_wait3A_111 = tpu.memref_slice %arg9[%dma_wait3A_109, %dma_wait3A_110] : memref<40x128xf32, #tpu.memory_space<vmem>> -> memref<40x128xf32, #tpu.memory_space<vmem>>
            tpu.wait_dma2 semaphore(%run_scoped3A : memref<!tpu.dma_semaphore, #tpu.memory_space<semaphore_mem>>) src(%dma_wait3A_111 : memref<40x128xf32, #tpu.memory_space<vmem>>) dst(%dma_wait3A_108 : memref<40x128xf32, #tpu.memory_space<hbm>>)
            tpu.yield
          }) : () -> ()
        } else {
        }
      }
      %scan3A_75 = arith.constant 13 : i32
    } else {
    }
    %barrier3A_33 = arith.constant 0 : index
    tpu.barrier barrier_id(%barrier3A_33)
    %scan3A_34 = arith.constant 0 : i32
    %scan3A_35 = arith.constant 40 : i32
    %scan3A_36 = arith.addi %scan3A_34, %scan3A_35 : i32
    %scan3A_37 = arith.constant 1 : i32
    scf.for %scan3A_71 = %scan3A_34 to %scan3A_36 step %scan3A_37  : i32 {
      %mul3A_72 = arith.constant 1 : i32
      %mul3A_73 = arith.muli %scan3A_71, %mul3A_72 : i32
      %add3A_74 = arith.constant 0 : i32
      %add3A_75 = arith.addi %add3A_74, %mul3A_73 : i32
      %scan3A_76 = arith.constant 0 : i32
      %scan3A_77 = arith.constant 8 : i32
      %scan3A_78 = arith.addi %scan3A_76, %scan3A_77 : i32
      %scan3A_79 = arith.constant 1 : i32
      scf.for %scan3A_81 = %scan3A_76 to %scan3A_78 step %scan3A_79  : i32 {
        %mul3A_82 = arith.constant 1 : i32
        %mul3A_83 = arith.muli %scan3A_81, %mul3A_82 : i32
        %add3A_84 = arith.constant 0 : i32
        %add3A_85 = arith.addi %add3A_84, %mul3A_83 : i32
        %broadcast_in_dim3A = arith.constant 0.000000e+00 : f32
        %broadcast_in_dim3A_86 = vector.broadcast %broadcast_in_dim3A : f32 to vector<16xf32>
        %mul3A_87 = arith.constant 16 : i32
        %mul3A_88 = arith.muli %add3A_85, %mul3A_87 : i32
        %swap3A = arith.index_cast %add3A_75 : i32 to index
        %swap3A_89 = arith.index_cast %mul3A_88 : i32 to index
        %swap3A_90 = tpu.vector_load %arg9[%swap3A, %swap3A_89] {strides = array<i32>} : memref<40x128xf32, #tpu.memory_space<vmem>>, vector<1x16xf32>,
        %swap3A_91 = vector.shape_cast %swap3A_90 : vector<1x16xf32> to vector<16xf32>
        %swap3A_92 = vector.shape_cast %broadcast_in_dim3A_86 : vector<16xf32> to vector<1x16xf32>
        tpu.vector_store %arg9[%swap3A, %swap3A_89], %swap3A_92 {strides = array<i32>} : memref<40x128xf32, #tpu.memory_space<vmem>>, vector<1x16xf32>,
      }
      %scan3A_80 = arith.constant 8 : i32
    }
    %scan3A_38 = arith.constant 40 : i32
    %mul3A_39 = arith.constant 632 : i32
    %mul3A_40 = arith.muli %arg1, %mul3A_39 : i32
    %lt3A_41 = arith.constant 15 : i32
    %lt3A_42 = arith.cmpi slt, %arg1, %lt3A_41 : i32
    %convert_element_type3A_43 = arith.extui %lt3A_42 : i1 to i32
    %cond3A_44 = arith.constant 0 : i32
    %cond3A_45 = arith.cmpi ne, %convert_element_type3A_43, %cond3A_44 : i32
    scf.if %cond3A_45 {
      %scan3A_71 = arith.constant 0 : i32
      %scan3A_72 = arith.constant 15 : i32
      %scan3A_73 = arith.addi %scan3A_71, %scan3A_72 : i32
      %scan3A_74 = arith.constant 1 : i32
      scf.for %scan3A_78 = %scan3A_71 to %scan3A_73 step %scan3A_74  : i32 {
        %mul3A_79 = arith.constant 1 : i32
        %mul3A_80 = arith.muli %scan3A_78, %mul3A_79 : i32
        %add3A_81 = arith.constant 0 : i32
        %add3A_82 = arith.addi %add3A_81, %mul3A_80 : i32
        %mul3A_83 = arith.constant 40 : i32
        %mul3A_84 = arith.muli %add3A_82, %mul3A_83 : i32
        %add3A_85 = arith.addi %mul3A_40, %mul3A_84 : i32
        "tpu.region"() ({
          %run_scoped3A = tpu.sem_alloc : memref<!tpu.dma_semaphore, #tpu.memory_space<semaphore_mem>>
          %dma_start3A = arith.constant 0 : i32
          %dma_start3A_86 = arith.constant 0 : i32
          %dma_start3A_87 = tpu.memref_slice %arg9[%dma_start3A, %dma_start3A_86] : memref<40x128xf32, #tpu.memory_space<vmem>> -> memref<40x128xf32, #tpu.memory_space<vmem>>
          %dma_start3A_88 = arith.constant 0 : i32
          %dma_start3A_89 = tpu.memref_slice %arg11[%add3A_85, %dma_start3A_88] : memref<10000x128xf32, #tpu.memory_space<vmem_shared>> -> memref<40x128xf32, #tpu.memory_space<vmem_shared>>
          %dma_start3A_90 = arith.constant 0 : i32
          %dma_start3A_91 = tpu.memref_slice %arg11[%add3A_85, %dma_start3A_90] : memref<10000x128xf32, #tpu.memory_space<vmem_shared>> -> memref<40x128xf32, #tpu.memory_space<vmem_shared>>
          %dma_start3A_92 = arith.constant 0 : i32
          %dma_start3A_93 = arith.constant 0 : i32
          %dma_start3A_94 = tpu.memref_slice %arg9[%dma_start3A_92, %dma_start3A_93] : memref<40x128xf32, #tpu.memory_space<vmem>> -> memref<40x128xf32, #tpu.memory_space<vmem>>
          tpu.enqueue_dma source(%dma_start3A_94 : memref<40x128xf32, #tpu.memory_space<vmem>>) target(%dma_start3A_91 : memref<40x128xf32, #tpu.memory_space<vmem_shared>>) target_semaphore(%run_scoped3A : memref<!tpu.dma_semaphore, #tpu.memory_space<semaphore_mem>>)
          %dma_wait3A = arith.constant 0 : i32
          %dma_wait3A_95 = arith.constant 0 : i32
          %dma_wait3A_96 = tpu.memref_slice %arg9[%dma_wait3A, %dma_wait3A_95] : memref<40x128xf32, #tpu.memory_space<vmem>> -> memref<40x128xf32, #tpu.memory_space<vmem>>
          %dma_wait3A_97 = arith.constant 0 : i32
          %dma_wait3A_98 = tpu.memref_slice %arg11[%add3A_85, %dma_wait3A_97] : memref<10000x128xf32, #tpu.memory_space<vmem_shared>> -> memref<40x128xf32, #tpu.memory_space<vmem_shared>>
          %dma_wait3A_99 = arith.constant 0 : i32
          %dma_wait3A_100 = tpu.memref_slice %arg11[%add3A_85, %dma_wait3A_99] : memref<10000x128xf32, #tpu.memory_space<vmem_shared>> -> memref<40x128xf32, #tpu.memory_space<vmem_shared>>
          %dma_wait3A_101 = arith.constant 0 : i32
          %dma_wait3A_102 = arith.constant 0 : i32
          %dma_wait3A_103 = tpu.memref_slice %arg9[%dma_wait3A_101, %dma_wait3A_102] : memref<40x128xf32, #tpu.memory_space<vmem>> -> memref<40x128xf32, #tpu.memory_space<vmem>>
          tpu.wait_dma2 semaphore(%run_scoped3A : memref<!tpu.dma_semaphore, #tpu.memory_space<semaphore_mem>>) src(%dma_wait3A_103 : memref<40x128xf32, #tpu.memory_space<vmem>>) dst(%dma_wait3A_100 : memref<40x128xf32, #tpu.memory_space<vmem_shared>>)
          tpu.yield
        }) : () -> ()
      }
      %scan3A_75 = arith.constant 15 : i32
      %add3A_76 = arith.constant 600 : i32
      %add3A_77 = arith.addi %mul3A_40, %add3A_76 : i32
      "tpu.region"() ({
        %run_scoped3A = tpu.sem_alloc : memref<!tpu.dma_semaphore, #tpu.memory_space<semaphore_mem>>
        %dma_start3A = arith.constant 0 : i32
        %dma_start3A_78 = arith.constant 0 : i32
        %dma_start3A_79 = tpu.memref_slice %arg9[%dma_start3A, %dma_start3A_78] : memref<40x128xf32, #tpu.memory_space<vmem>> -> memref<32x128xf32, #tpu.memory_space<vmem>>
        %dma_start3A_80 = arith.constant 0 : i32
        %dma_start3A_81 = tpu.memref_slice %arg11[%add3A_77, %dma_start3A_80] : memref<10000x128xf32, #tpu.memory_space<vmem_shared>> -> memref<32x128xf32, #tpu.memory_space<vmem_shared>>
        %dma_start3A_82 = arith.constant 0 : i32
        %dma_start3A_83 = tpu.memref_slice %arg11[%add3A_77, %dma_start3A_82] : memref<10000x128xf32, #tpu.memory_space<vmem_shared>> -> memref<32x128xf32, #tpu.memory_space<vmem_shared>>
        %dma_start3A_84 = arith.constant 0 : i32
        %dma_start3A_85 = arith.constant 0 : i32
        %dma_start3A_86 = tpu.memref_slice %arg9[%dma_start3A_84, %dma_start3A_85] : memref<40x128xf32, #tpu.memory_space<vmem>> -> memref<32x128xf32, #tpu.memory_space<vmem>>
        tpu.enqueue_dma source(%dma_start3A_86 : memref<32x128xf32, #tpu.memory_space<vmem>>) target(%dma_start3A_83 : memref<32x128xf32, #tpu.memory_space<vmem_shared>>) target_semaphore(%run_scoped3A : memref<!tpu.dma_semaphore, #tpu.memory_space<semaphore_mem>>)
        %dma_wait3A = arith.constant 0 : i32
        %dma_wait3A_87 = arith.constant 0 : i32
        %dma_wait3A_88 = tpu.memref_slice %arg9[%dma_wait3A, %dma_wait3A_87] : memref<40x128xf32, #tpu.memory_space<vmem>> -> memref<32x128xf32, #tpu.memory_space<vmem>>
        %dma_wait3A_89 = arith.constant 0 : i32
        %dma_wait3A_90 = tpu.memref_slice %arg11[%add3A_77, %dma_wait3A_89] : memref<10000x128xf32, #tpu.memory_space<vmem_shared>> -> memref<32x128xf32, #tpu.memory_space<vmem_shared>>
        %dma_wait3A_91 = arith.constant 0 : i32
        %dma_wait3A_92 = tpu.memref_slice %arg11[%add3A_77, %dma_wait3A_91] : memref<10000x128xf32, #tpu.memory_space<vmem_shared>> -> memref<32x128xf32, #tpu.memory_space<vmem_shared>>
        %dma_wait3A_93 = arith.constant 0 : i32
        %dma_wait3A_94 = arith.constant 0 : i32
        %dma_wait3A_95 = tpu.memref_slice %arg9[%dma_wait3A_93, %dma_wait3A_94] : memref<40x128xf32, #tpu.memory_space<vmem>> -> memref<32x128xf32, #tpu.memory_space<vmem>>
        tpu.wait_dma2 semaphore(%run_scoped3A : memref<!tpu.dma_semaphore, #tpu.memory_space<semaphore_mem>>) src(%dma_wait3A_95 : memref<32x128xf32, #tpu.memory_space<vmem>>) dst(%dma_wait3A_92 : memref<32x128xf32, #tpu.memory_space<vmem_shared>>)
        tpu.yield
      }) : () -> ()
    } else {
    }
    %eq3A_46 = arith.constant 15 : i32
    %eq3A_47 = arith.cmpi eq, %arg1, %eq3A_46 : i32
    %convert_element_type3A_48 = arith.extui %eq3A_47 : i1 to i32
    %cond3A_49 = arith.constant 0 : i32
    %cond3A_50 = arith.cmpi ne, %convert_element_type3A_48, %cond3A_49 : i32
    scf.if %cond3A_50 {
      %scan3A_71 = arith.constant 0 : i32
      %scan3A_72 = arith.constant 13 : i32
      %scan3A_73 = arith.addi %scan3A_71, %scan3A_72 : i32
      %scan3A_74 = arith.constant 1 : i32
      scf.for %scan3A_76 = %scan3A_71 to %scan3A_73 step %scan3A_74  : i32 {
        %mul3A_77 = arith.constant 1 : i32
        %mul3A_78 = arith.muli %scan3A_76, %mul3A_77 : i32
        %add3A_79 = arith.constant 0 : i32
        %add3A_80 = arith.addi %add3A_79, %mul3A_78 : i32
        %mul3A_81 = arith.constant 40 : i32
        %mul3A_82 = arith.muli %add3A_80, %mul3A_81 : i32
        %add3A_83 = arith.addi %mul3A_40, %mul3A_82 : i32
        "tpu.region"() ({
          %run_scoped3A = tpu.sem_alloc : memref<!tpu.dma_semaphore, #tpu.memory_space<semaphore_mem>>
          %dma_start3A = arith.constant 0 : i32
          %dma_start3A_84 = arith.constant 0 : i32
          %dma_start3A_85 = tpu.memref_slice %arg9[%dma_start3A, %dma_start3A_84] : memref<40x128xf32, #tpu.memory_space<vmem>> -> memref<40x128xf32, #tpu.memory_space<vmem>>
          %dma_start3A_86 = arith.constant 0 : i32
          %dma_start3A_87 = tpu.memref_slice %arg11[%add3A_83, %dma_start3A_86] : memref<10000x128xf32, #tpu.memory_space<vmem_shared>> -> memref<40x128xf32, #tpu.memory_space<vmem_shared>>
          %dma_start3A_88 = arith.constant 0 : i32
          %dma_start3A_89 = tpu.memref_slice %arg11[%add3A_83, %dma_start3A_88] : memref<10000x128xf32, #tpu.memory_space<vmem_shared>> -> memref<40x128xf32, #tpu.memory_space<vmem_shared>>
          %dma_start3A_90 = arith.constant 0 : i32
          %dma_start3A_91 = arith.constant 0 : i32
          %dma_start3A_92 = tpu.memref_slice %arg9[%dma_start3A_90, %dma_start3A_91] : memref<40x128xf32, #tpu.memory_space<vmem>> -> memref<40x128xf32, #tpu.memory_space<vmem>>
          tpu.enqueue_dma source(%dma_start3A_92 : memref<40x128xf32, #tpu.memory_space<vmem>>) target(%dma_start3A_89 : memref<40x128xf32, #tpu.memory_space<vmem_shared>>) target_semaphore(%run_scoped3A : memref<!tpu.dma_semaphore, #tpu.memory_space<semaphore_mem>>)
          %dma_wait3A = arith.constant 0 : i32
          %dma_wait3A_93 = arith.constant 0 : i32
          %dma_wait3A_94 = tpu.memref_slice %arg9[%dma_wait3A, %dma_wait3A_93] : memref<40x128xf32, #tpu.memory_space<vmem>> -> memref<40x128xf32, #tpu.memory_space<vmem>>
          %dma_wait3A_95 = arith.constant 0 : i32
          %dma_wait3A_96 = tpu.memref_slice %arg11[%add3A_83, %dma_wait3A_95] : memref<10000x128xf32, #tpu.memory_space<vmem_shared>> -> memref<40x128xf32, #tpu.memory_space<vmem_shared>>
          %dma_wait3A_97 = arith.constant 0 : i32
          %dma_wait3A_98 = tpu.memref_slice %arg11[%add3A_83, %dma_wait3A_97] : memref<10000x128xf32, #tpu.memory_space<vmem_shared>> -> memref<40x128xf32, #tpu.memory_space<vmem_shared>>
          %dma_wait3A_99 = arith.constant 0 : i32
          %dma_wait3A_100 = arith.constant 0 : i32
          %dma_wait3A_101 = tpu.memref_slice %arg9[%dma_wait3A_99, %dma_wait3A_100] : memref<40x128xf32, #tpu.memory_space<vmem>> -> memref<40x128xf32, #tpu.memory_space<vmem>>
          tpu.wait_dma2 semaphore(%run_scoped3A : memref<!tpu.dma_semaphore, #tpu.memory_space<semaphore_mem>>) src(%dma_wait3A_101 : memref<40x128xf32, #tpu.memory_space<vmem>>) dst(%dma_wait3A_98 : memref<40x128xf32, #tpu.memory_space<vmem_shared>>)
          tpu.yield
        }) : () -> ()
      }
      %scan3A_75 = arith.constant 13 : i32
    } else {
    }
    %barrier3A_51 = arith.constant 0 : index
    tpu.barrier barrier_id(%barrier3A_51)
    %scan3A_52 = arith.constant 0 : i32
    %scan3A_53 = arith.constant 125 : i32
    %scan3A_54 = arith.addi %scan3A_52, %scan3A_53 : i32
    %scan3A_55 = arith.constant 1 : i32
    scf.for %scan3A_71 = %scan3A_52 to %scan3A_54 step %scan3A_55  : i32 {
      %mul3A_72 = arith.constant 1 : i32
      %mul3A_73 = arith.muli %scan3A_71, %mul3A_72 : i32
      %add3A_74 = arith.constant 0 : i32
      %add3A_75 = arith.addi %add3A_74, %mul3A_73 : i32
      %mul3A_76 = arith.constant 40 : i32
      %mul3A_77 = arith.muli %add3A_75, %mul3A_76 : i32
      %add3A_78 = arith.addi %mul3A_2, %mul3A_77 : i32
      "tpu.region"() ({
        %run_scoped3A = tpu.sem_alloc : memref<!tpu.dma_semaphore, #tpu.memory_space<semaphore_mem>>
        %dma_start3A = tpu.memref_slice %arg2[%add3A_78] : memref<160000xi32, #tpu.memory_space<hbm>> -> memref<40xi32, #tpu.memory_space<hbm>>
        %dma_start3A_79 = tpu.memref_slice %arg2[%add3A_78] : memref<160000xi32, #tpu.memory_space<hbm>> -> memref<40xi32, #tpu.memory_space<hbm>>
        tpu.enqueue_dma source(%dma_start3A_79 : memref<40xi32, #tpu.memory_space<hbm>>) target(%arg10 : memref<40xi32, #tpu.memory_space<vmem>>) target_semaphore(%run_scoped3A : memref<!tpu.dma_semaphore, #tpu.memory_space<semaphore_mem>>)
        %dma_wait3A = tpu.memref_slice %arg2[%add3A_78] : memref<160000xi32, #tpu.memory_space<hbm>> -> memref<40xi32, #tpu.memory_space<hbm>>
        %dma_wait3A_80 = tpu.memref_slice %arg2[%add3A_78] : memref<160000xi32, #tpu.memory_space<hbm>> -> memref<40xi32, #tpu.memory_space<hbm>>
        tpu.wait_dma2 semaphore(%run_scoped3A : memref<!tpu.dma_semaphore, #tpu.memory_space<semaphore_mem>>) src(%dma_wait3A_80 : memref<40xi32, #tpu.memory_space<hbm>>) dst(%arg10 : memref<40xi32, #tpu.memory_space<vmem>>)
        tpu.yield
      }) : () -> ()
      "tpu.region"() ({
        %run_scoped3A = tpu.sem_alloc : memref<!tpu.dma_semaphore, #tpu.memory_space<semaphore_mem>>
        %dma_start3A = arith.constant 0 : i32
        %dma_start3A_79 = tpu.memref_slice %arg4[%add3A_78, %dma_start3A] : memref<160000x128xf32, #tpu.memory_space<hbm>> -> memref<40x128xf32, #tpu.memory_space<hbm>>
        %dma_start3A_80 = arith.constant 0 : i32
        %dma_start3A_81 = tpu.memref_slice %arg4[%add3A_78, %dma_start3A_80] : memref<160000x128xf32, #tpu.memory_space<hbm>> -> memref<40x128xf32, #tpu.memory_space<hbm>>
        tpu.enqueue_dma source(%dma_start3A_81 : memref<40x128xf32, #tpu.memory_space<hbm>>) target(%arg9 : memref<40x128xf32, #tpu.memory_space<vmem>>) target_semaphore(%run_scoped3A : memref<!tpu.dma_semaphore, #tpu.memory_space<semaphore_mem>>)
        %dma_wait3A = arith.constant 0 : i32
        %dma_wait3A_82 = tpu.memref_slice %arg4[%add3A_78, %dma_wait3A] : memref<160000x128xf32, #tpu.memory_space<hbm>> -> memref<40x128xf32, #tpu.memory_space<hbm>>
        %dma_wait3A_83 = arith.constant 0 : i32
        %dma_wait3A_84 = tpu.memref_slice %arg4[%add3A_78, %dma_wait3A_83] : memref<160000x128xf32, #tpu.memory_space<hbm>> -> memref<40x128xf32, #tpu.memory_space<hbm>>
        tpu.wait_dma2 semaphore(%run_scoped3A : memref<!tpu.dma_semaphore, #tpu.memory_space<semaphore_mem>>) src(%dma_wait3A_84 : memref<40x128xf32, #tpu.memory_space<hbm>>) dst(%arg9 : memref<40x128xf32, #tpu.memory_space<vmem>>)
        tpu.yield
      }) : () -> ()
      "tpu.region"() ({
        %run_scoped3A = tpu.sem_alloc : memref<!tpu.dma_semaphore, #tpu.memory_space<semaphore_mem>>
        %dma_start3A = arith.constant 0 : i32
        %dma_start3A_79 = arith.constant 0 : i32
        %dma_start3A_80 = tpu.memref_slice %arg11[%dma_start3A, %dma_start3A_79] : memref<10000x128xf32, #tpu.memory_space<vmem_shared>> -> memref<10000x128xf32, #tpu.memory_space<vmem_shared>>
        tpu.enqueue_indirect_dma source(%arg9 : memref<40x128xf32, #tpu.memory_space<vmem>>) target(%dma_start3A_80 : memref<10000x128xf32, #tpu.memory_space<vmem_shared>>) offsets(%arg10 : memref<40xi32, #tpu.memory_space<vmem>>) semaphore(%run_scoped3A : memref<!tpu.dma_semaphore, #tpu.memory_space<semaphore_mem>>) {add = true}
        %dma_wait3A = arith.constant 0 : i32
        %dma_wait3A_81 = arith.constant 0 : i32
        %dma_wait3A_82 = tpu.memref_slice %arg11[%dma_wait3A, %dma_wait3A_81] : memref<10000x128xf32, #tpu.memory_space<vmem_shared>> -> memref<10000x128xf32, #tpu.memory_space<vmem_shared>>
        tpu.wait_indirect_dma semaphore(%run_scoped3A : memref<!tpu.dma_semaphore, #tpu.memory_space<semaphore_mem>>) src(%arg9 : memref<40x128xf32, #tpu.memory_space<vmem>>) dst(%dma_wait3A_82 : memref<10000x128xf32, #tpu.memory_space<vmem_shared>>)
        tpu.yield
      }) : () -> ()
    }
    %scan3A_56 = arith.constant 125 : i32
    %barrier3A_57 = arith.constant 0 : index
    tpu.barrier barrier_id(%barrier3A_57)
    %mul3A_58 = arith.constant 632 : i32
    %mul3A_59 = arith.muli %arg1, %mul3A_58 : i32
    %lt3A_60 = arith.constant 15 : i32
    %lt3A_61 = arith.cmpi slt, %arg1, %lt3A_60 : i32
    %convert_element_type3A_62 = arith.extui %lt3A_61 : i1 to i32
    %cond3A_63 = arith.constant 0 : i32
    %cond3A_64 = arith.cmpi ne, %convert_element_type3A_62, %cond3A_63 : i32
    scf.if %cond3A_64 {
      %scan3A_71 = arith.constant 0 : i32
      %scan3A_72 = arith.constant 15 : i32
      %scan3A_73 = arith.addi %scan3A_71, %scan3A_72 : i32
      %scan3A_74 = arith.constant 1 : i32
      scf.for %scan3A_88 = %scan3A_71 to %scan3A_73 step %scan3A_74  : i32 {
        %mul3A_89 = arith.constant 1 : i32
        %mul3A_90 = arith.muli %scan3A_88, %mul3A_89 : i32
        %add3A_91 = arith.constant 0 : i32
        %add3A_92 = arith.addi %add3A_91, %mul3A_90 : i32
        %mul3A_93 = arith.constant 40 : i32
        %mul3A_94 = arith.muli %add3A_92, %mul3A_93 : i32
        %add3A_95 = arith.addi %mul3A_59, %mul3A_94 : i32
        "tpu.region"() ({
          %run_scoped3A = tpu.sem_alloc : memref<!tpu.dma_semaphore, #tpu.memory_space<semaphore_mem>>
          %dma_start3A = arith.constant 0 : i32
          %dma_start3A_106 = arith.constant 0 : i32
          %dma_start3A_107 = tpu.memref_slice %arg9[%dma_start3A, %dma_start3A_106] : memref<40x128xf32, #tpu.memory_space<vmem>> -> memref<40x128xf32, #tpu.memory_space<vmem>>
          %dma_start3A_108 = arith.constant 0 : i32
          %dma_start3A_109 = tpu.memref_slice %arg11[%add3A_95, %dma_start3A_108] : memref<10000x128xf32, #tpu.memory_space<vmem_shared>> -> memref<40x128xf32, #tpu.memory_space<vmem_shared>>
          %dma_start3A_110 = arith.constant 0 : i32
          %dma_start3A_111 = arith.constant 0 : i32
          %dma_start3A_112 = tpu.memref_slice %arg9[%dma_start3A_110, %dma_start3A_111] : memref<40x128xf32, #tpu.memory_space<vmem>> -> memref<40x128xf32, #tpu.memory_space<vmem>>
          %dma_start3A_113 = arith.constant 0 : i32
          %dma_start3A_114 = tpu.memref_slice %arg11[%add3A_95, %dma_start3A_113] : memref<10000x128xf32, #tpu.memory_space<vmem_shared>> -> memref<40x128xf32, #tpu.memory_space<vmem_shared>>
          tpu.enqueue_dma source(%dma_start3A_114 : memref<40x128xf32, #tpu.memory_space<vmem_shared>>) target(%dma_start3A_112 : memref<40x128xf32, #tpu.memory_space<vmem>>) target_semaphore(%run_scoped3A : memref<!tpu.dma_semaphore, #tpu.memory_space<semaphore_mem>>)
          %dma_wait3A = arith.constant 0 : i32
          %dma_wait3A_115 = arith.constant 0 : i32
          %dma_wait3A_116 = tpu.memref_slice %arg9[%dma_wait3A, %dma_wait3A_115] : memref<40x128xf32, #tpu.memory_space<vmem>> -> memref<40x128xf32, #tpu.memory_space<vmem>>
          %dma_wait3A_117 = arith.constant 0 : i32
          %dma_wait3A_118 = tpu.memref_slice %arg11[%add3A_95, %dma_wait3A_117] : memref<10000x128xf32, #tpu.memory_space<vmem_shared>> -> memref<40x128xf32, #tpu.memory_space<vmem_shared>>
          %dma_wait3A_119 = arith.constant 0 : i32
          %dma_wait3A_120 = arith.constant 0 : i32
          %dma_wait3A_121 = tpu.memref_slice %arg9[%dma_wait3A_119, %dma_wait3A_120] : memref<40x128xf32, #tpu.memory_space<vmem>> -> memref<40x128xf32, #tpu.memory_space<vmem>>
          %dma_wait3A_122 = arith.constant 0 : i32
          %dma_wait3A_123 = tpu.memref_slice %arg11[%add3A_95, %dma_wait3A_122] : memref<10000x128xf32, #tpu.memory_space<vmem_shared>> -> memref<40x128xf32, #tpu.memory_space<vmem_shared>>
          tpu.wait_dma2 semaphore(%run_scoped3A : memref<!tpu.dma_semaphore, #tpu.memory_space<semaphore_mem>>) src(%dma_wait3A_123 : memref<40x128xf32, #tpu.memory_space<vmem_shared>>) dst(%dma_wait3A_121 : memref<40x128xf32, #tpu.memory_space<vmem>>)
          tpu.yield
        }) : () -> ()
        %eq3A_96 = arith.constant 0 : i32
        %eq3A_97 = arith.cmpi eq, %arg0, %eq3A_96 : i32
        %convert_element_type3A_98 = arith.extui %eq3A_97 : i1 to i32
        %cond3A_99 = arith.constant 0 : i32
        %cond3A_100 = arith.cmpi ne, %convert_element_type3A_98, %cond3A_99 : i32
        scf.if %cond3A_100 {
          "tpu.region"() ({
            %run_scoped3A = tpu.sem_alloc : memref<!tpu.dma_semaphore, #tpu.memory_space<semaphore_mem>>
            %dma_start3A = arith.constant 0 : i32
            %dma_start3A_106 = arith.constant 0 : i32
            %dma_start3A_107 = tpu.memref_slice %arg9[%dma_start3A, %dma_start3A_106] : memref<40x128xf32, #tpu.memory_space<vmem>> -> memref<40x128xf32, #tpu.memory_space<vmem>>
            %dma_start3A_108 = arith.constant 0 : i32
            %dma_start3A_109 = tpu.memref_slice %arg7[%add3A_95, %dma_start3A_108] : memref<10000x128xf32, #tpu.memory_space<hbm>> -> memref<40x128xf32, #tpu.memory_space<hbm>>
            %dma_start3A_110 = arith.constant 0 : i32
            %dma_start3A_111 = tpu.memref_slice %arg7[%add3A_95, %dma_start3A_110] : memref<10000x128xf32, #tpu.memory_space<hbm>> -> memref<40x128xf32, #tpu.memory_space<hbm>>
            %dma_start3A_112 = arith.constant 0 : i32
            %dma_start3A_113 = arith.constant 0 : i32
            %dma_start3A_114 = tpu.memref_slice %arg9[%dma_start3A_112, %dma_start3A_113] : memref<40x128xf32, #tpu.memory_space<vmem>> -> memref<40x128xf32, #tpu.memory_space<vmem>>
            tpu.enqueue_dma source(%dma_start3A_114 : memref<40x128xf32, #tpu.memory_space<vmem>>) target(%dma_start3A_111 : memref<40x128xf32, #tpu.memory_space<hbm>>) target_semaphore(%run_scoped3A : memref<!tpu.dma_semaphore, #tpu.memory_space<semaphore_mem>>)
            %dma_wait3A = arith.constant 0 : i32
            %dma_wait3A_115 = arith.constant 0 : i32
            %dma_wait3A_116 = tpu.memref_slice %arg9[%dma_wait3A, %dma_wait3A_115] : memref<40x128xf32, #tpu.memory_space<vmem>> -> memref<40x128xf32, #tpu.memory_space<vmem>>
            %dma_wait3A_117 = arith.constant 0 : i32
            %dma_wait3A_118 = tpu.memref_slice %arg7[%add3A_95, %dma_wait3A_117] : memref<10000x128xf32, #tpu.memory_space<hbm>> -> memref<40x128xf32, #tpu.memory_space<hbm>>
            %dma_wait3A_119 = arith.constant 0 : i32
            %dma_wait3A_120 = tpu.memref_slice %arg7[%add3A_95, %dma_wait3A_119] : memref<10000x128xf32, #tpu.memory_space<hbm>> -> memref<40x128xf32, #tpu.memory_space<hbm>>
            %dma_wait3A_121 = arith.constant 0 : i32
            %dma_wait3A_122 = arith.constant 0 : i32
            %dma_wait3A_123 = tpu.memref_slice %arg9[%dma_wait3A_121, %dma_wait3A_122] : memref<40x128xf32, #tpu.memory_space<vmem>> -> memref<40x128xf32, #tpu.memory_space<vmem>>
            tpu.wait_dma2 semaphore(%run_scoped3A : memref<!tpu.dma_semaphore, #tpu.memory_space<semaphore_mem>>) src(%dma_wait3A_123 : memref<40x128xf32, #tpu.memory_space<vmem>>) dst(%dma_wait3A_120 : memref<40x128xf32, #tpu.memory_space<hbm>>)
            tpu.yield
          }) : () -> ()
        } else {
        }
        %eq3A_101 = arith.constant 1 : i32
        %eq3A_102 = arith.cmpi eq, %arg0, %eq3A_101 : i32
        %convert_element_type3A_103 = arith.extui %eq3A_102 : i1 to i32
        %cond3A_104 = arith.constant 0 : i32
        %cond3A_105 = arith.cmpi ne, %convert_element_type3A_103, %cond3A_104 : i32
        scf.if %cond3A_105 {
          "tpu.region"() ({
            %run_scoped3A = tpu.sem_alloc : memref<!tpu.dma_semaphore, #tpu.memory_space<semaphore_mem>>
            %dma_start3A = arith.constant 0 : i32
            %dma_start3A_106 = arith.constant 0 : i32
            %dma_start3A_107 = tpu.memref_slice %arg9[%dma_start3A, %dma_start3A_106] : memref<40x128xf32, #tpu.memory_space<vmem>> -> memref<40x128xf32, #tpu.memory_space<vmem>>
            %dma_start3A_108 = arith.constant 0 : i32
            %dma_start3A_109 = tpu.memref_slice %arg8[%add3A_95, %dma_start3A_108] : memref<10000x128xf32, #tpu.memory_space<hbm>> -> memref<40x128xf32, #tpu.memory_space<hbm>>
            %dma_start3A_110 = arith.constant 0 : i32
            %dma_start3A_111 = tpu.memref_slice %arg8[%add3A_95, %dma_start3A_110] : memref<10000x128xf32, #tpu.memory_space<hbm>> -> memref<40x128xf32, #tpu.memory_space<hbm>>
            %dma_start3A_112 = arith.constant 0 : i32
            %dma_start3A_113 = arith.constant 0 : i32
            %dma_start3A_114 = tpu.memref_slice %arg9[%dma_start3A_112, %dma_start3A_113] : memref<40x128xf32, #tpu.memory_space<vmem>> -> memref<40x128xf32, #tpu.memory_space<vmem>>
            tpu.enqueue_dma source(%dma_start3A_114 : memref<40x128xf32, #tpu.memory_space<vmem>>) target(%dma_start3A_111 : memref<40x128xf32, #tpu.memory_space<hbm>>) target_semaphore(%run_scoped3A : memref<!tpu.dma_semaphore, #tpu.memory_space<semaphore_mem>>)
            %dma_wait3A = arith.constant 0 : i32
            %dma_wait3A_115 = arith.constant 0 : i32
            %dma_wait3A_116 = tpu.memref_slice %arg9[%dma_wait3A, %dma_wait3A_115] : memref<40x128xf32, #tpu.memory_space<vmem>> -> memref<40x128xf32, #tpu.memory_space<vmem>>
            %dma_wait3A_117 = arith.constant 0 : i32
            %dma_wait3A_118 = tpu.memref_slice %arg8[%add3A_95, %dma_wait3A_117] : memref<10000x128xf32, #tpu.memory_space<hbm>> -> memref<40x128xf32, #tpu.memory_space<hbm>>
            %dma_wait3A_119 = arith.constant 0 : i32
            %dma_wait3A_120 = tpu.memref_slice %arg8[%add3A_95, %dma_wait3A_119] : memref<10000x128xf32, #tpu.memory_space<hbm>> -> memref<40x128xf32, #tpu.memory_space<hbm>>
            %dma_wait3A_121 = arith.constant 0 : i32
            %dma_wait3A_122 = arith.constant 0 : i32
            %dma_wait3A_123 = tpu.memref_slice %arg9[%dma_wait3A_121, %dma_wait3A_122] : memref<40x128xf32, #tpu.memory_space<vmem>> -> memref<40x128xf32, #tpu.memory_space<vmem>>
            tpu.wait_dma2 semaphore(%run_scoped3A : memref<!tpu.dma_semaphore, #tpu.memory_space<semaphore_mem>>) src(%dma_wait3A_123 : memref<40x128xf32, #tpu.memory_space<vmem>>) dst(%dma_wait3A_120 : memref<40x128xf32, #tpu.memory_space<hbm>>)
            tpu.yield
          }) : () -> ()
        } else {
        }
      }
      %scan3A_75 = arith.constant 15 : i32
      %add3A_76 = arith.constant 600 : i32
      %add3A_77 = arith.addi %mul3A_59, %add3A_76 : i32
      "tpu.region"() ({
        %run_scoped3A = tpu.sem_alloc : memref<!tpu.dma_semaphore, #tpu.memory_space<semaphore_mem>>
        %dma_start3A = arith.constant 0 : i32
        %dma_start3A_88 = arith.constant 0 : i32
        %dma_start3A_89 = tpu.memref_slice %arg9[%dma_start3A, %dma_start3A_88] : memref<40x128xf32, #tpu.memory_space<vmem>> -> memref<32x128xf32, #tpu.memory_space<vmem>>
        %dma_start3A_90 = arith.constant 0 : i32
        %dma_start3A_91 = tpu.memref_slice %arg11[%add3A_77, %dma_start3A_90] : memref<10000x128xf32, #tpu.memory_space<vmem_shared>> -> memref<32x128xf32, #tpu.memory_space<vmem_shared>>
        %dma_start3A_92 = arith.constant 0 : i32
        %dma_start3A_93 = arith.constant 0 : i32
        %dma_start3A_94 = tpu.memref_slice %arg9[%dma_start3A_92, %dma_start3A_93] : memref<40x128xf32, #tpu.memory_space<vmem>> -> memref<32x128xf32, #tpu.memory_space<vmem>>
        %dma_start3A_95 = arith.constant 0 : i32
        %dma_start3A_96 = tpu.memref_slice %arg11[%add3A_77, %dma_start3A_95] : memref<10000x128xf32, #tpu.memory_space<vmem_shared>> -> memref<32x128xf32, #tpu.memory_space<vmem_shared>>
        tpu.enqueue_dma source(%dma_start3A_96 : memref<32x128xf32, #tpu.memory_space<vmem_shared>>) target(%dma_start3A_94 : memref<32x128xf32, #tpu.memory_space<vmem>>) target_semaphore(%run_scoped3A : memref<!tpu.dma_semaphore, #tpu.memory_space<semaphore_mem>>)
        %dma_wait3A = arith.constant 0 : i32
        %dma_wait3A_97 = arith.constant 0 : i32
        %dma_wait3A_98 = tpu.memref_slice %arg9[%dma_wait3A, %dma_wait3A_97] : memref<40x128xf32, #tpu.memory_space<vmem>> -> memref<32x128xf32, #tpu.memory_space<vmem>>
        %dma_wait3A_99 = arith.constant 0 : i32
        %dma_wait3A_100 = tpu.memref_slice %arg11[%add3A_77, %dma_wait3A_99] : memref<10000x128xf32, #tpu.memory_space<vmem_shared>> -> memref<32x128xf32, #tpu.memory_space<vmem_shared>>
        %dma_wait3A_101 = arith.constant 0 : i32
        %dma_wait3A_102 = arith.constant 0 : i32
        %dma_wait3A_103 = tpu.memref_slice %arg9[%dma_wait3A_101, %dma_wait3A_102] : memref<40x128xf32, #tpu.memory_space<vmem>> -> memref<32x128xf32, #tpu.memory_space<vmem>>
        %dma_wait3A_104 = arith.constant 0 : i32
        %dma_wait3A_105 = tpu.memref_slice %arg11[%add3A_77, %dma_wait3A_104] : memref<10000x128xf32, #tpu.memory_space<vmem_shared>> -> memref<32x128xf32, #tpu.memory_space<vmem_shared>>
        tpu.wait_dma2 semaphore(%run_scoped3A : memref<!tpu.dma_semaphore, #tpu.memory_space<semaphore_mem>>) src(%dma_wait3A_105 : memref<32x128xf32, #tpu.memory_space<vmem_shared>>) dst(%dma_wait3A_103 : memref<32x128xf32, #tpu.memory_space<vmem>>)
        tpu.yield
      }) : () -> ()
      %eq3A_78 = arith.constant 0 : i32
      %eq3A_79 = arith.cmpi eq, %arg0, %eq3A_78 : i32
      %convert_element_type3A_80 = arith.extui %eq3A_79 : i1 to i32
      %cond3A_81 = arith.constant 0 : i32
      %cond3A_82 = arith.cmpi ne, %convert_element_type3A_80, %cond3A_81 : i32
      scf.if %cond3A_82 {
        "tpu.region"() ({
          %run_scoped3A = tpu.sem_alloc : memref<!tpu.dma_semaphore, #tpu.memory_space<semaphore_mem>>
          %dma_start3A = arith.constant 0 : i32
          %dma_start3A_88 = arith.constant 0 : i32
          %dma_start3A_89 = tpu.memref_slice %arg9[%dma_start3A, %dma_start3A_88] : memref<40x128xf32, #tpu.memory_space<vmem>> -> memref<32x128xf32, #tpu.memory_space<vmem>>
          %dma_start3A_90 = arith.constant 0 : i32
          %dma_start3A_91 = tpu.memref_slice %arg7[%add3A_77, %dma_start3A_90] : memref<10000x128xf32, #tpu.memory_space<hbm>> -> memref<32x128xf32, #tpu.memory_space<hbm>>
          %dma_start3A_92 = arith.constant 0 : i32
          %dma_start3A_93 = tpu.memref_slice %arg7[%add3A_77, %dma_start3A_92] : memref<10000x128xf32, #tpu.memory_space<hbm>> -> memref<32x128xf32, #tpu.memory_space<hbm>>
          %dma_start3A_94 = arith.constant 0 : i32
          %dma_start3A_95 = arith.constant 0 : i32
          %dma_start3A_96 = tpu.memref_slice %arg9[%dma_start3A_94, %dma_start3A_95] : memref<40x128xf32, #tpu.memory_space<vmem>> -> memref<32x128xf32, #tpu.memory_space<vmem>>
          tpu.enqueue_dma source(%dma_start3A_96 : memref<32x128xf32, #tpu.memory_space<vmem>>) target(%dma_start3A_93 : memref<32x128xf32, #tpu.memory_space<hbm>>) target_semaphore(%run_scoped3A : memref<!tpu.dma_semaphore, #tpu.memory_space<semaphore_mem>>)
          %dma_wait3A = arith.constant 0 : i32
          %dma_wait3A_97 = arith.constant 0 : i32
          %dma_wait3A_98 = tpu.memref_slice %arg9[%dma_wait3A, %dma_wait3A_97] : memref<40x128xf32, #tpu.memory_space<vmem>> -> memref<32x128xf32, #tpu.memory_space<vmem>>
          %dma_wait3A_99 = arith.constant 0 : i32
          %dma_wait3A_100 = tpu.memref_slice %arg7[%add3A_77, %dma_wait3A_99] : memref<10000x128xf32, #tpu.memory_space<hbm>> -> memref<32x128xf32, #tpu.memory_space<hbm>>
          %dma_wait3A_101 = arith.constant 0 : i32
          %dma_wait3A_102 = tpu.memref_slice %arg7[%add3A_77, %dma_wait3A_101] : memref<10000x128xf32, #tpu.memory_space<hbm>> -> memref<32x128xf32, #tpu.memory_space<hbm>>
          %dma_wait3A_103 = arith.constant 0 : i32
          %dma_wait3A_104 = arith.constant 0 : i32
          %dma_wait3A_105 = tpu.memref_slice %arg9[%dma_wait3A_103, %dma_wait3A_104] : memref<40x128xf32, #tpu.memory_space<vmem>> -> memref<32x128xf32, #tpu.memory_space<vmem>>
          tpu.wait_dma2 semaphore(%run_scoped3A : memref<!tpu.dma_semaphore, #tpu.memory_space<semaphore_mem>>) src(%dma_wait3A_105 : memref<32x128xf32, #tpu.memory_space<vmem>>) dst(%dma_wait3A_102 : memref<32x128xf32, #tpu.memory_space<hbm>>)
          tpu.yield
        }) : () -> ()
      } else {
      }
      %eq3A_83 = arith.constant 1 : i32
      %eq3A_84 = arith.cmpi eq, %arg0, %eq3A_83 : i32
      %convert_element_type3A_85 = arith.extui %eq3A_84 : i1 to i32
      %cond3A_86 = arith.constant 0 : i32
      %cond3A_87 = arith.cmpi ne, %convert_element_type3A_85, %cond3A_86 : i32
      scf.if %cond3A_87 {
        "tpu.region"() ({
          %run_scoped3A = tpu.sem_alloc : memref<!tpu.dma_semaphore, #tpu.memory_space<semaphore_mem>>
          %dma_start3A = arith.constant 0 : i32
          %dma_start3A_88 = arith.constant 0 : i32
          %dma_start3A_89 = tpu.memref_slice %arg9[%dma_start3A, %dma_start3A_88] : memref<40x128xf32, #tpu.memory_space<vmem>> -> memref<32x128xf32, #tpu.memory_space<vmem>>
          %dma_start3A_90 = arith.constant 0 : i32
          %dma_start3A_91 = tpu.memref_slice %arg8[%add3A_77, %dma_start3A_90] : memref<10000x128xf32, #tpu.memory_space<hbm>> -> memref<32x128xf32, #tpu.memory_space<hbm>>
          %dma_start3A_92 = arith.constant 0 : i32
          %dma_start3A_93 = tpu.memref_slice %arg8[%add3A_77, %dma_start3A_92] : memref<10000x128xf32, #tpu.memory_space<hbm>> -> memref<32x128xf32, #tpu.memory_space<hbm>>
          %dma_start3A_94 = arith.constant 0 : i32
          %dma_start3A_95 = arith.constant 0 : i32
          %dma_start3A_96 = tpu.memref_slice %arg9[%dma_start3A_94, %dma_start3A_95] : memref<40x128xf32, #tpu.memory_space<vmem>> -> memref<32x128xf32, #tpu.memory_space<vmem>>
          tpu.enqueue_dma source(%dma_start3A_96 : memref<32x128xf32, #tpu.memory_space<vmem>>) target(%dma_start3A_93 : memref<32x128xf32, #tpu.memory_space<hbm>>) target_semaphore(%run_scoped3A : memref<!tpu.dma_semaphore, #tpu.memory_space<semaphore_mem>>)
          %dma_wait3A = arith.constant 0 : i32
          %dma_wait3A_97 = arith.constant 0 : i32
          %dma_wait3A_98 = tpu.memref_slice %arg9[%dma_wait3A, %dma_wait3A_97] : memref<40x128xf32, #tpu.memory_space<vmem>> -> memref<32x128xf32, #tpu.memory_space<vmem>>
          %dma_wait3A_99 = arith.constant 0 : i32
          %dma_wait3A_100 = tpu.memref_slice %arg8[%add3A_77, %dma_wait3A_99] : memref<10000x128xf32, #tpu.memory_space<hbm>> -> memref<32x128xf32, #tpu.memory_space<hbm>>
          %dma_wait3A_101 = arith.constant 0 : i32
          %dma_wait3A_102 = tpu.memref_slice %arg8[%add3A_77, %dma_wait3A_101] : memref<10000x128xf32, #tpu.memory_space<hbm>> -> memref<32x128xf32, #tpu.memory_space<hbm>>
          %dma_wait3A_103 = arith.constant 0 : i32
          %dma_wait3A_104 = arith.constant 0 : i32
          %dma_wait3A_105 = tpu.memref_slice %arg9[%dma_wait3A_103, %dma_wait3A_104] : memref<40x128xf32, #tpu.memory_space<vmem>> -> memref<32x128xf32, #tpu.memory_space<vmem>>
          tpu.wait_dma2 semaphore(%run_scoped3A : memref<!tpu.dma_semaphore, #tpu.memory_space<semaphore_mem>>) src(%dma_wait3A_105 : memref<32x128xf32, #tpu.memory_space<vmem>>) dst(%dma_wait3A_102 : memref<32x128xf32, #tpu.memory_space<hbm>>)
          tpu.yield
        }) : () -> ()
      } else {
      }
    } else {
    }
    %eq3A_65 = arith.constant 15 : i32
    %eq3A_66 = arith.cmpi eq, %arg1, %eq3A_65 : i32
    %convert_element_type3A_67 = arith.extui %eq3A_66 : i1 to i32
    %cond3A_68 = arith.constant 0 : i32
    %cond3A_69 = arith.cmpi ne, %convert_element_type3A_67, %cond3A_68 : i32
    scf.if %cond3A_69 {
      %scan3A_71 = arith.constant 0 : i32
      %scan3A_72 = arith.constant 13 : i32
      %scan3A_73 = arith.addi %scan3A_71, %scan3A_72 : i32
      %scan3A_74 = arith.constant 1 : i32
      scf.for %scan3A_76 = %scan3A_71 to %scan3A_73 step %scan3A_74  : i32 {
        %mul3A_77 = arith.constant 1 : i32
        %mul3A_78 = arith.muli %scan3A_76, %mul3A_77 : i32
        %add3A_79 = arith.constant 0 : i32
        %add3A_80 = arith.addi %add3A_79, %mul3A_78 : i32
        %mul3A_81 = arith.constant 40 : i32
        %mul3A_82 = arith.muli %add3A_80, %mul3A_81 : i32
        %add3A_83 = arith.addi %mul3A_59, %mul3A_82 : i32
        "tpu.region"() ({
          %run_scoped3A = tpu.sem_alloc : memref<!tpu.dma_semaphore, #tpu.memory_space<semaphore_mem>>
          %dma_start3A = arith.constant 0 : i32
          %dma_start3A_94 = arith.constant 0 : i32
          %dma_start3A_95 = tpu.memref_slice %arg9[%dma_start3A, %dma_start3A_94] : memref<40x128xf32, #tpu.memory_space<vmem>> -> memref<40x128xf32, #tpu.memory_space<vmem>>
          %dma_start3A_96 = arith.constant 0 : i32
          %dma_start3A_97 = tpu.memref_slice %arg11[%add3A_83, %dma_start3A_96] : memref<10000x128xf32, #tpu.memory_space<vmem_shared>> -> memref<40x128xf32, #tpu.memory_space<vmem_shared>>
          %dma_start3A_98 = arith.constant 0 : i32
          %dma_start3A_99 = arith.constant 0 : i32
          %dma_start3A_100 = tpu.memref_slice %arg9[%dma_start3A_98, %dma_start3A_99] : memref<40x128xf32, #tpu.memory_space<vmem>> -> memref<40x128xf32, #tpu.memory_space<vmem>>
          %dma_start3A_101 = arith.constant 0 : i32
          %dma_start3A_102 = tpu.memref_slice %arg11[%add3A_83, %dma_start3A_101] : memref<10000x128xf32, #tpu.memory_space<vmem_shared>> -> memref<40x128xf32, #tpu.memory_space<vmem_shared>>
          tpu.enqueue_dma source(%dma_start3A_102 : memref<40x128xf32, #tpu.memory_space<vmem_shared>>) target(%dma_start3A_100 : memref<40x128xf32, #tpu.memory_space<vmem>>) target_semaphore(%run_scoped3A : memref<!tpu.dma_semaphore, #tpu.memory_space<semaphore_mem>>)
          %dma_wait3A = arith.constant 0 : i32
          %dma_wait3A_103 = arith.constant 0 : i32
          %dma_wait3A_104 = tpu.memref_slice %arg9[%dma_wait3A, %dma_wait3A_103] : memref<40x128xf32, #tpu.memory_space<vmem>> -> memref<40x128xf32, #tpu.memory_space<vmem>>
          %dma_wait3A_105 = arith.constant 0 : i32
          %dma_wait3A_106 = tpu.memref_slice %arg11[%add3A_83, %dma_wait3A_105] : memref<10000x128xf32, #tpu.memory_space<vmem_shared>> -> memref<40x128xf32, #tpu.memory_space<vmem_shared>>
          %dma_wait3A_107 = arith.constant 0 : i32
          %dma_wait3A_108 = arith.constant 0 : i32
          %dma_wait3A_109 = tpu.memref_slice %arg9[%dma_wait3A_107, %dma_wait3A_108] : memref<40x128xf32, #tpu.memory_space<vmem>> -> memref<40x128xf32, #tpu.memory_space<vmem>>
          %dma_wait3A_110 = arith.constant 0 : i32
          %dma_wait3A_111 = tpu.memref_slice %arg11[%add3A_83, %dma_wait3A_110] : memref<10000x128xf32, #tpu.memory_space<vmem_shared>> -> memref<40x128xf32, #tpu.memory_space<vmem_shared>>
          tpu.wait_dma2 semaphore(%run_scoped3A : memref<!tpu.dma_semaphore, #tpu.memory_space<semaphore_mem>>) src(%dma_wait3A_111 : memref<40x128xf32, #tpu.memory_space<vmem_shared>>) dst(%dma_wait3A_109 : memref<40x128xf32, #tpu.memory_space<vmem>>)
          tpu.yield
        }) : () -> ()
        %eq3A_84 = arith.constant 0 : i32
        %eq3A_85 = arith.cmpi eq, %arg0, %eq3A_84 : i32
        %convert_element_type3A_86 = arith.extui %eq3A_85 : i1 to i32
        %cond3A_87 = arith.constant 0 : i32
        %cond3A_88 = arith.cmpi ne, %convert_element_type3A_86, %cond3A_87 : i32
        scf.if %cond3A_88 {
          "tpu.region"() ({
            %run_scoped3A = tpu.sem_alloc : memref<!tpu.dma_semaphore, #tpu.memory_space<semaphore_mem>>
            %dma_start3A = arith.constant 0 : i32
            %dma_start3A_94 = arith.constant 0 : i32
            %dma_start3A_95 = tpu.memref_slice %arg9[%dma_start3A, %dma_start3A_94] : memref<40x128xf32, #tpu.memory_space<vmem>> -> memref<40x128xf32, #tpu.memory_space<vmem>>
            %dma_start3A_96 = arith.constant 0 : i32
            %dma_start3A_97 = tpu.memref_slice %arg7[%add3A_83, %dma_start3A_96] : memref<10000x128xf32, #tpu.memory_space<hbm>> -> memref<40x128xf32, #tpu.memory_space<hbm>>
            %dma_start3A_98 = arith.constant 0 : i32
            %dma_start3A_99 = tpu.memref_slice %arg7[%add3A_83, %dma_start3A_98] : memref<10000x128xf32, #tpu.memory_space<hbm>> -> memref<40x128xf32, #tpu.memory_space<hbm>>
            %dma_start3A_100 = arith.constant 0 : i32
            %dma_start3A_101 = arith.constant 0 : i32
            %dma_start3A_102 = tpu.memref_slice %arg9[%dma_start3A_100, %dma_start3A_101] : memref<40x128xf32, #tpu.memory_space<vmem>> -> memref<40x128xf32, #tpu.memory_space<vmem>>
            tpu.enqueue_dma source(%dma_start3A_102 : memref<40x128xf32, #tpu.memory_space<vmem>>) target(%dma_start3A_99 : memref<40x128xf32, #tpu.memory_space<hbm>>) target_semaphore(%run_scoped3A : memref<!tpu.dma_semaphore, #tpu.memory_space<semaphore_mem>>)
            %dma_wait3A = arith.constant 0 : i32
            %dma_wait3A_103 = arith.constant 0 : i32
            %dma_wait3A_104 = tpu.memref_slice %arg9[%dma_wait3A, %dma_wait3A_103] : memref<40x128xf32, #tpu.memory_space<vmem>> -> memref<40x128xf32, #tpu.memory_space<vmem>>
            %dma_wait3A_105 = arith.constant 0 : i32
            %dma_wait3A_106 = tpu.memref_slice %arg7[%add3A_83, %dma_wait3A_105] : memref<10000x128xf32, #tpu.memory_space<hbm>> -> memref<40x128xf32, #tpu.memory_space<hbm>>
            %dma_wait3A_107 = arith.constant 0 : i32
            %dma_wait3A_108 = tpu.memref_slice %arg7[%add3A_83, %dma_wait3A_107] : memref<10000x128xf32, #tpu.memory_space<hbm>> -> memref<40x128xf32, #tpu.memory_space<hbm>>
            %dma_wait3A_109 = arith.constant 0 : i32
            %dma_wait3A_110 = arith.constant 0 : i32
            %dma_wait3A_111 = tpu.memref_slice %arg9[%dma_wait3A_109, %dma_wait3A_110] : memref<40x128xf32, #tpu.memory_space<vmem>> -> memref<40x128xf32, #tpu.memory_space<vmem>>
            tpu.wait_dma2 semaphore(%run_scoped3A : memref<!tpu.dma_semaphore, #tpu.memory_space<semaphore_mem>>) src(%dma_wait3A_111 : memref<40x128xf32, #tpu.memory_space<vmem>>) dst(%dma_wait3A_108 : memref<40x128xf32, #tpu.memory_space<hbm>>)
            tpu.yield
          }) : () -> ()
        } else {
        }
        %eq3A_89 = arith.constant 1 : i32
        %eq3A_90 = arith.cmpi eq, %arg0, %eq3A_89 : i32
        %convert_element_type3A_91 = arith.extui %eq3A_90 : i1 to i32
        %cond3A_92 = arith.constant 0 : i32
        %cond3A_93 = arith.cmpi ne, %convert_element_type3A_91, %cond3A_92 : i32
        scf.if %cond3A_93 {
          "tpu.region"() ({
            %run_scoped3A = tpu.sem_alloc : memref<!tpu.dma_semaphore, #tpu.memory_space<semaphore_mem>>
            %dma_start3A = arith.constant 0 : i32
            %dma_start3A_94 = arith.constant 0 : i32
            %dma_start3A_95 = tpu.memref_slice %arg9[%dma_start3A, %dma_start3A_94] : memref<40x128xf32, #tpu.memory_space<vmem>> -> memref<40x128xf32, #tpu.memory_space<vmem>>
            %dma_start3A_96 = arith.constant 0 : i32
            %dma_start3A_97 = tpu.memref_slice %arg8[%add3A_83, %dma_start3A_96] : memref<10000x128xf32, #tpu.memory_space<hbm>> -> memref<40x128xf32, #tpu.memory_space<hbm>>
            %dma_start3A_98 = arith.constant 0 : i32
            %dma_start3A_99 = tpu.memref_slice %arg8[%add3A_83, %dma_start3A_98] : memref<10000x128xf32, #tpu.memory_space<hbm>> -> memref<40x128xf32, #tpu.memory_space<hbm>>
            %dma_start3A_100 = arith.constant 0 : i32
            %dma_start3A_101 = arith.constant 0 : i32
            %dma_start3A_102 = tpu.memref_slice %arg9[%dma_start3A_100, %dma_start3A_101] : memref<40x128xf32, #tpu.memory_space<vmem>> -> memref<40x128xf32, #tpu.memory_space<vmem>>
            tpu.enqueue_dma source(%dma_start3A_102 : memref<40x128xf32, #tpu.memory_space<vmem>>) target(%dma_start3A_99 : memref<40x128xf32, #tpu.memory_space<hbm>>) target_semaphore(%run_scoped3A : memref<!tpu.dma_semaphore, #tpu.memory_space<semaphore_mem>>)
            %dma_wait3A = arith.constant 0 : i32
            %dma_wait3A_103 = arith.constant 0 : i32
            %dma_wait3A_104 = tpu.memref_slice %arg9[%dma_wait3A, %dma_wait3A_103] : memref<40x128xf32, #tpu.memory_space<vmem>> -> memref<40x128xf32, #tpu.memory_space<vmem>>
            %dma_wait3A_105 = arith.constant 0 : i32
            %dma_wait3A_106 = tpu.memref_slice %arg8[%add3A_83, %dma_wait3A_105] : memref<10000x128xf32, #tpu.memory_space<hbm>> -> memref<40x128xf32, #tpu.memory_space<hbm>>
            %dma_wait3A_107 = arith.constant 0 : i32
            %dma_wait3A_108 = tpu.memref_slice %arg8[%add3A_83, %dma_wait3A_107] : memref<10000x128xf32, #tpu.memory_space<hbm>> -> memref<40x128xf32, #tpu.memory_space<hbm>>
            %dma_wait3A_109 = arith.constant 0 : i32
            %dma_wait3A_110 = arith.constant 0 : i32
            %dma_wait3A_111 = tpu.memref_slice %arg9[%dma_wait3A_109, %dma_wait3A_110] : memref<40x128xf32, #tpu.memory_space<vmem>> -> memref<40x128xf32, #tpu.memory_space<vmem>>
            tpu.wait_dma2 semaphore(%run_scoped3A : memref<!tpu.dma_semaphore, #tpu.memory_space<semaphore_mem>>) src(%dma_wait3A_111 : memref<40x128xf32, #tpu.memory_space<vmem>>) dst(%dma_wait3A_108 : memref<40x128xf32, #tpu.memory_space<hbm>>)
            tpu.yield
          }) : () -> ()
        } else {
        }
      }
      %scan3A_75 = arith.constant 13 : i32
    } else {
    }
    %barrier3A_70 = arith.constant 0 : index
    tpu.barrier barrier_id(%barrier3A_70)
    return
  }
}

module attributes {stable_mosaic.version = 14 : i64} {
  func.func @_tc_a_body(%arg0: i32, %arg1: memref<2000x256xf32, #tpu.memory_space<vmem>>, %arg2: memref<256x256xf32, #tpu.memory_space<vmem>>, %arg3: memref<2000x256xf32, #tpu.memory_space<vmem>>) attributes {dimension_semantics = [#tpu.dimension_semantics<arbitrary>], iteration_bounds = array<i64: 5>, scalar_prefetch = 0 : i64, scratch_operands = 0 : i64, tpu.core_type = #tpu.core_type<tc>, window_params = [{transform_indices = @transform_0, window_bounds = array<i64: 2000, 256>}, {pipeline_mode = #tpu.pipeline_mode<synchronous>, transform_indices = @transform_1, window_bounds = array<i64: 256, 256>}, {transform_indices = @transform_2, window_bounds = array<i64: 2000, 256>}]} {
    %get3A = arith.constant 0 : index
    %get3A_0 = arith.constant 0 : index
    %get3A_1 = vector.load %arg1[%get3A, %get3A_0] : memref<2000x256xf32, #tpu.memory_space<vmem>>, vector<2000x256xf32>
    %get3A_2 = arith.constant 0 : index
    %get3A_3 = arith.constant 0 : index
    %get3A_4 = vector.load %arg2[%get3A_2, %get3A_3] : memref<256x256xf32, #tpu.memory_space<vmem>>, vector<256x256xf32>
    %dot_general3A = arith.constant dense<0.000000e+00> : vector<2000x256xf32>
    %dot_general3A_5 = tpu.matmul %get3A_1, %get3A_4, %dot_general3A {dimension_numbers = #tpu.dot_dimension_numbers<[1], [0], [0], [1], [0, 0, 1, 1], [], []>, transpose_lhs_hint = false} : vector<2000x256xf32>, vector<256x256xf32>, vector<2000x256xf32> -> vector<2000x256xf32>
    %swap3A = arith.constant 0 : index
    %swap3A_6 = arith.constant 0 : index
    %swap3A_7 = vector.load %arg3[%swap3A, %swap3A_6] : memref<2000x256xf32, #tpu.memory_space<vmem>>, vector<2000x256xf32>
    tpu.vector_store %arg3[%swap3A, %swap3A_6], %dot_general3A_5 {strides = array<i32>} : memref<2000x256xf32, #tpu.memory_space<vmem>>, vector<2000x256xf32>,
    return
  }
  func.func @transform_0(%arg0: i32) -> (i32, i32) {
    %c0_i32 = arith.constant 0 : i32
    %c0_i32_0 = arith.constant 0 : i32
    return %arg0, %c0_i32 : i32, i32
  }
  func.func @transform_1(%arg0: i32) -> (i32, i32) {
    %c0_i32 = arith.constant 0 : i32
    %c0_i32_0 = arith.constant 0 : i32
    %c0_i32_1 = arith.constant 0 : i32
    return %c0_i32, %c0_i32_0 : i32, i32
  }
  func.func @transform_2(%arg0: i32) -> (i32, i32) {
    %c0_i32 = arith.constant 0 : i32
    %c0_i32_0 = arith.constant 0 : i32
    return %arg0, %c0_i32 : i32, i32
  }
}

module attributes {stable_mosaic.version = 14 : i64} {
  func.func @_tc_b_body(%arg0: i32, %arg1: memref<1000x256xf32, #tpu.memory_space<vmem>>, %arg2: memref<1000x256xf32, #tpu.memory_space<vmem>>, %arg3: memref<1000x16xf32, #tpu.memory_space<vmem>>, %arg4: memref<16x128xf32, #tpu.memory_space<vmem>>, %arg5: memref<1x128xf32, #tpu.memory_space<vmem>>, %arg6: memref<128x128xf32, #tpu.memory_space<vmem>>, %arg7: memref<1x128xf32, #tpu.memory_space<vmem>>, %arg8: memref<5x128xf32, #tpu.memory_space<vmem>>, %arg9: memref<15x128xf32, #tpu.memory_space<vmem>>, %arg10: memref<16x128xf32, #tpu.memory_space<vmem>>, %arg11: memref<1x128xf32, #tpu.memory_space<vmem>>, %arg12: memref<128x128xf32, #tpu.memory_space<vmem>>, %arg13: memref<1x128xf32, #tpu.memory_space<vmem>>, %arg14: memref<128x128xf32, #tpu.memory_space<vmem>>, %arg15: memref<1x128xf32, #tpu.memory_space<vmem>>, %arg16: memref<128x1xf32, #tpu.memory_space<vmem>>, %arg17: memref<1x1xf32, #tpu.memory_space<vmem>>, %arg18: memref<128x512xf32, #tpu.memory_space<vmem>>, %arg19: memref<128x512xf32, #tpu.memory_space<vmem>>, %arg20: memref<128x512xf32, #tpu.memory_space<vmem>>, %arg21: memref<128x128xf32, #tpu.memory_space<vmem>>, %arg22: memref<128x128xf32, #tpu.memory_space<vmem>>, %arg23: memref<1x128xf32, #tpu.memory_space<vmem>>, %arg24: memref<128x1xf32, #tpu.memory_space<vmem>>, %arg25: memref<1x1xf32, #tpu.memory_space<vmem>>, %arg26: memref<128x128xf32, #tpu.memory_space<vmem>>, %arg27: memref<1x128xf32, #tpu.memory_space<vmem>>, %arg28: memref<128x1xf32, #tpu.memory_space<vmem>>, %arg29: memref<1x1xf32, #tpu.memory_space<vmem>>, %arg30: memref<1x15xf32, #tpu.memory_space<vmem>>, %arg31: memref<1x16xf32, #tpu.memory_space<vmem>>, %arg32: memref<1x128xf32, #tpu.memory_space<vmem>>, %arg33: memref<256x5xf32, #tpu.memory_space<vmem>>, %arg34: memref<1000x512xf32, #tpu.memory_space<vmem>>, %arg35: memref<1000x512xf32, #tpu.memory_space<vmem>>, %arg36: memref<1000x512xf32, #tpu.memory_space<vmem>>, %arg37: memref<1000x128xf32, #tpu.memory_space<vmem>>, %arg38: memref<1000x128xf32, #tpu.memory_space<vmem>>, %arg39: memref<1000x128xf32, #tpu.memory_space<vmem>>) attributes {dimension_semantics = [#tpu.dimension_semantics<arbitrary>], iteration_bounds = array<i64: 160>, scalar_prefetch = 0 : i64, scratch_operands = 0 : i64, tpu.core_type = #tpu.core_type<tc>, window_params = [{transform_indices = @transform_0, window_bounds = array<i64: 1000, 256>}, {transform_indices = @transform_1, window_bounds = array<i64: 1000, 256>}, {transform_indices = @transform_2, window_bounds = array<i64: 1000, 16>}, {pipeline_mode = #tpu.pipeline_mode<synchronous>, transform_indices = @transform_3, window_bounds = array<i64: 16, 128>}, {pipeline_mode = #tpu.pipeline_mode<synchronous>, transform_indices = @transform_4, window_bounds = array<i64: 1, 128>}, {pipeline_mode = #tpu.pipeline_mode<synchronous>, transform_indices = @transform_5, window_bounds = array<i64: 128, 128>}, {pipeline_mode = #tpu.pipeline_mode<synchronous>, transform_indices = @transform_6, window_bounds = array<i64: 1, 128>}, {pipeline_mode = #tpu.pipeline_mode<synchronous>, transform_indices = @transform_7, window_bounds = array<i64: 5, 128>}, {pipeline_mode = #tpu.pipeline_mode<synchronous>, transform_indices = @transform_8, window_bounds = array<i64: 15, 128>}, {pipeline_mode = #tpu.pipeline_mode<synchronous>, transform_indices = @transform_9, window_bounds = array<i64: 16, 128>}, {pipeline_mode = #tpu.pipeline_mode<synchronous>, transform_indices = @transform_10, window_bounds = array<i64: 1, 128>}, {pipeline_mode = #tpu.pipeline_mode<synchronous>, transform_indices = @transform_11, window_bounds = array<i64: 128, 128>}, {pipeline_mode = #tpu.pipeline_mode<synchronous>, transform_indices = @transform_12, window_bounds = array<i64: 1, 128>}, {pipeline_mode = #tpu.pipeline_mode<synchronous>, transform_indices = @transform_13, window_bounds = array<i64: 128, 128>}, {pipeline_mode = #tpu.pipeline_mode<synchronous>, transform_indices = @transform_14, window_bounds = array<i64: 1, 128>}, {pipeline_mode = #tpu.pipeline_mode<synchronous>, transform_indices = @transform_15, window_bounds = array<i64: 128, 1>}, {pipeline_mode = #tpu.pipeline_mode<synchronous>, transform_indices = @transform_16, window_bounds = array<i64: 1, 1>}, {pipeline_mode = #tpu.pipeline_mode<synchronous>, transform_indices = @transform_17, window_bounds = array<i64: 128, 512>}, {pipeline_mode = #tpu.pipeline_mode<synchronous>, transform_indices = @transform_18, window_bounds = array<i64: 128, 512>}, {pipeline_mode = #tpu.pipeline_mode<synchronous>, transform_indices = @transform_19, window_bounds = array<i64: 128, 512>}, {pipeline_mode = #tpu.pipeline_mode<synchronous>, transform_indices = @transform_20, window_bounds = array<i64: 128, 128>}, {pipeline_mode = #tpu.pipeline_mode<synchronous>, transform_indices = @transform_21, window_bounds = array<i64: 128, 128>}, {pipeline_mode = #tpu.pipeline_mode<synchronous>, transform_indices = @transform_22, window_bounds = array<i64: 1, 128>}, {pipeline_mode = #tpu.pipeline_mode<synchronous>, transform_indices = @transform_23, window_bounds = array<i64: 128, 1>}, {pipeline_mode = #tpu.pipeline_mode<synchronous>, transform_indices = @transform_24, window_bounds = array<i64: 1, 1>}, {pipeline_mode = #tpu.pipeline_mode<synchronous>, transform_indices = @transform_25, window_bounds = array<i64: 128, 128>}, {pipeline_mode = #tpu.pipeline_mode<synchronous>, transform_indices = @transform_26, window_bounds = array<i64: 1, 128>}, {pipeline_mode = #tpu.pipeline_mode<synchronous>, transform_indices = @transform_27, window_bounds = array<i64: 128, 1>}, {pipeline_mode = #tpu.pipeline_mode<synchronous>, transform_indices = @transform_28, window_bounds = array<i64: 1, 1>}, {pipeline_mode = #tpu.pipeline_mode<synchronous>, transform_indices = @transform_29, window_bounds = array<i64: 1, 15>}, {pipeline_mode = #tpu.pipeline_mode<synchronous>, transform_indices = @transform_30, window_bounds = array<i64: 1, 16>}, {pipeline_mode = #tpu.pipeline_mode<synchronous>, transform_indices = @transform_31, window_bounds = array<i64: 1, 128>}, {pipeline_mode = #tpu.pipeline_mode<synchronous>, transform_indices = @transform_32, window_bounds = array<i64: 256, 5>}, {transform_indices = @transform_33, window_bounds = array<i64: 1000, 512>}, {transform_indices = @transform_34, window_bounds = array<i64: 1000, 512>}, {transform_indices = @transform_35, window_bounds = array<i64: 1000, 512>}, {transform_indices = @transform_36, window_bounds = array<i64: 1000, 128>}, {transform_indices = @transform_37, window_bounds = array<i64: 1000, 128>}, {transform_indices = @transform_38, window_bounds = array<i64: 1000, 128>}]} {
    %get3A = arith.constant 0 : index
    %get3A_0 = arith.constant 0 : index
    %get3A_1 = vector.load %arg1[%get3A, %get3A_0] : memref<1000x256xf32, #tpu.memory_space<vmem>>, vector<1000x256xf32>
    %get3A_2 = arith.constant 0 : index
    %get3A_3 = arith.constant 0 : index
    %get3A_4 = vector.load %arg2[%get3A_2, %get3A_3] : memref<1000x256xf32, #tpu.memory_space<vmem>>, vector<1000x256xf32>
    %get3A_5 = arith.constant 0 : index
    %get3A_6 = arith.constant 0 : index
    %get3A_7 = vector.load %arg3[%get3A_5, %get3A_6] : memref<1000x16xf32, #tpu.memory_space<vmem>>, vector<1000x16xf32>
    %slice3A = vector.extract_strided_slice %get3A_1 {offsets = [0, 128], sizes = [1000, 16], strides = [1, 1]} : vector<1000x256xf32> to vector<1000x16xf32>
    %slice3A_8 = vector.extract_strided_slice %get3A_4 {offsets = [0, 128], sizes = [1000, 16], strides = [1, 1]} : vector<1000x256xf32> to vector<1000x16xf32>
    %sub3A = arith.subf %slice3A, %slice3A_8 : vector<1000x16xf32>
    %get3A_9 = arith.constant 0 : index
    %get3A_10 = arith.constant 0 : index
    %get3A_11 = vector.load %arg31[%get3A_9, %get3A_10] : memref<1x16xf32, #tpu.memory_space<vmem>>, vector<1x16xf32>
    %mul3A = vector.broadcast %get3A_11 : vector<1x16xf32> to vector<1000x16xf32>
    %mul3A_12 = arith.mulf %sub3A, %mul3A : vector<1000x16xf32>
    %mul3A_13 = arith.mulf %mul3A_12, %mul3A_12 : vector<1000x16xf32>
    %reduce_sum3A = arith.constant dense<0.000000e+00> : vector<1000xf32>
    %reduce_sum3A_14 = vector.multi_reduction <add>, %mul3A_13, %reduce_sum3A [1] : vector<1000x16xf32> to vector<1000xf32>
    %broadcast_in_dim3A = vector.shape_cast %reduce_sum3A_14 : vector<1000xf32> to vector<1000x1xf32>
    %sqrt3A = math.sqrt %broadcast_in_dim3A : vector<1000x1xf32>
    %add3A = arith.constant 9.99999993E-9 : f32
    %add3A_15 = vector.broadcast %add3A : f32 to vector<1000x1xf32>
    %add3A_16 = arith.addf %sqrt3A, %add3A_15 : vector<1000x1xf32>
    %div3A = vector.broadcast %add3A_16 : vector<1000x1xf32> to vector<1000x16xf32>
    %div3A_17 = arith.divf %mul3A_12, %div3A : vector<1000x16xf32>
    %mul3A_18 = arith.mulf %div3A_17, %div3A_17 : vector<1000x16xf32>
    %reduce_sum3A_19 = arith.constant dense<0.000000e+00> : vector<1000xf32>
    %reduce_sum3A_20 = vector.multi_reduction <add>, %mul3A_18, %reduce_sum3A_19 [1] : vector<1000x16xf32> to vector<1000xf32>
    %broadcast_in_dim3A_21 = vector.shape_cast %reduce_sum3A_20 : vector<1000xf32> to vector<1000x1xf32>
    %get3A_22 = arith.constant 0 : index
    %get3A_23 = arith.constant 0 : index
    %get3A_24 = vector.load %arg30[%get3A_22, %get3A_23] : memref<1x15xf32, #tpu.memory_space<vmem>>, vector<1x15xf32>
    %mul3A_25 = vector.broadcast %broadcast_in_dim3A_21 : vector<1000x1xf32> to vector<1000x15xf32>
    %mul3A_26 = vector.broadcast %get3A_24 : vector<1x15xf32> to vector<1000x15xf32>
    %mul3A_27 = arith.mulf %mul3A_25, %mul3A_26 : vector<1000x15xf32>
    %exp3A = math.exp %mul3A_27 : vector<1000x15xf32>
    %mul3A_28 = arith.mulf %get3A_1, %get3A_4 : vector<1000x256xf32>
    %get3A_29 = arith.constant 0 : index
    %get3A_30 = arith.constant 0 : index
    %get3A_31 = vector.load %arg33[%get3A_29, %get3A_30] : memref<256x5xf32, #tpu.memory_space<vmem>>, vector<256x5xf32>
    %dot_general3A = arith.constant dense<0.000000e+00> : vector<1000x5xf32>
    %dot_general3A_32 = tpu.matmul %mul3A_28, %get3A_31, %dot_general3A {dimension_numbers = #tpu.dot_dimension_numbers<[1], [0], [0], [1], [0, 0, 1, 1], [], []>, transpose_lhs_hint = false} : vector<1000x256xf32>, vector<256x5xf32>, vector<1000x5xf32> -> vector<1000x5xf32>
    %get3A_33 = arith.constant 0 : index
    %get3A_34 = arith.constant 0 : index
    %get3A_35 = vector.load %arg8[%get3A_33, %get3A_34] : memref<5x128xf32, #tpu.memory_space<vmem>>, vector<5x128xf32>
    %dot_general3A_36 = arith.constant dense<0.000000e+00> : vector<1000x128xf32>
    %dot_general3A_37 = tpu.matmul %dot_general3A_32, %get3A_35, %dot_general3A_36 {dimension_numbers = #tpu.dot_dimension_numbers<[1], [0], [0], [1], [0, 0, 1, 1], [], []>, transpose_lhs_hint = false} : vector<1000x5xf32>, vector<5x128xf32>, vector<1000x128xf32> -> vector<1000x128xf32>
    %get3A_38 = arith.constant 0 : index
    %get3A_39 = arith.constant 0 : index
    %get3A_40 = vector.load %arg9[%get3A_38, %get3A_39] : memref<15x128xf32, #tpu.memory_space<vmem>>, vector<15x128xf32>
    %dot_general3A_41 = arith.constant dense<0.000000e+00> : vector<1000x128xf32>
    %dot_general3A_42 = tpu.matmul %exp3A, %get3A_40, %dot_general3A_41 {dimension_numbers = #tpu.dot_dimension_numbers<[1], [0], [0], [1], [0, 0, 1, 1], [], []>, transpose_lhs_hint = false} : vector<1000x15xf32>, vector<15x128xf32>, vector<1000x128xf32> -> vector<1000x128xf32>
    %add3A_43 = arith.addf %dot_general3A_37, %dot_general3A_42 : vector<1000x128xf32>
    %get3A_44 = arith.constant 0 : index
    %get3A_45 = arith.constant 0 : index
    %get3A_46 = vector.load %arg10[%get3A_44, %get3A_45] : memref<16x128xf32, #tpu.memory_space<vmem>>, vector<16x128xf32>
    %dot_general3A_47 = arith.constant dense<0.000000e+00> : vector<1000x128xf32>
    %dot_general3A_48 = tpu.matmul %get3A_7, %get3A_46, %dot_general3A_47 {dimension_numbers = #tpu.dot_dimension_numbers<[1], [0], [0], [1], [0, 0, 1, 1], [], []>, transpose_lhs_hint = false} : vector<1000x16xf32>, vector<16x128xf32>, vector<1000x128xf32> -> vector<1000x128xf32>
    %add3A_49 = arith.addf %add3A_43, %dot_general3A_48 : vector<1000x128xf32>
    %get3A_50 = arith.constant 0 : index
    %get3A_51 = arith.constant 0 : index
    %get3A_52 = vector.load %arg11[%get3A_50, %get3A_51] : memref<1x128xf32, #tpu.memory_space<vmem>>, vector<1x128xf32>
    %add3A_53 = vector.broadcast %get3A_52 : vector<1x128xf32> to vector<1000x128xf32>
    %add3A_54 = arith.addf %add3A_49, %add3A_53 : vector<1000x128xf32>
    %logistic3A = arith.negf %add3A_54 : vector<1000x128xf32>
    %logistic3A_55 = math.exp %logistic3A : vector<1000x128xf32>
    %logistic3A_56 = arith.constant 1.000000e+00 : f32
    %logistic3A_57 = vector.broadcast %logistic3A_56 : f32 to vector<1000x128xf32>
    %logistic3A_58 = arith.addf %logistic3A_57, %logistic3A_55 : vector<1000x128xf32>
    %logistic3A_59 = arith.divf %logistic3A_57, %logistic3A_58 : vector<1000x128xf32>
    %mul3A_60 = arith.mulf %add3A_54, %logistic3A_59 : vector<1000x128xf32>
    %get3A_61 = arith.constant 0 : index
    %get3A_62 = arith.constant 0 : index
    %get3A_63 = vector.load %arg12[%get3A_61, %get3A_62] : memref<128x128xf32, #tpu.memory_space<vmem>>, vector<128x128xf32>
    %dot_general3A_64 = arith.constant dense<0.000000e+00> : vector<1000x128xf32>
    %dot_general3A_65 = tpu.matmul %mul3A_60, %get3A_63, %dot_general3A_64 {dimension_numbers = #tpu.dot_dimension_numbers<[1], [0], [0], [1], [0, 0, 1, 1], [], []>, transpose_lhs_hint = false} : vector<1000x128xf32>, vector<128x128xf32>, vector<1000x128xf32> -> vector<1000x128xf32>
    %get3A_66 = arith.constant 0 : index
    %get3A_67 = arith.constant 0 : index
    %get3A_68 = vector.load %arg13[%get3A_66, %get3A_67] : memref<1x128xf32, #tpu.memory_space<vmem>>, vector<1x128xf32>
    %add3A_69 = vector.broadcast %get3A_68 : vector<1x128xf32> to vector<1000x128xf32>
    %add3A_70 = arith.addf %dot_general3A_65, %add3A_69 : vector<1000x128xf32>
    %logistic3A_71 = arith.negf %add3A_70 : vector<1000x128xf32>
    %logistic3A_72 = math.exp %logistic3A_71 : vector<1000x128xf32>
    %logistic3A_73 = arith.constant 1.000000e+00 : f32
    %logistic3A_74 = vector.broadcast %logistic3A_73 : f32 to vector<1000x128xf32>
    %logistic3A_75 = arith.addf %logistic3A_74, %logistic3A_72 : vector<1000x128xf32>
    %logistic3A_76 = arith.divf %logistic3A_74, %logistic3A_75 : vector<1000x128xf32>
    %mul3A_77 = arith.mulf %add3A_70, %logistic3A_76 : vector<1000x128xf32>
    %slice3A_78 = vector.extract_strided_slice %get3A_1 {offsets = [0, 0], sizes = [1000, 128], strides = [1, 1]} : vector<1000x256xf32> to vector<1000x128xf32>
    %slice3A_79 = vector.extract_strided_slice %get3A_4 {offsets = [0, 0], sizes = [1000, 128], strides = [1, 1]} : vector<1000x256xf32> to vector<1000x128xf32>
    %add3A_80 = arith.addf %slice3A_78, %slice3A_79 : vector<1000x128xf32>
    %get3A_81 = arith.constant 0 : index
    %get3A_82 = arith.constant 0 : index
    %get3A_83 = vector.load %arg4[%get3A_81, %get3A_82] : memref<16x128xf32, #tpu.memory_space<vmem>>, vector<16x128xf32>
    %dot_general3A_84 = arith.constant dense<0.000000e+00> : vector<1000x128xf32>
    %dot_general3A_85 = tpu.matmul %get3A_7, %get3A_83, %dot_general3A_84 {dimension_numbers = #tpu.dot_dimension_numbers<[1], [0], [0], [1], [0, 0, 1, 1], [], []>, transpose_lhs_hint = false} : vector<1000x16xf32>, vector<16x128xf32>, vector<1000x128xf32> -> vector<1000x128xf32>
    %add3A_86 = arith.addf %add3A_80, %dot_general3A_85 : vector<1000x128xf32>
    %get3A_87 = arith.constant 0 : index
    %get3A_88 = arith.constant 0 : index
    %get3A_89 = vector.load %arg5[%get3A_87, %get3A_88] : memref<1x128xf32, #tpu.memory_space<vmem>>, vector<1x128xf32>
    %add3A_90 = vector.broadcast %get3A_89 : vector<1x128xf32> to vector<1000x128xf32>
    %add3A_91 = arith.addf %add3A_86, %add3A_90 : vector<1000x128xf32>
    %logistic3A_92 = arith.negf %add3A_91 : vector<1000x128xf32>
    %logistic3A_93 = math.exp %logistic3A_92 : vector<1000x128xf32>
    %logistic3A_94 = arith.constant 1.000000e+00 : f32
    %logistic3A_95 = vector.broadcast %logistic3A_94 : f32 to vector<1000x128xf32>
    %logistic3A_96 = arith.addf %logistic3A_95, %logistic3A_93 : vector<1000x128xf32>
    %logistic3A_97 = arith.divf %logistic3A_95, %logistic3A_96 : vector<1000x128xf32>
    %mul3A_98 = arith.mulf %add3A_91, %logistic3A_97 : vector<1000x128xf32>
    %get3A_99 = arith.constant 0 : index
    %get3A_100 = arith.constant 0 : index
    %get3A_101 = vector.load %arg6[%get3A_99, %get3A_100] : memref<128x128xf32, #tpu.memory_space<vmem>>, vector<128x128xf32>
    %dot_general3A_102 = arith.constant dense<0.000000e+00> : vector<1000x128xf32>
    %dot_general3A_103 = tpu.matmul %mul3A_98, %get3A_101, %dot_general3A_102 {dimension_numbers = #tpu.dot_dimension_numbers<[1], [0], [0], [1], [0, 0, 1, 1], [], []>, transpose_lhs_hint = false} : vector<1000x128xf32>, vector<128x128xf32>, vector<1000x128xf32> -> vector<1000x128xf32>
    %get3A_104 = arith.constant 0 : index
    %get3A_105 = arith.constant 0 : index
    %get3A_106 = vector.load %arg7[%get3A_104, %get3A_105] : memref<1x128xf32, #tpu.memory_space<vmem>>, vector<1x128xf32>
    %add3A_107 = vector.broadcast %get3A_106 : vector<1x128xf32> to vector<1000x128xf32>
    %add3A_108 = arith.addf %dot_general3A_103, %add3A_107 : vector<1000x128xf32>
    %logistic3A_109 = arith.negf %add3A_108 : vector<1000x128xf32>
    %logistic3A_110 = math.exp %logistic3A_109 : vector<1000x128xf32>
    %logistic3A_111 = arith.constant 1.000000e+00 : f32
    %logistic3A_112 = vector.broadcast %logistic3A_111 : f32 to vector<1000x128xf32>
    %logistic3A_113 = arith.addf %logistic3A_112, %logistic3A_110 : vector<1000x128xf32>
    %logistic3A_114 = arith.divf %logistic3A_112, %logistic3A_113 : vector<1000x128xf32>
    %mul3A_115 = arith.mulf %add3A_108, %logistic3A_114 : vector<1000x128xf32>
    %get3A_116 = arith.constant 0 : index
    %get3A_117 = arith.constant 0 : index
    %get3A_118 = vector.load %arg14[%get3A_116, %get3A_117] : memref<128x128xf32, #tpu.memory_space<vmem>>, vector<128x128xf32>
    %dot_general3A_119 = arith.constant dense<0.000000e+00> : vector<1000x128xf32>
    %dot_general3A_120 = tpu.matmul %mul3A_115, %get3A_118, %dot_general3A_119 {dimension_numbers = #tpu.dot_dimension_numbers<[1], [0], [0], [1], [0, 0, 1, 1], [], []>, transpose_lhs_hint = false} : vector<1000x128xf32>, vector<128x128xf32>, vector<1000x128xf32> -> vector<1000x128xf32>
    %get3A_121 = arith.constant 0 : index
    %get3A_122 = arith.constant 0 : index
    %get3A_123 = vector.load %arg15[%get3A_121, %get3A_122] : memref<1x128xf32, #tpu.memory_space<vmem>>, vector<1x128xf32>
    %add3A_124 = vector.broadcast %get3A_123 : vector<1x128xf32> to vector<1000x128xf32>
    %add3A_125 = arith.addf %dot_general3A_120, %add3A_124 : vector<1000x128xf32>
    %logistic3A_126 = arith.negf %add3A_125 : vector<1000x128xf32>
    %logistic3A_127 = math.exp %logistic3A_126 : vector<1000x128xf32>
    %logistic3A_128 = arith.constant 1.000000e+00 : f32
    %logistic3A_129 = vector.broadcast %logistic3A_128 : f32 to vector<1000x128xf32>
    %logistic3A_130 = arith.addf %logistic3A_129, %logistic3A_127 : vector<1000x128xf32>
    %logistic3A_131 = arith.divf %logistic3A_129, %logistic3A_130 : vector<1000x128xf32>
    %mul3A_132 = arith.mulf %add3A_125, %logistic3A_131 : vector<1000x128xf32>
    %mul3A_133 = arith.mulf %mul3A_132, %mul3A_77 : vector<1000x128xf32>
    %get3A_134 = arith.constant 0 : index
    %get3A_135 = arith.constant 0 : index
    %get3A_136 = vector.load %arg16[%get3A_134, %get3A_135] : memref<128x1xf32, #tpu.memory_space<vmem>>, vector<128x1xf32>
    %dot_general3A_137 = arith.constant dense<0.000000e+00> : vector<1000x1xf32>
    %dot_general3A_138 = tpu.matmul %mul3A_133, %get3A_136, %dot_general3A_137 {dimension_numbers = #tpu.dot_dimension_numbers<[1], [0], [0], [1], [0, 0, 1, 1], [], []>, transpose_lhs_hint = false} : vector<1000x128xf32>, vector<128x1xf32>, vector<1000x1xf32> -> vector<1000x1xf32>
    %get3A_139 = arith.constant 0 : index
    %get3A_140 = arith.constant 0 : index
    %get3A_141 = vector.load %arg17[%get3A_139, %get3A_140] : memref<1x1xf32, #tpu.memory_space<vmem>>, vector<1x1xf32>
    %add3A_142 = vector.broadcast %get3A_141 : vector<1x1xf32> to vector<1000x1xf32>
    %add3A_143 = arith.addf %dot_general3A_138, %add3A_142 : vector<1000x1xf32>
    %logistic3A_144 = arith.negf %add3A_143 : vector<1000x1xf32>
    %logistic3A_145 = math.exp %logistic3A_144 : vector<1000x1xf32>
    %logistic3A_146 = arith.constant 1.000000e+00 : f32
    %logistic3A_147 = vector.broadcast %logistic3A_146 : f32 to vector<1000x1xf32>
    %logistic3A_148 = arith.addf %logistic3A_147, %logistic3A_145 : vector<1000x1xf32>
    %logistic3A_149 = arith.divf %logistic3A_147, %logistic3A_148 : vector<1000x1xf32>
    %mul3A_150 = vector.broadcast %logistic3A_149 : vector<1000x1xf32> to vector<1000x128xf32>
    %mul3A_151 = arith.mulf %mul3A_133, %mul3A_150 : vector<1000x128xf32>
    %swap3A = arith.constant 0 : index
    %swap3A_152 = arith.constant 0 : index
    %swap3A_153 = vector.load %arg37[%swap3A, %swap3A_152] : memref<1000x128xf32, #tpu.memory_space<vmem>>, vector<1000x128xf32>
    tpu.vector_store %arg37[%swap3A, %swap3A_152], %mul3A_151 {strides = array<i32>} : memref<1000x128xf32, #tpu.memory_space<vmem>>, vector<1000x128xf32>,
    %get3A_154 = arith.constant 0 : index
    %get3A_155 = arith.constant 0 : index
    %get3A_156 = vector.load %arg18[%get3A_154, %get3A_155] : memref<128x512xf32, #tpu.memory_space<vmem>>, vector<128x512xf32>
    %dot_general3A_157 = arith.constant dense<0.000000e+00> : vector<1000x512xf32>
    %dot_general3A_158 = tpu.matmul %mul3A_151, %get3A_156, %dot_general3A_157 {dimension_numbers = #tpu.dot_dimension_numbers<[1], [0], [0], [1], [0, 0, 1, 1], [], []>, transpose_lhs_hint = false} : vector<1000x128xf32>, vector<128x512xf32>, vector<1000x512xf32> -> vector<1000x512xf32>
    %swap3A_159 = arith.constant 0 : index
    %swap3A_160 = arith.constant 0 : index
    %swap3A_161 = vector.load %arg34[%swap3A_159, %swap3A_160] : memref<1000x512xf32, #tpu.memory_space<vmem>>, vector<1000x512xf32>
    tpu.vector_store %arg34[%swap3A_159, %swap3A_160], %dot_general3A_158 {strides = array<i32>} : memref<1000x512xf32, #tpu.memory_space<vmem>>, vector<1000x512xf32>,
    %get3A_162 = arith.constant 0 : index
    %get3A_163 = arith.constant 0 : index
    %get3A_164 = vector.load %arg19[%get3A_162, %get3A_163] : memref<128x512xf32, #tpu.memory_space<vmem>>, vector<128x512xf32>
    %dot_general3A_165 = arith.constant dense<0.000000e+00> : vector<1000x512xf32>
    %dot_general3A_166 = tpu.matmul %mul3A_151, %get3A_164, %dot_general3A_165 {dimension_numbers = #tpu.dot_dimension_numbers<[1], [0], [0], [1], [0, 0, 1, 1], [], []>, transpose_lhs_hint = false} : vector<1000x128xf32>, vector<128x512xf32>, vector<1000x512xf32> -> vector<1000x512xf32>
    %swap3A_167 = arith.constant 0 : index
    %swap3A_168 = arith.constant 0 : index
    %swap3A_169 = vector.load %arg35[%swap3A_167, %swap3A_168] : memref<1000x512xf32, #tpu.memory_space<vmem>>, vector<1000x512xf32>
    tpu.vector_store %arg35[%swap3A_167, %swap3A_168], %dot_general3A_166 {strides = array<i32>} : memref<1000x512xf32, #tpu.memory_space<vmem>>, vector<1000x512xf32>,
    %get3A_170 = arith.constant 0 : index
    %get3A_171 = arith.constant 0 : index
    %get3A_172 = vector.load %arg20[%get3A_170, %get3A_171] : memref<128x512xf32, #tpu.memory_space<vmem>>, vector<128x512xf32>
    %dot_general3A_173 = arith.constant dense<0.000000e+00> : vector<1000x512xf32>
    %dot_general3A_174 = tpu.matmul %mul3A_151, %get3A_172, %dot_general3A_173 {dimension_numbers = #tpu.dot_dimension_numbers<[1], [0], [0], [1], [0, 0, 1, 1], [], []>, transpose_lhs_hint = false} : vector<1000x128xf32>, vector<128x512xf32>, vector<1000x512xf32> -> vector<1000x512xf32>
    %swap3A_175 = arith.constant 0 : index
    %swap3A_176 = arith.constant 0 : index
    %swap3A_177 = vector.load %arg36[%swap3A_175, %swap3A_176] : memref<1000x512xf32, #tpu.memory_space<vmem>>, vector<1000x512xf32>
    tpu.vector_store %arg36[%swap3A_175, %swap3A_176], %dot_general3A_174 {strides = array<i32>} : memref<1000x512xf32, #tpu.memory_space<vmem>>, vector<1000x512xf32>,
    %get3A_178 = arith.constant 0 : index
    %get3A_179 = arith.constant 0 : index
    %get3A_180 = vector.load %arg21[%get3A_178, %get3A_179] : memref<128x128xf32, #tpu.memory_space<vmem>>, vector<128x128xf32>
    %dot_general3A_181 = arith.constant dense<0.000000e+00> : vector<1000x128xf32>
    %dot_general3A_182 = tpu.matmul %mul3A_151, %get3A_180, %dot_general3A_181 {dimension_numbers = #tpu.dot_dimension_numbers<[1], [0], [0], [1], [0, 0, 1, 1], [], []>, transpose_lhs_hint = false} : vector<1000x128xf32>, vector<128x128xf32>, vector<1000x128xf32> -> vector<1000x128xf32>
    %swap3A_183 = arith.constant 0 : index
    %swap3A_184 = arith.constant 0 : index
    %swap3A_185 = vector.load %arg38[%swap3A_183, %swap3A_184] : memref<1000x128xf32, #tpu.memory_space<vmem>>, vector<1000x128xf32>
    tpu.vector_store %arg38[%swap3A_183, %swap3A_184], %dot_general3A_182 {strides = array<i32>} : memref<1000x128xf32, #tpu.memory_space<vmem>>, vector<1000x128xf32>,
    %get3A_186 = arith.constant 0 : index
    %get3A_187 = arith.constant 0 : index
    %get3A_188 = vector.load %arg22[%get3A_186, %get3A_187] : memref<128x128xf32, #tpu.memory_space<vmem>>, vector<128x128xf32>
    %dot_general3A_189 = arith.constant dense<0.000000e+00> : vector<1000x128xf32>
    %dot_general3A_190 = tpu.matmul %mul3A_115, %get3A_188, %dot_general3A_189 {dimension_numbers = #tpu.dot_dimension_numbers<[1], [0], [0], [1], [0, 0, 1, 1], [], []>, transpose_lhs_hint = false} : vector<1000x128xf32>, vector<128x128xf32>, vector<1000x128xf32> -> vector<1000x128xf32>
    %get3A_191 = arith.constant 0 : index
    %get3A_192 = arith.constant 0 : index
    %get3A_193 = vector.load %arg23[%get3A_191, %get3A_192] : memref<1x128xf32, #tpu.memory_space<vmem>>, vector<1x128xf32>
    %add3A_194 = vector.broadcast %get3A_193 : vector<1x128xf32> to vector<1000x128xf32>
    %add3A_195 = arith.addf %dot_general3A_190, %add3A_194 : vector<1000x128xf32>
    %logistic3A_196 = arith.negf %add3A_195 : vector<1000x128xf32>
    %logistic3A_197 = math.exp %logistic3A_196 : vector<1000x128xf32>
    %logistic3A_198 = arith.constant 1.000000e+00 : f32
    %logistic3A_199 = vector.broadcast %logistic3A_198 : f32 to vector<1000x128xf32>
    %logistic3A_200 = arith.addf %logistic3A_199, %logistic3A_197 : vector<1000x128xf32>
    %logistic3A_201 = arith.divf %logistic3A_199, %logistic3A_200 : vector<1000x128xf32>
    %mul3A_202 = arith.mulf %add3A_195, %logistic3A_201 : vector<1000x128xf32>
    %get3A_203 = arith.constant 0 : index
    %get3A_204 = arith.constant 0 : index
    %get3A_205 = vector.load %arg24[%get3A_203, %get3A_204] : memref<128x1xf32, #tpu.memory_space<vmem>>, vector<128x1xf32>
    %dot_general3A_206 = arith.constant dense<0.000000e+00> : vector<1000x1xf32>
    %dot_general3A_207 = tpu.matmul %mul3A_202, %get3A_205, %dot_general3A_206 {dimension_numbers = #tpu.dot_dimension_numbers<[1], [0], [0], [1], [0, 0, 1, 1], [], []>, transpose_lhs_hint = false} : vector<1000x128xf32>, vector<128x1xf32>, vector<1000x1xf32> -> vector<1000x1xf32>
    %get3A_208 = arith.constant 0 : index
    %get3A_209 = arith.constant 0 : index
    %get3A_210 = vector.load %arg25[%get3A_208, %get3A_209] : memref<1x1xf32, #tpu.memory_space<vmem>>, vector<1x1xf32>
    %add3A_211 = vector.broadcast %get3A_210 : vector<1x1xf32> to vector<1000x1xf32>
    %add3A_212 = arith.addf %dot_general3A_207, %add3A_211 : vector<1000x1xf32>
    %get3A_213 = arith.constant 0 : index
    %get3A_214 = arith.constant 0 : index
    %get3A_215 = vector.load %arg26[%get3A_213, %get3A_214] : memref<128x128xf32, #tpu.memory_space<vmem>>, vector<128x128xf32>
    %dot_general3A_216 = arith.constant dense<0.000000e+00> : vector<1000x128xf32>
    %dot_general3A_217 = tpu.matmul %mul3A_77, %get3A_215, %dot_general3A_216 {dimension_numbers = #tpu.dot_dimension_numbers<[1], [0], [0], [1], [0, 0, 1, 1], [], []>, transpose_lhs_hint = false} : vector<1000x128xf32>, vector<128x128xf32>, vector<1000x128xf32> -> vector<1000x128xf32>
    %get3A_218 = arith.constant 0 : index
    %get3A_219 = arith.constant 0 : index
    %get3A_220 = vector.load %arg27[%get3A_218, %get3A_219] : memref<1x128xf32, #tpu.memory_space<vmem>>, vector<1x128xf32>
    %add3A_221 = vector.broadcast %get3A_220 : vector<1x128xf32> to vector<1000x128xf32>
    %add3A_222 = arith.addf %dot_general3A_217, %add3A_221 : vector<1000x128xf32>
    %logistic3A_223 = arith.negf %add3A_222 : vector<1000x128xf32>
    %logistic3A_224 = math.exp %logistic3A_223 : vector<1000x128xf32>
    %logistic3A_225 = arith.constant 1.000000e+00 : f32
    %logistic3A_226 = vector.broadcast %logistic3A_225 : f32 to vector<1000x128xf32>
    %logistic3A_227 = arith.addf %logistic3A_226, %logistic3A_224 : vector<1000x128xf32>
    %logistic3A_228 = arith.divf %logistic3A_226, %logistic3A_227 : vector<1000x128xf32>
    %mul3A_229 = arith.mulf %add3A_222, %logistic3A_228 : vector<1000x128xf32>
    %get3A_230 = arith.constant 0 : index
    %get3A_231 = arith.constant 0 : index
    %get3A_232 = vector.load %arg28[%get3A_230, %get3A_231] : memref<128x1xf32, #tpu.memory_space<vmem>>, vector<128x1xf32>
    %dot_general3A_233 = arith.constant dense<0.000000e+00> : vector<1000x1xf32>
    %dot_general3A_234 = tpu.matmul %mul3A_229, %get3A_232, %dot_general3A_233 {dimension_numbers = #tpu.dot_dimension_numbers<[1], [0], [0], [1], [0, 0, 1, 1], [], []>, transpose_lhs_hint = false} : vector<1000x128xf32>, vector<128x1xf32>, vector<1000x1xf32> -> vector<1000x1xf32>
    %get3A_235 = arith.constant 0 : index
    %get3A_236 = arith.constant 0 : index
    %get3A_237 = vector.load %arg29[%get3A_235, %get3A_236] : memref<1x1xf32, #tpu.memory_space<vmem>>, vector<1x1xf32>
    %add3A_238 = vector.broadcast %get3A_237 : vector<1x1xf32> to vector<1000x1xf32>
    %add3A_239 = arith.addf %dot_general3A_234, %add3A_238 : vector<1000x1xf32>
    %mul3A_240 = arith.mulf %add3A_212, %add3A_239 : vector<1000x1xf32>
    %mul3A_241 = vector.broadcast %mul3A_240 : vector<1000x1xf32> to vector<1000x16xf32>
    %mul3A_242 = arith.mulf %div3A_17, %mul3A_241 : vector<1000x16xf32>
    %broadcast_in_dim3A_243 = arith.constant 0.000000e+00 : f32
    %broadcast_in_dim3A_244 = vector.broadcast %broadcast_in_dim3A_243 : f32 to vector<1000x112xf32>
    %concatenate3A = tpu.concatenate %mul3A_242, %broadcast_in_dim3A_244 in 1 : vector<1000x16xf32>, vector<1000x112xf32> -> vector<1000x128xf32>
    %get3A_245 = arith.constant 0 : index
    %get3A_246 = arith.constant 0 : index
    %get3A_247 = vector.load %arg32[%get3A_245, %get3A_246] : memref<1x128xf32, #tpu.memory_space<vmem>>, vector<1x128xf32>
    %add3A_248 = vector.broadcast %get3A_247 : vector<1x128xf32> to vector<1000x128xf32>
    %add3A_249 = arith.addf %concatenate3A, %add3A_248 : vector<1000x128xf32>
    %swap3A_250 = arith.constant 0 : index
    %swap3A_251 = arith.constant 0 : index
    %swap3A_252 = vector.load %arg39[%swap3A_250, %swap3A_251] : memref<1000x128xf32, #tpu.memory_space<vmem>>, vector<1000x128xf32>
    tpu.vector_store %arg39[%swap3A_250, %swap3A_251], %add3A_249 {strides = array<i32>} : memref<1000x128xf32, #tpu.memory_space<vmem>>, vector<1000x128xf32>,
    return
  }
  func.func @transform_0(%arg0: i32) -> (i32, i32) {
    %c0_i32 = arith.constant 0 : i32
    %c0_i32_0 = arith.constant 0 : i32
    return %arg0, %c0_i32 : i32, i32
  }
  func.func @transform_1(%arg0: i32) -> (i32, i32) {
    %c0_i32 = arith.constant 0 : i32
    %c0_i32_0 = arith.constant 0 : i32
    return %arg0, %c0_i32 : i32, i32
  }
  func.func @transform_2(%arg0: i32) -> (i32, i32) {
    %c0_i32 = arith.constant 0 : i32
    %c0_i32_0 = arith.constant 0 : i32
    return %arg0, %c0_i32 : i32, i32
  }
  func.func @transform_3(%arg0: i32) -> (i32, i32) {
    %c0_i32 = arith.constant 0 : i32
    %c0_i32_0 = arith.constant 0 : i32
    %c0_i32_1 = arith.constant 0 : i32
    return %c0_i32, %c0_i32_0 : i32, i32
  }
  func.func @transform_4(%arg0: i32) -> (i32, i32) {
    %c0_i32 = arith.constant 0 : i32
    %c0_i32_0 = arith.constant 0 : i32
    %c0_i32_1 = arith.constant 0 : i32
    return %c0_i32, %c0_i32_0 : i32, i32
  }
  func.func @transform_5(%arg0: i32) -> (i32, i32) {
    %c0_i32 = arith.constant 0 : i32
    %c0_i32_0 = arith.constant 0 : i32
    %c0_i32_1 = arith.constant 0 : i32
    return %c0_i32, %c0_i32_0 : i32, i32
  }
  func.func @transform_6(%arg0: i32) -> (i32, i32) {
    %c0_i32 = arith.constant 0 : i32
    %c0_i32_0 = arith.constant 0 : i32
    %c0_i32_1 = arith.constant 0 : i32
    return %c0_i32, %c0_i32_0 : i32, i32
  }
  func.func @transform_7(%arg0: i32) -> (i32, i32) {
    %c0_i32 = arith.constant 0 : i32
    %c0_i32_0 = arith.constant 0 : i32
    %c0_i32_1 = arith.constant 0 : i32
    return %c0_i32, %c0_i32_0 : i32, i32
  }
  func.func @transform_8(%arg0: i32) -> (i32, i32) {
    %c0_i32 = arith.constant 0 : i32
    %c0_i32_0 = arith.constant 0 : i32
    %c0_i32_1 = arith.constant 0 : i32
    return %c0_i32, %c0_i32_0 : i32, i32
  }
  func.func @transform_9(%arg0: i32) -> (i32, i32) {
    %c0_i32 = arith.constant 0 : i32
    %c0_i32_0 = arith.constant 0 : i32
    %c0_i32_1 = arith.constant 0 : i32
    return %c0_i32, %c0_i32_0 : i32, i32
  }
  func.func @transform_10(%arg0: i32) -> (i32, i32) {
    %c0_i32 = arith.constant 0 : i32
    %c0_i32_0 = arith.constant 0 : i32
    %c0_i32_1 = arith.constant 0 : i32
    return %c0_i32, %c0_i32_0 : i32, i32
  }
  func.func @transform_11(%arg0: i32) -> (i32, i32) {
    %c0_i32 = arith.constant 0 : i32
    %c0_i32_0 = arith.constant 0 : i32
    %c0_i32_1 = arith.constant 0 : i32
    return %c0_i32, %c0_i32_0 : i32, i32
  }
  func.func @transform_12(%arg0: i32) -> (i32, i32) {
    %c0_i32 = arith.constant 0 : i32
    %c0_i32_0 = arith.constant 0 : i32
    %c0_i32_1 = arith.constant 0 : i32
    return %c0_i32, %c0_i32_0 : i32, i32
  }
  func.func @transform_13(%arg0: i32) -> (i32, i32) {
    %c0_i32 = arith.constant 0 : i32
    %c0_i32_0 = arith.constant 0 : i32
    %c0_i32_1 = arith.constant 0 : i32
    return %c0_i32, %c0_i32_0 : i32, i32
  }
  func.func @transform_14(%arg0: i32) -> (i32, i32) {
    %c0_i32 = arith.constant 0 : i32
    %c0_i32_0 = arith.constant 0 : i32
    %c0_i32_1 = arith.constant 0 : i32
    return %c0_i32, %c0_i32_0 : i32, i32
  }
  func.func @transform_15(%arg0: i32) -> (i32, i32) {
    %c0_i32 = arith.constant 0 : i32
    %c0_i32_0 = arith.constant 0 : i32
    %c0_i32_1 = arith.constant 0 : i32
    return %c0_i32, %c0_i32_0 : i32, i32
  }
  func.func @transform_16(%arg0: i32) -> (i32, i32) {
    %c0_i32 = arith.constant 0 : i32
    %c0_i32_0 = arith.constant 0 : i32
    %c0_i32_1 = arith.constant 0 : i32
    return %c0_i32, %c0_i32_0 : i32, i32
  }
  func.func @transform_17(%arg0: i32) -> (i32, i32) {
    %c0_i32 = arith.constant 0 : i32
    %c0_i32_0 = arith.constant 0 : i32
    %c0_i32_1 = arith.constant 0 : i32
    return %c0_i32, %c0_i32_0 : i32, i32
  }
  func.func @transform_18(%arg0: i32) -> (i32, i32) {
    %c0_i32 = arith.constant 0 : i32
    %c0_i32_0 = arith.constant 0 : i32
    %c0_i32_1 = arith.constant 0 : i32
    return %c0_i32, %c0_i32_0 : i32, i32
  }
  func.func @transform_19(%arg0: i32) -> (i32, i32) {
    %c0_i32 = arith.constant 0 : i32
    %c0_i32_0 = arith.constant 0 : i32
    %c0_i32_1 = arith.constant 0 : i32
    return %c0_i32, %c0_i32_0 : i32, i32
  }
  func.func @transform_20(%arg0: i32) -> (i32, i32) {
    %c0_i32 = arith.constant 0 : i32
    %c0_i32_0 = arith.constant 0 : i32
    %c0_i32_1 = arith.constant 0 : i32
    return %c0_i32, %c0_i32_0 : i32, i32
  }
  func.func @transform_21(%arg0: i32) -> (i32, i32) {
    %c0_i32 = arith.constant 0 : i32
    %c0_i32_0 = arith.constant 0 : i32
    %c0_i32_1 = arith.constant 0 : i32
    return %c0_i32, %c0_i32_0 : i32, i32
  }
  func.func @transform_22(%arg0: i32) -> (i32, i32) {
    %c0_i32 = arith.constant 0 : i32
    %c0_i32_0 = arith.constant 0 : i32
    %c0_i32_1 = arith.constant 0 : i32
    return %c0_i32, %c0_i32_0 : i32, i32
  }
  func.func @transform_23(%arg0: i32) -> (i32, i32) {
    %c0_i32 = arith.constant 0 : i32
    %c0_i32_0 = arith.constant 0 : i32
    %c0_i32_1 = arith.constant 0 : i32
    return %c0_i32, %c0_i32_0 : i32, i32
  }
  func.func @transform_24(%arg0: i32) -> (i32, i32) {
    %c0_i32 = arith.constant 0 : i32
    %c0_i32_0 = arith.constant 0 : i32
    %c0_i32_1 = arith.constant 0 : i32
    return %c0_i32, %c0_i32_0 : i32, i32
  }
  func.func @transform_25(%arg0: i32) -> (i32, i32) {
    %c0_i32 = arith.constant 0 : i32
    %c0_i32_0 = arith.constant 0 : i32
    %c0_i32_1 = arith.constant 0 : i32
    return %c0_i32, %c0_i32_0 : i32, i32
  }
  func.func @transform_26(%arg0: i32) -> (i32, i32) {
    %c0_i32 = arith.constant 0 : i32
    %c0_i32_0 = arith.constant 0 : i32
    %c0_i32_1 = arith.constant 0 : i32
    return %c0_i32, %c0_i32_0 : i32, i32
  }
  func.func @transform_27(%arg0: i32) -> (i32, i32) {
    %c0_i32 = arith.constant 0 : i32
    %c0_i32_0 = arith.constant 0 : i32
    %c0_i32_1 = arith.constant 0 : i32
    return %c0_i32, %c0_i32_0 : i32, i32
  }
  func.func @transform_28(%arg0: i32) -> (i32, i32) {
    %c0_i32 = arith.constant 0 : i32
    %c0_i32_0 = arith.constant 0 : i32
    %c0_i32_1 = arith.constant 0 : i32
    return %c0_i32, %c0_i32_0 : i32, i32
  }
  func.func @transform_29(%arg0: i32) -> (i32, i32) {
    %c0_i32 = arith.constant 0 : i32
    %c0_i32_0 = arith.constant 0 : i32
    %c0_i32_1 = arith.constant 0 : i32
    return %c0_i32, %c0_i32_0 : i32, i32
  }
  func.func @transform_30(%arg0: i32) -> (i32, i32) {
    %c0_i32 = arith.constant 0 : i32
    %c0_i32_0 = arith.constant 0 : i32
    %c0_i32_1 = arith.constant 0 : i32
    return %c0_i32, %c0_i32_0 : i32, i32
  }
  func.func @transform_31(%arg0: i32) -> (i32, i32) {
    %c0_i32 = arith.constant 0 : i32
    %c0_i32_0 = arith.constant 0 : i32
    %c0_i32_1 = arith.constant 0 : i32
    return %c0_i32, %c0_i32_0 : i32, i32
  }
  func.func @transform_32(%arg0: i32) -> (i32, i32) {
    %c0_i32 = arith.constant 0 : i32
    %c0_i32_0 = arith.constant 0 : i32
    %c0_i32_1 = arith.constant 0 : i32
    return %c0_i32, %c0_i32_0 : i32, i32
  }
  func.func @transform_33(%arg0: i32) -> (i32, i32) {
    %c0_i32 = arith.constant 0 : i32
    %c0_i32_0 = arith.constant 0 : i32
    return %arg0, %c0_i32 : i32, i32
  }
  func.func @transform_34(%arg0: i32) -> (i32, i32) {
    %c0_i32 = arith.constant 0 : i32
    %c0_i32_0 = arith.constant 0 : i32
    return %arg0, %c0_i32 : i32, i32
  }
  func.func @transform_35(%arg0: i32) -> (i32, i32) {
    %c0_i32 = arith.constant 0 : i32
    %c0_i32_0 = arith.constant 0 : i32
    return %arg0, %c0_i32 : i32, i32
  }
  func.func @transform_36(%arg0: i32) -> (i32, i32) {
    %c0_i32 = arith.constant 0 : i32
    %c0_i32_0 = arith.constant 0 : i32
    return %arg0, %c0_i32 : i32, i32
  }
  func.func @transform_37(%arg0: i32) -> (i32, i32) {
    %c0_i32 = arith.constant 0 : i32
    %c0_i32_0 = arith.constant 0 : i32
    return %arg0, %c0_i32 : i32, i32
  }
  func.func @transform_38(%arg0: i32) -> (i32, i32) {
    %c0_i32 = arith.constant 0 : i32
    %c0_i32_0 = arith.constant 0 : i32
    return %arg0, %c0_i32 : i32, i32
  }
}

module attributes {stable_mosaic.version = 14 : i64} {
  func.func @_tc_c_body(%arg0: i32, %arg1: memref<640x512xf32, #tpu.memory_space<vmem>>, %arg2: memref<640x4x512xf32, #tpu.memory_space<vmem>>, %arg3: memref<640x4x512xf32, #tpu.memory_space<vmem>>, %arg4: memref<640x4x128xf32, #tpu.memory_space<vmem>>, %arg5: memref<640x128xf32, #tpu.memory_space<vmem>>, %arg6: memref<128x512xf32, #tpu.memory_space<vmem>>, %arg7: memref<1x512xf32, #tpu.memory_space<vmem>>, %arg8: memref<512x128xf32, #tpu.memory_space<vmem>>, %arg9: memref<1x128xf32, #tpu.memory_space<vmem>>, %arg10: memref<640x128xf32, #tpu.memory_space<vmem>>) attributes {dimension_semantics = [#tpu.dimension_semantics<arbitrary>], iteration_bounds = array<i64: 250>, scalar_prefetch = 0 : i64, scratch_operands = 0 : i64, tpu.core_type = #tpu.core_type<tc>, window_params = [{transform_indices = @transform_0, window_bounds = array<i64: 640, 512>}, {transform_indices = @transform_1, window_bounds = array<i64: 640, 4, 512>}, {transform_indices = @transform_2, window_bounds = array<i64: 640, 4, 512>}, {transform_indices = @transform_3, window_bounds = array<i64: 640, 4, 128>}, {transform_indices = @transform_4, window_bounds = array<i64: 640, 128>}, {pipeline_mode = #tpu.pipeline_mode<synchronous>, transform_indices = @transform_5, window_bounds = array<i64: 128, 512>}, {pipeline_mode = #tpu.pipeline_mode<synchronous>, transform_indices = @transform_6, window_bounds = array<i64: 1, 512>}, {pipeline_mode = #tpu.pipeline_mode<synchronous>, transform_indices = @transform_7, window_bounds = array<i64: 512, 128>}, {pipeline_mode = #tpu.pipeline_mode<synchronous>, transform_indices = @transform_8, window_bounds = array<i64: 1, 128>}, {transform_indices = @transform_9, window_bounds = array<i64: 640, 128>}]} {
    %get3A = arith.constant 0 : index
    %get3A_0 = arith.constant 0 : index
    %get3A_1 = vector.load %arg5[%get3A, %get3A_0] : memref<640x128xf32, #tpu.memory_space<vmem>>, vector<640x128xf32>
    %get3A_2 = arith.constant 0 : index
    %get3A_3 = arith.constant 0 : index
    %get3A_4 = vector.load %arg6[%get3A_2, %get3A_3] : memref<128x512xf32, #tpu.memory_space<vmem>>, vector<128x512xf32>
    %dot_general3A = arith.constant dense<0.000000e+00> : vector<640x512xf32>
    %dot_general3A_5 = tpu.matmul %get3A_1, %get3A_4, %dot_general3A {dimension_numbers = #tpu.dot_dimension_numbers<[1], [0], [0], [1], [0, 0, 1, 1], [], []>, transpose_lhs_hint = false} : vector<640x128xf32>, vector<128x512xf32>, vector<640x512xf32> -> vector<640x512xf32>
    %get3A_6 = arith.constant 0 : index
    %get3A_7 = arith.constant 0 : index
    %get3A_8 = vector.load %arg7[%get3A_6, %get3A_7] : memref<1x512xf32, #tpu.memory_space<vmem>>, vector<1x512xf32>
    %add3A = vector.broadcast %get3A_8 : vector<1x512xf32> to vector<640x512xf32>
    %add3A_9 = arith.addf %dot_general3A_5, %add3A : vector<640x512xf32>
    %logistic3A = arith.negf %add3A_9 : vector<640x512xf32>
    %logistic3A_10 = math.exp %logistic3A : vector<640x512xf32>
    %logistic3A_11 = arith.constant 1.000000e+00 : f32
    %logistic3A_12 = vector.broadcast %logistic3A_11 : f32 to vector<640x512xf32>
    %logistic3A_13 = arith.addf %logistic3A_12, %logistic3A_10 : vector<640x512xf32>
    %logistic3A_14 = arith.divf %logistic3A_12, %logistic3A_13 : vector<640x512xf32>
    %get3A_15 = arith.constant 0 : index
    %get3A_16 = arith.constant 0 : index
    %get3A_17 = vector.load %arg1[%get3A_15, %get3A_16] : memref<640x512xf32, #tpu.memory_space<vmem>>, vector<640x512xf32>
    %slice3A = vector.extract_strided_slice %get3A_17 {offsets = [0, 0], sizes = [640, 128], strides = [1, 1]} : vector<640x512xf32> to vector<640x128xf32>
    %get3A_18 = arith.constant 0 : index
    %get3A_19 = arith.constant 0 : index
    %get3A_20 = arith.constant 0 : index
    %get3A_21 = vector.load %arg2[%get3A_18, %get3A_19, %get3A_20] : memref<640x4x512xf32, #tpu.memory_space<vmem>>, vector<640x1x128xf32>
    %get3A_22 = vector.shape_cast %get3A_21 : vector<640x1x128xf32> to vector<640x128xf32>
    %get3A_23 = arith.constant 0 : index
    %get3A_24 = arith.constant 0 : index
    %get3A_25 = arith.constant 0 : index
    %get3A_26 = vector.load %arg4[%get3A_23, %get3A_24, %get3A_25] : memref<640x4x128xf32, #tpu.memory_space<vmem>>, vector<640x1x1xf32>
    %get3A_27 = vector.shape_cast %get3A_26 : vector<640x1x1xf32> to vector<640x1xf32>
    %mul3A = arith.mulf %slice3A, %get3A_22 : vector<640x128xf32>
    %reduce_sum3A = arith.constant dense<0.000000e+00> : vector<640xf32>
    %reduce_sum3A_28 = vector.multi_reduction <add>, %mul3A, %reduce_sum3A [1] : vector<640x128xf32> to vector<640xf32>
    %broadcast_in_dim3A = vector.shape_cast %reduce_sum3A_28 : vector<640xf32> to vector<640x1xf32>
    %mul3A_29 = arith.constant 0.0883883461 : f32
    %mul3A_30 = vector.broadcast %mul3A_29 : f32 to vector<640x1xf32>
    %mul3A_31 = arith.mulf %broadcast_in_dim3A, %mul3A_30 : vector<640x1xf32>
    %add3A_32 = arith.addf %mul3A_31, %get3A_27 : vector<640x1xf32>
    %get3A_33 = arith.constant 0 : index
    %get3A_34 = arith.constant 1 : index
    %get3A_35 = arith.constant 0 : index
    %get3A_36 = vector.load %arg2[%get3A_33, %get3A_34, %get3A_35] : memref<640x4x512xf32, #tpu.memory_space<vmem>>, vector<640x1x128xf32>
    %get3A_37 = vector.shape_cast %get3A_36 : vector<640x1x128xf32> to vector<640x128xf32>
    %get3A_38 = arith.constant 0 : index
    %get3A_39 = arith.constant 1 : index
    %get3A_40 = arith.constant 0 : index
    %get3A_41 = vector.load %arg4[%get3A_38, %get3A_39, %get3A_40] : memref<640x4x128xf32, #tpu.memory_space<vmem>>, vector<640x1x1xf32>
    %get3A_42 = vector.shape_cast %get3A_41 : vector<640x1x1xf32> to vector<640x1xf32>
    %mul3A_43 = arith.mulf %slice3A, %get3A_37 : vector<640x128xf32>
    %reduce_sum3A_44 = arith.constant dense<0.000000e+00> : vector<640xf32>
    %reduce_sum3A_45 = vector.multi_reduction <add>, %mul3A_43, %reduce_sum3A_44 [1] : vector<640x128xf32> to vector<640xf32>
    %broadcast_in_dim3A_46 = vector.shape_cast %reduce_sum3A_45 : vector<640xf32> to vector<640x1xf32>
    %mul3A_47 = arith.constant 0.0883883461 : f32
    %mul3A_48 = vector.broadcast %mul3A_47 : f32 to vector<640x1xf32>
    %mul3A_49 = arith.mulf %broadcast_in_dim3A_46, %mul3A_48 : vector<640x1xf32>
    %add3A_50 = arith.addf %mul3A_49, %get3A_42 : vector<640x1xf32>
    %get3A_51 = arith.constant 0 : index
    %get3A_52 = arith.constant 2 : index
    %get3A_53 = arith.constant 0 : index
    %get3A_54 = vector.load %arg2[%get3A_51, %get3A_52, %get3A_53] : memref<640x4x512xf32, #tpu.memory_space<vmem>>, vector<640x1x128xf32>
    %get3A_55 = vector.shape_cast %get3A_54 : vector<640x1x128xf32> to vector<640x128xf32>
    %get3A_56 = arith.constant 0 : index
    %get3A_57 = arith.constant 2 : index
    %get3A_58 = arith.constant 0 : index
    %get3A_59 = vector.load %arg4[%get3A_56, %get3A_57, %get3A_58] : memref<640x4x128xf32, #tpu.memory_space<vmem>>, vector<640x1x1xf32>
    %get3A_60 = vector.shape_cast %get3A_59 : vector<640x1x1xf32> to vector<640x1xf32>
    %mul3A_61 = arith.mulf %slice3A, %get3A_55 : vector<640x128xf32>
    %reduce_sum3A_62 = arith.constant dense<0.000000e+00> : vector<640xf32>
    %reduce_sum3A_63 = vector.multi_reduction <add>, %mul3A_61, %reduce_sum3A_62 [1] : vector<640x128xf32> to vector<640xf32>
    %broadcast_in_dim3A_64 = vector.shape_cast %reduce_sum3A_63 : vector<640xf32> to vector<640x1xf32>
    %mul3A_65 = arith.constant 0.0883883461 : f32
    %mul3A_66 = vector.broadcast %mul3A_65 : f32 to vector<640x1xf32>
    %mul3A_67 = arith.mulf %broadcast_in_dim3A_64, %mul3A_66 : vector<640x1xf32>
    %add3A_68 = arith.addf %mul3A_67, %get3A_60 : vector<640x1xf32>
    %get3A_69 = arith.constant 0 : index
    %get3A_70 = arith.constant 3 : index
    %get3A_71 = arith.constant 0 : index
    %get3A_72 = vector.load %arg2[%get3A_69, %get3A_70, %get3A_71] : memref<640x4x512xf32, #tpu.memory_space<vmem>>, vector<640x1x128xf32>
    %get3A_73 = vector.shape_cast %get3A_72 : vector<640x1x128xf32> to vector<640x128xf32>
    %get3A_74 = arith.constant 0 : index
    %get3A_75 = arith.constant 3 : index
    %get3A_76 = arith.constant 0 : index
    %get3A_77 = vector.load %arg4[%get3A_74, %get3A_75, %get3A_76] : memref<640x4x128xf32, #tpu.memory_space<vmem>>, vector<640x1x1xf32>
    %get3A_78 = vector.shape_cast %get3A_77 : vector<640x1x1xf32> to vector<640x1xf32>
    %mul3A_79 = arith.mulf %slice3A, %get3A_73 : vector<640x128xf32>
    %reduce_sum3A_80 = arith.constant dense<0.000000e+00> : vector<640xf32>
    %reduce_sum3A_81 = vector.multi_reduction <add>, %mul3A_79, %reduce_sum3A_80 [1] : vector<640x128xf32> to vector<640xf32>
    %broadcast_in_dim3A_82 = vector.shape_cast %reduce_sum3A_81 : vector<640xf32> to vector<640x1xf32>
    %mul3A_83 = arith.constant 0.0883883461 : f32
    %mul3A_84 = vector.broadcast %mul3A_83 : f32 to vector<640x1xf32>
    %mul3A_85 = arith.mulf %broadcast_in_dim3A_82, %mul3A_84 : vector<640x1xf32>
    %add3A_86 = arith.addf %mul3A_85, %get3A_78 : vector<640x1xf32>
    %concatenate3A = tpu.concatenate %add3A_32, %add3A_50, %add3A_68, %add3A_86 in 1 : vector<640x1xf32>, vector<640x1xf32>, vector<640x1xf32>, vector<640x1xf32> -> vector<640x4xf32>
    %reduce_max3A = arith.constant dense<0xFF800000> : vector<640xf32>
    %reduce_max3A_87 = vector.multi_reduction <maximumf>, %concatenate3A, %reduce_max3A [1] : vector<640x4xf32> to vector<640xf32>
    %broadcast_in_dim3A_88 = vector.shape_cast %reduce_max3A_87 : vector<640xf32> to vector<640x1xf32>
    %sub3A = vector.broadcast %broadcast_in_dim3A_88 : vector<640x1xf32> to vector<640x4xf32>
    %sub3A_89 = arith.subf %concatenate3A, %sub3A : vector<640x4xf32>
    %exp3A = math.exp %sub3A_89 : vector<640x4xf32>
    %reduce_sum3A_90 = arith.constant dense<0.000000e+00> : vector<640xf32>
    %reduce_sum3A_91 = vector.multi_reduction <add>, %exp3A, %reduce_sum3A_90 [1] : vector<640x4xf32> to vector<640xf32>
    %broadcast_in_dim3A_92 = vector.shape_cast %reduce_sum3A_91 : vector<640xf32> to vector<640x1xf32>
    %div3A = vector.broadcast %broadcast_in_dim3A_92 : vector<640x1xf32> to vector<640x4xf32>
    %div3A_93 = arith.divf %exp3A, %div3A : vector<640x4xf32>
    %slice3A_94 = vector.extract_strided_slice %div3A_93 {offsets = [0, 0], sizes = [640, 1], strides = [1, 1]} : vector<640x4xf32> to vector<640x1xf32>
    %get3A_95 = arith.constant 0 : index
    %get3A_96 = arith.constant 0 : index
    %get3A_97 = arith.constant 0 : index
    %get3A_98 = vector.load %arg3[%get3A_95, %get3A_96, %get3A_97] : memref<640x4x512xf32, #tpu.memory_space<vmem>>, vector<640x1x128xf32>
    %get3A_99 = vector.shape_cast %get3A_98 : vector<640x1x128xf32> to vector<640x128xf32>
    %mul3A_100 = vector.broadcast %slice3A_94 : vector<640x1xf32> to vector<640x128xf32>
    %mul3A_101 = arith.mulf %mul3A_100, %get3A_99 : vector<640x128xf32>
    %slice3A_102 = vector.extract_strided_slice %div3A_93 {offsets = [0, 1], sizes = [640, 1], strides = [1, 1]} : vector<640x4xf32> to vector<640x1xf32>
    %get3A_103 = arith.constant 0 : index
    %get3A_104 = arith.constant 1 : index
    %get3A_105 = arith.constant 0 : index
    %get3A_106 = vector.load %arg3[%get3A_103, %get3A_104, %get3A_105] : memref<640x4x512xf32, #tpu.memory_space<vmem>>, vector<640x1x128xf32>
    %get3A_107 = vector.shape_cast %get3A_106 : vector<640x1x128xf32> to vector<640x128xf32>
    %mul3A_108 = vector.broadcast %slice3A_102 : vector<640x1xf32> to vector<640x128xf32>
    %mul3A_109 = arith.mulf %mul3A_108, %get3A_107 : vector<640x128xf32>
    %add3A_110 = arith.addf %mul3A_101, %mul3A_109 : vector<640x128xf32>
    %slice3A_111 = vector.extract_strided_slice %div3A_93 {offsets = [0, 2], sizes = [640, 1], strides = [1, 1]} : vector<640x4xf32> to vector<640x1xf32>
    %get3A_112 = arith.constant 0 : index
    %get3A_113 = arith.constant 2 : index
    %get3A_114 = arith.constant 0 : index
    %get3A_115 = vector.load %arg3[%get3A_112, %get3A_113, %get3A_114] : memref<640x4x512xf32, #tpu.memory_space<vmem>>, vector<640x1x128xf32>
    %get3A_116 = vector.shape_cast %get3A_115 : vector<640x1x128xf32> to vector<640x128xf32>
    %mul3A_117 = vector.broadcast %slice3A_111 : vector<640x1xf32> to vector<640x128xf32>
    %mul3A_118 = arith.mulf %mul3A_117, %get3A_116 : vector<640x128xf32>
    %add3A_119 = arith.addf %add3A_110, %mul3A_118 : vector<640x128xf32>
    %slice3A_120 = vector.extract_strided_slice %div3A_93 {offsets = [0, 3], sizes = [640, 1], strides = [1, 1]} : vector<640x4xf32> to vector<640x1xf32>
    %get3A_121 = arith.constant 0 : index
    %get3A_122 = arith.constant 3 : index
    %get3A_123 = arith.constant 0 : index
    %get3A_124 = vector.load %arg3[%get3A_121, %get3A_122, %get3A_123] : memref<640x4x512xf32, #tpu.memory_space<vmem>>, vector<640x1x128xf32>
    %get3A_125 = vector.shape_cast %get3A_124 : vector<640x1x128xf32> to vector<640x128xf32>
    %mul3A_126 = vector.broadcast %slice3A_120 : vector<640x1xf32> to vector<640x128xf32>
    %mul3A_127 = arith.mulf %mul3A_126, %get3A_125 : vector<640x128xf32>
    %add3A_128 = arith.addf %add3A_119, %mul3A_127 : vector<640x128xf32>
    %slice3A_129 = vector.extract_strided_slice %logistic3A_14 {offsets = [0, 0], sizes = [640, 128], strides = [1, 1]} : vector<640x512xf32> to vector<640x128xf32>
    %mul3A_130 = arith.mulf %slice3A_129, %add3A_128 : vector<640x128xf32>
    %slice3A_131 = vector.extract_strided_slice %get3A_17 {offsets = [0, 128], sizes = [640, 128], strides = [1, 1]} : vector<640x512xf32> to vector<640x128xf32>
    %get3A_132 = arith.constant 0 : index
    %get3A_133 = arith.constant 0 : index
    %get3A_134 = arith.constant 128 : index
    %get3A_135 = vector.load %arg2[%get3A_132, %get3A_133, %get3A_134] : memref<640x4x512xf32, #tpu.memory_space<vmem>>, vector<640x1x128xf32>
    %get3A_136 = vector.shape_cast %get3A_135 : vector<640x1x128xf32> to vector<640x128xf32>
    %get3A_137 = arith.constant 0 : index
    %get3A_138 = arith.constant 0 : index
    %get3A_139 = arith.constant 1 : index
    %get3A_140 = vector.load %arg4[%get3A_137, %get3A_138, %get3A_139] : memref<640x4x128xf32, #tpu.memory_space<vmem>>, vector<640x1x1xf32>
    %get3A_141 = vector.shape_cast %get3A_140 : vector<640x1x1xf32> to vector<640x1xf32>
    %mul3A_142 = arith.mulf %slice3A_131, %get3A_136 : vector<640x128xf32>
    %reduce_sum3A_143 = arith.constant dense<0.000000e+00> : vector<640xf32>
    %reduce_sum3A_144 = vector.multi_reduction <add>, %mul3A_142, %reduce_sum3A_143 [1] : vector<640x128xf32> to vector<640xf32>
    %broadcast_in_dim3A_145 = vector.shape_cast %reduce_sum3A_144 : vector<640xf32> to vector<640x1xf32>
    %mul3A_146 = arith.constant 0.0883883461 : f32
    %mul3A_147 = vector.broadcast %mul3A_146 : f32 to vector<640x1xf32>
    %mul3A_148 = arith.mulf %broadcast_in_dim3A_145, %mul3A_147 : vector<640x1xf32>
    %add3A_149 = arith.addf %mul3A_148, %get3A_141 : vector<640x1xf32>
    %get3A_150 = arith.constant 0 : index
    %get3A_151 = arith.constant 1 : index
    %get3A_152 = arith.constant 128 : index
    %get3A_153 = vector.load %arg2[%get3A_150, %get3A_151, %get3A_152] : memref<640x4x512xf32, #tpu.memory_space<vmem>>, vector<640x1x128xf32>
    %get3A_154 = vector.shape_cast %get3A_153 : vector<640x1x128xf32> to vector<640x128xf32>
    %get3A_155 = arith.constant 0 : index
    %get3A_156 = arith.constant 1 : index
    %get3A_157 = arith.constant 1 : index
    %get3A_158 = vector.load %arg4[%get3A_155, %get3A_156, %get3A_157] : memref<640x4x128xf32, #tpu.memory_space<vmem>>, vector<640x1x1xf32>
    %get3A_159 = vector.shape_cast %get3A_158 : vector<640x1x1xf32> to vector<640x1xf32>
    %mul3A_160 = arith.mulf %slice3A_131, %get3A_154 : vector<640x128xf32>
    %reduce_sum3A_161 = arith.constant dense<0.000000e+00> : vector<640xf32>
    %reduce_sum3A_162 = vector.multi_reduction <add>, %mul3A_160, %reduce_sum3A_161 [1] : vector<640x128xf32> to vector<640xf32>
    %broadcast_in_dim3A_163 = vector.shape_cast %reduce_sum3A_162 : vector<640xf32> to vector<640x1xf32>
    %mul3A_164 = arith.constant 0.0883883461 : f32
    %mul3A_165 = vector.broadcast %mul3A_164 : f32 to vector<640x1xf32>
    %mul3A_166 = arith.mulf %broadcast_in_dim3A_163, %mul3A_165 : vector<640x1xf32>
    %add3A_167 = arith.addf %mul3A_166, %get3A_159 : vector<640x1xf32>
    %get3A_168 = arith.constant 0 : index
    %get3A_169 = arith.constant 2 : index
    %get3A_170 = arith.constant 128 : index
    %get3A_171 = vector.load %arg2[%get3A_168, %get3A_169, %get3A_170] : memref<640x4x512xf32, #tpu.memory_space<vmem>>, vector<640x1x128xf32>
    %get3A_172 = vector.shape_cast %get3A_171 : vector<640x1x128xf32> to vector<640x128xf32>
    %get3A_173 = arith.constant 0 : index
    %get3A_174 = arith.constant 2 : index
    %get3A_175 = arith.constant 1 : index
    %get3A_176 = vector.load %arg4[%get3A_173, %get3A_174, %get3A_175] : memref<640x4x128xf32, #tpu.memory_space<vmem>>, vector<640x1x1xf32>
    %get3A_177 = vector.shape_cast %get3A_176 : vector<640x1x1xf32> to vector<640x1xf32>
    %mul3A_178 = arith.mulf %slice3A_131, %get3A_172 : vector<640x128xf32>
    %reduce_sum3A_179 = arith.constant dense<0.000000e+00> : vector<640xf32>
    %reduce_sum3A_180 = vector.multi_reduction <add>, %mul3A_178, %reduce_sum3A_179 [1] : vector<640x128xf32> to vector<640xf32>
    %broadcast_in_dim3A_181 = vector.shape_cast %reduce_sum3A_180 : vector<640xf32> to vector<640x1xf32>
    %mul3A_182 = arith.constant 0.0883883461 : f32
    %mul3A_183 = vector.broadcast %mul3A_182 : f32 to vector<640x1xf32>
    %mul3A_184 = arith.mulf %broadcast_in_dim3A_181, %mul3A_183 : vector<640x1xf32>
    %add3A_185 = arith.addf %mul3A_184, %get3A_177 : vector<640x1xf32>
    %get3A_186 = arith.constant 0 : index
    %get3A_187 = arith.constant 3 : index
    %get3A_188 = arith.constant 128 : index
    %get3A_189 = vector.load %arg2[%get3A_186, %get3A_187, %get3A_188] : memref<640x4x512xf32, #tpu.memory_space<vmem>>, vector<640x1x128xf32>
    %get3A_190 = vector.shape_cast %get3A_189 : vector<640x1x128xf32> to vector<640x128xf32>
    %get3A_191 = arith.constant 0 : index
    %get3A_192 = arith.constant 3 : index
    %get3A_193 = arith.constant 1 : index
    %get3A_194 = vector.load %arg4[%get3A_191, %get3A_192, %get3A_193] : memref<640x4x128xf32, #tpu.memory_space<vmem>>, vector<640x1x1xf32>
    %get3A_195 = vector.shape_cast %get3A_194 : vector<640x1x1xf32> to vector<640x1xf32>
    %mul3A_196 = arith.mulf %slice3A_131, %get3A_190 : vector<640x128xf32>
    %reduce_sum3A_197 = arith.constant dense<0.000000e+00> : vector<640xf32>
    %reduce_sum3A_198 = vector.multi_reduction <add>, %mul3A_196, %reduce_sum3A_197 [1] : vector<640x128xf32> to vector<640xf32>
    %broadcast_in_dim3A_199 = vector.shape_cast %reduce_sum3A_198 : vector<640xf32> to vector<640x1xf32>
    %mul3A_200 = arith.constant 0.0883883461 : f32
    %mul3A_201 = vector.broadcast %mul3A_200 : f32 to vector<640x1xf32>
    %mul3A_202 = arith.mulf %broadcast_in_dim3A_199, %mul3A_201 : vector<640x1xf32>
    %add3A_203 = arith.addf %mul3A_202, %get3A_195 : vector<640x1xf32>
    %concatenate3A_204 = tpu.concatenate %add3A_149, %add3A_167, %add3A_185, %add3A_203 in 1 : vector<640x1xf32>, vector<640x1xf32>, vector<640x1xf32>, vector<640x1xf32> -> vector<640x4xf32>
    %reduce_max3A_205 = arith.constant dense<0xFF800000> : vector<640xf32>
    %reduce_max3A_206 = vector.multi_reduction <maximumf>, %concatenate3A_204, %reduce_max3A_205 [1] : vector<640x4xf32> to vector<640xf32>
    %broadcast_in_dim3A_207 = vector.shape_cast %reduce_max3A_206 : vector<640xf32> to vector<640x1xf32>
    %sub3A_208 = vector.broadcast %broadcast_in_dim3A_207 : vector<640x1xf32> to vector<640x4xf32>
    %sub3A_209 = arith.subf %concatenate3A_204, %sub3A_208 : vector<640x4xf32>
    %exp3A_210 = math.exp %sub3A_209 : vector<640x4xf32>
    %reduce_sum3A_211 = arith.constant dense<0.000000e+00> : vector<640xf32>
    %reduce_sum3A_212 = vector.multi_reduction <add>, %exp3A_210, %reduce_sum3A_211 [1] : vector<640x4xf32> to vector<640xf32>
    %broadcast_in_dim3A_213 = vector.shape_cast %reduce_sum3A_212 : vector<640xf32> to vector<640x1xf32>
    %div3A_214 = vector.broadcast %broadcast_in_dim3A_213 : vector<640x1xf32> to vector<640x4xf32>
    %div3A_215 = arith.divf %exp3A_210, %div3A_214 : vector<640x4xf32>
    %slice3A_216 = vector.extract_strided_slice %div3A_215 {offsets = [0, 0], sizes = [640, 1], strides = [1, 1]} : vector<640x4xf32> to vector<640x1xf32>
    %get3A_217 = arith.constant 0 : index
    %get3A_218 = arith.constant 0 : index
    %get3A_219 = arith.constant 128 : index
    %get3A_220 = vector.load %arg3[%get3A_217, %get3A_218, %get3A_219] : memref<640x4x512xf32, #tpu.memory_space<vmem>>, vector<640x1x128xf32>
    %get3A_221 = vector.shape_cast %get3A_220 : vector<640x1x128xf32> to vector<640x128xf32>
    %mul3A_222 = vector.broadcast %slice3A_216 : vector<640x1xf32> to vector<640x128xf32>
    %mul3A_223 = arith.mulf %mul3A_222, %get3A_221 : vector<640x128xf32>
    %slice3A_224 = vector.extract_strided_slice %div3A_215 {offsets = [0, 1], sizes = [640, 1], strides = [1, 1]} : vector<640x4xf32> to vector<640x1xf32>
    %get3A_225 = arith.constant 0 : index
    %get3A_226 = arith.constant 1 : index
    %get3A_227 = arith.constant 128 : index
    %get3A_228 = vector.load %arg3[%get3A_225, %get3A_226, %get3A_227] : memref<640x4x512xf32, #tpu.memory_space<vmem>>, vector<640x1x128xf32>
    %get3A_229 = vector.shape_cast %get3A_228 : vector<640x1x128xf32> to vector<640x128xf32>
    %mul3A_230 = vector.broadcast %slice3A_224 : vector<640x1xf32> to vector<640x128xf32>
    %mul3A_231 = arith.mulf %mul3A_230, %get3A_229 : vector<640x128xf32>
    %add3A_232 = arith.addf %mul3A_223, %mul3A_231 : vector<640x128xf32>
    %slice3A_233 = vector.extract_strided_slice %div3A_215 {offsets = [0, 2], sizes = [640, 1], strides = [1, 1]} : vector<640x4xf32> to vector<640x1xf32>
    %get3A_234 = arith.constant 0 : index
    %get3A_235 = arith.constant 2 : index
    %get3A_236 = arith.constant 128 : index
    %get3A_237 = vector.load %arg3[%get3A_234, %get3A_235, %get3A_236] : memref<640x4x512xf32, #tpu.memory_space<vmem>>, vector<640x1x128xf32>
    %get3A_238 = vector.shape_cast %get3A_237 : vector<640x1x128xf32> to vector<640x128xf32>
    %mul3A_239 = vector.broadcast %slice3A_233 : vector<640x1xf32> to vector<640x128xf32>
    %mul3A_240 = arith.mulf %mul3A_239, %get3A_238 : vector<640x128xf32>
    %add3A_241 = arith.addf %add3A_232, %mul3A_240 : vector<640x128xf32>
    %slice3A_242 = vector.extract_strided_slice %div3A_215 {offsets = [0, 3], sizes = [640, 1], strides = [1, 1]} : vector<640x4xf32> to vector<640x1xf32>
    %get3A_243 = arith.constant 0 : index
    %get3A_244 = arith.constant 3 : index
    %get3A_245 = arith.constant 128 : index
    %get3A_246 = vector.load %arg3[%get3A_243, %get3A_244, %get3A_245] : memref<640x4x512xf32, #tpu.memory_space<vmem>>, vector<640x1x128xf32>
    %get3A_247 = vector.shape_cast %get3A_246 : vector<640x1x128xf32> to vector<640x128xf32>
    %mul3A_248 = vector.broadcast %slice3A_242 : vector<640x1xf32> to vector<640x128xf32>
    %mul3A_249 = arith.mulf %mul3A_248, %get3A_247 : vector<640x128xf32>
    %add3A_250 = arith.addf %add3A_241, %mul3A_249 : vector<640x128xf32>
    %slice3A_251 = vector.extract_strided_slice %logistic3A_14 {offsets = [0, 128], sizes = [640, 128], strides = [1, 1]} : vector<640x512xf32> to vector<640x128xf32>
    %mul3A_252 = arith.mulf %slice3A_251, %add3A_250 : vector<640x128xf32>
    %slice3A_253 = vector.extract_strided_slice %get3A_17 {offsets = [0, 256], sizes = [640, 128], strides = [1, 1]} : vector<640x512xf32> to vector<640x128xf32>
    %get3A_254 = arith.constant 0 : index
    %get3A_255 = arith.constant 0 : index
    %get3A_256 = arith.constant 256 : index
    %get3A_257 = vector.load %arg2[%get3A_254, %get3A_255, %get3A_256] : memref<640x4x512xf32, #tpu.memory_space<vmem>>, vector<640x1x128xf32>
    %get3A_258 = vector.shape_cast %get3A_257 : vector<640x1x128xf32> to vector<640x128xf32>
    %get3A_259 = arith.constant 0 : index
    %get3A_260 = arith.constant 0 : index
    %get3A_261 = arith.constant 2 : index
    %get3A_262 = vector.load %arg4[%get3A_259, %get3A_260, %get3A_261] : memref<640x4x128xf32, #tpu.memory_space<vmem>>, vector<640x1x1xf32>
    %get3A_263 = vector.shape_cast %get3A_262 : vector<640x1x1xf32> to vector<640x1xf32>
    %mul3A_264 = arith.mulf %slice3A_253, %get3A_258 : vector<640x128xf32>
    %reduce_sum3A_265 = arith.constant dense<0.000000e+00> : vector<640xf32>
    %reduce_sum3A_266 = vector.multi_reduction <add>, %mul3A_264, %reduce_sum3A_265 [1] : vector<640x128xf32> to vector<640xf32>
    %broadcast_in_dim3A_267 = vector.shape_cast %reduce_sum3A_266 : vector<640xf32> to vector<640x1xf32>
    %mul3A_268 = arith.constant 0.0883883461 : f32
    %mul3A_269 = vector.broadcast %mul3A_268 : f32 to vector<640x1xf32>
    %mul3A_270 = arith.mulf %broadcast_in_dim3A_267, %mul3A_269 : vector<640x1xf32>
    %add3A_271 = arith.addf %mul3A_270, %get3A_263 : vector<640x1xf32>
    %get3A_272 = arith.constant 0 : index
    %get3A_273 = arith.constant 1 : index
    %get3A_274 = arith.constant 256 : index
    %get3A_275 = vector.load %arg2[%get3A_272, %get3A_273, %get3A_274] : memref<640x4x512xf32, #tpu.memory_space<vmem>>, vector<640x1x128xf32>
    %get3A_276 = vector.shape_cast %get3A_275 : vector<640x1x128xf32> to vector<640x128xf32>
    %get3A_277 = arith.constant 0 : index
    %get3A_278 = arith.constant 1 : index
    %get3A_279 = arith.constant 2 : index
    %get3A_280 = vector.load %arg4[%get3A_277, %get3A_278, %get3A_279] : memref<640x4x128xf32, #tpu.memory_space<vmem>>, vector<640x1x1xf32>
    %get3A_281 = vector.shape_cast %get3A_280 : vector<640x1x1xf32> to vector<640x1xf32>
    %mul3A_282 = arith.mulf %slice3A_253, %get3A_276 : vector<640x128xf32>
    %reduce_sum3A_283 = arith.constant dense<0.000000e+00> : vector<640xf32>
    %reduce_sum3A_284 = vector.multi_reduction <add>, %mul3A_282, %reduce_sum3A_283 [1] : vector<640x128xf32> to vector<640xf32>
    %broadcast_in_dim3A_285 = vector.shape_cast %reduce_sum3A_284 : vector<640xf32> to vector<640x1xf32>
    %mul3A_286 = arith.constant 0.0883883461 : f32
    %mul3A_287 = vector.broadcast %mul3A_286 : f32 to vector<640x1xf32>
    %mul3A_288 = arith.mulf %broadcast_in_dim3A_285, %mul3A_287 : vector<640x1xf32>
    %add3A_289 = arith.addf %mul3A_288, %get3A_281 : vector<640x1xf32>
    %get3A_290 = arith.constant 0 : index
    %get3A_291 = arith.constant 2 : index
    %get3A_292 = arith.constant 256 : index
    %get3A_293 = vector.load %arg2[%get3A_290, %get3A_291, %get3A_292] : memref<640x4x512xf32, #tpu.memory_space<vmem>>, vector<640x1x128xf32>
    %get3A_294 = vector.shape_cast %get3A_293 : vector<640x1x128xf32> to vector<640x128xf32>
    %get3A_295 = arith.constant 0 : index
    %get3A_296 = arith.constant 2 : index
    %get3A_297 = arith.constant 2 : index
    %get3A_298 = vector.load %arg4[%get3A_295, %get3A_296, %get3A_297] : memref<640x4x128xf32, #tpu.memory_space<vmem>>, vector<640x1x1xf32>
    %get3A_299 = vector.shape_cast %get3A_298 : vector<640x1x1xf32> to vector<640x1xf32>
    %mul3A_300 = arith.mulf %slice3A_253, %get3A_294 : vector<640x128xf32>
    %reduce_sum3A_301 = arith.constant dense<0.000000e+00> : vector<640xf32>
    %reduce_sum3A_302 = vector.multi_reduction <add>, %mul3A_300, %reduce_sum3A_301 [1] : vector<640x128xf32> to vector<640xf32>
    %broadcast_in_dim3A_303 = vector.shape_cast %reduce_sum3A_302 : vector<640xf32> to vector<640x1xf32>
    %mul3A_304 = arith.constant 0.0883883461 : f32
    %mul3A_305 = vector.broadcast %mul3A_304 : f32 to vector<640x1xf32>
    %mul3A_306 = arith.mulf %broadcast_in_dim3A_303, %mul3A_305 : vector<640x1xf32>
    %add3A_307 = arith.addf %mul3A_306, %get3A_299 : vector<640x1xf32>
    %get3A_308 = arith.constant 0 : index
    %get3A_309 = arith.constant 3 : index
    %get3A_310 = arith.constant 256 : index
    %get3A_311 = vector.load %arg2[%get3A_308, %get3A_309, %get3A_310] : memref<640x4x512xf32, #tpu.memory_space<vmem>>, vector<640x1x128xf32>
    %get3A_312 = vector.shape_cast %get3A_311 : vector<640x1x128xf32> to vector<640x128xf32>
    %get3A_313 = arith.constant 0 : index
    %get3A_314 = arith.constant 3 : index
    %get3A_315 = arith.constant 2 : index
    %get3A_316 = vector.load %arg4[%get3A_313, %get3A_314, %get3A_315] : memref<640x4x128xf32, #tpu.memory_space<vmem>>, vector<640x1x1xf32>
    %get3A_317 = vector.shape_cast %get3A_316 : vector<640x1x1xf32> to vector<640x1xf32>
    %mul3A_318 = arith.mulf %slice3A_253, %get3A_312 : vector<640x128xf32>
    %reduce_sum3A_319 = arith.constant dense<0.000000e+00> : vector<640xf32>
    %reduce_sum3A_320 = vector.multi_reduction <add>, %mul3A_318, %reduce_sum3A_319 [1] : vector<640x128xf32> to vector<640xf32>
    %broadcast_in_dim3A_321 = vector.shape_cast %reduce_sum3A_320 : vector<640xf32> to vector<640x1xf32>
    %mul3A_322 = arith.constant 0.0883883461 : f32
    %mul3A_323 = vector.broadcast %mul3A_322 : f32 to vector<640x1xf32>
    %mul3A_324 = arith.mulf %broadcast_in_dim3A_321, %mul3A_323 : vector<640x1xf32>
    %add3A_325 = arith.addf %mul3A_324, %get3A_317 : vector<640x1xf32>
    %concatenate3A_326 = tpu.concatenate %add3A_271, %add3A_289, %add3A_307, %add3A_325 in 1 : vector<640x1xf32>, vector<640x1xf32>, vector<640x1xf32>, vector<640x1xf32> -> vector<640x4xf32>
    %reduce_max3A_327 = arith.constant dense<0xFF800000> : vector<640xf32>
    %reduce_max3A_328 = vector.multi_reduction <maximumf>, %concatenate3A_326, %reduce_max3A_327 [1] : vector<640x4xf32> to vector<640xf32>
    %broadcast_in_dim3A_329 = vector.shape_cast %reduce_max3A_328 : vector<640xf32> to vector<640x1xf32>
    %sub3A_330 = vector.broadcast %broadcast_in_dim3A_329 : vector<640x1xf32> to vector<640x4xf32>
    %sub3A_331 = arith.subf %concatenate3A_326, %sub3A_330 : vector<640x4xf32>
    %exp3A_332 = math.exp %sub3A_331 : vector<640x4xf32>
    %reduce_sum3A_333 = arith.constant dense<0.000000e+00> : vector<640xf32>
    %reduce_sum3A_334 = vector.multi_reduction <add>, %exp3A_332, %reduce_sum3A_333 [1] : vector<640x4xf32> to vector<640xf32>
    %broadcast_in_dim3A_335 = vector.shape_cast %reduce_sum3A_334 : vector<640xf32> to vector<640x1xf32>
    %div3A_336 = vector.broadcast %broadcast_in_dim3A_335 : vector<640x1xf32> to vector<640x4xf32>
    %div3A_337 = arith.divf %exp3A_332, %div3A_336 : vector<640x4xf32>
    %slice3A_338 = vector.extract_strided_slice %div3A_337 {offsets = [0, 0], sizes = [640, 1], strides = [1, 1]} : vector<640x4xf32> to vector<640x1xf32>
    %get3A_339 = arith.constant 0 : index
    %get3A_340 = arith.constant 0 : index
    %get3A_341 = arith.constant 256 : index
    %get3A_342 = vector.load %arg3[%get3A_339, %get3A_340, %get3A_341] : memref<640x4x512xf32, #tpu.memory_space<vmem>>, vector<640x1x128xf32>
    %get3A_343 = vector.shape_cast %get3A_342 : vector<640x1x128xf32> to vector<640x128xf32>
    %mul3A_344 = vector.broadcast %slice3A_338 : vector<640x1xf32> to vector<640x128xf32>
    %mul3A_345 = arith.mulf %mul3A_344, %get3A_343 : vector<640x128xf32>
    %slice3A_346 = vector.extract_strided_slice %div3A_337 {offsets = [0, 1], sizes = [640, 1], strides = [1, 1]} : vector<640x4xf32> to vector<640x1xf32>
    %get3A_347 = arith.constant 0 : index
    %get3A_348 = arith.constant 1 : index
    %get3A_349 = arith.constant 256 : index
    %get3A_350 = vector.load %arg3[%get3A_347, %get3A_348, %get3A_349] : memref<640x4x512xf32, #tpu.memory_space<vmem>>, vector<640x1x128xf32>
    %get3A_351 = vector.shape_cast %get3A_350 : vector<640x1x128xf32> to vector<640x128xf32>
    %mul3A_352 = vector.broadcast %slice3A_346 : vector<640x1xf32> to vector<640x128xf32>
    %mul3A_353 = arith.mulf %mul3A_352, %get3A_351 : vector<640x128xf32>
    %add3A_354 = arith.addf %mul3A_345, %mul3A_353 : vector<640x128xf32>
    %slice3A_355 = vector.extract_strided_slice %div3A_337 {offsets = [0, 2], sizes = [640, 1], strides = [1, 1]} : vector<640x4xf32> to vector<640x1xf32>
    %get3A_356 = arith.constant 0 : index
    %get3A_357 = arith.constant 2 : index
    %get3A_358 = arith.constant 256 : index
    %get3A_359 = vector.load %arg3[%get3A_356, %get3A_357, %get3A_358] : memref<640x4x512xf32, #tpu.memory_space<vmem>>, vector<640x1x128xf32>
    %get3A_360 = vector.shape_cast %get3A_359 : vector<640x1x128xf32> to vector<640x128xf32>
    %mul3A_361 = vector.broadcast %slice3A_355 : vector<640x1xf32> to vector<640x128xf32>
    %mul3A_362 = arith.mulf %mul3A_361, %get3A_360 : vector<640x128xf32>
    %add3A_363 = arith.addf %add3A_354, %mul3A_362 : vector<640x128xf32>
    %slice3A_364 = vector.extract_strided_slice %div3A_337 {offsets = [0, 3], sizes = [640, 1], strides = [1, 1]} : vector<640x4xf32> to vector<640x1xf32>
    %get3A_365 = arith.constant 0 : index
    %get3A_366 = arith.constant 3 : index
    %get3A_367 = arith.constant 256 : index
    %get3A_368 = vector.load %arg3[%get3A_365, %get3A_366, %get3A_367] : memref<640x4x512xf32, #tpu.memory_space<vmem>>, vector<640x1x128xf32>
    %get3A_369 = vector.shape_cast %get3A_368 : vector<640x1x128xf32> to vector<640x128xf32>
    %mul3A_370 = vector.broadcast %slice3A_364 : vector<640x1xf32> to vector<640x128xf32>
    %mul3A_371 = arith.mulf %mul3A_370, %get3A_369 : vector<640x128xf32>
    %add3A_372 = arith.addf %add3A_363, %mul3A_371 : vector<640x128xf32>
    %slice3A_373 = vector.extract_strided_slice %logistic3A_14 {offsets = [0, 256], sizes = [640, 128], strides = [1, 1]} : vector<640x512xf32> to vector<640x128xf32>
    %mul3A_374 = arith.mulf %slice3A_373, %add3A_372 : vector<640x128xf32>
    %slice3A_375 = vector.extract_strided_slice %get3A_17 {offsets = [0, 384], sizes = [640, 128], strides = [1, 1]} : vector<640x512xf32> to vector<640x128xf32>
    %get3A_376 = arith.constant 0 : index
    %get3A_377 = arith.constant 0 : index
    %get3A_378 = arith.constant 384 : index
    %get3A_379 = vector.load %arg2[%get3A_376, %get3A_377, %get3A_378] : memref<640x4x512xf32, #tpu.memory_space<vmem>>, vector<640x1x128xf32>
    %get3A_380 = vector.shape_cast %get3A_379 : vector<640x1x128xf32> to vector<640x128xf32>
    %get3A_381 = arith.constant 0 : index
    %get3A_382 = arith.constant 0 : index
    %get3A_383 = arith.constant 3 : index
    %get3A_384 = vector.load %arg4[%get3A_381, %get3A_382, %get3A_383] : memref<640x4x128xf32, #tpu.memory_space<vmem>>, vector<640x1x1xf32>
    %get3A_385 = vector.shape_cast %get3A_384 : vector<640x1x1xf32> to vector<640x1xf32>
    %mul3A_386 = arith.mulf %slice3A_375, %get3A_380 : vector<640x128xf32>
    %reduce_sum3A_387 = arith.constant dense<0.000000e+00> : vector<640xf32>
    %reduce_sum3A_388 = vector.multi_reduction <add>, %mul3A_386, %reduce_sum3A_387 [1] : vector<640x128xf32> to vector<640xf32>
    %broadcast_in_dim3A_389 = vector.shape_cast %reduce_sum3A_388 : vector<640xf32> to vector<640x1xf32>
    %mul3A_390 = arith.constant 0.0883883461 : f32
    %mul3A_391 = vector.broadcast %mul3A_390 : f32 to vector<640x1xf32>
    %mul3A_392 = arith.mulf %broadcast_in_dim3A_389, %mul3A_391 : vector<640x1xf32>
    %add3A_393 = arith.addf %mul3A_392, %get3A_385 : vector<640x1xf32>
    %get3A_394 = arith.constant 0 : index
    %get3A_395 = arith.constant 1 : index
    %get3A_396 = arith.constant 384 : index
    %get3A_397 = vector.load %arg2[%get3A_394, %get3A_395, %get3A_396] : memref<640x4x512xf32, #tpu.memory_space<vmem>>, vector<640x1x128xf32>
    %get3A_398 = vector.shape_cast %get3A_397 : vector<640x1x128xf32> to vector<640x128xf32>
    %get3A_399 = arith.constant 0 : index
    %get3A_400 = arith.constant 1 : index
    %get3A_401 = arith.constant 3 : index
    %get3A_402 = vector.load %arg4[%get3A_399, %get3A_400, %get3A_401] : memref<640x4x128xf32, #tpu.memory_space<vmem>>, vector<640x1x1xf32>
    %get3A_403 = vector.shape_cast %get3A_402 : vector<640x1x1xf32> to vector<640x1xf32>
    %mul3A_404 = arith.mulf %slice3A_375, %get3A_398 : vector<640x128xf32>
    %reduce_sum3A_405 = arith.constant dense<0.000000e+00> : vector<640xf32>
    %reduce_sum3A_406 = vector.multi_reduction <add>, %mul3A_404, %reduce_sum3A_405 [1] : vector<640x128xf32> to vector<640xf32>
    %broadcast_in_dim3A_407 = vector.shape_cast %reduce_sum3A_406 : vector<640xf32> to vector<640x1xf32>
    %mul3A_408 = arith.constant 0.0883883461 : f32
    %mul3A_409 = vector.broadcast %mul3A_408 : f32 to vector<640x1xf32>
    %mul3A_410 = arith.mulf %broadcast_in_dim3A_407, %mul3A_409 : vector<640x1xf32>
    %add3A_411 = arith.addf %mul3A_410, %get3A_403 : vector<640x1xf32>
    %get3A_412 = arith.constant 0 : index
    %get3A_413 = arith.constant 2 : index
    %get3A_414 = arith.constant 384 : index
    %get3A_415 = vector.load %arg2[%get3A_412, %get3A_413, %get3A_414] : memref<640x4x512xf32, #tpu.memory_space<vmem>>, vector<640x1x128xf32>
    %get3A_416 = vector.shape_cast %get3A_415 : vector<640x1x128xf32> to vector<640x128xf32>
    %get3A_417 = arith.constant 0 : index
    %get3A_418 = arith.constant 2 : index
    %get3A_419 = arith.constant 3 : index
    %get3A_420 = vector.load %arg4[%get3A_417, %get3A_418, %get3A_419] : memref<640x4x128xf32, #tpu.memory_space<vmem>>, vector<640x1x1xf32>
    %get3A_421 = vector.shape_cast %get3A_420 : vector<640x1x1xf32> to vector<640x1xf32>
    %mul3A_422 = arith.mulf %slice3A_375, %get3A_416 : vector<640x128xf32>
    %reduce_sum3A_423 = arith.constant dense<0.000000e+00> : vector<640xf32>
    %reduce_sum3A_424 = vector.multi_reduction <add>, %mul3A_422, %reduce_sum3A_423 [1] : vector<640x128xf32> to vector<640xf32>
    %broadcast_in_dim3A_425 = vector.shape_cast %reduce_sum3A_424 : vector<640xf32> to vector<640x1xf32>
    %mul3A_426 = arith.constant 0.0883883461 : f32
    %mul3A_427 = vector.broadcast %mul3A_426 : f32 to vector<640x1xf32>
    %mul3A_428 = arith.mulf %broadcast_in_dim3A_425, %mul3A_427 : vector<640x1xf32>
    %add3A_429 = arith.addf %mul3A_428, %get3A_421 : vector<640x1xf32>
    %get3A_430 = arith.constant 0 : index
    %get3A_431 = arith.constant 3 : index
    %get3A_432 = arith.constant 384 : index
    %get3A_433 = vector.load %arg2[%get3A_430, %get3A_431, %get3A_432] : memref<640x4x512xf32, #tpu.memory_space<vmem>>, vector<640x1x128xf32>
    %get3A_434 = vector.shape_cast %get3A_433 : vector<640x1x128xf32> to vector<640x128xf32>
    %get3A_435 = arith.constant 0 : index
    %get3A_436 = arith.constant 3 : index
    %get3A_437 = arith.constant 3 : index
    %get3A_438 = vector.load %arg4[%get3A_435, %get3A_436, %get3A_437] : memref<640x4x128xf32, #tpu.memory_space<vmem>>, vector<640x1x1xf32>
    %get3A_439 = vector.shape_cast %get3A_438 : vector<640x1x1xf32> to vector<640x1xf32>
    %mul3A_440 = arith.mulf %slice3A_375, %get3A_434 : vector<640x128xf32>
    %reduce_sum3A_441 = arith.constant dense<0.000000e+00> : vector<640xf32>
    %reduce_sum3A_442 = vector.multi_reduction <add>, %mul3A_440, %reduce_sum3A_441 [1] : vector<640x128xf32> to vector<640xf32>
    %broadcast_in_dim3A_443 = vector.shape_cast %reduce_sum3A_442 : vector<640xf32> to vector<640x1xf32>
    %mul3A_444 = arith.constant 0.0883883461 : f32
    %mul3A_445 = vector.broadcast %mul3A_444 : f32 to vector<640x1xf32>
    %mul3A_446 = arith.mulf %broadcast_in_dim3A_443, %mul3A_445 : vector<640x1xf32>
    %add3A_447 = arith.addf %mul3A_446, %get3A_439 : vector<640x1xf32>
    %concatenate3A_448 = tpu.concatenate %add3A_393, %add3A_411, %add3A_429, %add3A_447 in 1 : vector<640x1xf32>, vector<640x1xf32>, vector<640x1xf32>, vector<640x1xf32> -> vector<640x4xf32>
    %reduce_max3A_449 = arith.constant dense<0xFF800000> : vector<640xf32>
    %reduce_max3A_450 = vector.multi_reduction <maximumf>, %concatenate3A_448, %reduce_max3A_449 [1] : vector<640x4xf32> to vector<640xf32>
    %broadcast_in_dim3A_451 = vector.shape_cast %reduce_max3A_450 : vector<640xf32> to vector<640x1xf32>
    %sub3A_452 = vector.broadcast %broadcast_in_dim3A_451 : vector<640x1xf32> to vector<640x4xf32>
    %sub3A_453 = arith.subf %concatenate3A_448, %sub3A_452 : vector<640x4xf32>
    %exp3A_454 = math.exp %sub3A_453 : vector<640x4xf32>
    %reduce_sum3A_455 = arith.constant dense<0.000000e+00> : vector<640xf32>
    %reduce_sum3A_456 = vector.multi_reduction <add>, %exp3A_454, %reduce_sum3A_455 [1] : vector<640x4xf32> to vector<640xf32>
    %broadcast_in_dim3A_457 = vector.shape_cast %reduce_sum3A_456 : vector<640xf32> to vector<640x1xf32>
    %div3A_458 = vector.broadcast %broadcast_in_dim3A_457 : vector<640x1xf32> to vector<640x4xf32>
    %div3A_459 = arith.divf %exp3A_454, %div3A_458 : vector<640x4xf32>
    %slice3A_460 = vector.extract_strided_slice %div3A_459 {offsets = [0, 0], sizes = [640, 1], strides = [1, 1]} : vector<640x4xf32> to vector<640x1xf32>
    %get3A_461 = arith.constant 0 : index
    %get3A_462 = arith.constant 0 : index
    %get3A_463 = arith.constant 384 : index
    %get3A_464 = vector.load %arg3[%get3A_461, %get3A_462, %get3A_463] : memref<640x4x512xf32, #tpu.memory_space<vmem>>, vector<640x1x128xf32>
    %get3A_465 = vector.shape_cast %get3A_464 : vector<640x1x128xf32> to vector<640x128xf32>
    %mul3A_466 = vector.broadcast %slice3A_460 : vector<640x1xf32> to vector<640x128xf32>
    %mul3A_467 = arith.mulf %mul3A_466, %get3A_465 : vector<640x128xf32>
    %slice3A_468 = vector.extract_strided_slice %div3A_459 {offsets = [0, 1], sizes = [640, 1], strides = [1, 1]} : vector<640x4xf32> to vector<640x1xf32>
    %get3A_469 = arith.constant 0 : index
    %get3A_470 = arith.constant 1 : index
    %get3A_471 = arith.constant 384 : index
    %get3A_472 = vector.load %arg3[%get3A_469, %get3A_470, %get3A_471] : memref<640x4x512xf32, #tpu.memory_space<vmem>>, vector<640x1x128xf32>
    %get3A_473 = vector.shape_cast %get3A_472 : vector<640x1x128xf32> to vector<640x128xf32>
    %mul3A_474 = vector.broadcast %slice3A_468 : vector<640x1xf32> to vector<640x128xf32>
    %mul3A_475 = arith.mulf %mul3A_474, %get3A_473 : vector<640x128xf32>
    %add3A_476 = arith.addf %mul3A_467, %mul3A_475 : vector<640x128xf32>
    %slice3A_477 = vector.extract_strided_slice %div3A_459 {offsets = [0, 2], sizes = [640, 1], strides = [1, 1]} : vector<640x4xf32> to vector<640x1xf32>
    %get3A_478 = arith.constant 0 : index
    %get3A_479 = arith.constant 2 : index
    %get3A_480 = arith.constant 384 : index
    %get3A_481 = vector.load %arg3[%get3A_478, %get3A_479, %get3A_480] : memref<640x4x512xf32, #tpu.memory_space<vmem>>, vector<640x1x128xf32>
    %get3A_482 = vector.shape_cast %get3A_481 : vector<640x1x128xf32> to vector<640x128xf32>
    %mul3A_483 = vector.broadcast %slice3A_477 : vector<640x1xf32> to vector<640x128xf32>
    %mul3A_484 = arith.mulf %mul3A_483, %get3A_482 : vector<640x128xf32>
    %add3A_485 = arith.addf %add3A_476, %mul3A_484 : vector<640x128xf32>
    %slice3A_486 = vector.extract_strided_slice %div3A_459 {offsets = [0, 3], sizes = [640, 1], strides = [1, 1]} : vector<640x4xf32> to vector<640x1xf32>
    %get3A_487 = arith.constant 0 : index
    %get3A_488 = arith.constant 3 : index
    %get3A_489 = arith.constant 384 : index
    %get3A_490 = vector.load %arg3[%get3A_487, %get3A_488, %get3A_489] : memref<640x4x512xf32, #tpu.memory_space<vmem>>, vector<640x1x128xf32>
    %get3A_491 = vector.shape_cast %get3A_490 : vector<640x1x128xf32> to vector<640x128xf32>
    %mul3A_492 = vector.broadcast %slice3A_486 : vector<640x1xf32> to vector<640x128xf32>
    %mul3A_493 = arith.mulf %mul3A_492, %get3A_491 : vector<640x128xf32>
    %add3A_494 = arith.addf %add3A_485, %mul3A_493 : vector<640x128xf32>
    %slice3A_495 = vector.extract_strided_slice %logistic3A_14 {offsets = [0, 384], sizes = [640, 128], strides = [1, 1]} : vector<640x512xf32> to vector<640x128xf32>
    %mul3A_496 = arith.mulf %slice3A_495, %add3A_494 : vector<640x128xf32>
    %concatenate3A_497 = tpu.concatenate %mul3A_130, %mul3A_252, %mul3A_374, %mul3A_496 in 1 : vector<640x128xf32>, vector<640x128xf32>, vector<640x128xf32>, vector<640x128xf32> -> vector<640x512xf32>
    %get3A_498 = arith.constant 0 : index
    %get3A_499 = arith.constant 0 : index
    %get3A_500 = vector.load %arg8[%get3A_498, %get3A_499] : memref<512x128xf32, #tpu.memory_space<vmem>>, vector<512x128xf32>
    %dot_general3A_501 = arith.constant dense<0.000000e+00> : vector<640x128xf32>
    %dot_general3A_502 = tpu.matmul %concatenate3A_497, %get3A_500, %dot_general3A_501 {dimension_numbers = #tpu.dot_dimension_numbers<[1], [0], [0], [1], [0, 0, 1, 1], [], []>, transpose_lhs_hint = false} : vector<640x512xf32>, vector<512x128xf32>, vector<640x128xf32> -> vector<640x128xf32>
    %get3A_503 = arith.constant 0 : index
    %get3A_504 = arith.constant 0 : index
    %get3A_505 = vector.load %arg9[%get3A_503, %get3A_504] : memref<1x128xf32, #tpu.memory_space<vmem>>, vector<1x128xf32>
    %add3A_506 = vector.broadcast %get3A_505 : vector<1x128xf32> to vector<640x128xf32>
    %add3A_507 = arith.addf %dot_general3A_502, %add3A_506 : vector<640x128xf32>
    %swap3A = arith.constant 0 : index
    %swap3A_508 = arith.constant 0 : index
    %swap3A_509 = vector.load %arg10[%swap3A, %swap3A_508] : memref<640x128xf32, #tpu.memory_space<vmem>>, vector<640x128xf32>
    tpu.vector_store %arg10[%swap3A, %swap3A_508], %add3A_507 {strides = array<i32>} : memref<640x128xf32, #tpu.memory_space<vmem>>, vector<640x128xf32>,
    return
  }
  func.func @transform_0(%arg0: i32) -> (i32, i32) {
    %c0_i32 = arith.constant 0 : i32
    %c0_i32_0 = arith.constant 0 : i32
    return %arg0, %c0_i32 : i32, i32
  }
  func.func @transform_1(%arg0: i32) -> (i32, i32, i32) {
    %c0_i32 = arith.constant 0 : i32
    %c0_i32_0 = arith.constant 0 : i32
    %c0_i32_1 = arith.constant 0 : i32
    return %arg0, %c0_i32, %c0_i32_0 : i32, i32, i32
  }
  func.func @transform_2(%arg0: i32) -> (i32, i32, i32) {
    %c0_i32 = arith.constant 0 : i32
    %c0_i32_0 = arith.constant 0 : i32
    %c0_i32_1 = arith.constant 0 : i32
    return %arg0, %c0_i32, %c0_i32_0 : i32, i32, i32
  }
  func.func @transform_3(%arg0: i32) -> (i32, i32, i32) {
    %c0_i32 = arith.constant 0 : i32
    %c0_i32_0 = arith.constant 0 : i32
    %c0_i32_1 = arith.constant 0 : i32
    return %arg0, %c0_i32, %c0_i32_0 : i32, i32, i32
  }
  func.func @transform_4(%arg0: i32) -> (i32, i32) {
    %c0_i32 = arith.constant 0 : i32
    %c0_i32_0 = arith.constant 0 : i32
    return %arg0, %c0_i32 : i32, i32
  }
  func.func @transform_5(%arg0: i32) -> (i32, i32) {
    %c0_i32 = arith.constant 0 : i32
    %c0_i32_0 = arith.constant 0 : i32
    %c0_i32_1 = arith.constant 0 : i32
    return %c0_i32, %c0_i32_0 : i32, i32
  }
  func.func @transform_6(%arg0: i32) -> (i32, i32) {
    %c0_i32 = arith.constant 0 : i32
    %c0_i32_0 = arith.constant 0 : i32
    %c0_i32_1 = arith.constant 0 : i32
    return %c0_i32, %c0_i32_0 : i32, i32
  }
  func.func @transform_7(%arg0: i32) -> (i32, i32) {
    %c0_i32 = arith.constant 0 : i32
    %c0_i32_0 = arith.constant 0 : i32
    %c0_i32_1 = arith.constant 0 : i32
    return %c0_i32, %c0_i32_0 : i32, i32
  }
  func.func @transform_8(%arg0: i32) -> (i32, i32) {
    %c0_i32 = arith.constant 0 : i32
    %c0_i32_0 = arith.constant 0 : i32
    %c0_i32_1 = arith.constant 0 : i32
    return %c0_i32, %c0_i32_0 : i32, i32
  }
  func.func @transform_9(%arg0: i32) -> (i32, i32) {
    %c0_i32 = arith.constant 0 : i32
    %c0_i32_0 = arith.constant 0 : i32
    return %arg0, %c0_i32 : i32, i32
  }
}

module attributes {stable_mosaic.version = 14 : i64} {
  func.func @_tc_d_body(%arg0: i32, %arg1: memref<2000x128xf32, #tpu.memory_space<vmem>>, %arg2: memref<2000x128xf32, #tpu.memory_space<vmem>>, %arg3: memref<2000x128xf32, #tpu.memory_space<vmem>>, %arg4: memref<2000x128xf32, #tpu.memory_space<vmem>>, %arg5: memref<2000x128xf32, #tpu.memory_space<vmem>>, %arg6: memref<2000x128xf32, #tpu.memory_space<vmem>>, %arg7: memref<2000x3xf32, #tpu.memory_space<vmem>>, %arg8: memref<2000x3xf32, #tpu.memory_space<vmem>>, %arg9: memref<128x128xf32, #tpu.memory_space<vmem>>, %arg10: memref<128x128xf32, #tpu.memory_space<vmem>>, %arg11: memref<128x128xf32, #tpu.memory_space<vmem>>, %arg12: memref<1x128xf32, #tpu.memory_space<vmem>>, %arg13: memref<128x128xf32, #tpu.memory_space<vmem>>, %arg14: memref<1x128xf32, #tpu.memory_space<vmem>>, %arg15: memref<2000x128xf32, #tpu.memory_space<vmem>>, %arg16: memref<2000x3xf32, #tpu.memory_space<vmem>>) attributes {dimension_semantics = [#tpu.dimension_semantics<arbitrary>], iteration_bounds = array<i64: 5>, scalar_prefetch = 0 : i64, scratch_operands = 0 : i64, tpu.core_type = #tpu.core_type<tc>, window_params = [{transform_indices = @transform_0, window_bounds = array<i64: 2000, 128>}, {transform_indices = @transform_1, window_bounds = array<i64: 2000, 128>}, {transform_indices = @transform_2, window_bounds = array<i64: 2000, 128>}, {transform_indices = @transform_3, window_bounds = array<i64: 2000, 128>}, {transform_indices = @transform_4, window_bounds = array<i64: 2000, 128>}, {transform_indices = @transform_5, window_bounds = array<i64: 2000, 128>}, {transform_indices = @transform_6, window_bounds = array<i64: 2000, 3>}, {transform_indices = @transform_7, window_bounds = array<i64: 2000, 3>}, {pipeline_mode = #tpu.pipeline_mode<synchronous>, transform_indices = @transform_8, window_bounds = array<i64: 128, 128>}, {pipeline_mode = #tpu.pipeline_mode<synchronous>, transform_indices = @transform_9, window_bounds = array<i64: 128, 128>}, {pipeline_mode = #tpu.pipeline_mode<synchronous>, transform_indices = @transform_10, window_bounds = array<i64: 128, 128>}, {pipeline_mode = #tpu.pipeline_mode<synchronous>, transform_indices = @transform_11, window_bounds = array<i64: 1, 128>}, {pipeline_mode = #tpu.pipeline_mode<synchronous>, transform_indices = @transform_12, window_bounds = array<i64: 128, 128>}, {pipeline_mode = #tpu.pipeline_mode<synchronous>, transform_indices = @transform_13, window_bounds = array<i64: 1, 128>}, {transform_indices = @transform_14, window_bounds = array<i64: 2000, 128>}, {transform_indices = @transform_15, window_bounds = array<i64: 2000, 3>}]} {
    %get3A = arith.constant 0 : index
    %get3A_0 = arith.constant 0 : index
    %get3A_1 = vector.load %arg1[%get3A, %get3A_0] : memref<2000x128xf32, #tpu.memory_space<vmem>>, vector<2000x128xf32>
    %get3A_2 = arith.constant 0 : index
    %get3A_3 = arith.constant 0 : index
    %get3A_4 = vector.load %arg2[%get3A_2, %get3A_3] : memref<2000x128xf32, #tpu.memory_space<vmem>>, vector<2000x128xf32>
    %add3A = arith.addf %get3A_1, %get3A_4 : vector<2000x128xf32>
    %get3A_5 = arith.constant 0 : index
    %get3A_6 = arith.constant 0 : index
    %get3A_7 = vector.load %arg3[%get3A_5, %get3A_6] : memref<2000x128xf32, #tpu.memory_space<vmem>>, vector<2000x128xf32>
    %get3A_8 = arith.constant 0 : index
    %get3A_9 = arith.constant 0 : index
    %get3A_10 = vector.load %arg4[%get3A_8, %get3A_9] : memref<2000x128xf32, #tpu.memory_space<vmem>>, vector<2000x128xf32>
    %add3A_11 = arith.addf %get3A_7, %get3A_10 : vector<2000x128xf32>
    %iota3A = tpu.iota {dimensions = array<i32: 1>} : vector<1x128xi32>
    %eq3A = arith.constant 3 : i32
    %eq3A_12 = vector.broadcast %eq3A : i32 to vector<1x128xi32>
    %eq3A_13 = arith.cmpi eq, %iota3A, %eq3A_12 : vector<1x128xi32>
    %jit3A = arith.constant 0.000000e+00 : f32
    %broadcast_in_dim3A = vector.shape_cast %eq3A_13 : vector<1x128xi1> to vector<1x128xi1>
    %broadcast_in_dim3A_14 = vector.broadcast %broadcast_in_dim3A : vector<1x128xi1> to vector<2000x128xi1>
    %broadcast_in_dim3A_15 = vector.broadcast %jit3A : f32 to vector<2000x128xf32>
    %select_n3A = arith.select %broadcast_in_dim3A_14, %add3A_11, %broadcast_in_dim3A_15 : vector<2000x128xi1>, vector<2000x128xf32>
    %reduce_sum3A = arith.constant dense<0.000000e+00> : vector<2000xf32>
    %reduce_sum3A_16 = vector.multi_reduction <add>, %select_n3A, %reduce_sum3A [1] : vector<2000x128xf32> to vector<2000xf32>
    %broadcast_in_dim3A_17 = vector.shape_cast %reduce_sum3A_16 : vector<2000xf32> to vector<2000x1xf32>
    %max3A = arith.constant 1.000000e+00 : f32
    %max3A_18 = vector.broadcast %max3A : f32 to vector<2000x1xf32>
    %max3A_19 = arith.maximumf %broadcast_in_dim3A_17, %max3A_18 : vector<2000x1xf32>
    %div3A = vector.broadcast %max3A_19 : vector<2000x1xf32> to vector<2000x128xf32>
    %div3A_20 = arith.divf %add3A, %div3A : vector<2000x128xf32>
    %slice3A = vector.extract_strided_slice %add3A_11 {offsets = [0, 0], sizes = [2000, 3], strides = [1, 1]} : vector<2000x128xf32> to vector<2000x3xf32>
    %div3A_21 = vector.broadcast %max3A_19 : vector<2000x1xf32> to vector<2000x3xf32>
    %div3A_22 = arith.divf %slice3A, %div3A_21 : vector<2000x3xf32>
    %get3A_23 = arith.constant 0 : index
    %get3A_24 = arith.constant 0 : index
    %get3A_25 = vector.load %arg8[%get3A_23, %get3A_24] : memref<2000x3xf32, #tpu.memory_space<vmem>>, vector<2000x3xf32>
    %mul3A = arith.constant 2.000000e-01 : f32
    %mul3A_26 = vector.broadcast %mul3A : f32 to vector<2000x3xf32>
    %mul3A_27 = arith.mulf %mul3A_26, %get3A_25 : vector<2000x3xf32>
    %get3A_28 = arith.constant 0 : index
    %get3A_29 = arith.constant 0 : index
    %get3A_30 = vector.load %arg7[%get3A_28, %get3A_29] : memref<2000x3xf32, #tpu.memory_space<vmem>>, vector<2000x3xf32>
    %mul3A_31 = arith.constant 8.000000e-01 : f32
    %mul3A_32 = vector.broadcast %mul3A_31 : f32 to vector<2000x3xf32>
    %mul3A_33 = arith.mulf %mul3A_32, %get3A_30 : vector<2000x3xf32>
    %add3A_34 = arith.addf %mul3A_27, %mul3A_33 : vector<2000x3xf32>
    %add3A_35 = arith.addf %add3A_34, %div3A_22 : vector<2000x3xf32>
    %swap3A = arith.constant 0 : index
    %swap3A_36 = arith.constant 0 : index
    %swap3A_37 = vector.load %arg16[%swap3A, %swap3A_36] : memref<2000x3xf32, #tpu.memory_space<vmem>>, vector<2000x3xf32>
    tpu.vector_store %arg16[%swap3A, %swap3A_36], %add3A_35 {strides = array<i32>} : memref<2000x3xf32, #tpu.memory_space<vmem>>, vector<2000x3xf32>,
    %get3A_38 = arith.constant 0 : index
    %get3A_39 = arith.constant 0 : index
    %get3A_40 = vector.load %arg5[%get3A_38, %get3A_39] : memref<2000x128xf32, #tpu.memory_space<vmem>>, vector<2000x128xf32>
    %get3A_41 = arith.constant 0 : index
    %get3A_42 = arith.constant 0 : index
    %get3A_43 = vector.load %arg9[%get3A_41, %get3A_42] : memref<128x128xf32, #tpu.memory_space<vmem>>, vector<128x128xf32>
    %dot_general3A = arith.constant dense<0.000000e+00> : vector<2000x128xf32>
    %dot_general3A_44 = tpu.matmul %get3A_40, %get3A_43, %dot_general3A {dimension_numbers = #tpu.dot_dimension_numbers<[1], [0], [0], [1], [0, 0, 1, 1], [], []>, transpose_lhs_hint = false} : vector<2000x128xf32>, vector<128x128xf32>, vector<2000x128xf32> -> vector<2000x128xf32>
    %get3A_45 = arith.constant 0 : index
    %get3A_46 = arith.constant 0 : index
    %get3A_47 = vector.load %arg6[%get3A_45, %get3A_46] : memref<2000x128xf32, #tpu.memory_space<vmem>>, vector<2000x128xf32>
    %get3A_48 = arith.constant 0 : index
    %get3A_49 = arith.constant 0 : index
    %get3A_50 = vector.load %arg10[%get3A_48, %get3A_49] : memref<128x128xf32, #tpu.memory_space<vmem>>, vector<128x128xf32>
    %dot_general3A_51 = arith.constant dense<0.000000e+00> : vector<2000x128xf32>
    %dot_general3A_52 = tpu.matmul %get3A_47, %get3A_50, %dot_general3A_51 {dimension_numbers = #tpu.dot_dimension_numbers<[1], [0], [0], [1], [0, 0, 1, 1], [], []>, transpose_lhs_hint = false} : vector<2000x128xf32>, vector<128x128xf32>, vector<2000x128xf32> -> vector<2000x128xf32>
    %add3A_53 = arith.addf %dot_general3A_44, %dot_general3A_52 : vector<2000x128xf32>
    %get3A_54 = arith.constant 0 : index
    %get3A_55 = arith.constant 0 : index
    %get3A_56 = vector.load %arg11[%get3A_54, %get3A_55] : memref<128x128xf32, #tpu.memory_space<vmem>>, vector<128x128xf32>
    %dot_general3A_57 = arith.constant dense<0.000000e+00> : vector<2000x128xf32>
    %dot_general3A_58 = tpu.matmul %div3A_20, %get3A_56, %dot_general3A_57 {dimension_numbers = #tpu.dot_dimension_numbers<[1], [0], [0], [1], [0, 0, 1, 1], [], []>, transpose_lhs_hint = false} : vector<2000x128xf32>, vector<128x128xf32>, vector<2000x128xf32> -> vector<2000x128xf32>
    %add3A_59 = arith.addf %add3A_53, %dot_general3A_58 : vector<2000x128xf32>
    %get3A_60 = arith.constant 0 : index
    %get3A_61 = arith.constant 0 : index
    %get3A_62 = vector.load %arg12[%get3A_60, %get3A_61] : memref<1x128xf32, #tpu.memory_space<vmem>>, vector<1x128xf32>
    %add3A_63 = vector.broadcast %get3A_62 : vector<1x128xf32> to vector<2000x128xf32>
    %add3A_64 = arith.addf %add3A_59, %add3A_63 : vector<2000x128xf32>
    %logistic3A = arith.negf %add3A_64 : vector<2000x128xf32>
    %logistic3A_65 = math.exp %logistic3A : vector<2000x128xf32>
    %logistic3A_66 = arith.constant 1.000000e+00 : f32
    %logistic3A_67 = vector.broadcast %logistic3A_66 : f32 to vector<2000x128xf32>
    %logistic3A_68 = arith.addf %logistic3A_67, %logistic3A_65 : vector<2000x128xf32>
    %logistic3A_69 = arith.divf %logistic3A_67, %logistic3A_68 : vector<2000x128xf32>
    %mul3A_70 = arith.mulf %add3A_64, %logistic3A_69 : vector<2000x128xf32>
    %get3A_71 = arith.constant 0 : index
    %get3A_72 = arith.constant 0 : index
    %get3A_73 = vector.load %arg13[%get3A_71, %get3A_72] : memref<128x128xf32, #tpu.memory_space<vmem>>, vector<128x128xf32>
    %dot_general3A_74 = arith.constant dense<0.000000e+00> : vector<2000x128xf32>
    %dot_general3A_75 = tpu.matmul %mul3A_70, %get3A_73, %dot_general3A_74 {dimension_numbers = #tpu.dot_dimension_numbers<[1], [0], [0], [1], [0, 0, 1, 1], [], []>, transpose_lhs_hint = false} : vector<2000x128xf32>, vector<128x128xf32>, vector<2000x128xf32> -> vector<2000x128xf32>
    %add3A_76 = arith.addf %get3A_40, %dot_general3A_75 : vector<2000x128xf32>
    %get3A_77 = arith.constant 0 : index
    %get3A_78 = arith.constant 0 : index
    %get3A_79 = vector.load %arg14[%get3A_77, %get3A_78] : memref<1x128xf32, #tpu.memory_space<vmem>>, vector<1x128xf32>
    %add3A_80 = vector.broadcast %get3A_79 : vector<1x128xf32> to vector<2000x128xf32>
    %add3A_81 = arith.addf %add3A_76, %add3A_80 : vector<2000x128xf32>
    %swap3A_82 = arith.constant 0 : index
    %swap3A_83 = arith.constant 0 : index
    %swap3A_84 = vector.load %arg15[%swap3A_82, %swap3A_83] : memref<2000x128xf32, #tpu.memory_space<vmem>>, vector<2000x128xf32>
    tpu.vector_store %arg15[%swap3A_82, %swap3A_83], %add3A_81 {strides = array<i32>} : memref<2000x128xf32, #tpu.memory_space<vmem>>, vector<2000x128xf32>,
    return
  }
  func.func @transform_0(%arg0: i32) -> (i32, i32) {
    %c0_i32 = arith.constant 0 : i32
    %c0_i32_0 = arith.constant 0 : i32
    return %arg0, %c0_i32 : i32, i32
  }
  func.func @transform_1(%arg0: i32) -> (i32, i32) {
    %c0_i32 = arith.constant 0 : i32
    %c0_i32_0 = arith.constant 0 : i32
    return %arg0, %c0_i32 : i32, i32
  }
  func.func @transform_2(%arg0: i32) -> (i32, i32) {
    %c0_i32 = arith.constant 0 : i32
    %c0_i32_0 = arith.constant 0 : i32
    return %arg0, %c0_i32 : i32, i32
  }
  func.func @transform_3(%arg0: i32) -> (i32, i32) {
    %c0_i32 = arith.constant 0 : i32
    %c0_i32_0 = arith.constant 0 : i32
    return %arg0, %c0_i32 : i32, i32
  }
  func.func @transform_4(%arg0: i32) -> (i32, i32) {
    %c0_i32 = arith.constant 0 : i32
    %c0_i32_0 = arith.constant 0 : i32
    return %arg0, %c0_i32 : i32, i32
  }
  func.func @transform_5(%arg0: i32) -> (i32, i32) {
    %c0_i32 = arith.constant 0 : i32
    %c0_i32_0 = arith.constant 0 : i32
    return %arg0, %c0_i32 : i32, i32
  }
  func.func @transform_6(%arg0: i32) -> (i32, i32) {
    %c0_i32 = arith.constant 0 : i32
    %c0_i32_0 = arith.constant 0 : i32
    return %arg0, %c0_i32 : i32, i32
  }
  func.func @transform_7(%arg0: i32) -> (i32, i32) {
    %c0_i32 = arith.constant 0 : i32
    %c0_i32_0 = arith.constant 0 : i32
    return %arg0, %c0_i32 : i32, i32
  }
  func.func @transform_8(%arg0: i32) -> (i32, i32) {
    %c0_i32 = arith.constant 0 : i32
    %c0_i32_0 = arith.constant 0 : i32
    %c0_i32_1 = arith.constant 0 : i32
    return %c0_i32, %c0_i32_0 : i32, i32
  }
  func.func @transform_9(%arg0: i32) -> (i32, i32) {
    %c0_i32 = arith.constant 0 : i32
    %c0_i32_0 = arith.constant 0 : i32
    %c0_i32_1 = arith.constant 0 : i32
    return %c0_i32, %c0_i32_0 : i32, i32
  }
  func.func @transform_10(%arg0: i32) -> (i32, i32) {
    %c0_i32 = arith.constant 0 : i32
    %c0_i32_0 = arith.constant 0 : i32
    %c0_i32_1 = arith.constant 0 : i32
    return %c0_i32, %c0_i32_0 : i32, i32
  }
  func.func @transform_11(%arg0: i32) -> (i32, i32) {
    %c0_i32 = arith.constant 0 : i32
    %c0_i32_0 = arith.constant 0 : i32
    %c0_i32_1 = arith.constant 0 : i32
    return %c0_i32, %c0_i32_0 : i32, i32
  }
  func.func @transform_12(%arg0: i32) -> (i32, i32) {
    %c0_i32 = arith.constant 0 : i32
    %c0_i32_0 = arith.constant 0 : i32
    %c0_i32_1 = arith.constant 0 : i32
    return %c0_i32, %c0_i32_0 : i32, i32
  }
  func.func @transform_13(%arg0: i32) -> (i32, i32) {
    %c0_i32 = arith.constant 0 : i32
    %c0_i32_0 = arith.constant 0 : i32
    %c0_i32_1 = arith.constant 0 : i32
    return %c0_i32, %c0_i32_0 : i32, i32
  }
  func.func @transform_14(%arg0: i32) -> (i32, i32) {
    %c0_i32 = arith.constant 0 : i32
    %c0_i32_0 = arith.constant 0 : i32
    return %arg0, %c0_i32 : i32, i32
  }
  func.func @transform_15(%arg0: i32) -> (i32, i32) {
    %c0_i32 = arith.constant 0 : i32
    %c0_i32_0 = arith.constant 0 : i32
    return %arg0, %c0_i32 : i32, i32
  }
}

</mosaic_0001>

<sc_bundles>
// kernel: kernel.12.cloned.1.call-start
scs
__scs_entry_jumppad:
0x0: {  	(pc) =	sbr.rel $0x88, $3  }
0x1: {  	(tag) =	ssettag $0x0;
	lr =	simm.s32 $0x1  }
0x2: {  	[smem:$0x3F79] =	sst lr;
	_ =	strace $0xD0000000  }
0x3: {  	_ = 	snop  }
0x4: {  	_ = 	snop  }
0x5: {  	_ = 	snop  }
0x6: {  	_ = 	snop  }
0x7: {  	_ = 	snop  }
__scs_overlays_trampoline_lowered:
0x8: {  	[smem:$0x3F88] =	sst s0  }
0x9: {  	[smem:$0x3F89] =	sst s1  }
0xa: {  	[smem:$0x3F8A] =	sst s2  }
0xb: {  	[smem:$0x3F8B] =	sst s3  }
0xc: {  	[smem:$0x3F8C] =	sst s4  }
0xd: {  	[smem:$0x3F8D] =	sst s5  }
0xe: {  	[smem:$0x3F8E] =	sst s6  }
0xf: {  	[smem:$0x3F8F] =	sst s7  }
0x10: {  	[smem:$0x3F90] =	sst s8  }
0x11: {  	[smem:$0x3F91] =	sst s9;
	s0 =	simm.s32 @!p0 $0x0  }
0x12: {  	s1 =	sld [smem:$0x3F77];
	s0 =	simm.s32 @p0 $0x1  }
0x13: {  	[smem:$0x3F92] =	sst s0;
	s0 =	simm.s32 @!p1 $0x0  }
0x14: {  	s2 =	sld [smem:$0x3F76];
	s0 =	simm.s32 @p1 $0x1  }
0x15: {  	[smem:$0x3F93] =	sst s0;
	s0 =	simm.s32 @!p2 $0x0  }
0x16: {  	s3 =	sld [smem:$0x3FDB];
	s0 =	simm.s32 @p2 $0x1  }
0x17: {  	s4 =	simm.s32 $0x1BF5;
	[smem:$0x3F95] =	sst s0  }
0x18: {  	s0 =	sld [smem:$0x3F78];
	_ =	swait.ge [sflag:s4], $0x0  }
0x19: {  	s7 =	sld [smem:$0x3F79]  }
0x1a: {  	s8 =	sadd.s32 $0xFFFFE003, lr  }
0x1b: {  	s9 =	sadd.s32 $0xFFFFFEF7, lr;
	s5 =	simm.s32 $0xFFFFFFFF;
	p2 =	slt.u32 s8, $0xFFFFF086  }
0x1c: {  	p1 =	slt.u32 s9, $0xF7A;
	s5 =	simm.s32 @!p2 $0x0  }
0x1d: {  	s5 =	simm.s32 @p1 $0x1;
	p0 =	seq.s32 s7, s2  }
0x1e: {  	s7 =	smul.u32 @!p0 $0xF7A, s2;
	p2 =	seq.s32 @!p0 s5, $0x0  }
0x1f: {  	s9 =	smul.u32 $0xF7A, s1;
	s8 =	simm.s32 @!p0 $0x1BF5;
	p2 =	por !p2, p0  }
0x20: {  	[sflag:s8] =	ssyncset.s32 @!p0 $0xFFFFF086;
	s6 =	sadd.s32 @!p0 s3, s7;
	s7 =	simm.s32 @!p0 $0x108  }
0x21: {  	s3 =	sadd.s32 s3, s9;
	s6 =	sadd.s32 @!p0 $0x88, s6;
	s7 =	simm.s32 @p2 $0x1082  }
0x22: {  	[simem:s7], [sflag:s8] =	dma.local @!p0 [hbm:s6], $0xF7A  }
0x23: {  	s9 =	sor.u32 $0xD0000000, s2;
	s6 =	simm.s32 $0x108;
	_ =	swait.ge @!p0 [sflag:s8], $0x0  }
0x24: {  	s3 =	sadd.s32 $0x88, s3;
	s6 =	simm.s32 @!p1 $0x1082;
	[sflag:s4] =	ssyncset.s32 $0xFFFFF086  }
0x25: {  	[simem:s6], [sflag:s4] =	dma.local [hbm:s3], $0xF7A  }
0x26: {  	[smem:$0x3F79] =	sst s1;
	(tag) =	ssettag s2;
	_ =	strace s9  }
0x27: {  	s1 =	sld [smem:$0x3F89]  }
0x28: {  	s2 =	sld [smem:$0x3F8A]  }
0x29: {  	s4 =	sld [smem:$0x3F8C]  }
0x2a: {  	p0 =	seq.s32 s5, $0x0;
	s5 =	sld [smem:$0x3F8D]  }
0x2b: {  	s6 =	sld [smem:$0x3F8E]  }
0x2c: {  	s7 =	sld [smem:$0x3F8F]  }
0x2d: {  	s3 =	simm.s32 $0x108;
	s8 =	sld [smem:$0x3F90]  }
0x2e: {  	s3 =	simm.s32 @!p0 $0x1082;
	s9 =	sld [smem:$0x3F91]  }
0x2f: {  	lr =	sadd.s32 s0, s3;
	s0 =	sld [smem:$0x3F88]  }
0x30: {  	s3 =	sld [smem:$0x3F8B]  }
0x31: {  	[smem:$0x3F94] =	sst s10  }
0x32: {  	s10 =	sld [smem:$0x3F92];
	_ =	sdelay $0x3  }
0x33: {  	p0 =	seq.s32 s10, $0x1;
	s10 =	sld [smem:$0x3F94];
	_ =	sdelay $0x3  }
0x34: {  	[smem:$0x3F94] =	sst s10  }
0x35: {  	s10 =	sld [smem:$0x3F93];
	_ =	sdelay $0x3  }
0x36: {  	p1 =	seq.s32 s10, $0x1;
	s10 =	sld [smem:$0x3F94];
	_ =	sdelay $0x3  }
0x37: {  	[smem:$0x3F94] =	sst s10  }
0x38: {  	s10 =	sld [smem:$0x3F95]  }
0x39: {  	_ = 	snop;
	(pc) =	sbr.ind lr, $3  }
0x3a: {  	_ = 	snop  }
0x3b: {  	_ = 	snop  }
0x3c: {  	p2 =	seq.s32 s10, $0x1;
	s10 =	sld [smem:$0x3F94]  }
0x3d: {  	_ =	shalt  }
0x3e: {  	_ =	shalt  }
0x3f: {  	_ =	shalt  }
0x40: {  	_ =	shalt  }
0x41: {  	_ =	shalt  }
0x42: {  	_ =	shalt  }
0x43: {  	_ =	shalt  }
0x44: {  	_ =	shalt  }
0x45: {  	_ =	shalt  }
0x46: {  	_ =	shalt  }
0x47: {  	_ =	shalt  }
0x48: {  	_ =	shalt  }
0x49: {  	_ =	shalt  }
0x4a: {  	_ =	shalt  }
0x4b: {  	_ =	shalt  }
0x4c: {  	_ =	shalt  }
0x4d: {  	_ =	shalt  }
0x4e: {  	_ =	shalt  }
0x4f: {  	_ =	shalt  }
0x50: {  	_ =	shalt  }
0x51: {  	_ =	shalt  }
0x52: {  	_ =	shalt  }
0x53: {  	_ =	shalt  }
0x54: {  	_ =	shalt  }
0x55: {  	_ =	shalt  }
0x56: {  	_ =	shalt  }
0x57: {  	_ =	shalt  }
0x58: {  	_ =	shalt  }
0x59: {  	_ =	shalt  }
0x5a: {  	_ =	shalt  }
0x5b: {  	_ =	shalt  }
0x5c: {  	_ =	shalt  }
0x5d: {  	_ =	shalt  }
0x5e: {  	_ =	shalt  }
0x5f: {  	_ =	shalt  }
0x60: {  	_ =	shalt  }
0x61: {  	_ =	shalt  }
0x62: {  	_ =	shalt  }
0x63: {  	_ =	shalt  }
0x64: {  	_ =	shalt  }
0x65: {  	_ =	shalt  }
0x66: {  	_ =	shalt  }
0x67: {  	_ =	shalt  }
0x68: {  	_ =	shalt  }
0x69: {  	_ =	shalt  }
0x6a: {  	_ =	shalt  }
0x6b: {  	_ =	shalt  }
0x6c: {  	_ =	shalt  }
0x6d: {  	_ =	shalt  }
0x6e: {  	_ =	shalt  }
0x6f: {  	_ =	shalt  }
0x70: {  	_ =	shalt  }
0x71: {  	_ =	shalt  }
0x72: {  	_ =	shalt  }
0x73: {  	_ =	shalt  }
0x74: {  	_ =	shalt  }
0x75: {  	_ =	shalt  }
0x76: {  	_ =	shalt  }
0x77: {  	_ =	shalt  }
0x78: {  	_ =	shalt  }
0x79: {  	_ =	shalt  }
0x7a: {  	_ =	shalt  }
0x7b: {  	_ =	shalt  }
0x7c: {  	_ =	shalt  }
0x7d: {  	_ =	shalt  }
0x7e: {  	_ =	shalt  }
0x7f: {  	_ =	shalt  }
0x80: {  	_ =	shalt  }
0x81: {  	_ =	shalt  }
0x82: {  	_ =	shalt  }
0x83: {  	_ =	shalt  }
0x84: {  	_ =	shalt  }
0x85: {  	_ =	shalt  }
0x86: {  	_ =	shalt  }
0x87: {  	_ =	shalt  }
.Lfunc_end0:
.L_simem_size_0:
called_computation.1_lowered:
.L_overlay_start_0:
0x88: {  	s2 =	sld [smem:$0x3FD9]  }
0x89: {  	s3 =	sld [smem:$0x3FFE];
	_ =	sdelay $0x1  }
0x8a: {  	s1 =	srdreg.scid  }
0x8b: {  	s0 =	sand.u32 $0x1, s1  }
0x8c: {  	s14 =	sshll.u32 s0, $0xA;
	s2 =	sadd.s32 s3, s2  }
0x8d: {  	s2 =	sadd.s32 s2, s14  }
0x8e: {  	[smem:$0x3FA0] =	sst s2  }
0x8f: {  	_ = 	snop  }
0x90: {  	s2 =	sld [smem:$0x3FD0];
	_ =	sdelay $0x2  }
0x91: {  	s15 =	simm.s32 $0xA;
	s4 =	simm.s32 $0x10  }
0x92: {  	[smem:s4], [sflag:s15] =	dma.local [hbm:s2], $0x1  }
0x93: {  	_ =	swait.eq [sflag:s15], $0x1  }
0x94: {  	[sflag:s15] =	ssyncset.done $0x0  }
0x95: {  	[sflag:s15] =	ssyncadd.s32 $0xFFFFFFFF  }
0x96: {  	s16 =	sld [smem:$0x10];
	(tm) =	ssettm $0x1  }
0x97: {  	s17 =	sld [smem:$0x3FFB];
	_ =	sdelay $0x3  }
0x98: {  	_ =	strace s17  }
0x99: {  	s3 =	sld [smem:$0x3FFC];
	_ =	sdelay $0x3  }
0x9a: {  	_ =	strace s3  }
0x9b: {  	s3 =	sld [smem:$0x3FFD];
	_ =	sdelay $0x3  }
0x9c: {  	_ =	strace s3  }
0x9d: {  	_ =	strace $0x8FFFFFFF  }
0x9e: {  	s18 =	sld [smem:$0x3FDB];
	_ =	sdelay $0x1  }
0x9f: {  	s19 =	simm.s32 $_scs_section_size  }
0xa0: {  	s5 =	simm.s32 $_size__tile_overlayer_lowered;
	s6 =	simm.s32 $_tile_overlayer_lowered  }
0xa1: {  	s22 =	simm.s32 $0x1BFF;
	s21 =	sshll.u32 s6, $0x1;
	s3 =	sadd.s32 s19, s18  }
0xa2: {  	s7 =	simm.s32 $0x0;
	s20 =	sshll.u32 s5, $0x1;
	s5 =	sadd.s32 s21, s3  }
0xa3: {  	[timem:s7], [sflag:s22] =	dma.local [hbm:s5], s20  }
0xa4: {  	_ =	swait.ge [sflag:s22], s20  }
0xa5: {  	s4 =	ssub.s32 $0x0, s20;
	[sflag:s22] =	ssyncset.done $0x0  }
0xa6: {  	[sflag:s22] =	ssyncadd.s32 s4;
	_ =	sdelay $0x1  }
0xa7: {  	s23 =	simm.s32 $0x1B8B  }
0xa8: {  	_ =	swait.ge [sflag:s23], $0x1  }
0xa9: {  	[sflag:s23] =	ssyncset.done $0x0  }
0xaa: {  	s25 =	simm.s32 $0x1B8E;
	s24 =	sld [smem:$0x3FFE];
	[sflag:s23] =	ssyncadd.s32 $0xFFFFFFFF  }
0xab: {  	s26 =	simm.s32 $execute0_lowered;
	[smem:$0x3FD2] =	sst s25  }
0xac: {  	s5 =	sshll.u32 s26, $0x1;
	_ =	strace $0x80000049;
	[dreg:$0x1] =	wrdreg $0xFFFFFFFF  }
0xad: {  	s28 =	simm.s32 $_size_execute0_lowered;
	s3 =	sadd.s32 s3, s5;
	[dreg:$0x0] =	wrdreg $0x0  }
0xae: {  	s5 =	sshll.u32 s28, $0x1;
	[dreg:$0x2] =	wrdreg s3  }
0xaf: {  	[dreg:$0x3] =	wrdreg s5  }
0xb0: {  	[dreg:$0x4] =	wrdreg $0xC0  }
0xb1: {  	_ =	task [dreg:s7], $0x5FFFF  }
0xb2: {  	[dreg:$0x1] =	wrdreg $0xFFFFFFFF  }
0xb3: {  	[dreg:$0x0] =	wrdreg $0x60  }
0xb4: {  	[dreg:$0x2] =	wrdreg s16  }
0xb5: {  	[dreg:$0x3] =	wrdreg s24  }
0xb6: {  	[dreg:$0x4] =	wrdreg $0x9  }
0xb7: {  	_ =	task.clear_ibuf [dreg:s7], $0x5FFFF;
	_ =	strace $0x90000049  }
0xb8: {  	s29 =	simm.s32 $0x9;
	_ =	strace $0x8000004B  }
0xb9: {  	_ =	swait.ge [sflag:s29], $0x1  }
0xba: {  	[sflag:s29] =	ssyncadd.s32 $0xFFFFFFFF  }
0xbb: {  	_ =	strace $0x9000004B  }
0xbc: {  	_ =	sfence  }
0xbd: {  	s30 =	sld [smem:$0x0];
	_ =	sdelay $0x2  }
0xbe: {  	s31 =	sshll.u32 s1, $0xD;
	s1 =	sshrl.u32 s1, $0x2  }
0xbf: {  	s3 =	sand.u32 $0x4000, s31;
	s1 =	sadd.s32 s1, s30  }
0xc0: {  	s0 =	sor.u32 s3, s0;
	s1 =	sshll.u32 s1, $0x11  }
0xc1: {  	s0 =	sor.u32 s1, s0  }
0xc2: {  	s0 =	sadd.s32 $0x8F2B, s0  }
0xc3: {  	[sflag:s0] =	ssyncadd.remote.s32 $0x1  }
0xc4: {  	_ =	sfence.sel $0xFFFF  }
0xc5: {  	[dreg:$0x0] =	wrdreg $0xFFFFFFFF;
	(pc) =	sbr.abs _section_cstart, $3  }
0xc6: {  	[dreg:$0x1] =	wrdreg $0xFFFFFFFF  }
0xc7: {  	_ =	task.clear_ibuf [dreg:s7], $0x2FFFF;
	_ =	strace $0x9FFFFFFF  }
0xc8: {  	(tm) =	ssettm $0x7FFFFFFF  }
0xc9: {  	_ =	shalt  }
tec
execute0_lowered:
.L_overlay_start_1:
0x0: {  	(tag) =	ssettag $0x1  }
0x1: {  	s3 =	rddreg [dreg:$0x0]  }
0x2: {  	s6 =	rddreg [dreg:$0x1];
	s2 =	simm.s32 $0x0  }
0x3: {  	[smem:$0x7FF] =	sst s2;
	s5 =	sadd.s32 $0xD0B400, s6  }
0x4: {  	s18 =	simm.s32 $0x900;
	_ =	strace $0x8000004A;
	[dreg:$0x3] =	wrdreg s5  }
0x5: {  	s19 =	simm.s32 $0x1100;
	[dreg:$0x6] =	wrdreg s18  }
0x6: {  	s20 =	simm.s32 $0x1900;
	[dreg:$0x7] =	wrdreg s19  }
0x7: {  	s21 =	simm.s32 $0x2100;
	[dreg:$0x8] =	wrdreg s20  }
0x8: {  	s22 =	simm.s32 $0x2900;
	[dreg:$0x9] =	wrdreg s21  }
0x9: {  	s23 =	simm.s32 $0x3100;
	[dreg:$0xa] =	wrdreg s22  }
0xa: {  	s0 =	srdreg.scid;
	s24 =	simm.s32 $0x3900;
	[dreg:$0xb] =	wrdreg s23  }
0xb: {  	s7 =	stileid.u32;
	s26 =	simm.s32 $0x4100;
	[dreg:$0xc] =	wrdreg s24  }
0xc: {  	s30 =	simm.s32 $0x4900;
	s31 =	simm.s32 $0x5100;
	[dreg:$0xd] =	wrdreg s26  }
0xd: {  	s10 =	simm.s32 $0x6100;
	s12 =	simm.s32 $0x6900;
	[dreg:$0xe] =	wrdreg s30  }
0xe: {  	s13 =	simm.s32 $0x7100;
	s14 =	simm.s32 $0x7900;
	[dreg:$0xf] =	wrdreg s31  }
0xf: {  	s15 =	simm.s32 $0x8100;
	s16 =	simm.s32 $0x8900;
	[dreg:$0x11] =	wrdreg s10  }
0x10: {  	s28 =	simm.s32 $0x1;
	s1 =	smul.u32 $0x9C40, s7;
	[dreg:$0x12] =	wrdreg s12  }
0x11: {  	s29 =	simm.s32 $0x0;
	s25 =	smul.u32 $0x271000, s7;
	[dreg:$0x13] =	wrdreg s13  }
0x12: {  	s0 =	sand.u32 $0x1, s0;
	s7 =	smul.u32 $0x9C400, s7;
	[dreg:$0x14] =	wrdreg s14  }
0x13: {  	s4 =	smul.u32 $0x4E20, s0;
	s5 =	simm.s32 $0x5900;
	[dreg:$0x15] =	wrdreg s15  }
0x14: {  	s10 =	smul.u32 $0x4E200, s0;
	[dreg:$0x16] =	wrdreg s16;
	s18 =	simm.s32 $0x9900  }
0x15: {  	s19 =	simm.s32 $0xA900;
	s21 =	simm.s32 $0xB100;
	[dreg:$0x10] =	wrdreg s5  }
0x16: {  	s22 =	simm.s32 $0xB900;
	s23 =	simm.s32 $0xC100;
	[dreg:$0x18] =	wrdreg s18  }
0x17: {  	s24 =	simm.s32 $0xC900;
	s12 =	simm.s32 $0x80;
	[dreg:$0x19] =	wrdreg s19  }
0x18: {  	s26 =	simm.s32 $0xD900;
	s13 =	simm.s32 $0x100;
	[dreg:$0x1a] =	wrdreg s21  }
0x19: {  	s30 =	simm.s32 $0xE100;
	s14 =	simm.s32 $0xA100;
	[dreg:$0x1b] =	wrdreg s22  }
0x1a: {  	s31 =	simm.s32 $0xE900;
	s15 =	simm.s32 $0xF100;
	[dreg:$0x1c] =	wrdreg s23  }
0x1b: {  	s16 =	simm.s32 $0xF900;
	s8 =	sadd.s32 s25, s6;
	[dreg:$0x1d] =	wrdreg s24  }
0x1c: {  	s9 =	sadd.s32 s7, s6;
	s5 =	sadd.s32 $0xF8FF00, s6;
	[dreg:$0x1f] =	wrdreg s26  }
0x1d: {  	s7 =	ssub.s32 $0x2, s0;
	s0 =	smul.u32 $0x138800, s0;
	[smem:$0x7FC] =	sst s30  }
0x1e: {  	s25 =	simm.s32 $0xD100;
	[smem:$0x7FD] =	sst s31;
	s18 =	simm.s32 $0x10900  }
0x1f: {  	s19 =	simm.s32 $0x11100;
	s21 =	simm.s32 $0x12100;
	s22 =	simm.s32 $0x12900  }
0x20: {  	s23 =	simm.s32 $0x13100;
	s24 =	simm.s32 $0x13900;
	s26 =	simm.s32 $0x14100  }
0x21: {  	s1 =	sadd.s32 s4, s1;
	s11 =	sshrl.u32 s7, $0x1;
	s9 =	sadd.s32 s10, s9  }
0x22: {  	[dreg:$0x1e] =	wrdreg s25;
	s25 =	simm.s32 $0x50;
	s1 =	sshrl.u32 s1, $0x3  }
0x23: {  	s7 =	ssub.s32 s7, s11;
	s20 =	sadd.s32 $0x39C00, s9;
	s0 =	sadd.s32 s0, s8  }
0x24: {  	s11 =	simm.s32 $0x2;
	s17 =	sadd.s32 s1, s6;
	s1 =	sadd.s32 s1, s3  }
0x25: {  	s3 =	sadd.s32 $0xF8FE00, s6;
	s7 =	smax.u32 s7, $0x1;
	[smem:$0x7FB] =	sst s20  }
0x26: {  	s9 =	sadd.s32 $0x31BDE00, s0;
	s10 =	sadd.s32 $0x58CDE00, s0;
	[dreg:$0x5] =	wrdreg s1  }
0x27: {  	v2 =	vlaneseq.u32;
	s20 =	simm.s32 $0x11900;
	s4 =	sadd.s32 $0xF7C400, s17;
	[smem:$0x7FA] =	sst s7  }
0x28: {  	vm0 =	vmmov $0xffff;
	v1 =	vshrl.u32 v2, $0x3;
	s17 =	simm.s32 $0x9100;
	[dreg:$0x4] =	wrdreg s4;
	s4 =	sadd.s32 $0x1953E00, s6  }
0x29: {  	v0 =	vand.u32 $0x7, v2;
	v2 =	vor.u32 $0x8, v2;
	v1 =	vmul.u32 $0x8, v1;
	s6 =	sadd.s32 $0x1953F00, s6;
	[dreg:$0x17] =	wrdreg s17;
	s17 =	simm.s32 $0x10100  }
.LBB2_1:
0x2a: {  	s30 =	smov.u32 s10  }
0x2b: {  	s31 =	smov.u32 s9;
	s8 =	sld [smem:$0x7FB];
	s0 =	simm.s32 $0x0  }
.LBB2_2:
0x2c: {  	s7 =	rddreg [dreg:$0x5]  }
0x2d: {  	s7 =	sadd.s32 s0, s7  }
0x2e: {  	[tilespmem:s2], [sflag:$0x2] =	stream.linear.gather [hbm4b:s7+s2], $0x50, $0x38;
	[tilespmem:$0x16900] =	vst v63  }
0x2f: {  	_ =	swait.ge [sflag:s11], $0x50  }
0x30: {  	s1 =	rddreg [dreg:$0x4];
	[sflag:s11] =	ssyncset.done $0x0  }
0x31: {  	[sflag:s11] =	ssyncadd.s32 $0xFFFFFFB0;
	s7 =	sadd.s32 s0, s1  }
0x32: {  	[tilespmem:s12], [sflag:$0x2] =	stream.linear.gather [hbm4b:s7+s2], $0x50, $0x38;
	[tilespmem:$0x16900] =	vst v63  }
0x33: {  	_ =	swait.ge [sflag:s11], $0x50  }
0x34: {  	[sflag:s11] =	ssyncset.done $0x0  }
0x35: {  	[sflag:s11] =	ssyncadd.s32 $0xFFFFFFB0  }
0x36: {  	v3 =	vld [tilespmem:$0x0];
	_ =	sdelay $0x4  }
0x37: {  	v4 =	vshll.u32 v3, $0x2  }
0x38: {  	v3 =	vand.u32 $0x7, v3;
	v4 =	vand.u32 $0xFFFFFFE0, v4  }
0x39: {  	v3 =	vor.u32 v3, v4  }
0x3a: {  	v4 =	vperm.xlane v3, v0;
	_ =	sdelay $0x1  }
0x3b: {  	v4 =	vadd.s32 v1, v4;
	_ =	sdelay $0x1  }
0x3c: {  	v3 =	vperm.xlane v3, v2;
	_ =	sdelay $0x1  }
0x3d: {  	v3 =	vadd.s32 v1, v3  }
0x3e: {  	[tilespmem:s13], [sflag:$0x1] =	stream.indirect_vreg.gather [hbm4b:s3+s2], $0x80, v4, vm0, $0xb8;
	[tilespmem:$0x16900] =	vst v63  }
0x3f: {  	s7 =	rddreg [dreg:$0x6]  }
0x40: {  	[tilespmem:s7], [sflag:$0x1] =	stream.indirect_vreg.gather [hbm4b:s5+s2], $0x80, v4, vm0, $0xb8;
	[tilespmem:$0x16900] =	vst v63  }
0x41: {  	s1 =	rddreg [dreg:$0x7]  }
0x42: {  	[tilespmem:s1], [sflag:$0x1] =	stream.indirect_vreg.gather [hbm4b:s3+s2], $0x80, v3, vm0, $0xb8;
	[tilespmem:$0x16900] =	vst v63  }
0x43: {  	s7 =	rddreg [dreg:$0x8]  }
0x44: {  	[tilespmem:s7], [sflag:$0x1] =	stream.indirect_vreg.gather [hbm4b:s5+s2], $0x80, v3, vm0, $0xb8;
	[tilespmem:$0x16900] =	vst v63  }
0x45: {  	v3 =	vld [tilespmem:$0x10];
	_ =	sdelay $0x4  }
0x46: {  	v55 =	vshll.u32 v3, $0x2  }
0x47: {  	v3 =	vand.u32 $0x7, v3;
	v4 =	vand.u32 $0xFFFFFFE0, v55  }
0x48: {  	v3 =	vor.u32 v3, v4  }
0x49: {  	v4 =	vperm.xlane v3, v0;
	_ =	sdelay $0x1  }
0x4a: {  	v4 =	vadd.s32 v1, v4;
	_ =	sdelay $0x1  }
0x4b: {  	v3 =	vperm.xlane v3, v2;
	_ =	sdelay $0x1  }
0x4c: {  	s1 =	rddreg [dreg:$0x9];
	v3 =	vadd.s32 v1, v3  }
0x4d: {  	[tilespmem:s1], [sflag:$0x1] =	stream.indirect_vreg.gather [hbm4b:s3+s2], $0x80, v4, vm0, $0xb8;
	[tilespmem:$0x16900] =	vst v63  }
0x4e: {  	s7 =	rddreg [dreg:$0xa]  }
0x4f: {  	[tilespmem:s7], [sflag:$0x1] =	stream.indirect_vreg.gather [hbm4b:s5+s2], $0x80, v4, vm0, $0xb8;
	[tilespmem:$0x16900] =	vst v63  }
0x50: {  	s1 =	rddreg [dreg:$0xb]  }
0x51: {  	[tilespmem:s1], [sflag:$0x1] =	stream.indirect_vreg.gather [hbm4b:s3+s2], $0x80, v3, vm0, $0xb8;
	[tilespmem:$0x16900] =	vst v63  }
0x52: {  	s7 =	rddreg [dreg:$0xc]  }
0x53: {  	[tilespmem:s7], [sflag:$0x1] =	stream.indirect_vreg.gather [hbm4b:s5+s2], $0x80, v3, vm0, $0xb8;
	[tilespmem:$0x16900] =	vst v63  }
0x54: {  	v3 =	vld [tilespmem:$0x20];
	_ =	sdelay $0x4  }
0x55: {  	v56 =	vshll.u32 v3, $0x2  }
0x56: {  	v3 =	vand.u32 $0x7, v3;
	v4 =	vand.u32 $0xFFFFFFE0, v56  }
0x57: {  	v3 =	vor.u32 v3, v4  }
0x58: {  	v4 =	vperm.xlane v3, v0;
	_ =	sdelay $0x1  }
0x59: {  	v4 =	vadd.s32 v1, v4;
	_ =	sdelay $0x1  }
0x5a: {  	v3 =	vperm.xlane v3, v2;
	_ =	sdelay $0x1  }
0x5b: {  	s1 =	rddreg [dreg:$0xd];
	v3 =	vadd.s32 v1, v3  }
0x5c: {  	[tilespmem:s1], [sflag:$0x1] =	stream.indirect_vreg.gather [hbm4b:s3+s2], $0x80, v4, vm0, $0xb8;
	[tilespmem:$0x16900] =	vst v63  }
0x5d: {  	s7 =	rddreg [dreg:$0xe]  }
0x5e: {  	[tilespmem:s7], [sflag:$0x1] =	stream.indirect_vreg.gather [hbm4b:s5+s2], $0x80, v4, vm0, $0xb8;
	[tilespmem:$0x16900] =	vst v63  }
0x5f: {  	s1 =	rddreg [dreg:$0xf]  }
0x60: {  	[tilespmem:s1], [sflag:$0x1] =	stream.indirect_vreg.gather [hbm4b:s3+s2], $0x80, v3, vm0, $0xb8;
	[tilespmem:$0x16900] =	vst v63  }
0x61: {  	s7 =	rddreg [dreg:$0x10]  }
0x62: {  	[tilespmem:s7], [sflag:$0x1] =	stream.indirect_vreg.gather [hbm4b:s5+s2], $0x80, v3, vm0, $0xb8;
	[tilespmem:$0x16900] =	vst v63  }
0x63: {  	v3 =	vld [tilespmem:$0x30];
	_ =	sdelay $0x4  }
0x64: {  	v57 =	vshll.u32 v3, $0x2  }
0x65: {  	v3 =	vand.u32 $0x7, v3;
	v4 =	vand.u32 $0xFFFFFFE0, v57  }
0x66: {  	v3 =	vor.u32 v3, v4  }
0x67: {  	v4 =	vperm.xlane v3, v0;
	_ =	sdelay $0x1  }
0x68: {  	v4 =	vadd.s32 v1, v4;
	_ =	sdelay $0x1  }
0x69: {  	v3 =	vperm.xlane v3, v2;
	_ =	sdelay $0x1  }
0x6a: {  	s1 =	rddreg [dreg:$0x11];
	v3 =	vadd.s32 v1, v3  }
0x6b: {  	[tilespmem:s1], [sflag:$0x1] =	stream.indirect_vreg.gather [hbm4b:s3+s2], $0x80, v4, vm0, $0xb8;
	[tilespmem:$0x16900] =	vst v63  }
0x6c: {  	s7 =	rddreg [dreg:$0x12]  }
0x6d: {  	[tilespmem:s7], [sflag:$0x1] =	stream.indirect_vreg.gather [hbm4b:s5+s2], $0x80, v4, vm0, $0xb8;
	[tilespmem:$0x16900] =	vst v63  }
0x6e: {  	s1 =	rddreg [dreg:$0x13]  }
0x6f: {  	[tilespmem:s1], [sflag:$0x1] =	stream.indirect_vreg.gather [hbm4b:s3+s2], $0x80, v3, vm0, $0xb8;
	[tilespmem:$0x16900] =	vst v63  }
0x70: {  	s7 =	rddreg [dreg:$0x14]  }
0x71: {  	[tilespmem:s7], [sflag:$0x1] =	stream.indirect_vreg.gather [hbm4b:s5+s2], $0x80, v3, vm0, $0xb8;
	[tilespmem:$0x16900] =	vst v63  }
0x72: {  	v3 =	vld [tilespmem:$0x40];
	_ =	sdelay $0x4  }
0x73: {  	v58 =	vshll.u32 v3, $0x2  }
0x74: {  	v3 =	vand.u32 $0x7, v3;
	v4 =	vand.u32 $0xFFFFFFE0, v58  }
0x75: {  	v3 =	vor.u32 v3, v4  }
0x76: {  	v4 =	vperm.xlane v3, v0;
	_ =	sdelay $0x1  }
0x77: {  	v4 =	vadd.s32 v1, v4;
	_ =	sdelay $0x1  }
0x78: {  	v3 =	vperm.xlane v3, v2;
	_ =	sdelay $0x1  }
0x79: {  	s1 =	rddreg [dreg:$0x15];
	v3 =	vadd.s32 v1, v3  }
0x7a: {  	[tilespmem:s1], [sflag:$0x1] =	stream.indirect_vreg.gather [hbm4b:s3+s2], $0x80, v4, vm0, $0xb8;
	[tilespmem:$0x16900] =	vst v63  }
0x7b: {  	s7 =	rddreg [dreg:$0x16]  }
0x7c: {  	[tilespmem:s7], [sflag:$0x1] =	stream.indirect_vreg.gather [hbm4b:s5+s2], $0x80, v4, vm0, $0xb8;
	[tilespmem:$0x16900] =	vst v63  }
0x7d: {  	s1 =	rddreg [dreg:$0x17]  }
0x7e: {  	[tilespmem:s1], [sflag:$0x1] =	stream.indirect_vreg.gather [hbm4b:s3+s2], $0x80, v3, vm0, $0xb8;
	[tilespmem:$0x16900] =	vst v63  }
0x7f: {  	s7 =	rddreg [dreg:$0x18]  }
0x80: {  	[tilespmem:s7], [sflag:$0x1] =	stream.indirect_vreg.gather [hbm4b:s5+s2], $0x80, v3, vm0, $0xb8;
	[tilespmem:$0x16900] =	vst v63  }
0x81: {  	v3 =	vld [tilespmem:$0x0];
	_ =	sdelay $0x4  }
0x82: {  	v59 =	vshll.u32 v3, $0x2  }
0x83: {  	v3 =	vand.u32 $0x7, v3;
	v4 =	vand.u32 $0xFFFFFFE0, v59  }
0x84: {  	v3 =	vor.u32 v3, v4  }
0x85: {  	v4 =	vperm.xlane v3, v0;
	_ =	sdelay $0x1  }
0x86: {  	v4 =	vadd.s32 v1, v4;
	_ =	sdelay $0x1  }
0x87: {  	v3 =	vperm.xlane v3, v2;
	_ =	sdelay $0x1  }
0x88: {  	v3 =	vadd.s32 v1, v3  }
0x89: {  	[tilespmem:s14], [sflag:$0x1] =	stream.indirect_vreg.gather [hbm4b:s4+s2], $0x80, v4, vm0, $0xb8;
	[tilespmem:$0x16900] =	vst v63  }
0x8a: {  	s1 =	rddreg [dreg:$0x19]  }
0x8b: {  	[tilespmem:s1], [sflag:$0x1] =	stream.indirect_vreg.gather [hbm4b:s6+s2], $0x80, v4, vm0, $0xb8;
	[tilespmem:$0x16900] =	vst v63  }
0x8c: {  	s7 =	rddreg [dreg:$0x1a]  }
0x8d: {  	[tilespmem:s7], [sflag:$0x1] =	stream.indirect_vreg.gather [hbm4b:s4+s2], $0x80, v3, vm0, $0xb8;
	[tilespmem:$0x16900] =	vst v63  }
0x8e: {  	s1 =	rddreg [dreg:$0x1b]  }
0x8f: {  	[tilespmem:s1], [sflag:$0x1] =	stream.indirect_vreg.gather [hbm4b:s6+s2], $0x80, v3, vm0, $0xb8;
	[tilespmem:$0x16900] =	vst v63  }
0x90: {  	v3 =	vld [tilespmem:$0x10];
	_ =	sdelay $0x4  }
0x91: {  	v60 =	vshll.u32 v3, $0x2  }
0x92: {  	v3 =	vand.u32 $0x7, v3;
	v4 =	vand.u32 $0xFFFFFFE0, v60  }
0x93: {  	v3 =	vor.u32 v3, v4  }
0x94: {  	v4 =	vperm.xlane v3, v0;
	_ =	sdelay $0x1  }
0x95: {  	v4 =	vadd.s32 v1, v4;
	_ =	sdelay $0x1  }
0x96: {  	v3 =	vperm.xlane v3, v2;
	_ =	sdelay $0x1  }
0x97: {  	s1 =	rddreg [dreg:$0x1c];
	v3 =	vadd.s32 v1, v3  }
0x98: {  	[tilespmem:s1], [sflag:$0x1] =	stream.indirect_vreg.gather [hbm4b:s4+s2], $0x80, v4, vm0, $0xb8;
	[tilespmem:$0x16900] =	vst v63  }
0x99: {  	s7 =	rddreg [dreg:$0x1d]  }
0x9a: {  	[tilespmem:s7], [sflag:$0x1] =	stream.indirect_vreg.gather [hbm4b:s6+s2], $0x80, v4, vm0, $0xb8;
	[tilespmem:$0x16900] =	vst v63  }
0x9b: {  	s1 =	rddreg [dreg:$0x1e]  }
0x9c: {  	[tilespmem:s1], [sflag:$0x1] =	stream.indirect_vreg.gather [hbm4b:s4+s2], $0x80, v3, vm0, $0xb8;
	[tilespmem:$0x16900] =	vst v63  }
0x9d: {  	s7 =	rddreg [dreg:$0x1f]  }
0x9e: {  	[tilespmem:s7], [sflag:$0x1] =	stream.indirect_vreg.gather [hbm4b:s6+s2], $0x80, v3, vm0, $0xb8;
	[tilespmem:$0x16900] =	vst v63  }
0x9f: {  	v3 =	vld [tilespmem:$0x20];
	_ =	sdelay $0x4  }
0xa0: {  	v61 =	vshll.u32 v3, $0x2  }
0xa1: {  	v3 =	vand.u32 $0x7, v3;
	v4 =	vand.u32 $0xFFFFFFE0, v61  }
0xa2: {  	v3 =	vor.u32 v3, v4  }
0xa3: {  	v4 =	vperm.xlane v3, v0;
	_ =	sdelay $0x1  }
0xa4: {  	v4 =	vadd.s32 v1, v4;
	_ =	sdelay $0x1  }
0xa5: {  	s1 =	sld [smem:$0x7FC];
	v3 =	vperm.xlane v3, v2;
	_ =	sdelay $0x1  }
0xa6: {  	s7 =	sld [smem:$0x7FD];
	v3 =	vadd.s32 v1, v3  }
0xa7: {  	[tilespmem:s1], [sflag:$0x1] =	stream.indirect_vreg.gather [hbm4b:s4+s2], $0x80, v4, vm0, $0xb8;
	[tilespmem:$0x16900] =	vst v63  }
0xa8: {  	_ = 	snop  }
0xa9: {  	[tilespmem:s7], [sflag:$0x1] =	stream.indirect_vreg.gather [hbm4b:s6+s2], $0x80, v4, vm0, $0xb8;
	[tilespmem:$0x16900] =	vst v63  }
0xaa: {  	_ = 	snop  }
0xab: {  	[tilespmem:s15], [sflag:$0x1] =	stream.indirect_vreg.gather [hbm4b:s4+s2], $0x80, v3, vm0, $0xb8;
	[tilespmem:$0x16900] =	vst v63  }
0xac: {  	_ = 	snop  }
0xad: {  	[tilespmem:s16], [sflag:$0x1] =	stream.indirect_vreg.gather [hbm4b:s6+s2], $0x80, v3, vm0, $0xb8;
	[tilespmem:$0x16900] =	vst v63  }
0xae: {  	v3 =	vld [tilespmem:$0x30];
	_ =	sdelay $0x4  }
0xaf: {  	v62 =	vshll.u32 v3, $0x2  }
0xb0: {  	v3 =	vand.u32 $0x7, v3;
	v4 =	vand.u32 $0xFFFFFFE0, v62  }
0xb1: {  	v3 =	vor.u32 v3, v4  }
0xb2: {  	v4 =	vperm.xlane v3, v0;
	_ =	sdelay $0x1  }
0xb3: {  	v4 =	vadd.s32 v1, v4;
	_ =	sdelay $0x1  }
0xb4: {  	v3 =	vperm.xlane v3, v2;
	_ =	sdelay $0x1  }
0xb5: {  	v3 =	vadd.s32 v1, v3  }
0xb6: {  	[tilespmem:s17], [sflag:$0x1] =	stream.indirect_vreg.gather [hbm4b:s4+s2], $0x80, v4, vm0, $0xb8;
	[tilespmem:$0x16900] =	vst v63  }
0xb7: {  	_ = 	snop  }
0xb8: {  	[tilespmem:s18], [sflag:$0x1] =	stream.indirect_vreg.gather [hbm4b:s6+s2], $0x80, v4, vm0, $0xb8;
	[tilespmem:$0x16900] =	vst v63  }
0xb9: {  	_ = 	snop  }
0xba: {  	[tilespmem:s19], [sflag:$0x1] =	stream.indirect_vreg.gather [hbm4b:s4+s2], $0x80, v3, vm0, $0xb8;
	[tilespmem:$0x16900] =	vst v63  }
0xbb: {  	_ = 	snop  }
0xbc: {  	[tilespmem:s20], [sflag:$0x1] =	stream.indirect_vreg.gather [hbm4b:s6+s2], $0x80, v3, vm0, $0xb8;
	[tilespmem:$0x16900] =	vst v63  }
0xbd: {  	v3 =	vld [tilespmem:$0x40];
	_ =	sdelay $0x4  }
0xbe: {  	v63 =	vshll.u32 v3, $0x2  }
0xbf: {  	v3 =	vand.u32 $0x7, v3;
	v4 =	vand.u32 $0xFFFFFFE0, v63  }
0xc0: {  	v3 =	vor.u32 v3, v4  }
0xc1: {  	v4 =	vperm.xlane v3, v0;
	_ =	sdelay $0x1  }
0xc2: {  	v4 =	vadd.s32 v1, v4;
	_ =	sdelay $0x1  }
0xc3: {  	v3 =	vperm.xlane v3, v2;
	_ =	sdelay $0x1  }
0xc4: {  	v3 =	vadd.s32 v1, v3  }
0xc5: {  	[tilespmem:s21], [sflag:$0x1] =	stream.indirect_vreg.gather [hbm4b:s4+s2], $0x80, v4, vm0, $0xb8;
	[tilespmem:$0x16900] =	vst v63  }
0xc6: {  	_ = 	snop  }
0xc7: {  	[tilespmem:s22], [sflag:$0x1] =	stream.indirect_vreg.gather [hbm4b:s6+s2], $0x80, v4, vm0, $0xb8;
	[tilespmem:$0x16900] =	vst v63  }
0xc8: {  	_ = 	snop  }
0xc9: {  	[tilespmem:s23], [sflag:$0x1] =	stream.indirect_vreg.gather [hbm4b:s4+s2], $0x80, v3, vm0, $0xb8;
	[tilespmem:$0x16900] =	vst v63  }
0xca: {  	_ = 	snop  }
0xcb: {  	[tilespmem:s24], [sflag:$0x1] =	stream.indirect_vreg.gather [hbm4b:s6+s2], $0x80, v3, vm0, $0xb8;
	[tilespmem:$0x16900] =	vst v63  }
0xcc: {  	s7 =	rddreg [dreg:$0x3]  }
0xcd: {  	[tilespmem:s26], [sflag:$0x1] =	stream.indirect.gather [hbm4b:s7+s25], $0x80, s12, s25, $0xb8;
	[tilespmem:$0x16900] =	vst v63  }
0xce: {  	_ =	swait.ge [sflag:s28], $0xA000  }
0xcf: {  	[sflag:s28] =	ssyncset.done $0x0  }
0xd0: {  	[sflag:s28] =	ssyncadd.s32 $0xFFFF6000  }
0xd1: {  	_ =	swait.ge [sflag:s28], $0xA000  }
0xd2: {  	[sflag:s28] =	ssyncset.done $0x0  }
0xd3: {  	[sflag:s28] =	ssyncadd.s32 $0xFFFF6000  }
0xd4: {  	_ =	swait.ge [sflag:s28], $0x2800  }
0xd5: {  	[sflag:s28] =	ssyncset.done $0x0  }
0xd6: {  	[sflag:s28] =	ssyncadd.s32 $0xFFFFD800  }
0xd7: {  	[hbm4b:s31+s2] =	stream.linear.scatter [tilespmem:s13], [sflag:$0x2], $0xA000, $0x38;
	[tilespmem:$0x16900] =	vst v63  }
0xd8: {  	_ =	swait.ge [sflag:s11], $0xA000  }
0xd9: {  	[sflag:s11] =	ssyncset.done $0x0  }
0xda: {  	[sflag:s11] =	ssyncadd.s32 $0xFFFF6000  }
0xdb: {  	[hbm4b:s30+s2] =	stream.linear.scatter [tilespmem:s14], [sflag:$0x2], $0xA000, $0x38;
	[tilespmem:$0x16900] =	vst v63  }
0xdc: {  	_ =	swait.ge [sflag:s11], $0xA000  }
0xdd: {  	p0 =	sne.s32 s0, $0x9BA;
	[sflag:s11] =	ssyncset.done $0x0  }
.Ltmp0:
0xde: {  	[sflag:s11] =	ssyncadd.s32 $0xFFFF6000;
	(pc) =	sbr.rel @p0 .LBB2_2-.Ltmp0, $4  }
0xdf: {  	[hbm4b:s8+s2] =	stream.linear.scatter [tilespmem:s26], [sflag:$0x2], $0x2800, $0x38;
	[tilespmem:$0x16900] =	vst v63  }
0xe0: {  	_ =	swait.ge [sflag:s11], $0x2800  }
0xe1: {  	s0 =	sadd.s32 $0xA, s0;
	s31 =	sadd.s32 $0x1400, s31;
	[sflag:s11] =	ssyncset.done $0x0  }
0xe2: {  	s30 =	sadd.s32 $0x1400, s30;
	s8 =	sadd.s32 $0x500, s8;
	[sflag:s11] =	ssyncadd.s32 $0xFFFFD800  }
0xe3: {  	s0 =	sld [smem:$0x7FA];
	_ =	sdelay $0x1  }
0xe4: {  	s29 =	sadd.s32 $0x1, s29  }
0xe5: {  	p0 =	sne.s32 s29, s0  }
.Ltmp1:
0xe6: {  	_ = 	snop;
	(pc) =	sbr.rel @p0 .LBB2_1-.Ltmp1, $1  }
0xe7: {  	_ =	sdelay $0x3  }
0xe8: {  	_ =	sfence.sel $0x180000  }
0xe9: {  	[bflag:$0x0] =	sbarrier.arrive $0xFFFF  }
0xea: {  	_ =	strace $0x9000004A  }
0xeb: {  	s0 =	stileid.u32;
	[bflag:$0x2] =	sbarrier.arrive $0xFFFF  }
0xec: {  	p0 =	sne.s32 s0, $0x0;
	s0 =	rddreg [dreg:$0x2]  }
0xed: {  	s0 =	sadd.s32 @!p0 $0x100000, s0  }
0xee: {  	[sflag:s0] =	ssyncadd.tile.s32 @!p0 $0x1;
	_ =	shalt  }
.Lfunc_end2:
_tile_overlayer_lowered:
.L_overlay_start_2:
0xef: {  	(tag) =	ssettag $0x2  }
0xf0: {  	s0 =	rddreg [dreg:$0x0];
	s2 =	stileid.u32  }
0xf1: {  	s1 =	rddreg [dreg:$0x1];
	p0 =	sne.s32 s2, $0x0  }
0xf2: {  	s3 =	rddreg [dreg:$0x2];
	[bflag:$0x3] =	sbarrier.arrive $0xFFFF;
	s2 =	simm.s32 @!p0 $0x1C02  }
0xf3: {  	[timem:s3], [sflag:s2] =	dma.local @!p0 [hbm:s0], s1  }
0xf4: {  	s0 =	simm.s32 @!p0 $0x2  }
0xf5: {  	_ =	swait.ge @!p0 [sflag:s0], s1  }
0xf6: {  	s1 =	ssub.s32 @!p0 $0x0, s1;
	[sflag:s0] =	ssyncset.done @!p0 $0x0  }
0xf7: {  	[sflag:s0] =	ssyncadd.s32 @!p0 s1  }
0xf8: {  	[bflag:$0x3] =	sbarrier.arrive $0xFFFF  }
0xf9: {  	_ =	shalt  }

// kernel: kernel.15.cloned.1.call-start
scs
__scs_entry_jumppad:
0x0: {  	(pc) =	sbr.rel $0x88, $3  }
0x1: {  	(tag) =	ssettag $0x0;
	lr =	simm.s32 $0x1  }
0x2: {  	[smem:$0x3F79] =	sst lr;
	_ =	strace $0xD0000000  }
0x3: {  	_ = 	snop  }
0x4: {  	_ = 	snop  }
0x5: {  	_ = 	snop  }
0x6: {  	_ = 	snop  }
0x7: {  	_ = 	snop  }
__scs_overlays_trampoline_lowered:
0x8: {  	[smem:$0x3F88] =	sst s0  }
0x9: {  	[smem:$0x3F89] =	sst s1  }
0xa: {  	[smem:$0x3F8A] =	sst s2  }
0xb: {  	[smem:$0x3F8B] =	sst s3  }
0xc: {  	[smem:$0x3F8C] =	sst s4  }
0xd: {  	[smem:$0x3F8D] =	sst s5  }
0xe: {  	[smem:$0x3F8E] =	sst s6  }
0xf: {  	[smem:$0x3F8F] =	sst s7  }
0x10: {  	[smem:$0x3F90] =	sst s8  }
0x11: {  	[smem:$0x3F91] =	sst s9;
	s0 =	simm.s32 @!p0 $0x0  }
0x12: {  	s1 =	sld [smem:$0x3F77];
	s0 =	simm.s32 @p0 $0x1  }
0x13: {  	[smem:$0x3F92] =	sst s0;
	s0 =	simm.s32 @!p1 $0x0  }
0x14: {  	s2 =	sld [smem:$0x3F76];
	s0 =	simm.s32 @p1 $0x1  }
0x15: {  	[smem:$0x3F93] =	sst s0;
	s0 =	simm.s32 @!p2 $0x0  }
0x16: {  	s3 =	sld [smem:$0x3FDB];
	s0 =	simm.s32 @p2 $0x1  }
0x17: {  	s4 =	simm.s32 $0x1BF5;
	[smem:$0x3F95] =	sst s0  }
0x18: {  	s0 =	sld [smem:$0x3F78];
	_ =	swait.ge [sflag:s4], $0x0  }
0x19: {  	s7 =	sld [smem:$0x3F79]  }
0x1a: {  	s8 =	sadd.s32 $0xFFFFE003, lr  }
0x1b: {  	s9 =	sadd.s32 $0xFFFFFEF7, lr;
	s5 =	simm.s32 $0xFFFFFFFF;
	p2 =	slt.u32 s8, $0xFFFFF086  }
0x1c: {  	p1 =	slt.u32 s9, $0xF7A;
	s5 =	simm.s32 @!p2 $0x0  }
0x1d: {  	s5 =	simm.s32 @p1 $0x1;
	p0 =	seq.s32 s7, s2  }
0x1e: {  	s7 =	smul.u32 @!p0 $0xF7A, s2;
	p2 =	seq.s32 @!p0 s5, $0x0  }
0x1f: {  	s9 =	smul.u32 $0xF7A, s1;
	s8 =	simm.s32 @!p0 $0x1BF5;
	p2 =	por !p2, p0  }
0x20: {  	[sflag:s8] =	ssyncset.s32 @!p0 $0xFFFFF086;
	s6 =	sadd.s32 @!p0 s3, s7;
	s7 =	simm.s32 @!p0 $0x108  }
0x21: {  	s3 =	sadd.s32 s3, s9;
	s6 =	sadd.s32 @!p0 $0x88, s6;
	s7 =	simm.s32 @p2 $0x1082  }
0x22: {  	[simem:s7], [sflag:s8] =	dma.local @!p0 [hbm:s6], $0xF7A  }
0x23: {  	s9 =	sor.u32 $0xD0000000, s2;
	s6 =	simm.s32 $0x108;
	_ =	swait.ge @!p0 [sflag:s8], $0x0  }
0x24: {  	s3 =	sadd.s32 $0x88, s3;
	s6 =	simm.s32 @!p1 $0x1082;
	[sflag:s4] =	ssyncset.s32 $0xFFFFF086  }
0x25: {  	[simem:s6], [sflag:s4] =	dma.local [hbm:s3], $0xF7A  }
0x26: {  	[smem:$0x3F79] =	sst s1;
	(tag) =	ssettag s2;
	_ =	strace s9  }
0x27: {  	s1 =	sld [smem:$0x3F89]  }
0x28: {  	s2 =	sld [smem:$0x3F8A]  }
0x29: {  	s4 =	sld [smem:$0x3F8C]  }
0x2a: {  	p0 =	seq.s32 s5, $0x0;
	s5 =	sld [smem:$0x3F8D]  }
0x2b: {  	s6 =	sld [smem:$0x3F8E]  }
0x2c: {  	s7 =	sld [smem:$0x3F8F]  }
0x2d: {  	s3 =	simm.s32 $0x108;
	s8 =	sld [smem:$0x3F90]  }
0x2e: {  	s3 =	simm.s32 @!p0 $0x1082;
	s9 =	sld [smem:$0x3F91]  }
0x2f: {  	lr =	sadd.s32 s0, s3;
	s0 =	sld [smem:$0x3F88]  }
0x30: {  	s3 =	sld [smem:$0x3F8B]  }
0x31: {  	[smem:$0x3F94] =	sst s10  }
0x32: {  	s10 =	sld [smem:$0x3F92];
	_ =	sdelay $0x3  }
0x33: {  	p0 =	seq.s32 s10, $0x1;
	s10 =	sld [smem:$0x3F94];
	_ =	sdelay $0x3  }
0x34: {  	[smem:$0x3F94] =	sst s10  }
0x35: {  	s10 =	sld [smem:$0x3F93];
	_ =	sdelay $0x3  }
0x36: {  	p1 =	seq.s32 s10, $0x1;
	s10 =	sld [smem:$0x3F94];
	_ =	sdelay $0x3  }
0x37: {  	[smem:$0x3F94] =	sst s10  }
0x38: {  	s10 =	sld [smem:$0x3F95]  }
0x39: {  	_ = 	snop;
	(pc) =	sbr.ind lr, $3  }
0x3a: {  	_ = 	snop  }
0x3b: {  	_ = 	snop  }
0x3c: {  	p2 =	seq.s32 s10, $0x1;
	s10 =	sld [smem:$0x3F94]  }
0x3d: {  	_ =	shalt  }
0x3e: {  	_ =	shalt  }
0x3f: {  	_ =	shalt  }
0x40: {  	_ =	shalt  }
0x41: {  	_ =	shalt  }
0x42: {  	_ =	shalt  }
0x43: {  	_ =	shalt  }
0x44: {  	_ =	shalt  }
0x45: {  	_ =	shalt  }
0x46: {  	_ =	shalt  }
0x47: {  	_ =	shalt  }
0x48: {  	_ =	shalt  }
0x49: {  	_ =	shalt  }
0x4a: {  	_ =	shalt  }
0x4b: {  	_ =	shalt  }
0x4c: {  	_ =	shalt  }
0x4d: {  	_ =	shalt  }
0x4e: {  	_ =	shalt  }
0x4f: {  	_ =	shalt  }
0x50: {  	_ =	shalt  }
0x51: {  	_ =	shalt  }
0x52: {  	_ =	shalt  }
0x53: {  	_ =	shalt  }
0x54: {  	_ =	shalt  }
0x55: {  	_ =	shalt  }
0x56: {  	_ =	shalt  }
0x57: {  	_ =	shalt  }
0x58: {  	_ =	shalt  }
0x59: {  	_ =	shalt  }
0x5a: {  	_ =	shalt  }
0x5b: {  	_ =	shalt  }
0x5c: {  	_ =	shalt  }
0x5d: {  	_ =	shalt  }
0x5e: {  	_ =	shalt  }
0x5f: {  	_ =	shalt  }
0x60: {  	_ =	shalt  }
0x61: {  	_ =	shalt  }
0x62: {  	_ =	shalt  }
0x63: {  	_ =	shalt  }
0x64: {  	_ =	shalt  }
0x65: {  	_ =	shalt  }
0x66: {  	_ =	shalt  }
0x67: {  	_ =	shalt  }
0x68: {  	_ =	shalt  }
0x69: {  	_ =	shalt  }
0x6a: {  	_ =	shalt  }
0x6b: {  	_ =	shalt  }
0x6c: {  	_ =	shalt  }
0x6d: {  	_ =	shalt  }
0x6e: {  	_ =	shalt  }
0x6f: {  	_ =	shalt  }
0x70: {  	_ =	shalt  }
0x71: {  	_ =	shalt  }
0x72: {  	_ =	shalt  }
0x73: {  	_ =	shalt  }
0x74: {  	_ =	shalt  }
0x75: {  	_ =	shalt  }
0x76: {  	_ =	shalt  }
0x77: {  	_ =	shalt  }
0x78: {  	_ =	shalt  }
0x79: {  	_ =	shalt  }
0x7a: {  	_ =	shalt  }
0x7b: {  	_ =	shalt  }
0x7c: {  	_ =	shalt  }
0x7d: {  	_ =	shalt  }
0x7e: {  	_ =	shalt  }
0x7f: {  	_ =	shalt  }
0x80: {  	_ =	shalt  }
0x81: {  	_ =	shalt  }
0x82: {  	_ =	shalt  }
0x83: {  	_ =	shalt  }
0x84: {  	_ =	shalt  }
0x85: {  	_ =	shalt  }
0x86: {  	_ =	shalt  }
0x87: {  	_ =	shalt  }
.Lfunc_end0:
.L_simem_size_0:
called_computation.2_lowered:
.L_overlay_start_0:
0x88: {  	s2 =	sld [smem:$0x3FD9]  }
0x89: {  	s3 =	sld [smem:$0x3FFE];
	_ =	sdelay $0x1  }
0x8a: {  	s1 =	srdreg.scid  }
0x8b: {  	s0 =	sand.u32 $0x1, s1  }
0x8c: {  	s14 =	sshll.u32 s0, $0xA;
	s2 =	sadd.s32 s3, s2  }
0x8d: {  	s2 =	sadd.s32 s2, s14  }
0x8e: {  	[smem:$0x3FA0] =	sst s2  }
0x8f: {  	_ = 	snop  }
0x90: {  	s2 =	sld [smem:$0x3FD0];
	_ =	sdelay $0x2  }
0x91: {  	s15 =	simm.s32 $0xA;
	s4 =	simm.s32 $0x10  }
0x92: {  	[smem:s4], [sflag:s15] =	dma.local [hbm:s2], $0x1  }
0x93: {  	_ =	swait.eq [sflag:s15], $0x1  }
0x94: {  	[sflag:s15] =	ssyncset.done $0x0  }
0x95: {  	[sflag:s15] =	ssyncadd.s32 $0xFFFFFFFF  }
0x96: {  	s16 =	sld [smem:$0x10];
	(tm) =	ssettm $0x1  }
0x97: {  	s17 =	sld [smem:$0x3FFB];
	_ =	sdelay $0x3  }
0x98: {  	_ =	strace s17  }
0x99: {  	s3 =	sld [smem:$0x3FFC];
	_ =	sdelay $0x3  }
0x9a: {  	_ =	strace s3  }
0x9b: {  	s3 =	sld [smem:$0x3FFD];
	_ =	sdelay $0x3  }
0x9c: {  	_ =	strace s3  }
0x9d: {  	_ =	strace $0x8FFFFFFF  }
0x9e: {  	s18 =	sld [smem:$0x3FDB];
	_ =	sdelay $0x1  }
0x9f: {  	s19 =	simm.s32 $_scs_section_size  }
0xa0: {  	s5 =	simm.s32 $_size__tile_overlayer_lowered;
	s6 =	simm.s32 $_tile_overlayer_lowered  }
0xa1: {  	s22 =	simm.s32 $0x1BFF;
	s21 =	sshll.u32 s6, $0x1;
	s3 =	sadd.s32 s19, s18  }
0xa2: {  	s7 =	simm.s32 $0x0;
	s20 =	sshll.u32 s5, $0x1;
	s5 =	sadd.s32 s21, s3  }
0xa3: {  	[timem:s7], [sflag:s22] =	dma.local [hbm:s5], s20  }
0xa4: {  	_ =	swait.ge [sflag:s22], s20  }
0xa5: {  	s4 =	ssub.s32 $0x0, s20;
	[sflag:s22] =	ssyncset.done $0x0  }
0xa6: {  	[sflag:s22] =	ssyncadd.s32 s4;
	_ =	sdelay $0x1  }
0xa7: {  	s23 =	simm.s32 $0x1B8B  }
0xa8: {  	_ =	swait.ge [sflag:s23], $0x1  }
0xa9: {  	[sflag:s23] =	ssyncset.done $0x0  }
0xaa: {  	s25 =	simm.s32 $0x1B8E;
	s24 =	sld [smem:$0x3FFE];
	[sflag:s23] =	ssyncadd.s32 $0xFFFFFFFF  }
0xab: {  	s26 =	simm.s32 $execute0_lowered;
	[smem:$0x3FD2] =	sst s25  }
0xac: {  	s5 =	sshll.u32 s26, $0x1;
	_ =	strace $0x8000004C;
	[dreg:$0x1] =	wrdreg $0xFFFFFFFF  }
0xad: {  	s28 =	simm.s32 $_size_execute0_lowered;
	s3 =	sadd.s32 s3, s5;
	[dreg:$0x0] =	wrdreg $0x0  }
0xae: {  	s5 =	sshll.u32 s28, $0x1;
	[dreg:$0x2] =	wrdreg s3  }
0xaf: {  	[dreg:$0x3] =	wrdreg s5  }
0xb0: {  	[dreg:$0x4] =	wrdreg $0xC0  }
0xb1: {  	_ =	task [dreg:s7], $0x5FFFF  }
0xb2: {  	[dreg:$0x1] =	wrdreg $0xFFFFFFFF  }
0xb3: {  	[dreg:$0x0] =	wrdreg $0x60  }
0xb4: {  	[dreg:$0x2] =	wrdreg s24  }
0xb5: {  	[dreg:$0x3] =	wrdreg s16  }
0xb6: {  	[dreg:$0x4] =	wrdreg $0x14800  }
0xb7: {  	[dreg:$0x5] =	wrdreg $0x9  }
0xb8: {  	_ =	task.clear_ibuf [dreg:s7], $0x6FFFF;
	_ =	strace $0x9000004C  }
0xb9: {  	s29 =	simm.s32 $0x9;
	_ =	strace $0x8000004E  }
0xba: {  	_ =	swait.ge [sflag:s29], $0x1  }
0xbb: {  	[sflag:s29] =	ssyncadd.s32 $0xFFFFFFFF  }
0xbc: {  	_ =	strace $0x9000004E  }
0xbd: {  	_ =	sfence  }
0xbe: {  	s30 =	sld [smem:$0x0];
	_ =	sdelay $0x2  }
0xbf: {  	s31 =	sshll.u32 s1, $0xD;
	s1 =	sshrl.u32 s1, $0x2  }
0xc0: {  	s3 =	sand.u32 $0x4000, s31;
	s1 =	sadd.s32 s1, s30  }
0xc1: {  	s0 =	sor.u32 s3, s0;
	s1 =	sshll.u32 s1, $0x11  }
0xc2: {  	s0 =	sor.u32 s1, s0  }
0xc3: {  	s0 =	sadd.s32 $0x8F2B, s0  }
0xc4: {  	[sflag:s0] =	ssyncadd.remote.s32 $0x1  }
0xc5: {  	_ =	sfence.sel $0xFFFF  }
0xc6: {  	[dreg:$0x0] =	wrdreg $0xFFFFFFFF;
	(pc) =	sbr.abs _section_cstart, $3  }
0xc7: {  	[dreg:$0x1] =	wrdreg $0xFFFFFFFF  }
0xc8: {  	_ =	task.clear_ibuf [dreg:s7], $0x2FFFF;
	_ =	strace $0x9FFFFFFF  }
0xc9: {  	(tm) =	ssettm $0x7FFFFFFF  }
tec
execute0_lowered:
.L_overlay_start_1:
0x0: {  	(tag) =	ssettag $0x1  }
0x1: {  	s0 =	rddreg [dreg:$0x0]  }
0x2: {  	s1 =	srdreg.scid;
	s14 =	stileid.u32  }
0x3: {  	s5 =	rddreg [dreg:$0x1];
	s4 =	smul.u32 $0x2710, s14  }
0x4: {  	s2 =	rddreg [dreg:$0x2];
	s24 =	smul.u32 $0x27100, s14  }
0x5: {  	s3 =	simm.s32 $0x0;
	s1 =	sand.u32 $0x1, s1;
	s25 =	smul.u32 $0x4F000, s14  }
0x6: {  	[smem:$0x7FF] =	sst s3;
	s8 =	sadd.s32 $0x39C00, s0;
	s10 =	smul.u32 $0x278, s14  }
0x7: {  	s9 =	sadd.s32 $0x60E00, s0;
	s22 =	smul.u32 $0x2780, s14;
	s31 =	sadd.s32 $0x12AC00, s2  }
0x8: {  	s6 =	smul.u32 $0x1388, s1;
	_ =	strace $0x8000004D;
	s11 =	ssub.s32 $0x2, s1  }
0x9: {  	p1 =	seq.s32 s1, $0x0;
	p0 =	seq.s32 s1, $0x1;
	s19 =	smul.u32 $0x13880, s1  }
0xa: {  	s12 =	sshrl.u32 s11, $0x1;
	s10 =	sadd.s32 $0x258, s10;
	s4 =	sadd.s32 s6, s4  }
0xb: {  	s11 =	ssub.s32 s11, s12;
	s28 =	sshll.u32 s10, $0x7;
	s4 =	sshrl.u32 s4, $0x3  }
0xc: {  	s12 =	sadd.s32 s28, s2;
	s7 =	sadd.s32 s4, s0;
	s4 =	sshrl.u32 s25, $0x2  }
0xd: {  	s28 =	sadd.s32 $0x128400, s2;
	[dreg:$0x5] =	wrdreg s12;
	s4 =	sadd.s32 s4, s2  }
0xe: {  	s6 =	sadd.s32 s24, s0;
	[dreg:$0x15] =	wrdreg s28;
	s26 =	sadd.s32 $0x12C00, s4  }
0xf: {  	s10 =	sshll.u32 s10, $0x4;
	s29 =	sadd.s32 $0x1400, s4;
	[dreg:$0x4] =	wrdreg s26  }
0x10: {  	s0 =	sadd.s32 $0x88000, s0;
	s30 =	sadd.s32 $0x2800, s4;
	[dreg:$0x6] =	wrdreg s29  }
0x11: {  	s12 =	smov.u32 s8;
	s13 =	sadd.s32 $0x3C00, s4;
	[dreg:$0x7] =	wrdreg s30  }
0x12: {  	s12 =	smov.u32 @p1 s5;
	s15 =	sadd.s32 $0x5000, s4;
	[dreg:$0x8] =	wrdreg s13  }
0x13: {  	s5 =	smov.u32 @p0 s8;
	s16 =	sadd.s32 $0x6400, s4;
	[dreg:$0x9] =	wrdreg s15  }
0x14: {  	s8 =	sadd.s32 $0x133800, s2;
	s17 =	sadd.s32 $0x8C00, s4;
	[dreg:$0xa] =	wrdreg s16  }
0x15: {  	s18 =	sadd.s32 $0xB400, s4;
	s20 =	sadd.s32 s5, s10;
	[dreg:$0xc] =	wrdreg s17  }
0x16: {  	s23 =	sadd.s32 $0xC800, s4;
	s24 =	sadd.s32 $0xDC00, s4;
	[dreg:$0xe] =	wrdreg s18  }
0x17: {  	s25 =	sadd.s32 $0xF000, s4;
	s1 =	sadd.s32 $0x11800, s4;
	[dreg:$0xf] =	wrdreg s20  }
0x18: {  	s5 =	sadd.s32 $0x12FC00, s2;
	s13 =	sadd.s32 $0x7800, s4;
	[dreg:$0x11] =	wrdreg s23  }
0x19: {  	s15 =	sadd.s32 $0xA000, s4;
	[dreg:$0x12] =	wrdreg s24;
	s20 =	sadd.s32 s22, s12  }
0x1a: {  	s23 =	sadd.s32 $0x34C00, s7;
	[dreg:$0x13] =	wrdreg s25;
	s26 =	sadd.s32 $0x10400, s4  }
0x1b: {  	s29 =	smax.u32 s11, $0x1;
	s30 =	sadd.s32 $0x129800, s2;
	[dreg:$0xb] =	wrdreg s13  }
0x1c: {  	s16 =	sadd.s32 $0x12D400, s2;
	s17 =	sadd.s32 $0x12E800, s2;
	[dreg:$0xd] =	wrdreg s15  }
0x1d: {  	s7 =	sadd.s32 $0x132400, s2;
	s11 =	sadd.s32 $0x136000, s2;
	[dreg:$0x14] =	wrdreg s26  }
0x1e: {  	s12 =	sadd.s32 $0x137400, s2;
	s18 =	simm.s32 $0x2;
	[dreg:$0x16] =	wrdreg s29  }
0x1f: {  	s13 =	smov.u32 s0;
	[dreg:$0x17] =	wrdreg s30;
	s15 =	simm.s32 $0x28  }
0x20: {  	s13 =	smov.u32 @p1 s9;
	s9 =	smov.u32 @p0 s0;
	s0 =	sadd.s32 s19, s6  }
.Ltmp0:
0x21: {  	p0 =	seq.s32 s14, $0xF;
	s6 =	simm.s32 $0x2;
	(pc) =	sbr.rel .LBB2_1-.Ltmp0, $4  }
0x22: {  	s14 =	simm.s32 $0x1400;
	s19 =	simm.s32 $0x0;
	s21 =	sadd.s32 s9, s10  }
0x23: {  	s24 =	sadd.s32 $0x2F4CE00, s0;
	s6 =	simm.s32 @!p1 $0x1;
	s9 =	sadd.s32 $0x131000, s2  }
0x24: {  	s10 =	sadd.s32 $0x134C00, s2;
	[dreg:$0x10] =	wrdreg s21;
	s21 =	sadd.s32 s22, s13  }
0x25: {  	v0 =	vimm.f32 $0.0e+00;
	s22 =	sadd.s32 $0x9FDC00, s0;
	s0 =	sadd.s32 $0x12C000, s2;
	s13 =	simm.s32 $0x1  }
.LBB2_25:
0x26: {  	[sflag:s6] =	ssyncadd.s32 $0xFFFFEC00;
	s25 =	rddreg [dreg:$0x5]  }
0x27: {  	[tilespmem:s3], [sflag:$0x1] =	stream.linear.gather [spmem:s25], $0x1000, $0x38;
	[tilespmem:$0x14D00] =	vst v63  }
0x28: {  	_ =	swait.ge [sflag:s13], $0x1000  }
0x29: {  	[sflag:s13] =	ssyncset.done $0x0  }
0x2a: {  	s30 =	rddreg [dreg:$0x10];
	[sflag:s13] =	ssyncadd.s32 $0xFFFFF000  }
0x2b: {  	[hbm4b:s30+s3] =	stream.linear.scatter [tilespmem:s3], [sflag:$0x1], $0x1000, $0x38;
	[tilespmem:$0x14D00] =	vst v63  }
0x2c: {  	_ =	swait.ge [sflag:s13], $0x1000  }
0x2d: {  	[sflag:s13] =	ssyncset.done $0x0  }
0x2e: {  	[sflag:s13] =	ssyncadd.s32 $0xFFFFF000  }
.LBB2_29:
0x2f: {  	s19 =	sadd.s32 $0x1, s19;
	s25 =	rddreg [dreg:$0x16]  }
0x30: {  	p1 =	sne.s32 s19, s25  }
.Ltmp1:
0x31: {  	_ = 	snop;
	(pc) =	sbr.rel @!p1 .LBB2_30-.Ltmp1, $2  }
0x32: {  	_ =	sdelay $0x1  }
0x33: {  	[bflag:$0x0] =	sbarrier.arrive $0xFFFF;
	_ =	sdelay $0x1  }
.LBB2_1:
0x34: {  	s25 =	simm.s32 $0x70;
	s26 =	simm.s32 $0x3C0  }
.LBB2_2:
0x35: {  	p1 =	sne.s32 s26, $0x4FC0;
	[tilespmem:s25+$0x0] =	vst v0  }
0x36: {  	[tilespmem:s25+$0xFFFFFF90] =	vst v0  }
0x37: {  	[tilespmem:s25+$0xFFFFFFA0] =	vst v0  }
.Ltmp2:
0x38: {  	[tilespmem:s25+$0xFFFFFFB0] =	vst v0;
	(pc) =	sbr.rel @p1 .LBB2_2-.Ltmp2, $4  }
0x39: {  	[tilespmem:s25+$0xFFFFFFC0] =	vst v0  }
0x3a: {  	[tilespmem:s25+$0xFFFFFFD0] =	vst v0  }
0x3b: {  	[tilespmem:s25+$0xFFFFFFE0] =	vst v0  }
0x3c: {  	[tilespmem:s25+$0xFFFFFFF0] =	vst v0;
	s25 =	sshra.s32 s26, $0x2;
	s26 =	sadd.s32 $0x200, s26  }
0x3d: {  	[tilespmem:s25+$0x0] =	vst v0  }
0x3e: {  	[tilespmem:s25+$0xFFFFFF90] =	vst v0  }
0x3f: {  	[tilespmem:s25+$0xFFFFFFA0] =	vst v0  }
.Ltmp3:
0x40: {  	[tilespmem:s25+$0xFFFFFFB0] =	vst v0;
	(pc) =	sbr.rel @!p0 .LBB2_4-.Ltmp3, $4  }
0x41: {  	[tilespmem:s25+$0xFFFFFFC0] =	vst v0  }
0x42: {  	[tilespmem:s25+$0xFFFFFFD0] =	vst v0  }
0x43: {  	[tilespmem:s25+$0xFFFFFFE0] =	vst v0  }
0x44: {  	[tilespmem:s25+$0xFFFFFFF0] =	vst v0  }
0x45: {  	s25 =	rddreg [dreg:$0x15]  }
0x46: {  	[spmem:s25] =	stream.linear.scatter [tilespmem:s3], [sflag:$0x1], $0x1400, $0x38;
	[tilespmem:$0x14D00] =	vst v63  }
0x47: {  	_ =	swait.ge [sflag:s13], $0x1400  }
0x48: {  	[sflag:s13] =	ssyncset.done $0x0  }
0x49: {  	s30 =	rddreg [dreg:$0x17];
	[sflag:s13] =	ssyncadd.s32 $0xFFFFEC00  }
0x4a: {  	[spmem:s30] =	stream.linear.scatter [tilespmem:s3], [sflag:$0x1], $0x1400, $0x38;
	[tilespmem:$0x14D00] =	vst v63  }
0x4b: {  	_ =	swait.ge [sflag:s13], $0x1400  }
0x4c: {  	[sflag:s13] =	ssyncset.done $0x0  }
0x4d: {  	[sflag:s13] =	ssyncadd.s32 $0xFFFFEC00  }
0x4e: {  	[spmem:s31] =	stream.linear.scatter [tilespmem:s3], [sflag:$0x1], $0x1400, $0x38;
	[tilespmem:$0x14D00] =	vst v63  }
0x4f: {  	_ =	swait.ge [sflag:s13], $0x1400  }
0x50: {  	[sflag:s13] =	ssyncset.done $0x0  }
0x51: {  	[sflag:s13] =	ssyncadd.s32 $0xFFFFEC00  }
0x52: {  	[spmem:s0] =	stream.linear.scatter [tilespmem:s3], [sflag:$0x1], $0x1400, $0x38;
	[tilespmem:$0x14D00] =	vst v63  }
0x53: {  	_ =	swait.ge [sflag:s13], $0x1400  }
0x54: {  	[sflag:s13] =	ssyncset.done $0x0  }
0x55: {  	[sflag:s13] =	ssyncadd.s32 $0xFFFFEC00  }
0x56: {  	[spmem:s16] =	stream.linear.scatter [tilespmem:s3], [sflag:$0x1], $0x1400, $0x38;
	[tilespmem:$0x14D00] =	vst v63  }
0x57: {  	_ =	swait.ge [sflag:s13], $0x1400  }
0x58: {  	[sflag:s13] =	ssyncset.done $0x0  }
0x59: {  	[sflag:s13] =	ssyncadd.s32 $0xFFFFEC00  }
0x5a: {  	[spmem:s17] =	stream.linear.scatter [tilespmem:s3], [sflag:$0x1], $0x1400, $0x38;
	[tilespmem:$0x14D00] =	vst v63  }
0x5b: {  	_ =	swait.ge [sflag:s13], $0x1400  }
0x5c: {  	[sflag:s13] =	ssyncset.done $0x0  }
0x5d: {  	[sflag:s13] =	ssyncadd.s32 $0xFFFFEC00  }
0x5e: {  	[spmem:s5] =	stream.linear.scatter [tilespmem:s3], [sflag:$0x1], $0x1400, $0x38;
	[tilespmem:$0x14D00] =	vst v63  }
0x5f: {  	_ =	swait.ge [sflag:s13], $0x1400  }
0x60: {  	[sflag:s13] =	ssyncset.done $0x0  }
0x61: {  	[sflag:s13] =	ssyncadd.s32 $0xFFFFEC00  }
0x62: {  	[spmem:s9] =	stream.linear.scatter [tilespmem:s3], [sflag:$0x1], $0x1400, $0x38;
	[tilespmem:$0x14D00] =	vst v63  }
0x63: {  	_ =	swait.ge [sflag:s13], $0x1400  }
0x64: {  	[sflag:s13] =	ssyncset.done $0x0  }
0x65: {  	[sflag:s13] =	ssyncadd.s32 $0xFFFFEC00  }
0x66: {  	[spmem:s7] =	stream.linear.scatter [tilespmem:s3], [sflag:$0x1], $0x1400, $0x38;
	[tilespmem:$0x14D00] =	vst v63  }
0x67: {  	_ =	swait.ge [sflag:s13], $0x1400  }
0x68: {  	[sflag:s13] =	ssyncset.done $0x0  }
0x69: {  	[sflag:s13] =	ssyncadd.s32 $0xFFFFEC00  }
0x6a: {  	[spmem:s8] =	stream.linear.scatter [tilespmem:s3], [sflag:$0x1], $0x1400, $0x38;
	[tilespmem:$0x14D00] =	vst v63  }
0x6b: {  	_ =	swait.ge [sflag:s13], $0x1400  }
0x6c: {  	[sflag:s13] =	ssyncset.done $0x0  }
0x6d: {  	[sflag:s13] =	ssyncadd.s32 $0xFFFFEC00  }
0x6e: {  	[spmem:s10] =	stream.linear.scatter [tilespmem:s3], [sflag:$0x1], $0x1400, $0x38;
	[tilespmem:$0x14D00] =	vst v63  }
0x6f: {  	_ =	swait.ge [sflag:s13], $0x1400  }
0x70: {  	[sflag:s13] =	ssyncset.done $0x0  }
0x71: {  	[sflag:s13] =	ssyncadd.s32 $0xFFFFEC00  }
0x72: {  	[spmem:s11] =	stream.linear.scatter [tilespmem:s3], [sflag:$0x1], $0x1400, $0x38;
	[tilespmem:$0x14D00] =	vst v63  }
0x73: {  	_ =	swait.ge [sflag:s13], $0x1400  }
0x74: {  	[sflag:s13] =	ssyncset.done $0x0  }
.Ltmp4:
0x75: {  	[sflag:s13] =	ssyncadd.s32 $0xFFFFEC00;
	(pc) =	sbr.rel .LBB2_6-.Ltmp4, $4  }
0x76: {  	[spmem:s12] =	stream.linear.scatter [tilespmem:s3], [sflag:$0x1], $0x1400, $0x38;
	[tilespmem:$0x14D00] =	vst v63  }
0x77: {  	_ =	swait.ge [sflag:s13], $0x1400  }
0x78: {  	[sflag:s13] =	ssyncset.done $0x0  }
0x79: {  	[sflag:s13] =	ssyncadd.s32 $0xFFFFEC00  }
.LBB2_4:
0x7a: {  	[spmem:s4] =	stream.linear.scatter [tilespmem:s3], [sflag:$0x1], $0x1400, $0x38;
	[tilespmem:$0x14D00] =	vst v63  }
0x7b: {  	_ =	swait.ge [sflag:s13], $0x1400  }
0x7c: {  	[sflag:s13] =	ssyncset.done $0x0  }
0x7d: {  	s25 =	rddreg [dreg:$0x6];
	[sflag:s13] =	ssyncadd.s32 $0xFFFFEC00  }
0x7e: {  	[spmem:s25] =	stream.linear.scatter [tilespmem:s3], [sflag:$0x1], $0x1400, $0x38;
	[tilespmem:$0x14D00] =	vst v63  }
0x7f: {  	_ =	swait.ge [sflag:s13], $0x1400  }
0x80: {  	[sflag:s13] =	ssyncset.done $0x0  }
0x81: {  	s30 =	rddreg [dreg:$0x7];
	[sflag:s13] =	ssyncadd.s32 $0xFFFFEC00  }
0x82: {  	[spmem:s30] =	stream.linear.scatter [tilespmem:s3], [sflag:$0x1], $0x1400, $0x38;
	[tilespmem:$0x14D00] =	vst v63  }
0x83: {  	_ =	swait.ge [sflag:s13], $0x1400  }
0x84: {  	[sflag:s13] =	ssyncset.done $0x0  }
0x85: {  	s26 =	rddreg [dreg:$0x8];
	[sflag:s13] =	ssyncadd.s32 $0xFFFFEC00  }
0x86: {  	[spmem:s26] =	stream.linear.scatter [tilespmem:s3], [sflag:$0x1], $0x1400, $0x38;
	[tilespmem:$0x14D00] =	vst v63  }
0x87: {  	_ =	swait.ge [sflag:s13], $0x1400  }
0x88: {  	[sflag:s13] =	ssyncset.done $0x0  }
0x89: {  	s28 =	rddreg [dreg:$0x9];
	[sflag:s13] =	ssyncadd.s32 $0xFFFFEC00  }
0x8a: {  	[spmem:s28] =	stream.linear.scatter [tilespmem:s3], [sflag:$0x1], $0x1400, $0x38;
	[tilespmem:$0x14D00] =	vst v63  }
0x8b: {  	_ =	swait.ge [sflag:s13], $0x1400  }
0x8c: {  	[sflag:s13] =	ssyncset.done $0x0  }
0x8d: {  	s29 =	rddreg [dreg:$0xa];
	[sflag:s13] =	ssyncadd.s32 $0xFFFFEC00  }
0x8e: {  	[spmem:s29] =	stream.linear.scatter [tilespmem:s3], [sflag:$0x1], $0x1400, $0x38;
	[tilespmem:$0x14D00] =	vst v63  }
0x8f: {  	_ =	swait.ge [sflag:s13], $0x1400  }
0x90: {  	[sflag:s13] =	ssyncset.done $0x0  }
0x91: {  	s30 =	rddreg [dreg:$0xb];
	[sflag:s13] =	ssyncadd.s32 $0xFFFFEC00  }
0x92: {  	[spmem:s30] =	stream.linear.scatter [tilespmem:s3], [sflag:$0x1], $0x1400, $0x38;
	[tilespmem:$0x14D00] =	vst v63  }
0x93: {  	_ =	swait.ge [sflag:s13], $0x1400  }
0x94: {  	[sflag:s13] =	ssyncset.done $0x0  }
0x95: {  	s26 =	rddreg [dreg:$0xc];
	[sflag:s13] =	ssyncadd.s32 $0xFFFFEC00  }
0x96: {  	[spmem:s26] =	stream.linear.scatter [tilespmem:s3], [sflag:$0x1], $0x1400, $0x38;
	[tilespmem:$0x14D00] =	vst v63  }
0x97: {  	_ =	swait.ge [sflag:s13], $0x1400  }
0x98: {  	[sflag:s13] =	ssyncset.done $0x0  }
0x99: {  	s28 =	rddreg [dreg:$0xd];
	[sflag:s13] =	ssyncadd.s32 $0xFFFFEC00  }
0x9a: {  	[spmem:s28] =	stream.linear.scatter [tilespmem:s3], [sflag:$0x1], $0x1400, $0x38;
	[tilespmem:$0x14D00] =	vst v63  }
0x9b: {  	_ =	swait.ge [sflag:s13], $0x1400  }
0x9c: {  	[sflag:s13] =	ssyncset.done $0x0  }
0x9d: {  	s29 =	rddreg [dreg:$0xe];
	[sflag:s13] =	ssyncadd.s32 $0xFFFFEC00  }
0x9e: {  	[spmem:s29] =	stream.linear.scatter [tilespmem:s3], [sflag:$0x1], $0x1400, $0x38;
	[tilespmem:$0x14D00] =	vst v63  }
0x9f: {  	_ =	swait.ge [sflag:s13], $0x1400  }
0xa0: {  	[sflag:s13] =	ssyncset.done $0x0  }
0xa1: {  	s30 =	rddreg [dreg:$0x11];
	[sflag:s13] =	ssyncadd.s32 $0xFFFFEC00  }
0xa2: {  	[spmem:s30] =	stream.linear.scatter [tilespmem:s3], [sflag:$0x1], $0x1400, $0x38;
	[tilespmem:$0x14D00] =	vst v63  }
0xa3: {  	_ =	swait.ge [sflag:s13], $0x1400  }
0xa4: {  	[sflag:s13] =	ssyncset.done $0x0  }
0xa5: {  	s26 =	rddreg [dreg:$0x12];
	[sflag:s13] =	ssyncadd.s32 $0xFFFFEC00  }
0xa6: {  	[spmem:s26] =	stream.linear.scatter [tilespmem:s3], [sflag:$0x1], $0x1400, $0x38;
	[tilespmem:$0x14D00] =	vst v63  }
0xa7: {  	_ =	swait.ge [sflag:s13], $0x1400  }
0xa8: {  	[sflag:s13] =	ssyncset.done $0x0  }
0xa9: {  	s28 =	rddreg [dreg:$0x13];
	[sflag:s13] =	ssyncadd.s32 $0xFFFFEC00  }
0xaa: {  	[spmem:s28] =	stream.linear.scatter [tilespmem:s3], [sflag:$0x1], $0x1400, $0x38;
	[tilespmem:$0x14D00] =	vst v63  }
0xab: {  	_ =	swait.ge [sflag:s13], $0x1400  }
0xac: {  	[sflag:s13] =	ssyncset.done $0x0  }
0xad: {  	s29 =	rddreg [dreg:$0x14];
	[sflag:s13] =	ssyncadd.s32 $0xFFFFEC00  }
0xae: {  	[spmem:s29] =	stream.linear.scatter [tilespmem:s3], [sflag:$0x1], $0x1400, $0x38;
	[tilespmem:$0x14D00] =	vst v63  }
0xaf: {  	_ =	swait.ge [sflag:s13], $0x1400  }
0xb0: {  	[sflag:s13] =	ssyncset.done $0x0  }
0xb1: {  	[sflag:s13] =	ssyncadd.s32 $0xFFFFEC00  }
0xb2: {  	[spmem:s1] =	stream.linear.scatter [tilespmem:s3], [sflag:$0x1], $0x1400, $0x38;
	[tilespmem:$0x14D00] =	vst v63  }
0xb3: {  	_ =	swait.ge [sflag:s13], $0x1400  }
0xb4: {  	[sflag:s13] =	ssyncset.done $0x0  }
0xb5: {  	s30 =	rddreg [dreg:$0x4];
	[sflag:s13] =	ssyncadd.s32 $0xFFFFEC00  }
0xb6: {  	[spmem:s30] =	stream.linear.scatter [tilespmem:s3], [sflag:$0x1], $0x1000, $0x38;
	[tilespmem:$0x14D00] =	vst v63  }
0xb7: {  	_ =	swait.ge [sflag:s13], $0x1000  }
0xb8: {  	[sflag:s13] =	ssyncset.done $0x0  }
0xb9: {  	[sflag:s13] =	ssyncadd.s32 $0xFFFFF000  }
.LBB2_6:
0xba: {  	[bflag:$0x0] =	sbarrier.arrive $0xFFFF;
	s25 =	sadd.s32 $0x0, s23  }
0xbb: {  	[tilespmem:s14], [sflag:$0x1] =	stream.linear.gather [hbm4b:s25+s3], $0x28, $0x38;
	[tilespmem:$0x14D00] =	vst v63  }
0xbc: {  	_ =	swait.ge [sflag:s13], $0x28  }
0xbd: {  	[sflag:s13] =	ssyncset.done $0x0  }
0xbe: {  	[sflag:s13] =	ssyncadd.s32 $0xFFFFFFD8  }
0xbf: {  	[tilespmem:s3], [sflag:$0x1] =	stream.linear.gather [hbm4b:s22+s3], $0x1400, $0x38;
	[tilespmem:$0x14D00] =	vst v63  }
0xc0: {  	_ =	swait.ge [sflag:s13], $0x1400  }
0xc1: {  	[sflag:s13] =	ssyncset.done $0x0  }
0xc2: {  	[sflag:s13] =	ssyncadd.s32 $0xFFFFEC00  }
0xc3: {  	[spmem:s2] =	stream.indirect.scatter.add.f32 [tilespmem:s3], [sflag:$0x1], $0x80, s14, s15, $0xb8;
	[tilespmem:$0x14D00] =	vst v63  }
0xc4: {  	s26 =	simm.s32 $0x5;
	_ =	swait.ge [sflag:s13], $0x1400  }
0xc5: {  	s28 =	simm.s32 $0xA;
	s25 =	sadd.s32 $0x280, s22;
	[sflag:s13] =	ssyncset.done $0x0  }
.LBB2_7:
0xc6: {  	s29 =	sadd.s32 s26, s23  }
0xc7: {  	[sflag:s13] =	ssyncadd.s32 $0xFFFFEC00;
	s26 =	smov.u32 s28;
	s30 =	sadd.s32 $0x5, s28  }
0xc8: {  	[tilespmem:s14], [sflag:$0x1] =	stream.linear.gather [hbm4b:s29+s3], $0x28, $0x38;
	[tilespmem:$0x14D00] =	vst v63  }
0xc9: {  	p1 =	sne.s32 s28, $0x26C;
	_ =	swait.ge [sflag:s13], $0x28  }
0xca: {  	[sflag:s13] =	ssyncset.done $0x0  }
0xcb: {  	[sflag:s13] =	ssyncadd.s32 $0xFFFFFFD8  }
0xcc: {  	[tilespmem:s3], [sflag:$0x1] =	stream.linear.gather [hbm4b:s25+s3], $0x1400, $0x38;
	[tilespmem:$0x14D00] =	vst v63  }
0xcd: {  	_ =	swait.ge [sflag:s13], $0x1400  }
.Ltmp5:
0xce: {  	[sflag:s13] =	ssyncset.done $0x0;
	(pc) =	sbr.rel @p1 .LBB2_7-.Ltmp5, $4  }
0xcf: {  	[sflag:s13] =	ssyncadd.s32 $0xFFFFEC00  }
0xd0: {  	[spmem:s2] =	stream.indirect.scatter.add.f32 [tilespmem:s3], [sflag:$0x1], $0x80, s14, s15, $0xb8;
	[tilespmem:$0x14D00] =	vst v63  }
0xd1: {  	_ =	swait.ge [sflag:s13], $0x1400  }
0xd2: {  	s28 =	smov.u32 s30;
	s25 =	sadd.s32 $0x280, s25;
	[sflag:s13] =	ssyncset.done $0x0  }
0xd3: {  	s26 =	sadd.s32 s26, s23;
	[sflag:s13] =	ssyncadd.s32 $0xFFFFEC00  }
0xd4: {  	[tilespmem:s14], [sflag:$0x1] =	stream.linear.gather [hbm4b:s26+s3], $0x28, $0x38;
	[tilespmem:$0x14D00] =	vst v63  }
0xd5: {  	_ =	swait.ge [sflag:s13], $0x28  }
0xd6: {  	[sflag:s13] =	ssyncset.done $0x0  }
0xd7: {  	[sflag:s13] =	ssyncadd.s32 $0xFFFFFFD8  }
0xd8: {  	[tilespmem:s3], [sflag:$0x1] =	stream.linear.gather [hbm4b:s25+s3], $0x1400, $0x38;
	[tilespmem:$0x14D00] =	vst v63  }
0xd9: {  	_ =	swait.ge [sflag:s13], $0x1400  }
0xda: {  	[sflag:s13] =	ssyncset.done $0x0  }
0xdb: {  	[sflag:s13] =	ssyncadd.s32 $0xFFFFEC00  }
0xdc: {  	[spmem:s2] =	stream.indirect.scatter.add.f32 [tilespmem:s3], [sflag:$0x1], $0x80, s14, s15, $0xb8;
	[tilespmem:$0x14D00] =	vst v63  }
.Ltmp6:
0xdd: {  	_ =	swait.ge [sflag:s13], $0x1400;
	(pc) =	sbr.rel @!p0 .LBB2_9-.Ltmp6, $3  }
0xde: {  	[sflag:s13] =	ssyncset.done $0x0  }
0xdf: {  	[sflag:s13] =	ssyncadd.s32 $0xFFFFEC00  }
0xe0: {  	[bflag:$0x0] =	sbarrier.arrive $0xFFFF;
	_ =	sdelay $0x1  }
0xe1: {  	[tilespmem:s3], [sflag:$0x2] =	stream.linear.gather [spmem:s4], $0x1400, $0x38;
	[tilespmem:$0x14D00] =	vst v63  }
0xe2: {  	_ =	swait.ge [sflag:s18], $0x1400  }
0xe3: {  	[sflag:s18] =	ssyncset.done $0x0  }
0xe4: {  	s25 =	sadd.s32 $0x0, s20;
	[sflag:s18] =	ssyncadd.s32 $0xFFFFEC00  }
0xe5: {  	[hbm4b:s25+s3] =	stream.linear.scatter [tilespmem:s3], [sflag:s6], $0x1400, $0x38;
	[tilespmem:$0x14D00] =	vst v63  }
0xe6: {  	_ =	swait.ge [sflag:s6], $0x1400  }
0xe7: {  	s26 =	smov.u32 s4;
	s25 =	simm.s32 $0x280;
	[sflag:s6] =	ssyncset.done $0x0  }
.LBB2_13:
0xe8: {  	p1 =	sne.s32 s25, $0x1E00;
	[sflag:s6] =	ssyncadd.s32 $0xFFFFEC00;
	s26 =	sadd.s32 $0x1400, s26  }
0xe9: {  	[tilespmem:s3], [sflag:$0x2] =	stream.linear.gather [spmem:s26], $0x1400, $0x38;
	[tilespmem:$0x14D00] =	vst v63  }
0xea: {  	s28 =	smov.u32 s25;
	s25 =	sadd.s32 $0x280, s25;
	_ =	swait.ge [sflag:s18], $0x1400  }
.Ltmp7:
0xeb: {  	[sflag:s18] =	ssyncset.done $0x0;
	(pc) =	sbr.rel @p1 .LBB2_13-.Ltmp7, $4  }
0xec: {  	s28 =	sadd.s32 s28, s20;
	[sflag:s18] =	ssyncadd.s32 $0xFFFFEC00  }
0xed: {  	[hbm4b:s28+s3] =	stream.linear.scatter [tilespmem:s3], [sflag:s6], $0x1400, $0x38;
	[tilespmem:$0x14D00] =	vst v63  }
0xee: {  	_ =	swait.ge [sflag:s6], $0x1400  }
0xef: {  	[sflag:s6] =	ssyncset.done $0x0  }
.Ltmp8:
0xf0: {  	(pc) =	sbr.rel .LBB2_15-.Ltmp8, $2  }
0xf1: {  	_ =	sdelay $0x2  }
0xf2: {  	[sflag:s6] =	ssyncadd.s32 $0xFFFFEC00  }
.LBB2_9:
0xf3: {  	[tilespmem:s3], [sflag:$0x2] =	stream.linear.gather [spmem:s4], $0x1400, $0x38;
	[tilespmem:$0x14D00] =	vst v63  }
0xf4: {  	_ =	swait.ge [sflag:s18], $0x1400  }
0xf5: {  	[sflag:s18] =	ssyncset.done $0x0  }
0xf6: {  	s25 =	sadd.s32 $0x0, s20;
	[sflag:s18] =	ssyncadd.s32 $0xFFFFEC00  }
0xf7: {  	[hbm4b:s25+s3] =	stream.linear.scatter [tilespmem:s3], [sflag:s6], $0x1400, $0x38;
	[tilespmem:$0x14D00] =	vst v63  }
0xf8: {  	_ =	swait.ge [sflag:s6], $0x1400  }
0xf9: {  	s26 =	smov.u32 s4;
	s25 =	simm.s32 $0x280;
	[sflag:s6] =	ssyncset.done $0x0  }
.LBB2_10:
0xfa: {  	p1 =	sne.s32 s25, $0x2300;
	[sflag:s6] =	ssyncadd.s32 $0xFFFFEC00;
	s26 =	sadd.s32 $0x1400, s26  }
0xfb: {  	[tilespmem:s3], [sflag:$0x2] =	stream.linear.gather [spmem:s26], $0x1400, $0x38;
	[tilespmem:$0x14D00] =	vst v63  }
0xfc: {  	s28 =	smov.u32 s25;
	s25 =	sadd.s32 $0x280, s25;
	_ =	swait.ge [sflag:s18], $0x1400  }
.Ltmp9:
0xfd: {  	[sflag:s18] =	ssyncset.done $0x0;
	(pc) =	sbr.rel @p1 .LBB2_10-.Ltmp9, $4  }
0xfe: {  	s28 =	sadd.s32 s28, s20;
	[sflag:s18] =	ssyncadd.s32 $0xFFFFEC00  }
0xff: {  	[hbm4b:s28+s3] =	stream.linear.scatter [tilespmem:s3], [sflag:s6], $0x1400, $0x38;
	[tilespmem:$0x14D00] =	vst v63  }
0x100: {  	_ =	swait.ge [sflag:s6], $0x1400  }
0x101: {  	[sflag:s6] =	ssyncset.done $0x0  }
0x102: {  	[sflag:s6] =	ssyncadd.s32 $0xFFFFEC00;
	s25 =	rddreg [dreg:$0x5]  }
0x103: {  	[tilespmem:s3], [sflag:$0x1] =	stream.linear.gather [spmem:s25], $0x1000, $0x38;
	[tilespmem:$0x14D00] =	vst v63  }
0x104: {  	_ =	swait.ge [sflag:s13], $0x1000  }
0x105: {  	[sflag:s13] =	ssyncset.done $0x0  }
0x106: {  	s30 =	rddreg [dreg:$0xf];
	[sflag:s13] =	ssyncadd.s32 $0xFFFFF000  }
0x107: {  	[hbm4b:s30+s3] =	stream.linear.scatter [tilespmem:s3], [sflag:$0x1], $0x1000, $0x38;
	[tilespmem:$0x14D00] =	vst v63  }
0x108: {  	_ =	swait.ge [sflag:s13], $0x1000  }
0x109: {  	[sflag:s13] =	ssyncset.done $0x0  }
0x10a: {  	[sflag:s13] =	ssyncadd.s32 $0xFFFFF000  }
.LBB2_15:
0x10b: {  	[bflag:$0x0] =	sbarrier.arrive $0xFFFF;
	s25 =	simm.s32 $0x70;
	s26 =	simm.s32 $0x3C0  }
.LBB2_16:
0x10c: {  	p1 =	sne.s32 s26, $0x4FC0;
	[tilespmem:s25+$0x0] =	vst v0  }
0x10d: {  	[tilespmem:s25+$0xFFFFFF90] =	vst v0  }
0x10e: {  	[tilespmem:s25+$0xFFFFFFA0] =	vst v0  }
.Ltmp10:
0x10f: {  	[tilespmem:s25+$0xFFFFFFB0] =	vst v0;
	(pc) =	sbr.rel @p1 .LBB2_16-.Ltmp10, $4  }
0x110: {  	[tilespmem:s25+$0xFFFFFFC0] =	vst v0  }
0x111: {  	[tilespmem:s25+$0xFFFFFFD0] =	vst v0  }
0x112: {  	[tilespmem:s25+$0xFFFFFFE0] =	vst v0  }
0x113: {  	[tilespmem:s25+$0xFFFFFFF0] =	vst v0;
	s25 =	sshra.s32 s26, $0x2;
	s26 =	sadd.s32 $0x200, s26  }
0x114: {  	[tilespmem:s25+$0x0] =	vst v0  }
0x115: {  	[tilespmem:s25+$0xFFFFFF90] =	vst v0  }
0x116: {  	[tilespmem:s25+$0xFFFFFFA0] =	vst v0  }
.Ltmp11:
0x117: {  	[tilespmem:s25+$0xFFFFFFB0] =	vst v0;
	(pc) =	sbr.rel @!p0 .LBB2_18-.Ltmp11, $4  }
0x118: {  	[tilespmem:s25+$0xFFFFFFC0] =	vst v0  }
0x119: {  	[tilespmem:s25+$0xFFFFFFD0] =	vst v0  }
0x11a: {  	[tilespmem:s25+$0xFFFFFFE0] =	vst v0  }
0x11b: {  	[tilespmem:s25+$0xFFFFFFF0] =	vst v0  }
0x11c: {  	s25 =	rddreg [dreg:$0x15]  }
0x11d: {  	[spmem:s25] =	stream.linear.scatter [tilespmem:s3], [sflag:$0x1], $0x1400, $0x38;
	[tilespmem:$0x14D00] =	vst v63  }
0x11e: {  	_ =	swait.ge [sflag:s13], $0x1400  }
0x11f: {  	[sflag:s13] =	ssyncset.done $0x0  }
0x120: {  	s30 =	rddreg [dreg:$0x17];
	[sflag:s13] =	ssyncadd.s32 $0xFFFFEC00  }
0x121: {  	[spmem:s30] =	stream.linear.scatter [tilespmem:s3], [sflag:$0x1], $0x1400, $0x38;
	[tilespmem:$0x14D00] =	vst v63  }
0x122: {  	_ =	swait.ge [sflag:s13], $0x1400  }
0x123: {  	[sflag:s13] =	ssyncset.done $0x0  }
0x124: {  	[sflag:s13] =	ssyncadd.s32 $0xFFFFEC00  }
0x125: {  	[spmem:s31] =	stream.linear.scatter [tilespmem:s3], [sflag:$0x1], $0x1400, $0x38;
	[tilespmem:$0x14D00] =	vst v63  }
0x126: {  	_ =	swait.ge [sflag:s13], $0x1400  }
0x127: {  	[sflag:s13] =	ssyncset.done $0x0  }
0x128: {  	[sflag:s13] =	ssyncadd.s32 $0xFFFFEC00  }
0x129: {  	[spmem:s0] =	stream.linear.scatter [tilespmem:s3], [sflag:$0x1], $0x1400, $0x38;
	[tilespmem:$0x14D00] =	vst v63  }
0x12a: {  	_ =	swait.ge [sflag:s13], $0x1400  }
0x12b: {  	[sflag:s13] =	ssyncset.done $0x0  }
0x12c: {  	[sflag:s13] =	ssyncadd.s32 $0xFFFFEC00  }
0x12d: {  	[spmem:s16] =	stream.linear.scatter [tilespmem:s3], [sflag:$0x1], $0x1400, $0x38;
	[tilespmem:$0x14D00] =	vst v63  }
0x12e: {  	_ =	swait.ge [sflag:s13], $0x1400  }
0x12f: {  	[sflag:s13] =	ssyncset.done $0x0  }
0x130: {  	[sflag:s13] =	ssyncadd.s32 $0xFFFFEC00  }
0x131: {  	[spmem:s17] =	stream.linear.scatter [tilespmem:s3], [sflag:$0x1], $0x1400, $0x38;
	[tilespmem:$0x14D00] =	vst v63  }
0x132: {  	_ =	swait.ge [sflag:s13], $0x1400  }
0x133: {  	[sflag:s13] =	ssyncset.done $0x0  }
0x134: {  	[sflag:s13] =	ssyncadd.s32 $0xFFFFEC00  }
0x135: {  	[spmem:s5] =	stream.linear.scatter [tilespmem:s3], [sflag:$0x1], $0x1400, $0x38;
	[tilespmem:$0x14D00] =	vst v63  }
0x136: {  	_ =	swait.ge [sflag:s13], $0x1400  }
0x137: {  	[sflag:s13] =	ssyncset.done $0x0  }
0x138: {  	[sflag:s13] =	ssyncadd.s32 $0xFFFFEC00  }
0x139: {  	[spmem:s9] =	stream.linear.scatter [tilespmem:s3], [sflag:$0x1], $0x1400, $0x38;
	[tilespmem:$0x14D00] =	vst v63  }
0x13a: {  	_ =	swait.ge [sflag:s13], $0x1400  }
0x13b: {  	[sflag:s13] =	ssyncset.done $0x0  }
0x13c: {  	[sflag:s13] =	ssyncadd.s32 $0xFFFFEC00  }
0x13d: {  	[spmem:s7] =	stream.linear.scatter [tilespmem:s3], [sflag:$0x1], $0x1400, $0x38;
	[tilespmem:$0x14D00] =	vst v63  }
0x13e: {  	_ =	swait.ge [sflag:s13], $0x1400  }
0x13f: {  	[sflag:s13] =	ssyncset.done $0x0  }
0x140: {  	[sflag:s13] =	ssyncadd.s32 $0xFFFFEC00  }
0x141: {  	[spmem:s8] =	stream.linear.scatter [tilespmem:s3], [sflag:$0x1], $0x1400, $0x38;
	[tilespmem:$0x14D00] =	vst v63  }
0x142: {  	_ =	swait.ge [sflag:s13], $0x1400  }
0x143: {  	[sflag:s13] =	ssyncset.done $0x0  }
0x144: {  	[sflag:s13] =	ssyncadd.s32 $0xFFFFEC00  }
0x145: {  	[spmem:s10] =	stream.linear.scatter [tilespmem:s3], [sflag:$0x1], $0x1400, $0x38;
	[tilespmem:$0x14D00] =	vst v63  }
0x146: {  	_ =	swait.ge [sflag:s13], $0x1400  }
0x147: {  	[sflag:s13] =	ssyncset.done $0x0  }
0x148: {  	[sflag:s13] =	ssyncadd.s32 $0xFFFFEC00  }
0x149: {  	[spmem:s11] =	stream.linear.scatter [tilespmem:s3], [sflag:$0x1], $0x1400, $0x38;
	[tilespmem:$0x14D00] =	vst v63  }
0x14a: {  	_ =	swait.ge [sflag:s13], $0x1400  }
0x14b: {  	[sflag:s13] =	ssyncset.done $0x0  }
.Ltmp12:
0x14c: {  	[sflag:s13] =	ssyncadd.s32 $0xFFFFEC00;
	(pc) =	sbr.rel .LBB2_20-.Ltmp12, $4  }
0x14d: {  	[spmem:s12] =	stream.linear.scatter [tilespmem:s3], [sflag:$0x1], $0x1400, $0x38;
	[tilespmem:$0x14D00] =	vst v63  }
0x14e: {  	_ =	swait.ge [sflag:s13], $0x1400  }
0x14f: {  	[sflag:s13] =	ssyncset.done $0x0  }
0x150: {  	[sflag:s13] =	ssyncadd.s32 $0xFFFFEC00  }
.LBB2_18:
0x151: {  	[spmem:s4] =	stream.linear.scatter [tilespmem:s3], [sflag:$0x1], $0x1400, $0x38;
	[tilespmem:$0x14D00] =	vst v63  }
0x152: {  	_ =	swait.ge [sflag:s13], $0x1400  }
0x153: {  	[sflag:s13] =	ssyncset.done $0x0  }
0x154: {  	s25 =	rddreg [dreg:$0x6];
	[sflag:s13] =	ssyncadd.s32 $0xFFFFEC00  }
0x155: {  	[spmem:s25] =	stream.linear.scatter [tilespmem:s3], [sflag:$0x1], $0x1400, $0x38;
	[tilespmem:$0x14D00] =	vst v63  }
0x156: {  	_ =	swait.ge [sflag:s13], $0x1400  }
0x157: {  	[sflag:s13] =	ssyncset.done $0x0  }
0x158: {  	s30 =	rddreg [dreg:$0x7];
	[sflag:s13] =	ssyncadd.s32 $0xFFFFEC00  }
0x159: {  	[spmem:s30] =	stream.linear.scatter [tilespmem:s3], [sflag:$0x1], $0x1400, $0x38;
	[tilespmem:$0x14D00] =	vst v63  }
0x15a: {  	_ =	swait.ge [sflag:s13], $0x1400  }
0x15b: {  	[sflag:s13] =	ssyncset.done $0x0  }
0x15c: {  	s26 =	rddreg [dreg:$0x8];
	[sflag:s13] =	ssyncadd.s32 $0xFFFFEC00  }
0x15d: {  	[spmem:s26] =	stream.linear.scatter [tilespmem:s3], [sflag:$0x1], $0x1400, $0x38;
	[tilespmem:$0x14D00] =	vst v63  }
0x15e: {  	_ =	swait.ge [sflag:s13], $0x1400  }
0x15f: {  	[sflag:s13] =	ssyncset.done $0x0  }
0x160: {  	s28 =	rddreg [dreg:$0x9];
	[sflag:s13] =	ssyncadd.s32 $0xFFFFEC00  }
0x161: {  	[spmem:s28] =	stream.linear.scatter [tilespmem:s3], [sflag:$0x1], $0x1400, $0x38;
	[tilespmem:$0x14D00] =	vst v63  }
0x162: {  	_ =	swait.ge [sflag:s13], $0x1400  }
0x163: {  	[sflag:s13] =	ssyncset.done $0x0  }
0x164: {  	s29 =	rddreg [dreg:$0xa];
	[sflag:s13] =	ssyncadd.s32 $0xFFFFEC00  }
0x165: {  	[spmem:s29] =	stream.linear.scatter [tilespmem:s3], [sflag:$0x1], $0x1400, $0x38;
	[tilespmem:$0x14D00] =	vst v63  }
0x166: {  	_ =	swait.ge [sflag:s13], $0x1400  }
0x167: {  	[sflag:s13] =	ssyncset.done $0x0  }
0x168: {  	s30 =	rddreg [dreg:$0xb];
	[sflag:s13] =	ssyncadd.s32 $0xFFFFEC00  }
0x169: {  	[spmem:s30] =	stream.linear.scatter [tilespmem:s3], [sflag:$0x1], $0x1400, $0x38;
	[tilespmem:$0x14D00] =	vst v63  }
0x16a: {  	_ =	swait.ge [sflag:s13], $0x1400  }
0x16b: {  	[sflag:s13] =	ssyncset.done $0x0  }
0x16c: {  	s26 =	rddreg [dreg:$0xc];
	[sflag:s13] =	ssyncadd.s32 $0xFFFFEC00  }
0x16d: {  	[spmem:s26] =	stream.linear.scatter [tilespmem:s3], [sflag:$0x1], $0x1400, $0x38;
	[tilespmem:$0x14D00] =	vst v63  }
0x16e: {  	_ =	swait.ge [sflag:s13], $0x1400  }
0x16f: {  	[sflag:s13] =	ssyncset.done $0x0  }
0x170: {  	s28 =	rddreg [dreg:$0xd];
	[sflag:s13] =	ssyncadd.s32 $0xFFFFEC00  }
0x171: {  	[spmem:s28] =	stream.linear.scatter [tilespmem:s3], [sflag:$0x1], $0x1400, $0x38;
	[tilespmem:$0x14D00] =	vst v63  }
0x172: {  	_ =	swait.ge [sflag:s13], $0x1400  }
0x173: {  	[sflag:s13] =	ssyncset.done $0x0  }
0x174: {  	s29 =	rddreg [dreg:$0xe];
	[sflag:s13] =	ssyncadd.s32 $0xFFFFEC00  }
0x175: {  	[spmem:s29] =	stream.linear.scatter [tilespmem:s3], [sflag:$0x1], $0x1400, $0x38;
	[tilespmem:$0x14D00] =	vst v63  }
0x176: {  	_ =	swait.ge [sflag:s13], $0x1400  }
0x177: {  	[sflag:s13] =	ssyncset.done $0x0  }
0x178: {  	s30 =	rddreg [dreg:$0x11];
	[sflag:s13] =	ssyncadd.s32 $0xFFFFEC00  }
0x179: {  	[spmem:s30] =	stream.linear.scatter [tilespmem:s3], [sflag:$0x1], $0x1400, $0x38;
	[tilespmem:$0x14D00] =	vst v63  }
0x17a: {  	_ =	swait.ge [sflag:s13], $0x1400  }
0x17b: {  	[sflag:s13] =	ssyncset.done $0x0  }
0x17c: {  	s26 =	rddreg [dreg:$0x12];
	[sflag:s13] =	ssyncadd.s32 $0xFFFFEC00  }
0x17d: {  	[spmem:s26] =	stream.linear.scatter [tilespmem:s3], [sflag:$0x1], $0x1400, $0x38;
	[tilespmem:$0x14D00] =	vst v63  }
0x17e: {  	_ =	swait.ge [sflag:s13], $0x1400  }
0x17f: {  	[sflag:s13] =	ssyncset.done $0x0  }
0x180: {  	s28 =	rddreg [dreg:$0x13];
	[sflag:s13] =	ssyncadd.s32 $0xFFFFEC00  }
0x181: {  	[spmem:s28] =	stream.linear.scatter [tilespmem:s3], [sflag:$0x1], $0x1400, $0x38;
	[tilespmem:$0x14D00] =	vst v63  }
0x182: {  	_ =	swait.ge [sflag:s13], $0x1400  }
0x183: {  	[sflag:s13] =	ssyncset.done $0x0  }
0x184: {  	s29 =	rddreg [dreg:$0x14];
	[sflag:s13] =	ssyncadd.s32 $0xFFFFEC00  }
0x185: {  	[spmem:s29] =	stream.linear.scatter [tilespmem:s3], [sflag:$0x1], $0x1400, $0x38;
	[tilespmem:$0x14D00] =	vst v63  }
0x186: {  	_ =	swait.ge [sflag:s13], $0x1400  }
0x187: {  	[sflag:s13] =	ssyncset.done $0x0  }
0x188: {  	[sflag:s13] =	ssyncadd.s32 $0xFFFFEC00  }
0x189: {  	[spmem:s1] =	stream.linear.scatter [tilespmem:s3], [sflag:$0x1], $0x1400, $0x38;
	[tilespmem:$0x14D00] =	vst v63  }
0x18a: {  	_ =	swait.ge [sflag:s13], $0x1400  }
0x18b: {  	[sflag:s13] =	ssyncset.done $0x0  }
0x18c: {  	s30 =	rddreg [dreg:$0x4];
	[sflag:s13] =	ssyncadd.s32 $0xFFFFEC00  }
0x18d: {  	[spmem:s30] =	stream.linear.scatter [tilespmem:s3], [sflag:$0x1], $0x1000, $0x38;
	[tilespmem:$0x14D00] =	vst v63  }
0x18e: {  	_ =	swait.ge [sflag:s13], $0x1000  }
0x18f: {  	[sflag:s13] =	ssyncset.done $0x0  }
0x190: {  	[sflag:s13] =	ssyncadd.s32 $0xFFFFF000  }
.LBB2_20:
0x191: {  	[bflag:$0x0] =	sbarrier.arrive $0xFFFF;
	s25 =	sadd.s32 $0x0, s23  }
0x192: {  	[tilespmem:s14], [sflag:$0x1] =	stream.linear.gather [hbm4b:s25+s3], $0x28, $0x38;
	[tilespmem:$0x14D00] =	vst v63  }
0x193: {  	_ =	swait.ge [sflag:s13], $0x28  }
0x194: {  	[sflag:s13] =	ssyncset.done $0x0  }
0x195: {  	[sflag:s13] =	ssyncadd.s32 $0xFFFFFFD8  }
0x196: {  	[tilespmem:s3], [sflag:$0x1] =	stream.linear.gather [hbm4b:s24+s3], $0x1400, $0x38;
	[tilespmem:$0x14D00] =	vst v63  }
0x197: {  	_ =	swait.ge [sflag:s13], $0x1400  }
0x198: {  	[sflag:s13] =	ssyncset.done $0x0  }
0x199: {  	[sflag:s13] =	ssyncadd.s32 $0xFFFFEC00  }
0x19a: {  	[spmem:s2] =	stream.indirect.scatter.add.f32 [tilespmem:s3], [sflag:$0x1], $0x80, s14, s15, $0xb8;
	[tilespmem:$0x14D00] =	vst v63  }
0x19b: {  	s26 =	simm.s32 $0x5;
	_ =	swait.ge [sflag:s13], $0x1400  }
0x19c: {  	s28 =	simm.s32 $0xA;
	s25 =	sadd.s32 $0x280, s24;
	[sflag:s13] =	ssyncset.done $0x0  }
.LBB2_21:
0x19d: {  	s29 =	sadd.s32 s26, s23  }
0x19e: {  	[sflag:s13] =	ssyncadd.s32 $0xFFFFEC00;
	s26 =	smov.u32 s28;
	s30 =	sadd.s32 $0x5, s28  }
0x19f: {  	[tilespmem:s14], [sflag:$0x1] =	stream.linear.gather [hbm4b:s29+s3], $0x28, $0x38;
	[tilespmem:$0x14D00] =	vst v63  }
0x1a0: {  	p1 =	sne.s32 s28, $0x26C;
	_ =	swait.ge [sflag:s13], $0x28  }
0x1a1: {  	[sflag:s13] =	ssyncset.done $0x0  }
0x1a2: {  	[sflag:s13] =	ssyncadd.s32 $0xFFFFFFD8  }
0x1a3: {  	[tilespmem:s3], [sflag:$0x1] =	stream.linear.gather [hbm4b:s25+s3], $0x1400, $0x38;
	[tilespmem:$0x14D00] =	vst v63  }
0x1a4: {  	_ =	swait.ge [sflag:s13], $0x1400  }
.Ltmp13:
0x1a5: {  	[sflag:s13] =	ssyncset.done $0x0;
	(pc) =	sbr.rel @p1 .LBB2_21-.Ltmp13, $4  }
0x1a6: {  	[sflag:s13] =	ssyncadd.s32 $0xFFFFEC00  }
0x1a7: {  	[spmem:s2] =	stream.indirect.scatter.add.f32 [tilespmem:s3], [sflag:$0x1], $0x80, s14, s15, $0xb8;
	[tilespmem:$0x14D00] =	vst v63  }
0x1a8: {  	_ =	swait.ge [sflag:s13], $0x1400  }
0x1a9: {  	s28 =	smov.u32 s30;
	s25 =	sadd.s32 $0x280, s25;
	[sflag:s13] =	ssyncset.done $0x0  }
0x1aa: {  	s26 =	sadd.s32 s26, s23;
	[sflag:s13] =	ssyncadd.s32 $0xFFFFEC00  }
0x1ab: {  	[tilespmem:s14], [sflag:$0x1] =	stream.linear.gather [hbm4b:s26+s3], $0x28, $0x38;
	[tilespmem:$0x14D00] =	vst v63  }
0x1ac: {  	_ =	swait.ge [sflag:s13], $0x28  }
0x1ad: {  	[sflag:s13] =	ssyncset.done $0x0  }
0x1ae: {  	[sflag:s13] =	ssyncadd.s32 $0xFFFFFFD8  }
0x1af: {  	[tilespmem:s3], [sflag:$0x1] =	stream.linear.gather [hbm4b:s25+s3], $0x1400, $0x38;
	[tilespmem:$0x14D00] =	vst v63  }
0x1b0: {  	_ =	swait.ge [sflag:s13], $0x1400  }
0x1b1: {  	[sflag:s13] =	ssyncset.done $0x0  }
0x1b2: {  	[sflag:s13] =	ssyncadd.s32 $0xFFFFEC00  }
0x1b3: {  	[spmem:s2] =	stream.indirect.scatter.add.f32 [tilespmem:s3], [sflag:$0x1], $0x80, s14, s15, $0xb8;
	[tilespmem:$0x14D00] =	vst v63  }
.Ltmp14:
0x1b4: {  	_ =	swait.ge [sflag:s13], $0x1400;
	(pc) =	sbr.rel @!p0 .LBB2_23-.Ltmp14, $3  }
0x1b5: {  	[sflag:s13] =	ssyncset.done $0x0  }
0x1b6: {  	[sflag:s13] =	ssyncadd.s32 $0xFFFFEC00  }
0x1b7: {  	[bflag:$0x0] =	sbarrier.arrive $0xFFFF;
	_ =	sdelay $0x1  }
0x1b8: {  	[tilespmem:s3], [sflag:$0x2] =	stream.linear.gather [spmem:s4], $0x1400, $0x38;
	[tilespmem:$0x14D00] =	vst v63  }
0x1b9: {  	_ =	swait.ge [sflag:s18], $0x1400  }
0x1ba: {  	[sflag:s18] =	ssyncset.done $0x0  }
0x1bb: {  	s25 =	sadd.s32 $0x0, s21;
	[sflag:s18] =	ssyncadd.s32 $0xFFFFEC00  }
0x1bc: {  	[hbm4b:s25+s3] =	stream.linear.scatter [tilespmem:s3], [sflag:s6], $0x1400, $0x38;
	[tilespmem:$0x14D00] =	vst v63  }
0x1bd: {  	_ =	swait.ge [sflag:s6], $0x1400  }
0x1be: {  	s26 =	smov.u32 s4;
	s25 =	simm.s32 $0x280;
	[sflag:s6] =	ssyncset.done $0x0  }
.LBB2_27:
0x1bf: {  	p1 =	sne.s32 s25, $0x1E00;
	[sflag:s6] =	ssyncadd.s32 $0xFFFFEC00;
	s26 =	sadd.s32 $0x1400, s26  }
0x1c0: {  	[tilespmem:s3], [sflag:$0x2] =	stream.linear.gather [spmem:s26], $0x1400, $0x38;
	[tilespmem:$0x14D00] =	vst v63  }
0x1c1: {  	s28 =	smov.u32 s25;
	s25 =	sadd.s32 $0x280, s25;
	_ =	swait.ge [sflag:s18], $0x1400  }
.Ltmp15:
0x1c2: {  	[sflag:s18] =	ssyncset.done $0x0;
	(pc) =	sbr.rel @p1 .LBB2_27-.Ltmp15, $4  }
0x1c3: {  	s28 =	sadd.s32 s28, s21;
	[sflag:s18] =	ssyncadd.s32 $0xFFFFEC00  }
0x1c4: {  	[hbm4b:s28+s3] =	stream.linear.scatter [tilespmem:s3], [sflag:s6], $0x1400, $0x38;
	[tilespmem:$0x14D00] =	vst v63  }
0x1c5: {  	_ =	swait.ge [sflag:s6], $0x1400  }
0x1c6: {  	[sflag:s6] =	ssyncset.done $0x0  }
.Ltmp16:
0x1c7: {  	(pc) =	sbr.rel .LBB2_29-.Ltmp16, $2  }
0x1c8: {  	_ =	sdelay $0x2  }
0x1c9: {  	[sflag:s6] =	ssyncadd.s32 $0xFFFFEC00  }
.LBB2_23:
0x1ca: {  	[tilespmem:s3], [sflag:$0x2] =	stream.linear.gather [spmem:s4], $0x1400, $0x38;
	[tilespmem:$0x14D00] =	vst v63  }
0x1cb: {  	_ =	swait.ge [sflag:s18], $0x1400  }
0x1cc: {  	[sflag:s18] =	ssyncset.done $0x0  }
0x1cd: {  	s25 =	sadd.s32 $0x0, s21;
	[sflag:s18] =	ssyncadd.s32 $0xFFFFEC00  }
0x1ce: {  	[hbm4b:s25+s3] =	stream.linear.scatter [tilespmem:s3], [sflag:s6], $0x1400, $0x38;
	[tilespmem:$0x14D00] =	vst v63  }
0x1cf: {  	_ =	swait.ge [sflag:s6], $0x1400  }
0x1d0: {  	s26 =	smov.u32 s4;
	s25 =	simm.s32 $0x280;
	[sflag:s6] =	ssyncset.done $0x0  }
.LBB2_24:
0x1d1: {  	p1 =	sne.s32 s25, $0x2300;
	[sflag:s6] =	ssyncadd.s32 $0xFFFFEC00;
	s26 =	sadd.s32 $0x1400, s26  }
0x1d2: {  	[tilespmem:s3], [sflag:$0x2] =	stream.linear.gather [spmem:s26], $0x1400, $0x38;
	[tilespmem:$0x14D00] =	vst v63  }
0x1d3: {  	s28 =	smov.u32 s25;
	s25 =	sadd.s32 $0x280, s25;
	_ =	swait.ge [sflag:s18], $0x1400  }
.Ltmp17:
0x1d4: {  	[sflag:s18] =	ssyncset.done $0x0;
	(pc) =	sbr.rel @p1 .LBB2_24-.Ltmp17, $4  }
0x1d5: {  	s28 =	sadd.s32 s28, s21;
	[sflag:s18] =	ssyncadd.s32 $0xFFFFEC00  }
0x1d6: {  	[hbm4b:s28+s3] =	stream.linear.scatter [tilespmem:s3], [sflag:s6], $0x1400, $0x38;
	[tilespmem:$0x14D00] =	vst v63  }
0x1d7: {  	_ =	swait.ge [sflag:s6], $0x1400  }
0x1d8: {  	[sflag:s6] =	ssyncset.done $0x0  }
.Ltmp18:
0x1d9: {  	_ = 	snop;
	(pc) =	sbr.rel .LBB2_25-.Ltmp18, $1  }
0x1da: {  	_ =	sdelay $0x3  }
.LBB2_30:
0x1db: {  	_ =	sfence.sel $0x180000  }
0x1dc: {  	[bflag:$0x0] =	sbarrier.arrive $0xFFFF  }
0x1dd: {  	_ =	strace $0x9000004D  }
0x1de: {  	s0 =	stileid.u32;
	[bflag:$0x2] =	sbarrier.arrive $0xFFFF  }
0x1df: {  	p0 =	sne.s32 s0, $0x0;
	s0 =	rddreg [dreg:$0x3]  }
0x1e0: {  	s0 =	sadd.s32 @!p0 $0x100000, s0  }
0x1e1: {  	[sflag:s0] =	ssyncadd.tile.s32 @!p0 $0x1;
	_ =	shalt  }
.Lfunc_end2:
_tile_overlayer_lowered:
.L_overlay_start_2:
0x1e2: {  	(tag) =	ssettag $0x2  }
0x1e3: {  	s0 =	rddreg [dreg:$0x0];
	s2 =	stileid.u32  }
0x1e4: {  	s1 =	rddreg [dreg:$0x1];
	p0 =	sne.s32 s2, $0x0  }
0x1e5: {  	s3 =	rddreg [dreg:$0x2];
	[bflag:$0x3] =	sbarrier.arrive $0xFFFF;
	s2 =	simm.s32 @!p0 $0x1C01  }
0x1e6: {  	[timem:s3], [sflag:s2] =	dma.local @!p0 [hbm:s0], s1  }
0x1e7: {  	s0 =	simm.s32 @!p0 $0x1  }
0x1e8: {  	_ =	swait.ge @!p0 [sflag:s0], s1  }
0x1e9: {  	s1 =	ssub.s32 @!p0 $0x0, s1;
	[sflag:s0] =	ssyncset.done @!p0 $0x0  }
0x1ea: {  	[sflag:s0] =	ssyncadd.s32 @!p0 s1  }
0x1eb: {  	[bflag:$0x3] =	sbarrier.arrive $0xFFFF  }
0x1ec: {  	_ =	shalt  }

// kernel: kernel.9.cloned.1.call-start
scs
__scs_entry_jumppad:
0x0: {  	(pc) =	sbr.rel $0x88, $3  }
0x1: {  	(tag) =	ssettag $0x0;
	lr =	simm.s32 $0x1  }
0x2: {  	[smem:$0x3F79] =	sst lr;
	_ =	strace $0xD0000000  }
0x3: {  	_ = 	snop  }
0x4: {  	_ = 	snop  }
0x5: {  	_ = 	snop  }
0x6: {  	_ = 	snop  }
0x7: {  	_ = 	snop  }
__scs_overlays_trampoline_lowered:
0x8: {  	[smem:$0x3F88] =	sst s0  }
0x9: {  	[smem:$0x3F89] =	sst s1  }
0xa: {  	[smem:$0x3F8A] =	sst s2  }
0xb: {  	[smem:$0x3F8B] =	sst s3  }
0xc: {  	[smem:$0x3F8C] =	sst s4  }
0xd: {  	[smem:$0x3F8D] =	sst s5  }
0xe: {  	[smem:$0x3F8E] =	sst s6  }
0xf: {  	[smem:$0x3F8F] =	sst s7  }
0x10: {  	[smem:$0x3F90] =	sst s8  }
0x11: {  	[smem:$0x3F91] =	sst s9;
	s0 =	simm.s32 @!p0 $0x0  }
0x12: {  	s1 =	sld [smem:$0x3F77];
	s0 =	simm.s32 @p0 $0x1  }
0x13: {  	[smem:$0x3F92] =	sst s0;
	s0 =	simm.s32 @!p1 $0x0  }
0x14: {  	s2 =	sld [smem:$0x3F76];
	s0 =	simm.s32 @p1 $0x1  }
0x15: {  	[smem:$0x3F93] =	sst s0;
	s0 =	simm.s32 @!p2 $0x0  }
0x16: {  	s3 =	sld [smem:$0x3FDB];
	s0 =	simm.s32 @p2 $0x1  }
0x17: {  	s4 =	simm.s32 $0x1BF5;
	[smem:$0x3F95] =	sst s0  }
0x18: {  	s0 =	sld [smem:$0x3F78];
	_ =	swait.ge [sflag:s4], $0x0  }
0x19: {  	s7 =	sld [smem:$0x3F79]  }
0x1a: {  	s8 =	sadd.s32 $0xFFFFE003, lr  }
0x1b: {  	s9 =	sadd.s32 $0xFFFFFEF7, lr;
	s5 =	simm.s32 $0xFFFFFFFF;
	p2 =	slt.u32 s8, $0xFFFFF086  }
0x1c: {  	p1 =	slt.u32 s9, $0xF7A;
	s5 =	simm.s32 @!p2 $0x0  }
0x1d: {  	s5 =	simm.s32 @p1 $0x1;
	p0 =	seq.s32 s7, s2  }
0x1e: {  	s7 =	smul.u32 @!p0 $0xF7A, s2;
	p2 =	seq.s32 @!p0 s5, $0x0  }
0x1f: {  	s9 =	smul.u32 $0xF7A, s1;
	s8 =	simm.s32 @!p0 $0x1BF5;
	p2 =	por !p2, p0  }
0x20: {  	[sflag:s8] =	ssyncset.s32 @!p0 $0xFFFFF086;
	s6 =	sadd.s32 @!p0 s3, s7;
	s7 =	simm.s32 @!p0 $0x108  }
0x21: {  	s3 =	sadd.s32 s3, s9;
	s6 =	sadd.s32 @!p0 $0x88, s6;
	s7 =	simm.s32 @p2 $0x1082  }
0x22: {  	[simem:s7], [sflag:s8] =	dma.local @!p0 [hbm:s6], $0xF7A  }
0x23: {  	s9 =	sor.u32 $0xD0000000, s2;
	s6 =	simm.s32 $0x108;
	_ =	swait.ge @!p0 [sflag:s8], $0x0  }
0x24: {  	s3 =	sadd.s32 $0x88, s3;
	s6 =	simm.s32 @!p1 $0x1082;
	[sflag:s4] =	ssyncset.s32 $0xFFFFF086  }
0x25: {  	[simem:s6], [sflag:s4] =	dma.local [hbm:s3], $0xF7A  }
0x26: {  	[smem:$0x3F79] =	sst s1;
	(tag) =	ssettag s2;
	_ =	strace s9  }
0x27: {  	s1 =	sld [smem:$0x3F89]  }
0x28: {  	s2 =	sld [smem:$0x3F8A]  }
0x29: {  	s4 =	sld [smem:$0x3F8C]  }
0x2a: {  	p0 =	seq.s32 s5, $0x0;
	s5 =	sld [smem:$0x3F8D]  }
0x2b: {  	s6 =	sld [smem:$0x3F8E]  }
0x2c: {  	s7 =	sld [smem:$0x3F8F]  }
0x2d: {  	s3 =	simm.s32 $0x108;
	s8 =	sld [smem:$0x3F90]  }
0x2e: {  	s3 =	simm.s32 @!p0 $0x1082;
	s9 =	sld [smem:$0x3F91]  }
0x2f: {  	lr =	sadd.s32 s0, s3;
	s0 =	sld [smem:$0x3F88]  }
0x30: {  	s3 =	sld [smem:$0x3F8B]  }
0x31: {  	[smem:$0x3F94] =	sst s10  }
0x32: {  	s10 =	sld [smem:$0x3F92];
	_ =	sdelay $0x3  }
0x33: {  	p0 =	seq.s32 s10, $0x1;
	s10 =	sld [smem:$0x3F94];
	_ =	sdelay $0x3  }
0x34: {  	[smem:$0x3F94] =	sst s10  }
0x35: {  	s10 =	sld [smem:$0x3F93];
	_ =	sdelay $0x3  }
0x36: {  	p1 =	seq.s32 s10, $0x1;
	s10 =	sld [smem:$0x3F94];
	_ =	sdelay $0x3  }
0x37: {  	[smem:$0x3F94] =	sst s10  }
0x38: {  	s10 =	sld [smem:$0x3F95]  }
0x39: {  	_ = 	snop;
	(pc) =	sbr.ind lr, $3  }
0x3a: {  	_ = 	snop  }
0x3b: {  	_ = 	snop  }
0x3c: {  	p2 =	seq.s32 s10, $0x1;
	s10 =	sld [smem:$0x3F94]  }
0x3d: {  	_ =	shalt  }
0x3e: {  	_ =	shalt  }
0x3f: {  	_ =	shalt  }
0x40: {  	_ =	shalt  }
0x41: {  	_ =	shalt  }
0x42: {  	_ =	shalt  }
0x43: {  	_ =	shalt  }
0x44: {  	_ =	shalt  }
0x45: {  	_ =	shalt  }
0x46: {  	_ =	shalt  }
0x47: {  	_ =	shalt  }
0x48: {  	_ =	shalt  }
0x49: {  	_ =	shalt  }
0x4a: {  	_ =	shalt  }
0x4b: {  	_ =	shalt  }
0x4c: {  	_ =	shalt  }
0x4d: {  	_ =	shalt  }
0x4e: {  	_ =	shalt  }
0x4f: {  	_ =	shalt  }
0x50: {  	_ =	shalt  }
0x51: {  	_ =	shalt  }
0x52: {  	_ =	shalt  }
0x53: {  	_ =	shalt  }
0x54: {  	_ =	shalt  }
0x55: {  	_ =	shalt  }
0x56: {  	_ =	shalt  }
0x57: {  	_ =	shalt  }
0x58: {  	_ =	shalt  }
0x59: {  	_ =	shalt  }
0x5a: {  	_ =	shalt  }
0x5b: {  	_ =	shalt  }
0x5c: {  	_ =	shalt  }
0x5d: {  	_ =	shalt  }
0x5e: {  	_ =	shalt  }
0x5f: {  	_ =	shalt  }
0x60: {  	_ =	shalt  }
0x61: {  	_ =	shalt  }
0x62: {  	_ =	shalt  }
0x63: {  	_ =	shalt  }
0x64: {  	_ =	shalt  }
0x65: {  	_ =	shalt  }
0x66: {  	_ =	shalt  }
0x67: {  	_ =	shalt  }
0x68: {  	_ =	shalt  }
0x69: {  	_ =	shalt  }
0x6a: {  	_ =	shalt  }
0x6b: {  	_ =	shalt  }
0x6c: {  	_ =	shalt  }
0x6d: {  	_ =	shalt  }
0x6e: {  	_ =	shalt  }
0x6f: {  	_ =	shalt  }
0x70: {  	_ =	shalt  }
0x71: {  	_ =	shalt  }
0x72: {  	_ =	shalt  }
0x73: {  	_ =	shalt  }
0x74: {  	_ =	shalt  }
0x75: {  	_ =	shalt  }
0x76: {  	_ =	shalt  }
0x77: {  	_ =	shalt  }
0x78: {  	_ =	shalt  }
0x79: {  	_ =	shalt  }
0x7a: {  	_ =	shalt  }
0x7b: {  	_ =	shalt  }
0x7c: {  	_ =	shalt  }
0x7d: {  	_ =	shalt  }
0x7e: {  	_ =	shalt  }
0x7f: {  	_ =	shalt  }
0x80: {  	_ =	shalt  }
0x81: {  	_ =	shalt  }
0x82: {  	_ =	shalt  }
0x83: {  	_ =	shalt  }
0x84: {  	_ =	shalt  }
0x85: {  	_ =	shalt  }
0x86: {  	_ =	shalt  }
0x87: {  	_ =	shalt  }
.Lfunc_end0:
.L_simem_size_0:
called_computation_lowered:
.L_overlay_start_0:
0x88: {  	s2 =	sld [smem:$0x3FD9]  }
0x89: {  	s3 =	sld [smem:$0x3FFE];
	_ =	sdelay $0x1  }
0x8a: {  	s1 =	srdreg.scid  }
0x8b: {  	s0 =	sand.u32 $0x1, s1  }
0x8c: {  	s16 =	sshll.u32 s0, $0xA;
	s2 =	sadd.s32 s3, s2  }
0x8d: {  	s2 =	sadd.s32 s2, s16  }
0x8e: {  	[smem:$0x3FA0] =	sst s2  }
0x8f: {  	_ = 	snop  }
0x90: {  	(tm) =	ssettm $0x1  }
0x91: {  	s17 =	sld [smem:$0x3FFB];
	_ =	sdelay $0x3  }
0x92: {  	_ =	strace s17  }
0x93: {  	s2 =	sld [smem:$0x3FFC];
	_ =	sdelay $0x3  }
0x94: {  	_ =	strace s2  }
0x95: {  	s2 =	sld [smem:$0x3FFD];
	_ =	sdelay $0x3  }
0x96: {  	_ =	strace s2  }
0x97: {  	_ =	strace $0x8FFFFFFF  }
0x98: {  	s18 =	sld [smem:$0x3FDB];
	_ =	sdelay $0x1  }
0x99: {  	s19 =	simm.s32 $_scs_section_size  }
0x9a: {  	s4 =	simm.s32 $_size__tile_overlayer_lowered;
	s5 =	simm.s32 $_tile_overlayer_lowered  }
0x9b: {  	s22 =	simm.s32 $0x1BFF;
	s21 =	sshll.u32 s5, $0x1;
	s2 =	sadd.s32 s19, s18  }
0x9c: {  	s6 =	simm.s32 $0x0;
	s20 =	sshll.u32 s4, $0x1;
	s4 =	sadd.s32 s21, s2  }
0x9d: {  	[timem:s6], [sflag:s22] =	dma.local [hbm:s4], s20  }
0x9e: {  	_ =	swait.ge [sflag:s22], s20  }
0x9f: {  	s3 =	ssub.s32 $0x0, s20;
	[sflag:s22] =	ssyncset.done $0x0  }
0xa0: {  	[sflag:s22] =	ssyncadd.s32 s3;
	_ =	sdelay $0x1  }
0xa1: {  	s23 =	simm.s32 $0x1B8B  }
0xa2: {  	_ =	swait.ge [sflag:s23], $0x1  }
0xa3: {  	[sflag:s23] =	ssyncset.done $0x0  }
0xa4: {  	s25 =	simm.s32 $0x1B8E;
	s24 =	sld [smem:$0x3FFE];
	[sflag:s23] =	ssyncadd.s32 $0xFFFFFFFF  }
0xa5: {  	s26 =	simm.s32 $execute0_lowered;
	[smem:$0x3FD2] =	sst s25  }
0xa6: {  	s4 =	sshll.u32 s26, $0x1;
	_ =	strace $0x80000046;
	[dreg:$0x1] =	wrdreg $0xFFFFFFFF  }
0xa7: {  	s28 =	simm.s32 $_size_execute0_lowered;
	s2 =	sadd.s32 s2, s4;
	[dreg:$0x0] =	wrdreg $0x0  }
0xa8: {  	s4 =	sshll.u32 s28, $0x1;
	[dreg:$0x2] =	wrdreg s2  }
0xa9: {  	[dreg:$0x3] =	wrdreg s4  }
0xaa: {  	[dreg:$0x4] =	wrdreg $0xC0  }
0xab: {  	_ =	task [dreg:s6], $0x5FFFF  }
0xac: {  	[dreg:$0x1] =	wrdreg $0xFFFFFFFF  }
0xad: {  	[dreg:$0x0] =	wrdreg $0x60  }
0xae: {  	[dreg:$0x2] =	wrdreg s24  }
0xaf: {  	[dreg:$0x3] =	wrdreg $0x9  }
0xb0: {  	_ =	task.clear_ibuf [dreg:s6], $0x4FFFF;
	_ =	strace $0x90000046  }
0xb1: {  	s29 =	simm.s32 $0x9;
	_ =	strace $0x80000048  }
0xb2: {  	_ =	swait.ge [sflag:s29], $0x1  }
0xb3: {  	[sflag:s29] =	ssyncadd.s32 $0xFFFFFFFF  }
0xb4: {  	_ =	strace $0x90000048  }
0xb5: {  	_ =	sfence  }
0xb6: {  	s30 =	sld [smem:$0x0];
	_ =	sdelay $0x2  }
0xb7: {  	s31 =	sshll.u32 s1, $0xD;
	s1 =	sshrl.u32 s1, $0x2  }
0xb8: {  	s3 =	sand.u32 $0x4000, s31;
	s1 =	sadd.s32 s1, s30  }
0xb9: {  	s0 =	sor.u32 s3, s0;
	s1 =	sshll.u32 s1, $0x11  }
0xba: {  	s0 =	sor.u32 s1, s0  }
0xbb: {  	s0 =	sadd.s32 $0x8F2B, s0  }
0xbc: {  	[sflag:s0] =	ssyncadd.remote.s32 $0x1  }
0xbd: {  	_ =	sfence.sel $0xFFFF  }
0xbe: {  	[dreg:$0x0] =	wrdreg $0xFFFFFFFF;
	(pc) =	sbr.abs _section_cstart, $3  }
0xbf: {  	[dreg:$0x1] =	wrdreg $0xFFFFFFFF  }
0xc0: {  	_ =	task.clear_ibuf [dreg:s6], $0x2FFFF;
	_ =	strace $0x9FFFFFFF  }
0xc1: {  	(tm) =	ssettm $0x7FFFFFFF  }
tec
execute0_lowered:
.L_overlay_start_1:
0x0: {  	(tag) =	ssettag $0x1  }
0x1: {  	s1 =	srdreg.scid;
	s0 =	stileid.u32  }
0x2: {  	s4 =	rddreg [dreg:$0x0];
	s2 =	simm.s32 $0x0;
	s10 =	simm.s32 $0x2  }
0x3: {  	s11 =	simm.s32 $0x80;
	s12 =	simm.s32 $0x100;
	s13 =	simm.s32 $0x900  }
0x4: {  	s14 =	simm.s32 $0x1100;
	s15 =	simm.s32 $0x1900;
	s16 =	simm.s32 $0x2100  }
0x5: {  	s17 =	simm.s32 $0x2900;
	s18 =	simm.s32 $0x3100;
	s19 =	simm.s32 $0x3900  }
0x6: {  	s20 =	simm.s32 $0x4100;
	s21 =	simm.s32 $0x4900;
	s22 =	simm.s32 $0x1  }
0x7: {  	s3 =	sand.u32 $0x1, s1;
	s5 =	smul.u32 $0x2710, s0;
	s1 =	rddreg [dreg:$0x1]  }
0x8: {  	s23 =	simm.s32 $0x0;
	[smem:$0x7FF] =	sst s2;
	s6 =	smul.u32 $0x1388, s3  }
0x9: {  	s29 =	smul.u32 $0x4E200, s0;
	_ =	strace $0x80000047;
	s7 =	ssub.s32 $0x2, s3  }
0xa: {  	s8 =	smul.u32 $0x27100, s3;
	s3 =	sadd.s32 $0x87E00, s4;
	s5 =	sadd.s32 s6, s5  }
0xb: {  	s30 =	sshrl.u32 s7, $0x1;
	s6 =	sadd.s32 s29, s4;
	s5 =	sshrl.u32 s5, $0x3  }
0xc: {  	v2 =	vlaneseq.u32;
	s31 =	sadd.s32 s8, s6;
	s9 =	sadd.s32 s5, s4;
	s5 =	ssub.s32 s7, s30  }
0xd: {  	vm0 =	vmmov $0xffff;
	v1 =	vshrl.u32 v2, $0x3;
	s4 =	sadd.s32 $0x39C00, s4;
	s6 =	sadd.s32 $0xD6000, s31;
	s7 =	sadd.s32 $0x5B8000, s31  }
0xe: {  	v0 =	vand.u32 $0x7, v2;
	v2 =	vor.u32 $0x8, v2;
	v1 =	vmul.u32 $0x8, v1;
	s5 =	smax.u32 s5, $0x1;
	s8 =	sadd.s32 $0x2FC00, s9;
	s9 =	sadd.s32 $0x34C00, s9  }
.LBB2_1:
0xf: {  	s24 =	smov.u32 s7;
	s25 =	smov.u32 s6;
	s26 =	simm.s32 $0x0  }
.LBB2_2:
0x10: {  	s28 =	sadd.s32 s26, s9  }
0x11: {  	[tilespmem:s2], [sflag:$0x2] =	stream.linear.gather [hbm4b:s28+s2], $0x28, $0x38;
	[tilespmem:$0x5100] =	vst v63  }
0x12: {  	_ =	swait.ge [sflag:s10], $0x28  }
0x13: {  	[sflag:s10] =	ssyncset.done $0x0  }
0x14: {  	s31 =	sadd.s32 s26, s8;
	[sflag:s10] =	ssyncadd.s32 $0xFFFFFFD8  }
0x15: {  	[tilespmem:s11], [sflag:$0x2] =	stream.linear.gather [hbm4b:s31+s2], $0x28, $0x38;
	[tilespmem:$0x5100] =	vst v63  }
0x16: {  	_ =	swait.ge [sflag:s10], $0x28  }
0x17: {  	[sflag:s10] =	ssyncset.done $0x0  }
0x18: {  	[sflag:s10] =	ssyncadd.s32 $0xFFFFFFD8  }
0x19: {  	v3 =	vld [tilespmem:$0x0];
	_ =	sdelay $0x4  }
0x1a: {  	v4 =	vshll.u32 v3, $0x1  }
0x1b: {  	v3 =	vand.u32 $0x7, v3;
	v4 =	vand.u32 $0xFFFFFFF0, v4  }
0x1c: {  	v3 =	vor.u32 v3, v4  }
0x1d: {  	v4 =	vperm.xlane v3, v0;
	_ =	sdelay $0x1  }
0x1e: {  	v3 =	vperm.xlane v3, v2;
	v4 =	vadd.s32 v1, v4;
	_ =	sdelay $0x1  }
0x1f: {  	v3 =	vadd.s32 v1, v3;
	_ =	sdelay $0x2  }
0x20: {  	[tilespmem:s12], [sflag:$0x1] =	stream.indirect_vreg.gather [hbm4b:s3+s2], $0x80, v4, vm0, $0xb8;
	[tilespmem:$0x5100] =	vst v63  }
0x21: {  	_ = 	snop  }
0x22: {  	[tilespmem:s13], [sflag:$0x1] =	stream.indirect_vreg.gather [hbm4b:s3+s2], $0x80, v3, vm0, $0xb8;
	[tilespmem:$0x5100] =	vst v63  }
0x23: {  	v3 =	vld [tilespmem:$0x10];
	_ =	sdelay $0x4  }
0x24: {  	v59 =	vshll.u32 v3, $0x1  }
0x25: {  	v3 =	vand.u32 $0x7, v3;
	v4 =	vand.u32 $0xFFFFFFF0, v59  }
0x26: {  	v3 =	vor.u32 v3, v4  }
0x27: {  	v4 =	vperm.xlane v3, v0;
	_ =	sdelay $0x1  }
0x28: {  	v3 =	vperm.xlane v3, v2;
	v4 =	vadd.s32 v1, v4;
	_ =	sdelay $0x1  }
0x29: {  	v3 =	vadd.s32 v1, v3;
	_ =	sdelay $0x2  }
0x2a: {  	[tilespmem:s14], [sflag:$0x1] =	stream.indirect_vreg.gather [hbm4b:s3+s2], $0x80, v4, vm0, $0xb8;
	[tilespmem:$0x5100] =	vst v63  }
0x2b: {  	_ = 	snop  }
0x2c: {  	[tilespmem:s15], [sflag:$0x1] =	stream.indirect_vreg.gather [hbm4b:s3+s2], $0x80, v3, vm0, $0xb8;
	[tilespmem:$0x5100] =	vst v63  }
0x2d: {  	v3 =	vld.msk [tilespmem:$0x20], $0xff;
	_ =	sdelay $0x4  }
0x2e: {  	v60 =	vshll.u32 v3, $0x1  }
0x2f: {  	v3 =	vand.u32 $0x7, v3;
	v4 =	vand.u32 $0xFFFFFFF0, v60  }
0x30: {  	v3 =	vor.u32 v3, v4  }
0x31: {  	v3 =	vperm.xlane v3, v0;
	_ =	sdelay $0x1  }
0x32: {  	v3 =	vadd.s32 v1, v3;
	_ =	sdelay $0x4  }
0x33: {  	[tilespmem:s16], [sflag:$0x1] =	stream.indirect_vreg.gather [hbm4b:s3+s2], $0x80, v3, vm0, $0xb8;
	[tilespmem:$0x5100] =	vst v63  }
0x34: {  	v3 =	vld [tilespmem:$0x80];
	_ =	sdelay $0x4  }
0x35: {  	v61 =	vshll.u32 v3, $0x1  }
0x36: {  	v3 =	vand.u32 $0x7, v3;
	v4 =	vand.u32 $0xFFFFFFF0, v61  }
0x37: {  	v3 =	vor.u32 v3, v4  }
0x38: {  	v4 =	vperm.xlane v3, v0;
	_ =	sdelay $0x1  }
0x39: {  	v3 =	vperm.xlane v3, v2;
	v4 =	vadd.s32 v1, v4;
	_ =	sdelay $0x1  }
0x3a: {  	v3 =	vadd.s32 v1, v3;
	_ =	sdelay $0x2  }
0x3b: {  	[tilespmem:s17], [sflag:$0x1] =	stream.indirect_vreg.gather [hbm4b:s4+s2], $0x80, v4, vm0, $0xb8;
	[tilespmem:$0x5100] =	vst v63  }
0x3c: {  	_ = 	snop  }
0x3d: {  	[tilespmem:s18], [sflag:$0x1] =	stream.indirect_vreg.gather [hbm4b:s4+s2], $0x80, v3, vm0, $0xb8;
	[tilespmem:$0x5100] =	vst v63  }
0x3e: {  	v3 =	vld [tilespmem:$0x90];
	_ =	sdelay $0x4  }
0x3f: {  	v62 =	vshll.u32 v3, $0x1  }
0x40: {  	v3 =	vand.u32 $0x7, v3;
	v4 =	vand.u32 $0xFFFFFFF0, v62  }
0x41: {  	v3 =	vor.u32 v3, v4  }
0x42: {  	v4 =	vperm.xlane v3, v0;
	_ =	sdelay $0x1  }
0x43: {  	v3 =	vperm.xlane v3, v2;
	v4 =	vadd.s32 v1, v4;
	_ =	sdelay $0x1  }
0x44: {  	v3 =	vadd.s32 v1, v3;
	_ =	sdelay $0x2  }
0x45: {  	[tilespmem:s19], [sflag:$0x1] =	stream.indirect_vreg.gather [hbm4b:s4+s2], $0x80, v4, vm0, $0xb8;
	[tilespmem:$0x5100] =	vst v63  }
0x46: {  	_ = 	snop  }
0x47: {  	[tilespmem:s20], [sflag:$0x1] =	stream.indirect_vreg.gather [hbm4b:s4+s2], $0x80, v3, vm0, $0xb8;
	[tilespmem:$0x5100] =	vst v63  }
0x48: {  	v3 =	vld.msk [tilespmem:$0xA0], $0xff;
	_ =	sdelay $0x4  }
0x49: {  	v63 =	vshll.u32 v3, $0x1  }
0x4a: {  	v3 =	vand.u32 $0x7, v3;
	v4 =	vand.u32 $0xFFFFFFF0, v63  }
0x4b: {  	v3 =	vor.u32 v3, v4  }
0x4c: {  	v3 =	vperm.xlane v3, v0;
	_ =	sdelay $0x1  }
0x4d: {  	v3 =	vadd.s32 v1, v3;
	_ =	sdelay $0x4  }
0x4e: {  	[tilespmem:s21], [sflag:$0x1] =	stream.indirect_vreg.gather [hbm4b:s4+s2], $0x80, v3, vm0, $0xb8;
	[tilespmem:$0x5100] =	vst v63  }
0x4f: {  	_ =	swait.ge [sflag:s22], $0x2800  }
0x50: {  	[sflag:s22] =	ssyncset.done $0x0  }
0x51: {  	[sflag:s22] =	ssyncadd.s32 $0xFFFFD800  }
0x52: {  	_ =	swait.ge [sflag:s22], $0x2800  }
0x53: {  	[sflag:s22] =	ssyncset.done $0x0  }
0x54: {  	[sflag:s22] =	ssyncadd.s32 $0xFFFFD800  }
0x55: {  	[hbm4b:s25+s2] =	stream.linear.scatter [tilespmem:s12], [sflag:$0x2], $0x2800, $0x38;
	[tilespmem:$0x5100] =	vst v63  }
0x56: {  	_ =	swait.ge [sflag:s10], $0x2800  }
0x57: {  	p0 =	sne.s32 s26, $0x26C;
	[sflag:s10] =	ssyncset.done $0x0  }
.Ltmp0:
0x58: {  	[sflag:s10] =	ssyncadd.s32 $0xFFFFD800;
	(pc) =	sbr.rel @p0 .LBB2_2-.Ltmp0, $4  }
0x59: {  	[hbm4b:s24+s2] =	stream.linear.scatter [tilespmem:s17], [sflag:$0x2], $0x2800, $0x38;
	[tilespmem:$0x5100] =	vst v63  }
0x5a: {  	_ =	swait.ge [sflag:s10], $0x2800  }
0x5b: {  	s26 =	sadd.s32 $0x5, s26;
	[sflag:s10] =	ssyncset.done $0x0  }
0x5c: {  	s25 =	sadd.s32 $0x500, s25;
	s24 =	sadd.s32 $0x500, s24;
	[sflag:s10] =	ssyncadd.s32 $0xFFFFD800  }
0x5d: {  	s23 =	sadd.s32 $0x1, s23  }
0x5e: {  	p0 =	sne.s32 s23, s5  }
.Ltmp1:
0x5f: {  	_ = 	snop;
	(pc) =	sbr.rel @p0 .LBB2_1-.Ltmp1, $1  }
0x60: {  	_ =	sdelay $0x3  }
0x61: {  	_ =	sfence.sel $0x180000  }
0x62: {  	[bflag:$0x0] =	sbarrier.arrive $0xFFFF  }
0x63: {  	p0 =	sne.s32 s0, $0x0;
	_ =	strace $0x90000047  }
0x64: {  	s0 =	sadd.s32 @!p0 $0x100000, s1;
	[bflag:$0x2] =	sbarrier.arrive $0xFFFF  }
0x65: {  	[sflag:s0] =	ssyncadd.tile.s32 @!p0 $0x1;
	_ =	shalt  }
.Lfunc_end2:
_tile_overlayer_lowered:
.L_overlay_start_2:
0x66: {  	(tag) =	ssettag $0x2  }
0x67: {  	s0 =	rddreg [dreg:$0x0];
	s2 =	stileid.u32  }
0x68: {  	s1 =	rddreg [dreg:$0x1];
	p0 =	sne.s32 s2, $0x0  }
0x69: {  	s3 =	rddreg [dreg:$0x2];
	[bflag:$0x3] =	sbarrier.arrive $0xFFFF;
	s2 =	simm.s32 @!p0 $0x1C02  }
0x6a: {  	[timem:s3], [sflag:s2] =	dma.local @!p0 [hbm:s0], s1  }
0x6b: {  	s0 =	simm.s32 @!p0 $0x2  }
0x6c: {  	_ =	swait.ge @!p0 [sflag:s0], s1  }
0x6d: {  	s1 =	ssub.s32 @!p0 $0x0, s1;
	[sflag:s0] =	ssyncset.done @!p0 $0x0  }
0x6e: {  	[sflag:s0] =	ssyncadd.s32 @!p0 s1  }
0x6f: {  	[bflag:$0x3] =	sbarrier.arrive $0xFFFF  }
0x70: {  	_ =	shalt  }

</sc_bundles>
